<compile_context>
chip_gen: v7x
topology: tpu7x:2x2x1
jax: 0.10.2.dev20260603
libtpu: 0.0.44.dev20260713+nightly
codegen_flags: <defaults>
</compile_context>

<pallas_src>
import functools

import jax
import jax.numpy as jnp
from jax import lax
from jax.experimental import pallas as pl
from jax.experimental.pallas import tpu as pltpu
from jax.experimental.pallas import tpu_sc as plsc

NC = 2
NS = 16
NW = NC * NS
LANES = 16


def _make_kernel(N, V, H, S, B):
    CB = 512
    QB = B // CB
    CT = CB // 128
    HT = H // 8
    n_units = S * QB
    per_w = n_units // NW
    assert n_units % NW == 0 and per_w % 2 == 0
    NBUF = 2
    idx_per_w = per_w * CB
    l_stride = HT * (B // 128) * 1024
    r_stride = (B // 128) * 1024

    mesh = plsc.VectorSubcoreMesh(core_axis_name="c", subcore_axis_name="s")

    @functools.partial(
        pl.kernel,
        out_type=jax.ShapeDtypeStruct((N * H,), jnp.float32),
        mesh=mesh,
        compiler_params=pltpu.CompilerParams(use_tc_tiling_on_sc=False,
                                             needs_layout_passes=False),
        scratch_types=dict(
            idx_v=pltpu.VMEM((idx_per_w,), jnp.int32),
            pos_v=pltpu.VMEM((S * H,), jnp.float32),
            rows_v=pltpu.VMEM((NBUF, CB, H), jnp.float32),
            obuf=pltpu.VMEM((NBUF, CB * H), jnp.float32),
            gsems=[pltpu.SemaphoreType.DMA] * NBUF,
            osems=[pltpu.SemaphoreType.DMA] * NBUF,
        ),
    )
    def body(idx_hbm, emb_hbm, pos_hbm, out_hbm, idx_v, pos_v, rows_v, obuf,
             gsems, osems):
        wid = lax.axis_index("s") * NC + lax.axis_index("c")
        u0 = wid * per_w

        pltpu.sync_copy(idx_hbm.at[pl.ds(u0 * CB, idx_per_w)], idx_v)
        pltpu.sync_copy(pos_hbm, pos_v)

        @plsc.parallel_loop(0, idx_per_w, step=LANES, unroll=4)
        def permute_idx(j):
            v = idx_v[pl.ds(j, LANES)]
            a = v & 511
            idx_v[pl.ds(j, LANES)] = (v - a) + ((v & 127) << 2) + (a >> 7)

        iota = lax.iota(jnp.int32, LANES)
        rot = [(iota + s) & 15 for s in range(LANES)]
        h_vecs, addr_half = [], []
        for half in range(2):
            h = iota + 16 * half
            h_vecs.append(h)
            addr_half.append((h >> 3) * (1024 * CT) + (h & 7) * 128)

        def out_pieces(u, bb, sem):
            l, q = u // QB, u % QB
            base = l * l_stride + q * (CT * 1024)
            for rt in range(HT):
                yield (obuf.at[bb, pl.ds(rt * (CT * 1024), CT * 1024)],
                       out_hbm.at[pl.ds(base + rt * r_stride, CT * 1024)],
                       sem)

        def start_gather(u, bb):
            pltpu.async_copy(
                emb_hbm.at[idx_v.at[pl.ds((u - u0) * CB, CB)]],
                rows_v.at[bb], gsems[bb])

        for bb in range(NBUF):
            start_gather(u0 + bb, bb)

        @pl.loop(0, per_w, step=NBUF)
        def group(k0):
            for bb in range(NBUF):
                k = k0 + bb
                u = u0 + k
                l = u // QB

                pltpu.make_async_copy(
                    emb_hbm.at[idx_v.at[pl.ds(k * CB, CB)]],
                    rows_v.at[bb], gsems[bb]).wait()

                @pl.when(k >= NBUF)
                def _():
                    for s, d, m in out_pieces(u - NBUF, bb, osems[bb]):
                        pltpu.make_async_copy(s, d, m).wait()

                pos2 = [pos_v[pl.ds(l * H, LANES)],
                        pos_v[pl.ds(l * H + LANES, LANES)]]
                ob = obuf.at[bb]
                rows2d = rows_v.at[bb]

                for half in range(2):
                    p, hv, ah = pos2[half], h_vecs[half], addr_half[half]

                    @plsc.parallel_loop(0, CB, step=LANES, unroll=2)
                    def transform(b0):
                        goff = (b0 >> 7) * 896
                        for s in range(LANES):
                            bv = rot[s] + b0
                            val = plsc.load_gather(rows2d, [bv, hv]) + p
                            plsc.store_scatter(ob, [ah + bv + goff], val)

                for s, d, m in out_pieces(u, bb, osems[bb]):
                    pltpu.async_copy(s, d, m)

                @pl.when(k + NBUF < per_w)
                def _():
                    start_gather(u + NBUF, bb)

        for bb in range(NBUF):
            u_last = u0 + per_w - NBUF + bb
            for s, d, m in out_pieces(u_last, bb, osems[bb]):
                pltpu.make_async_copy(s, d, m).wait()

    return body


_WB = 8192


def _tc_transpose_body(in_ref, out_ref):
    for g in range(_WB // 512):
        parts = [in_ref[:, 128 * (4 * g + i):128 * (4 * g + i) + 128].T
                 for i in range(4)]
        out_ref[128 * g:128 * g + 128, :] = jnp.concatenate(parts, axis=1)


def _make_tc_transpose(V, H):
    grid = (V + _WB - 1) // _WB
    return pl.pallas_call(
        _tc_transpose_body,
        grid=(grid,),
        in_specs=[pl.BlockSpec((H, _WB), lambda k: (0, k))],
        out_specs=pl.BlockSpec((_WB * H // 128, 128), lambda k: (k, 0)),
        out_shape=jax.ShapeDtypeStruct((grid * _WB * H // 128, 128),
                                       jnp.float32),
    )


def kernel(x, emb, pos_emb):
    B, S = x.shape
    V, H = emb.shape
    N = B * S
    idx = x.T.reshape(N)
    emb128 = _make_tc_transpose(V, H)(emb.T)
    emb_lin = emb128.reshape(emb128.shape[0] * 128 // H, H)
    posf = pos_emb.reshape(S * H)
    fn = _make_kernel(N, V, H, S, B)
    outf = fn(idx, emb_lin, posf)
    out5 = outf.reshape(S, H // 8, B // 128, 8, 128)
    out = out5.transpose(0, 1, 3, 2, 4).reshape(S, H, B).transpose(2, 0, 1)
    return out

# --- scband reference (transcript-rebuilt; emitter-appended) ---
"""Pipeline reference for scband-token-embedding-27109833572995 (READ-ONLY COPY).

The authoritative reference and input builder live on the scoring server;
editing this copy changes nothing except your own understanding.
"""

import jax, jax.numpy as jnp
import numpy as np

VOCAB = 1000000
MAXLEN = 200
NUM_HID = 32
BATCH = 4096
SEQ = 200


def setup_inputs(seed: int = 0) -> dict:
    key = jax.random.key(seed)
    k1, k2, k3 = jax.random.split(key, 3)
    x = jax.random.randint(k1, (BATCH, SEQ), 0, VOCAB, dtype=jnp.int64 if jax.config.jax_enable_x64 else jnp.int32).astype(jnp.int32)
    emb = jax.random.normal(k2, (VOCAB, NUM_HID), dtype=jnp.float32) * 0.02
    pos_emb = jax.random.normal(k3, (MAXLEN, NUM_HID), dtype=jnp.float32) * 0.02
    return {"x": x, "emb": emb, "pos_emb": pos_emb}


def reference(x, emb, pos_emb):
    # TokenEmbedding.forward: emb(x) + pos_emb(arange(seq_len))
    positions = jnp.arange(0, x.shape[1])
    tok = jnp.take(emb, x, axis=0)            # [B, L, H] gather
    pos = jnp.take(pos_emb, positions, axis=0)  # [L, H] gather
    return tok + pos[None, :, :]

if __name__ == "__main__":
    import jax
    _d = setup_inputs()
    print(jax.jit(kernel)(*tuple(_d.values())))

</pallas_src>

<mosaic_0001>
#map = affine_map<(d0, d1) -> (0)>
#map1 = affine_map<(d0, d1) -> (0, 0)>
module attributes {stable_mosaic.version = 14 : i64} {
  func.func @body(%arg0: i32, %arg1: i32, %arg2: memref<819200xi32, #tpu.memory_space<hbm>>, %arg3: memref<1007616x32xf32, #tpu.memory_space<hbm>>, %arg4: memref<6400xf32, #tpu.memory_space<hbm>>, %arg5: memref<26214400xf32, #tpu.memory_space<hbm>>, %arg6: memref<!tpu.dma_semaphore, #tpu.memory_space<semaphore_mem>>, %arg7: memref<!tpu.dma_semaphore, #tpu.memory_space<semaphore_mem>>, %arg8: memref<25600xi32, #tpu.memory_space<vmem>>, %arg9: memref<2x16384xf32, #tpu.memory_space<vmem>>, %arg10: memref<!tpu.dma_semaphore, #tpu.memory_space<semaphore_mem>>, %arg11: memref<!tpu.dma_semaphore, #tpu.memory_space<semaphore_mem>>, %arg12: memref<6400xf32, #tpu.memory_space<vmem>>, %arg13: memref<2x512x32xf32, #tpu.memory_space<vmem>>) attributes {dimension_semantics = [#tpu.dimension_semantics<core_parallel>, #tpu.dimension_semantics<subcore_parallel>], iteration_bounds = array<i64: 2, 16>, scalar_prefetch = 0 : i64, scratch_operands = 8 : i64, tpu.core_type = #tpu.core_type<sc_vector_subcore>, window_params = [{transform_indices = #map}, {transform_indices = #map1}, {transform_indices = #map}, {transform_indices = #map}]} {
    %mul3A = arith.constant 2 : i32
    %mul3A_0 = arith.muli %arg1, %mul3A : i32
    %add3A = arith.addi %mul3A_0, %arg0 : i32
    %mul3A_1 = arith.constant 50 : i32
    %mul3A_2 = arith.muli %add3A, %mul3A_1 : i32
    %mul3A_3 = arith.constant 512 : i32
    %mul3A_4 = arith.muli %mul3A_2, %mul3A_3 : i32
    "tpu.region"() ({
      %run_scoped3A = tpu.sem_alloc : memref<!tpu.dma_semaphore, #tpu.memory_space<semaphore_mem>>
      %dma_start3A_344 = tpu.memref_slice %arg2[%mul3A_4] : memref<819200xi32, #tpu.memory_space<hbm>> -> memref<25600xi32, #tpu.memory_space<hbm>>
      %dma_start3A_345 = tpu.memref_slice %arg2[%mul3A_4] : memref<819200xi32, #tpu.memory_space<hbm>> -> memref<25600xi32, #tpu.memory_space<hbm>>
      tpu.enqueue_dma source(%dma_start3A_345 : memref<25600xi32, #tpu.memory_space<hbm>>) target(%arg8 : memref<25600xi32, #tpu.memory_space<vmem>>) target_semaphore(%run_scoped3A : memref<!tpu.dma_semaphore, #tpu.memory_space<semaphore_mem>>)
      %dma_wait3A_346 = tpu.memref_slice %arg2[%mul3A_4] : memref<819200xi32, #tpu.memory_space<hbm>> -> memref<25600xi32, #tpu.memory_space<hbm>>
      %dma_wait3A_347 = tpu.memref_slice %arg2[%mul3A_4] : memref<819200xi32, #tpu.memory_space<hbm>> -> memref<25600xi32, #tpu.memory_space<hbm>>
      tpu.wait_dma2 semaphore(%run_scoped3A : memref<!tpu.dma_semaphore, #tpu.memory_space<semaphore_mem>>) src(%dma_wait3A_347 : memref<25600xi32, #tpu.memory_space<hbm>>) dst(%arg8 : memref<25600xi32, #tpu.memory_space<vmem>>)
      tpu.yield
    }) : () -> ()
    "tpu.region"() ({
      %run_scoped3A = tpu.sem_alloc : memref<!tpu.dma_semaphore, #tpu.memory_space<semaphore_mem>>
      tpu.enqueue_dma source(%arg4 : memref<6400xf32, #tpu.memory_space<hbm>>) target(%arg12 : memref<6400xf32, #tpu.memory_space<vmem>>) target_semaphore(%run_scoped3A : memref<!tpu.dma_semaphore, #tpu.memory_space<semaphore_mem>>)
      tpu.wait_dma2 semaphore(%run_scoped3A : memref<!tpu.dma_semaphore, #tpu.memory_space<semaphore_mem>>) src(%arg4 : memref<6400xf32, #tpu.memory_space<hbm>>) dst(%arg12 : memref<6400xf32, #tpu.memory_space<vmem>>)
      tpu.yield
    }) : () -> ()
    %parallel_loop3A = arith.constant 0 : i32
    %parallel_loop3A_5 = arith.constant 25600 : i32
    %parallel_loop3A_6 = arith.constant 16 : i32
    scf.for %parallel_loop3A_344 = %parallel_loop3A to %parallel_loop3A_5 step %parallel_loop3A_6  : i32 {
      %parallel_loop3A_345 = arith.index_cast %parallel_loop3A_344 : i32 to index
      %parallel_loop3A_346 = tpu.vector_load %arg8[%parallel_loop3A_345] {strides = array<i32>} : memref<25600xi32, #tpu.memory_space<vmem>>, vector<16xi32>,
      %parallel_loop3A_347 = arith.constant 511 : i32
      %parallel_loop3A_348 = vector.broadcast %parallel_loop3A_347 : i32 to vector<16xi32>
      %parallel_loop3A_349 = arith.andi %parallel_loop3A_346, %parallel_loop3A_348 : vector<16xi32>
      %parallel_loop3A_350 = arith.subi %parallel_loop3A_346, %parallel_loop3A_349 : vector<16xi32>
      %parallel_loop3A_351 = arith.constant 127 : i32
      %parallel_loop3A_352 = vector.broadcast %parallel_loop3A_351 : i32 to vector<16xi32>
      %parallel_loop3A_353 = arith.andi %parallel_loop3A_346, %parallel_loop3A_352 : vector<16xi32>
      %parallel_loop3A_354 = arith.constant 2 : i32
      %parallel_loop3A_355 = vector.broadcast %parallel_loop3A_354 : i32 to vector<16xi32>
      %parallel_loop3A_356 = arith.shli %parallel_loop3A_353, %parallel_loop3A_355 : vector<16xi32>
      %parallel_loop3A_357 = arith.addi %parallel_loop3A_350, %parallel_loop3A_356 : vector<16xi32>
      %parallel_loop3A_358 = arith.constant 7 : i32
      %parallel_loop3A_359 = vector.broadcast %parallel_loop3A_358 : i32 to vector<16xi32>
      %parallel_loop3A_360 = arith.shrsi %parallel_loop3A_349, %parallel_loop3A_359 : vector<16xi32>
      %parallel_loop3A_361 = arith.addi %parallel_loop3A_357, %parallel_loop3A_360 : vector<16xi32>
      %parallel_loop3A_362 = arith.index_cast %parallel_loop3A_344 : i32 to index
      %parallel_loop3A_363 = tpu.vector_load %arg8[%parallel_loop3A_362] {strides = array<i32>} : memref<25600xi32, #tpu.memory_space<vmem>>, vector<16xi32>,
      tpu.vector_store %arg8[%parallel_loop3A_362], %parallel_loop3A_361 {strides = array<i32>} : memref<25600xi32, #tpu.memory_space<vmem>>, vector<16xi32>,
    } {sc.loop_unroll_factor = 4 : i64, sc.parallel_access}
    %iota3A = tpu.iota {dimensions = array<i32: 0>} : vector<16xi32>
    %add3A_7 = arith.constant 0 : i32
    %add3A_8 = vector.broadcast %add3A_7 : i32 to vector<16xi32>
    %add3A_9 = arith.addi %iota3A, %add3A_8 : vector<16xi32>
    %and3A = arith.constant 15 : i32
    %and3A_10 = vector.broadcast %and3A : i32 to vector<16xi32>
    %and3A_11 = arith.andi %add3A_9, %and3A_10 : vector<16xi32>
    %add3A_12 = arith.constant 1 : i32
    %add3A_13 = vector.broadcast %add3A_12 : i32 to vector<16xi32>
    %add3A_14 = arith.addi %iota3A, %add3A_13 : vector<16xi32>
    %and3A_15 = arith.constant 15 : i32
    %and3A_16 = vector.broadcast %and3A_15 : i32 to vector<16xi32>
    %and3A_17 = arith.andi %add3A_14, %and3A_16 : vector<16xi32>
    %add3A_18 = arith.constant 2 : i32
    %add3A_19 = vector.broadcast %add3A_18 : i32 to vector<16xi32>
    %add3A_20 = arith.addi %iota3A, %add3A_19 : vector<16xi32>
    %and3A_21 = arith.constant 15 : i32
    %and3A_22 = vector.broadcast %and3A_21 : i32 to vector<16xi32>
    %and3A_23 = arith.andi %add3A_20, %and3A_22 : vector<16xi32>
    %add3A_24 = arith.constant 3 : i32
    %add3A_25 = vector.broadcast %add3A_24 : i32 to vector<16xi32>
    %add3A_26 = arith.addi %iota3A, %add3A_25 : vector<16xi32>
    %and3A_27 = arith.constant 15 : i32
    %and3A_28 = vector.broadcast %and3A_27 : i32 to vector<16xi32>
    %and3A_29 = arith.andi %add3A_26, %and3A_28 : vector<16xi32>
    %add3A_30 = arith.constant 4 : i32
    %add3A_31 = vector.broadcast %add3A_30 : i32 to vector<16xi32>
    %add3A_32 = arith.addi %iota3A, %add3A_31 : vector<16xi32>
    %and3A_33 = arith.constant 15 : i32
    %and3A_34 = vector.broadcast %and3A_33 : i32 to vector<16xi32>
    %and3A_35 = arith.andi %add3A_32, %and3A_34 : vector<16xi32>
    %add3A_36 = arith.constant 5 : i32
    %add3A_37 = vector.broadcast %add3A_36 : i32 to vector<16xi32>
    %add3A_38 = arith.addi %iota3A, %add3A_37 : vector<16xi32>
    %and3A_39 = arith.constant 15 : i32
    %and3A_40 = vector.broadcast %and3A_39 : i32 to vector<16xi32>
    %and3A_41 = arith.andi %add3A_38, %and3A_40 : vector<16xi32>
    %add3A_42 = arith.constant 6 : i32
    %add3A_43 = vector.broadcast %add3A_42 : i32 to vector<16xi32>
    %add3A_44 = arith.addi %iota3A, %add3A_43 : vector<16xi32>
    %and3A_45 = arith.constant 15 : i32
    %and3A_46 = vector.broadcast %and3A_45 : i32 to vector<16xi32>
    %and3A_47 = arith.andi %add3A_44, %and3A_46 : vector<16xi32>
    %add3A_48 = arith.constant 7 : i32
    %add3A_49 = vector.broadcast %add3A_48 : i32 to vector<16xi32>
    %add3A_50 = arith.addi %iota3A, %add3A_49 : vector<16xi32>
    %and3A_51 = arith.constant 15 : i32
    %and3A_52 = vector.broadcast %and3A_51 : i32 to vector<16xi32>
    %and3A_53 = arith.andi %add3A_50, %and3A_52 : vector<16xi32>
    %add3A_54 = arith.constant 8 : i32
    %add3A_55 = vector.broadcast %add3A_54 : i32 to vector<16xi32>
    %add3A_56 = arith.addi %iota3A, %add3A_55 : vector<16xi32>
    %and3A_57 = arith.constant 15 : i32
    %and3A_58 = vector.broadcast %and3A_57 : i32 to vector<16xi32>
    %and3A_59 = arith.andi %add3A_56, %and3A_58 : vector<16xi32>
    %add3A_60 = arith.constant 9 : i32
    %add3A_61 = vector.broadcast %add3A_60 : i32 to vector<16xi32>
    %add3A_62 = arith.addi %iota3A, %add3A_61 : vector<16xi32>
    %and3A_63 = arith.constant 15 : i32
    %and3A_64 = vector.broadcast %and3A_63 : i32 to vector<16xi32>
    %and3A_65 = arith.andi %add3A_62, %and3A_64 : vector<16xi32>
    %add3A_66 = arith.constant 10 : i32
    %add3A_67 = vector.broadcast %add3A_66 : i32 to vector<16xi32>
    %add3A_68 = arith.addi %iota3A, %add3A_67 : vector<16xi32>
    %and3A_69 = arith.constant 15 : i32
    %and3A_70 = vector.broadcast %and3A_69 : i32 to vector<16xi32>
    %and3A_71 = arith.andi %add3A_68, %and3A_70 : vector<16xi32>
    %add3A_72 = arith.constant 11 : i32
    %add3A_73 = vector.broadcast %add3A_72 : i32 to vector<16xi32>
    %add3A_74 = arith.addi %iota3A, %add3A_73 : vector<16xi32>
    %and3A_75 = arith.constant 15 : i32
    %and3A_76 = vector.broadcast %and3A_75 : i32 to vector<16xi32>
    %and3A_77 = arith.andi %add3A_74, %and3A_76 : vector<16xi32>
    %add3A_78 = arith.constant 12 : i32
    %add3A_79 = vector.broadcast %add3A_78 : i32 to vector<16xi32>
    %add3A_80 = arith.addi %iota3A, %add3A_79 : vector<16xi32>
    %and3A_81 = arith.constant 15 : i32
    %and3A_82 = vector.broadcast %and3A_81 : i32 to vector<16xi32>
    %and3A_83 = arith.andi %add3A_80, %and3A_82 : vector<16xi32>
    %add3A_84 = arith.constant 13 : i32
    %add3A_85 = vector.broadcast %add3A_84 : i32 to vector<16xi32>
    %add3A_86 = arith.addi %iota3A, %add3A_85 : vector<16xi32>
    %and3A_87 = arith.constant 15 : i32
    %and3A_88 = vector.broadcast %and3A_87 : i32 to vector<16xi32>
    %and3A_89 = arith.andi %add3A_86, %and3A_88 : vector<16xi32>
    %add3A_90 = arith.constant 14 : i32
    %add3A_91 = vector.broadcast %add3A_90 : i32 to vector<16xi32>
    %add3A_92 = arith.addi %iota3A, %add3A_91 : vector<16xi32>
    %and3A_93 = arith.constant 15 : i32
    %and3A_94 = vector.broadcast %and3A_93 : i32 to vector<16xi32>
    %and3A_95 = arith.andi %add3A_92, %and3A_94 : vector<16xi32>
    %add3A_96 = arith.constant 15 : i32
    %add3A_97 = vector.broadcast %add3A_96 : i32 to vector<16xi32>
    %add3A_98 = arith.addi %iota3A, %add3A_97 : vector<16xi32>
    %and3A_99 = arith.constant 15 : i32
    %and3A_100 = vector.broadcast %and3A_99 : i32 to vector<16xi32>
    %and3A_101 = arith.andi %add3A_98, %and3A_100 : vector<16xi32>
    %add3A_102 = arith.constant 0 : i32
    %add3A_103 = vector.broadcast %add3A_102 : i32 to vector<16xi32>
    %add3A_104 = arith.addi %iota3A, %add3A_103 : vector<16xi32>
    %shift_right_arithmetic3A = arith.constant 3 : i32
    %shift_right_arithmetic3A_105 = vector.broadcast %shift_right_arithmetic3A : i32 to vector<16xi32>
    %shift_right_arithmetic3A_106 = arith.shrsi %add3A_104, %shift_right_arithmetic3A_105 : vector<16xi32>
    %mul3A_107 = arith.constant 4096 : i32
    %mul3A_108 = vector.broadcast %mul3A_107 : i32 to vector<16xi32>
    %mul3A_109 = arith.muli %shift_right_arithmetic3A_106, %mul3A_108 : vector<16xi32>
    %and3A_110 = arith.constant 7 : i32
    %and3A_111 = vector.broadcast %and3A_110 : i32 to vector<16xi32>
    %and3A_112 = arith.andi %add3A_104, %and3A_111 : vector<16xi32>
    %mul3A_113 = arith.constant 128 : i32
    %mul3A_114 = vector.broadcast %mul3A_113 : i32 to vector<16xi32>
    %mul3A_115 = arith.muli %and3A_112, %mul3A_114 : vector<16xi32>
    %add3A_116 = arith.addi %mul3A_109, %mul3A_115 : vector<16xi32>
    %add3A_117 = arith.constant 16 : i32
    %add3A_118 = vector.broadcast %add3A_117 : i32 to vector<16xi32>
    %add3A_119 = arith.addi %iota3A, %add3A_118 : vector<16xi32>
    %shift_right_arithmetic3A_120 = arith.constant 3 : i32
    %shift_right_arithmetic3A_121 = vector.broadcast %shift_right_arithmetic3A_120 : i32 to vector<16xi32>
    %shift_right_arithmetic3A_122 = arith.shrsi %add3A_119, %shift_right_arithmetic3A_121 : vector<16xi32>
    %mul3A_123 = arith.constant 4096 : i32
    %mul3A_124 = vector.broadcast %mul3A_123 : i32 to vector<16xi32>
    %mul3A_125 = arith.muli %shift_right_arithmetic3A_122, %mul3A_124 : vector<16xi32>
    %and3A_126 = arith.constant 7 : i32
    %and3A_127 = vector.broadcast %and3A_126 : i32 to vector<16xi32>
    %and3A_128 = arith.andi %add3A_119, %and3A_127 : vector<16xi32>
    %mul3A_129 = arith.constant 128 : i32
    %mul3A_130 = vector.broadcast %mul3A_129 : i32 to vector<16xi32>
    %mul3A_131 = arith.muli %and3A_128, %mul3A_130 : vector<16xi32>
    %add3A_132 = arith.addi %mul3A_125, %mul3A_131 : vector<16xi32>
    %add3A_133 = arith.constant 0 : i32
    %add3A_134 = arith.addi %mul3A_2, %add3A_133 : i32
    %sub3A = arith.subi %add3A_134, %mul3A_2 : i32
    %mul3A_135 = arith.constant 512 : i32
    %mul3A_136 = arith.muli %sub3A, %mul3A_135 : i32
    %dma_start3A = arith.constant 0 : i32
    %dma_start3A_137 = arith.constant 0 : i32
    %dma_start3A_138 = arith.constant 0 : i32
    %dma_start3A_139 = tpu.memref_slice %arg13[%dma_start3A, %dma_start3A_137, %dma_start3A_138] : memref<2x512x32xf32, #tpu.memory_space<vmem>> -> memref<1x512x32xf32, #tpu.memory_space<vmem>>
    %dma_start3A_140 = tpu.memref_squeeze %dma_start3A_139 : memref<1x512x32xf32, #tpu.memory_space<vmem>> -> memref<512x32xf32, #tpu.memory_space<vmem>>
    %dma_start3A_141 = tpu.memref_slice %arg8[%mul3A_136] : memref<25600xi32, #tpu.memory_space<vmem>> -> memref<512xi32, #tpu.memory_space<vmem>>
    %dma_start3A_142 = arith.constant 0 : i32
    %dma_start3A_143 = arith.constant 0 : i32
    %dma_start3A_144 = tpu.memref_slice %arg3[%dma_start3A_142, %dma_start3A_143] : memref<1007616x32xf32, #tpu.memory_space<hbm>> -> memref<1007616x32xf32, #tpu.memory_space<hbm>>
    tpu.enqueue_indirect_dma source(%dma_start3A_144 : memref<1007616x32xf32, #tpu.memory_space<hbm>>) target(%dma_start3A_140 : memref<512x32xf32, #tpu.memory_space<vmem>>) offsets(%dma_start3A_141 : memref<512xi32, #tpu.memory_space<vmem>>) semaphore(%arg6 : memref<!tpu.dma_semaphore, #tpu.memory_space<semaphore_mem>>)
    %add3A_145 = arith.constant 1 : i32
    %add3A_146 = arith.addi %mul3A_2, %add3A_145 : i32
    %sub3A_147 = arith.subi %add3A_146, %mul3A_2 : i32
    %mul3A_148 = arith.constant 512 : i32
    %mul3A_149 = arith.muli %sub3A_147, %mul3A_148 : i32
    %dma_start3A_150 = arith.constant 1 : i32
    %dma_start3A_151 = arith.constant 0 : i32
    %dma_start3A_152 = arith.constant 0 : i32
    %dma_start3A_153 = tpu.memref_slice %arg13[%dma_start3A_150, %dma_start3A_151, %dma_start3A_152] : memref<2x512x32xf32, #tpu.memory_space<vmem>> -> memref<1x512x32xf32, #tpu.memory_space<vmem>>
    %dma_start3A_154 = tpu.memref_squeeze %dma_start3A_153 : memref<1x512x32xf32, #tpu.memory_space<vmem>> -> memref<512x32xf32, #tpu.memory_space<vmem>>
    %dma_start3A_155 = tpu.memref_slice %arg8[%mul3A_149] : memref<25600xi32, #tpu.memory_space<vmem>> -> memref<512xi32, #tpu.memory_space<vmem>>
    %dma_start3A_156 = arith.constant 0 : i32
    %dma_start3A_157 = arith.constant 0 : i32
    %dma_start3A_158 = tpu.memref_slice %arg3[%dma_start3A_156, %dma_start3A_157] : memref<1007616x32xf32, #tpu.memory_space<hbm>> -> memref<1007616x32xf32, #tpu.memory_space<hbm>>
    tpu.enqueue_indirect_dma source(%dma_start3A_158 : memref<1007616x32xf32, #tpu.memory_space<hbm>>) target(%dma_start3A_154 : memref<512x32xf32, #tpu.memory_space<vmem>>) offsets(%dma_start3A_155 : memref<512xi32, #tpu.memory_space<vmem>>) semaphore(%arg7 : memref<!tpu.dma_semaphore, #tpu.memory_space<semaphore_mem>>)
    %scan3A = arith.constant 0 : i32
    %scan3A_159 = arith.constant 25 : i32
    %scan3A_160 = arith.addi %scan3A, %scan3A_159 : i32
    %scan3A_161 = arith.constant 1 : i32
    scf.for %scan3A_344 = %scan3A to %scan3A_160 step %scan3A_161  : i32 {
      %mul3A_345 = arith.constant 2 : i32
      %mul3A_346 = arith.muli %scan3A_344, %mul3A_345 : i32
      %add3A_347 = arith.constant 0 : i32
      %add3A_348 = arith.addi %add3A_347, %mul3A_346 : i32
      %add3A_349 = arith.constant 0 : i32
      %add3A_350 = arith.addi %add3A_348, %add3A_349 : i32
      %add3A_351 = arith.addi %mul3A_2, %add3A_350 : i32
      %jit3A_352 = arith.constant 8 : i32
      %div3A_353 = arith.divsi %add3A_351, %jit3A_352 : i32
      %sign3A_354 = arith.constant 0 : i32
      %sign3A_355 = arith.cmpi sgt, %add3A_351, %sign3A_354 : i32
      %sign3A_356 = arith.extui %sign3A_355 : i1 to i32
      %sign3A_357 = arith.constant 0 : i32
      %sign3A_358 = arith.cmpi slt, %add3A_351, %sign3A_357 : i32
      %sign3A_359 = arith.extui %sign3A_358 : i1 to i32
      %sign3A_360 = arith.subi %sign3A_356, %sign3A_359 : i32
      %sign3A_361 = arith.constant 0 : i32
      %sign3A_362 = arith.cmpi sgt, %jit3A_352, %sign3A_361 : i32
      %sign3A_363 = arith.extui %sign3A_362 : i1 to i32
      %sign3A_364 = arith.constant 0 : i32
      %sign3A_365 = arith.cmpi slt, %jit3A_352, %sign3A_364 : i32
      %sign3A_366 = arith.extui %sign3A_365 : i1 to i32
      %sign3A_367 = arith.subi %sign3A_363, %sign3A_366 : i32
      %ne3A_368 = arith.cmpi ne, %sign3A_360, %sign3A_367 : i32
      %rem3A_369 = arith.remsi %add3A_351, %jit3A_352 : i32
      %ne3A_370 = arith.constant 0 : i32
      %ne3A_371 = arith.cmpi ne, %rem3A_369, %ne3A_370 : i32
      %and3A_372 = arith.andi %ne3A_368, %ne3A_371 : i1
      %sub3A_373 = arith.constant 1 : i32
      %sub3A_374 = arith.subi %div3A_353, %sub3A_373 : i32
      %select_n3A_375 = arith.select %and3A_372, %sub3A_374, %div3A_353 : i32
      %mul3A_376 = arith.constant 512 : i32
      %mul3A_377 = arith.muli %add3A_350, %mul3A_376 : i32
      %dma_wait3A_378 = arith.constant 0 : i32
      %dma_wait3A_379 = arith.constant 0 : i32
      %dma_wait3A_380 = arith.constant 0 : i32
      %dma_wait3A_381 = tpu.memref_slice %arg13[%dma_wait3A_378, %dma_wait3A_379, %dma_wait3A_380] : memref<2x512x32xf32, #tpu.memory_space<vmem>> -> memref<1x512x32xf32, #tpu.memory_space<vmem>>
      %dma_wait3A_382 = tpu.memref_squeeze %dma_wait3A_381 : memref<1x512x32xf32, #tpu.memory_space<vmem>> -> memref<512x32xf32, #tpu.memory_space<vmem>>
      %dma_wait3A_383 = tpu.memref_slice %arg8[%mul3A_377] : memref<25600xi32, #tpu.memory_space<vmem>> -> memref<512xi32, #tpu.memory_space<vmem>>
      %dma_wait3A_384 = arith.constant 0 : i32
      %dma_wait3A_385 = arith.constant 0 : i32
      %dma_wait3A_386 = tpu.memref_slice %arg3[%dma_wait3A_384, %dma_wait3A_385] : memref<1007616x32xf32, #tpu.memory_space<hbm>> -> memref<1007616x32xf32, #tpu.memory_space<hbm>>
      tpu.wait_indirect_dma semaphore(%arg6 : memref<!tpu.dma_semaphore, #tpu.memory_space<semaphore_mem>>) src(%dma_wait3A_386 : memref<1007616x32xf32, #tpu.memory_space<hbm>>) dst(%dma_wait3A_382 : memref<512x32xf32, #tpu.memory_space<vmem>>)
      %ge3A = arith.constant 2 : i32
      %ge3A_387 = arith.cmpi sge, %add3A_350, %ge3A : i32
      %convert_element_type3A = arith.extui %ge3A_387 : i1 to i32
      %cond3A = arith.constant 0 : i32
      %cond3A_388 = arith.cmpi ne, %convert_element_type3A, %cond3A : i32
      scf.if %cond3A_388 {
        %sub3A_663 = arith.constant 2 : i32
        %sub3A_664 = arith.subi %add3A_351, %sub3A_663 : i32
        %jit3A_665 = arith.constant 8 : i32
        %div3A_666 = arith.divsi %sub3A_664, %jit3A_665 : i32
        %sign3A_667 = arith.constant 0 : i32
        %sign3A_668 = arith.cmpi sgt, %sub3A_664, %sign3A_667 : i32
        %sign3A_669 = arith.extui %sign3A_668 : i1 to i32
        %sign3A_670 = arith.constant 0 : i32
        %sign3A_671 = arith.cmpi slt, %sub3A_664, %sign3A_670 : i32
        %sign3A_672 = arith.extui %sign3A_671 : i1 to i32
        %sign3A_673 = arith.subi %sign3A_669, %sign3A_672 : i32
        %sign3A_674 = arith.constant 0 : i32
        %sign3A_675 = arith.cmpi sgt, %jit3A_665, %sign3A_674 : i32
        %sign3A_676 = arith.extui %sign3A_675 : i1 to i32
        %sign3A_677 = arith.constant 0 : i32
        %sign3A_678 = arith.cmpi slt, %jit3A_665, %sign3A_677 : i32
        %sign3A_679 = arith.extui %sign3A_678 : i1 to i32
        %sign3A_680 = arith.subi %sign3A_676, %sign3A_679 : i32
        %ne3A_681 = arith.cmpi ne, %sign3A_673, %sign3A_680 : i32
        %rem3A_682 = arith.remsi %sub3A_664, %jit3A_665 : i32
        %ne3A_683 = arith.constant 0 : i32
        %ne3A_684 = arith.cmpi ne, %rem3A_682, %ne3A_683 : i32
        %and3A_685 = arith.andi %ne3A_681, %ne3A_684 : i1
        %sub3A_686 = arith.constant 1 : i32
        %sub3A_687 = arith.subi %div3A_666, %sub3A_686 : i32
        %select_n3A_688 = arith.select %and3A_685, %sub3A_687, %div3A_666 : i32
        %jit3A_689 = arith.constant 8 : i32
        %eq3A_690 = arith.constant 0 : i32
        %eq3A_691 = arith.cmpi eq, %jit3A_689, %eq3A_690 : i32
        %jit3A_692 = arith.constant 1 : i32
        %select_n3A_693 = arith.select %eq3A_691, %jit3A_692, %jit3A_689 : i32
        %rem3A_694 = arith.remsi %sub3A_664, %select_n3A_693 : i32
        %ne3A_695 = arith.constant 0 : i32
        %ne3A_696 = arith.cmpi ne, %rem3A_694, %ne3A_695 : i32
        %lt3A_697 = arith.constant 0 : i32
        %lt3A_698 = arith.cmpi slt, %rem3A_694, %lt3A_697 : i32
        %lt3A_699 = arith.constant 0 : i32
        %lt3A_700 = arith.cmpi slt, %select_n3A_693, %lt3A_699 : i32
        %ne3A_701 = arith.xori %lt3A_698, %lt3A_700 : i1
        %and3A_702 = arith.andi %ne3A_701, %ne3A_696 : i1
        %add3A_703 = arith.addi %rem3A_694, %select_n3A_693 : i32
        %select_n3A_704 = arith.select %and3A_702, %add3A_703, %rem3A_694 : i32
        %mul3A_705 = arith.constant 131072 : i32
        %mul3A_706 = arith.muli %select_n3A_688, %mul3A_705 : i32
        %mul3A_707 = arith.constant 4096 : i32
        %mul3A_708 = arith.muli %select_n3A_704, %mul3A_707 : i32
        %add3A_709 = arith.addi %mul3A_706, %mul3A_708 : i32
        %add3A_710 = arith.constant 0 : i32
        %add3A_711 = arith.addi %add3A_709, %add3A_710 : i32
        %dma_wait3A_712 = arith.constant 0 : i32
        %dma_wait3A_713 = arith.constant 0 : i32
        %dma_wait3A_714 = tpu.memref_slice %arg9[%dma_wait3A_712, %dma_wait3A_713] : memref<2x16384xf32, #tpu.memory_space<vmem>> -> memref<1x4096xf32, #tpu.memory_space<vmem>>
        %dma_wait3A_715 = tpu.memref_squeeze %dma_wait3A_714 : memref<1x4096xf32, #tpu.memory_space<vmem>> -> memref<4096xf32, #tpu.memory_space<vmem>>
        %dma_wait3A_716 = tpu.memref_slice %arg5[%add3A_711] : memref<26214400xf32, #tpu.memory_space<hbm>> -> memref<4096xf32, #tpu.memory_space<hbm>>
        %dma_wait3A_717 = tpu.memref_slice %arg5[%add3A_711] : memref<26214400xf32, #tpu.memory_space<hbm>> -> memref<4096xf32, #tpu.memory_space<hbm>>
        %dma_wait3A_718 = arith.constant 0 : i32
        %dma_wait3A_719 = tpu.memref_slice %arg9[%dma_wait3A_712, %dma_wait3A_718] : memref<2x16384xf32, #tpu.memory_space<vmem>> -> memref<1x4096xf32, #tpu.memory_space<vmem>>
        %dma_wait3A_720 = tpu.memref_squeeze %dma_wait3A_719 : memref<1x4096xf32, #tpu.memory_space<vmem>> -> memref<4096xf32, #tpu.memory_space<vmem>>
        tpu.wait_dma2 semaphore(%arg10 : memref<!tpu.dma_semaphore, #tpu.memory_space<semaphore_mem>>) src(%dma_wait3A_720 : memref<4096xf32, #tpu.memory_space<vmem>>) dst(%dma_wait3A_717 : memref<4096xf32, #tpu.memory_space<hbm>>)
        %add3A_721 = arith.constant 32768 : i32
        %add3A_722 = arith.addi %add3A_709, %add3A_721 : i32
        %dma_wait3A_723 = arith.constant 0 : i32
        %dma_wait3A_724 = arith.constant 4096 : i32
        %dma_wait3A_725 = tpu.memref_slice %arg9[%dma_wait3A_723, %dma_wait3A_724] : memref<2x16384xf32, #tpu.memory_space<vmem>> -> memref<1x4096xf32, #tpu.memory_space<vmem>>
        %dma_wait3A_726 = tpu.memref_squeeze %dma_wait3A_725 : memref<1x4096xf32, #tpu.memory_space<vmem>> -> memref<4096xf32, #tpu.memory_space<vmem>>
        %dma_wait3A_727 = tpu.memref_slice %arg5[%add3A_722] : memref<26214400xf32, #tpu.memory_space<hbm>> -> memref<4096xf32, #tpu.memory_space<hbm>>
        %dma_wait3A_728 = tpu.memref_slice %arg5[%add3A_722] : memref<26214400xf32, #tpu.memory_space<hbm>> -> memref<4096xf32, #tpu.memory_space<hbm>>
        %dma_wait3A_729 = arith.constant 4096 : i32
        %dma_wait3A_730 = tpu.memref_slice %arg9[%dma_wait3A_723, %dma_wait3A_729] : memref<2x16384xf32, #tpu.memory_space<vmem>> -> memref<1x4096xf32, #tpu.memory_space<vmem>>
        %dma_wait3A_731 = tpu.memref_squeeze %dma_wait3A_730 : memref<1x4096xf32, #tpu.memory_space<vmem>> -> memref<4096xf32, #tpu.memory_space<vmem>>
        tpu.wait_dma2 semaphore(%arg10 : memref<!tpu.dma_semaphore, #tpu.memory_space<semaphore_mem>>) src(%dma_wait3A_731 : memref<4096xf32, #tpu.memory_space<vmem>>) dst(%dma_wait3A_728 : memref<4096xf32, #tpu.memory_space<hbm>>)
        %add3A_732 = arith.constant 65536 : i32
        %add3A_733 = arith.addi %add3A_709, %add3A_732 : i32
        %dma_wait3A_734 = arith.constant 0 : i32
        %dma_wait3A_735 = arith.constant 8192 : i32
        %dma_wait3A_736 = tpu.memref_slice %arg9[%dma_wait3A_734, %dma_wait3A_735] : memref<2x16384xf32, #tpu.memory_space<vmem>> -> memref<1x4096xf32, #tpu.memory_space<vmem>>
        %dma_wait3A_737 = tpu.memref_squeeze %dma_wait3A_736 : memref<1x4096xf32, #tpu.memory_space<vmem>> -> memref<4096xf32, #tpu.memory_space<vmem>>
        %dma_wait3A_738 = tpu.memref_slice %arg5[%add3A_733] : memref<26214400xf32, #tpu.memory_space<hbm>> -> memref<4096xf32, #tpu.memory_space<hbm>>
        %dma_wait3A_739 = tpu.memref_slice %arg5[%add3A_733] : memref<26214400xf32, #tpu.memory_space<hbm>> -> memref<4096xf32, #tpu.memory_space<hbm>>
        %dma_wait3A_740 = arith.constant 8192 : i32
        %dma_wait3A_741 = tpu.memref_slice %arg9[%dma_wait3A_734, %dma_wait3A_740] : memref<2x16384xf32, #tpu.memory_space<vmem>> -> memref<1x4096xf32, #tpu.memory_space<vmem>>
        %dma_wait3A_742 = tpu.memref_squeeze %dma_wait3A_741 : memref<1x4096xf32, #tpu.memory_space<vmem>> -> memref<4096xf32, #tpu.memory_space<vmem>>
        tpu.wait_dma2 semaphore(%arg10 : memref<!tpu.dma_semaphore, #tpu.memory_space<semaphore_mem>>) src(%dma_wait3A_742 : memref<4096xf32, #tpu.memory_space<vmem>>) dst(%dma_wait3A_739 : memref<4096xf32, #tpu.memory_space<hbm>>)
        %add3A_743 = arith.constant 98304 : i32
        %add3A_744 = arith.addi %add3A_709, %add3A_743 : i32
        %dma_wait3A_745 = arith.constant 0 : i32
        %dma_wait3A_746 = arith.constant 12288 : i32
        %dma_wait3A_747 = tpu.memref_slice %arg9[%dma_wait3A_745, %dma_wait3A_746] : memref<2x16384xf32, #tpu.memory_space<vmem>> -> memref<1x4096xf32, #tpu.memory_space<vmem>>
        %dma_wait3A_748 = tpu.memref_squeeze %dma_wait3A_747 : memref<1x4096xf32, #tpu.memory_space<vmem>> -> memref<4096xf32, #tpu.memory_space<vmem>>
        %dma_wait3A_749 = tpu.memref_slice %arg5[%add3A_744] : memref<26214400xf32, #tpu.memory_space<hbm>> -> memref<4096xf32, #tpu.memory_space<hbm>>
        %dma_wait3A_750 = tpu.memref_slice %arg5[%add3A_744] : memref<26214400xf32, #tpu.memory_space<hbm>> -> memref<4096xf32, #tpu.memory_space<hbm>>
        %dma_wait3A_751 = arith.constant 12288 : i32
        %dma_wait3A_752 = tpu.memref_slice %arg9[%dma_wait3A_745, %dma_wait3A_751] : memref<2x16384xf32, #tpu.memory_space<vmem>> -> memref<1x4096xf32, #tpu.memory_space<vmem>>
        %dma_wait3A_753 = tpu.memref_squeeze %dma_wait3A_752 : memref<1x4096xf32, #tpu.memory_space<vmem>> -> memref<4096xf32, #tpu.memory_space<vmem>>
        tpu.wait_dma2 semaphore(%arg10 : memref<!tpu.dma_semaphore, #tpu.memory_space<semaphore_mem>>) src(%dma_wait3A_753 : memref<4096xf32, #tpu.memory_space<vmem>>) dst(%dma_wait3A_750 : memref<4096xf32, #tpu.memory_space<hbm>>)
      } else {
      }
      %mul3A_389 = arith.constant 32 : i32
      %mul3A_390 = arith.muli %select_n3A_375, %mul3A_389 : i32
      %get3A = arith.index_cast %mul3A_390 : i32 to index
      %get3A_391 = tpu.vector_load %arg12[%get3A] {strides = array<i32>} : memref<6400xf32, #tpu.memory_space<vmem>>, vector<16xf32>,
      %mul3A_392 = arith.constant 32 : i32
      %mul3A_393 = arith.muli %select_n3A_375, %mul3A_392 : i32
      %add3A_394 = arith.constant 16 : i32
      %add3A_395 = arith.addi %mul3A_393, %add3A_394 : i32
      %get3A_396 = arith.index_cast %add3A_395 : i32 to index
      %get3A_397 = tpu.vector_load %arg12[%get3A_396] {strides = array<i32>} : memref<6400xf32, #tpu.memory_space<vmem>>, vector<16xf32>,
      %parallel_loop3A_398 = arith.constant 0 : i32
      %parallel_loop3A_399 = arith.constant 512 : i32
      %parallel_loop3A_400 = arith.constant 16 : i32
      %parallel_loop3A_401 = arith.constant 0 : i32
      %parallel_loop3A_402 = arith.constant 0 : i32
      scf.for %parallel_loop3A_663 = %parallel_loop3A_398 to %parallel_loop3A_399 step %parallel_loop3A_400  : i32 {
        %parallel_loop3A_664 = arith.constant 7 : i32
        %parallel_loop3A_665 = arith.shrsi %parallel_loop3A_663, %parallel_loop3A_664 : i32
        %parallel_loop3A_666 = arith.constant 896 : i32
        %parallel_loop3A_667 = arith.muli %parallel_loop3A_665, %parallel_loop3A_666 : i32
        %parallel_loop3A_668 = vector.broadcast %parallel_loop3A_663 : i32 to vector<16xi32>
        %parallel_loop3A_669 = arith.addi %and3A_11, %parallel_loop3A_668 : vector<16xi32>
        %parallel_loop3A_670 = arith.constant 0 : i32
        %parallel_loop3A_671 = arith.constant 0 : i32
        %parallel_loop3A_672 = tpu.memref_slice %arg13[%parallel_loop3A_401, %parallel_loop3A_670, %parallel_loop3A_671] : memref<2x512x32xf32, #tpu.memory_space<vmem>> -> memref<1x512x32xf32, #tpu.memory_space<vmem>>
        %parallel_loop3A_673 = tpu.memref_squeeze %parallel_loop3A_672 : memref<1x512x32xf32, #tpu.memory_space<vmem>> -> memref<512x32xf32, #tpu.memory_space<vmem>>
        %parallel_loop3A_674 = tpu.vector_load_idx %parallel_loop3A_673[%parallel_loop3A_669, %add3A_104] : memref<512x32xf32, #tpu.memory_space<vmem>>[vector<16xi32>, vector<16xi32>], vector<16xf32>,
        %parallel_loop3A_675 = arith.addf %parallel_loop3A_674, %get3A_391 : vector<16xf32>
        %parallel_loop3A_676 = arith.addi %add3A_116, %parallel_loop3A_669 : vector<16xi32>
        %parallel_loop3A_677 = vector.broadcast %parallel_loop3A_667 : i32 to vector<16xi32>
        %parallel_loop3A_678 = arith.addi %parallel_loop3A_676, %parallel_loop3A_677 : vector<16xi32>
        %parallel_loop3A_679 = arith.constant 0 : i32
        %parallel_loop3A_680 = tpu.memref_slice %arg9[%parallel_loop3A_402, %parallel_loop3A_679] : memref<2x16384xf32, #tpu.memory_space<vmem>> -> memref<1x16384xf32, #tpu.memory_space<vmem>>
        %parallel_loop3A_681 = tpu.memref_squeeze %parallel_loop3A_680 : memref<1x16384xf32, #tpu.memory_space<vmem>> -> memref<16384xf32, #tpu.memory_space<vmem>>
        tpu.vector_store_idx %parallel_loop3A_681[%parallel_loop3A_678], %parallel_loop3A_675 : memref<16384xf32, #tpu.memory_space<vmem>>[vector<16xi32>], vector<16xf32>,
        %parallel_loop3A_682 = vector.broadcast %parallel_loop3A_663 : i32 to vector<16xi32>
        %parallel_loop3A_683 = arith.addi %and3A_17, %parallel_loop3A_682 : vector<16xi32>
        %parallel_loop3A_684 = arith.constant 0 : i32
        %parallel_loop3A_685 = arith.constant 0 : i32
        %parallel_loop3A_686 = tpu.memref_slice %arg13[%parallel_loop3A_401, %parallel_loop3A_684, %parallel_loop3A_685] : memref<2x512x32xf32, #tpu.memory_space<vmem>> -> memref<1x512x32xf32, #tpu.memory_space<vmem>>
        %parallel_loop3A_687 = tpu.memref_squeeze %parallel_loop3A_686 : memref<1x512x32xf32, #tpu.memory_space<vmem>> -> memref<512x32xf32, #tpu.memory_space<vmem>>
        %parallel_loop3A_688 = tpu.vector_load_idx %parallel_loop3A_687[%parallel_loop3A_683, %add3A_104] : memref<512x32xf32, #tpu.memory_space<vmem>>[vector<16xi32>, vector<16xi32>], vector<16xf32>,
        %parallel_loop3A_689 = arith.addf %parallel_loop3A_688, %get3A_391 : vector<16xf32>
        %parallel_loop3A_690 = arith.addi %add3A_116, %parallel_loop3A_683 : vector<16xi32>
        %parallel_loop3A_691 = vector.broadcast %parallel_loop3A_667 : i32 to vector<16xi32>
        %parallel_loop3A_692 = arith.addi %parallel_loop3A_690, %parallel_loop3A_691 : vector<16xi32>
        %parallel_loop3A_693 = arith.constant 0 : i32
        %parallel_loop3A_694 = tpu.memref_slice %arg9[%parallel_loop3A_402, %parallel_loop3A_693] : memref<2x16384xf32, #tpu.memory_space<vmem>> -> memref<1x16384xf32, #tpu.memory_space<vmem>>
        %parallel_loop3A_695 = tpu.memref_squeeze %parallel_loop3A_694 : memref<1x16384xf32, #tpu.memory_space<vmem>> -> memref<16384xf32, #tpu.memory_space<vmem>>
        tpu.vector_store_idx %parallel_loop3A_695[%parallel_loop3A_692], %parallel_loop3A_689 : memref<16384xf32, #tpu.memory_space<vmem>>[vector<16xi32>], vector<16xf32>,
        %parallel_loop3A_696 = vector.broadcast %parallel_loop3A_663 : i32 to vector<16xi32>
        %parallel_loop3A_697 = arith.addi %and3A_23, %parallel_loop3A_696 : vector<16xi32>
        %parallel_loop3A_698 = arith.constant 0 : i32
        %parallel_loop3A_699 = arith.constant 0 : i32
        %parallel_loop3A_700 = tpu.memref_slice %arg13[%parallel_loop3A_401, %parallel_loop3A_698, %parallel_loop3A_699] : memref<2x512x32xf32, #tpu.memory_space<vmem>> -> memref<1x512x32xf32, #tpu.memory_space<vmem>>
        %parallel_loop3A_701 = tpu.memref_squeeze %parallel_loop3A_700 : memref<1x512x32xf32, #tpu.memory_space<vmem>> -> memref<512x32xf32, #tpu.memory_space<vmem>>
        %parallel_loop3A_702 = tpu.vector_load_idx %parallel_loop3A_701[%parallel_loop3A_697, %add3A_104] : memref<512x32xf32, #tpu.memory_space<vmem>>[vector<16xi32>, vector<16xi32>], vector<16xf32>,
        %parallel_loop3A_703 = arith.addf %parallel_loop3A_702, %get3A_391 : vector<16xf32>
        %parallel_loop3A_704 = arith.addi %add3A_116, %parallel_loop3A_697 : vector<16xi32>
        %parallel_loop3A_705 = vector.broadcast %parallel_loop3A_667 : i32 to vector<16xi32>
        %parallel_loop3A_706 = arith.addi %parallel_loop3A_704, %parallel_loop3A_705 : vector<16xi32>
        %parallel_loop3A_707 = arith.constant 0 : i32
        %parallel_loop3A_708 = tpu.memref_slice %arg9[%parallel_loop3A_402, %parallel_loop3A_707] : memref<2x16384xf32, #tpu.memory_space<vmem>> -> memref<1x16384xf32, #tpu.memory_space<vmem>>
        %parallel_loop3A_709 = tpu.memref_squeeze %parallel_loop3A_708 : memref<1x16384xf32, #tpu.memory_space<vmem>> -> memref<16384xf32, #tpu.memory_space<vmem>>
        tpu.vector_store_idx %parallel_loop3A_709[%parallel_loop3A_706], %parallel_loop3A_703 : memref<16384xf32, #tpu.memory_space<vmem>>[vector<16xi32>], vector<16xf32>,
        %parallel_loop3A_710 = vector.broadcast %parallel_loop3A_663 : i32 to vector<16xi32>
        %parallel_loop3A_711 = arith.addi %and3A_29, %parallel_loop3A_710 : vector<16xi32>
        %parallel_loop3A_712 = arith.constant 0 : i32
        %parallel_loop3A_713 = arith.constant 0 : i32
        %parallel_loop3A_714 = tpu.memref_slice %arg13[%parallel_loop3A_401, %parallel_loop3A_712, %parallel_loop3A_713] : memref<2x512x32xf32, #tpu.memory_space<vmem>> -> memref<1x512x32xf32, #tpu.memory_space<vmem>>
        %parallel_loop3A_715 = tpu.memref_squeeze %parallel_loop3A_714 : memref<1x512x32xf32, #tpu.memory_space<vmem>> -> memref<512x32xf32, #tpu.memory_space<vmem>>
        %parallel_loop3A_716 = tpu.vector_load_idx %parallel_loop3A_715[%parallel_loop3A_711, %add3A_104] : memref<512x32xf32, #tpu.memory_space<vmem>>[vector<16xi32>, vector<16xi32>], vector<16xf32>,
        %parallel_loop3A_717 = arith.addf %parallel_loop3A_716, %get3A_391 : vector<16xf32>
        %parallel_loop3A_718 = arith.addi %add3A_116, %parallel_loop3A_711 : vector<16xi32>
        %parallel_loop3A_719 = vector.broadcast %parallel_loop3A_667 : i32 to vector<16xi32>
        %parallel_loop3A_720 = arith.addi %parallel_loop3A_718, %parallel_loop3A_719 : vector<16xi32>
        %parallel_loop3A_721 = arith.constant 0 : i32
        %parallel_loop3A_722 = tpu.memref_slice %arg9[%parallel_loop3A_402, %parallel_loop3A_721] : memref<2x16384xf32, #tpu.memory_space<vmem>> -> memref<1x16384xf32, #tpu.memory_space<vmem>>
        %parallel_loop3A_723 = tpu.memref_squeeze %parallel_loop3A_722 : memref<1x16384xf32, #tpu.memory_space<vmem>> -> memref<16384xf32, #tpu.memory_space<vmem>>
        tpu.vector_store_idx %parallel_loop3A_723[%parallel_loop3A_720], %parallel_loop3A_717 : memref<16384xf32, #tpu.memory_space<vmem>>[vector<16xi32>], vector<16xf32>,
        %parallel_loop3A_724 = vector.broadcast %parallel_loop3A_663 : i32 to vector<16xi32>
        %parallel_loop3A_725 = arith.addi %and3A_35, %parallel_loop3A_724 : vector<16xi32>
        %parallel_loop3A_726 = arith.constant 0 : i32
        %parallel_loop3A_727 = arith.constant 0 : i32
        %parallel_loop3A_728 = tpu.memref_slice %arg13[%parallel_loop3A_401, %parallel_loop3A_726, %parallel_loop3A_727] : memref<2x512x32xf32, #tpu.memory_space<vmem>> -> memref<1x512x32xf32, #tpu.memory_space<vmem>>
        %parallel_loop3A_729 = tpu.memref_squeeze %parallel_loop3A_728 : memref<1x512x32xf32, #tpu.memory_space<vmem>> -> memref<512x32xf32, #tpu.memory_space<vmem>>
        %parallel_loop3A_730 = tpu.vector_load_idx %parallel_loop3A_729[%parallel_loop3A_725, %add3A_104] : memref<512x32xf32, #tpu.memory_space<vmem>>[vector<16xi32>, vector<16xi32>], vector<16xf32>,
        %parallel_loop3A_731 = arith.addf %parallel_loop3A_730, %get3A_391 : vector<16xf32>
        %parallel_loop3A_732 = arith.addi %add3A_116, %parallel_loop3A_725 : vector<16xi32>
        %parallel_loop3A_733 = vector.broadcast %parallel_loop3A_667 : i32 to vector<16xi32>
        %parallel_loop3A_734 = arith.addi %parallel_loop3A_732, %parallel_loop3A_733 : vector<16xi32>
        %parallel_loop3A_735 = arith.constant 0 : i32
        %parallel_loop3A_736 = tpu.memref_slice %arg9[%parallel_loop3A_402, %parallel_loop3A_735] : memref<2x16384xf32, #tpu.memory_space<vmem>> -> memref<1x16384xf32, #tpu.memory_space<vmem>>
        %parallel_loop3A_737 = tpu.memref_squeeze %parallel_loop3A_736 : memref<1x16384xf32, #tpu.memory_space<vmem>> -> memref<16384xf32, #tpu.memory_space<vmem>>
        tpu.vector_store_idx %parallel_loop3A_737[%parallel_loop3A_734], %parallel_loop3A_731 : memref<16384xf32, #tpu.memory_space<vmem>>[vector<16xi32>], vector<16xf32>,
        %parallel_loop3A_738 = vector.broadcast %parallel_loop3A_663 : i32 to vector<16xi32>
        %parallel_loop3A_739 = arith.addi %and3A_41, %parallel_loop3A_738 : vector<16xi32>
        %parallel_loop3A_740 = arith.constant 0 : i32
        %parallel_loop3A_741 = arith.constant 0 : i32
        %parallel_loop3A_742 = tpu.memref_slice %arg13[%parallel_loop3A_401, %parallel_loop3A_740, %parallel_loop3A_741] : memref<2x512x32xf32, #tpu.memory_space<vmem>> -> memref<1x512x32xf32, #tpu.memory_space<vmem>>
        %parallel_loop3A_743 = tpu.memref_squeeze %parallel_loop3A_742 : memref<1x512x32xf32, #tpu.memory_space<vmem>> -> memref<512x32xf32, #tpu.memory_space<vmem>>
        %parallel_loop3A_744 = tpu.vector_load_idx %parallel_loop3A_743[%parallel_loop3A_739, %add3A_104] : memref<512x32xf32, #tpu.memory_space<vmem>>[vector<16xi32>, vector<16xi32>], vector<16xf32>,
        %parallel_loop3A_745 = arith.addf %parallel_loop3A_744, %get3A_391 : vector<16xf32>
        %parallel_loop3A_746 = arith.addi %add3A_116, %parallel_loop3A_739 : vector<16xi32>
        %parallel_loop3A_747 = vector.broadcast %parallel_loop3A_667 : i32 to vector<16xi32>
        %parallel_loop3A_748 = arith.addi %parallel_loop3A_746, %parallel_loop3A_747 : vector<16xi32>
        %parallel_loop3A_749 = arith.constant 0 : i32
        %parallel_loop3A_750 = tpu.memref_slice %arg9[%parallel_loop3A_402, %parallel_loop3A_749] : memref<2x16384xf32, #tpu.memory_space<vmem>> -> memref<1x16384xf32, #tpu.memory_space<vmem>>
        %parallel_loop3A_751 = tpu.memref_squeeze %parallel_loop3A_750 : memref<1x16384xf32, #tpu.memory_space<vmem>> -> memref<16384xf32, #tpu.memory_space<vmem>>
        tpu.vector_store_idx %parallel_loop3A_751[%parallel_loop3A_748], %parallel_loop3A_745 : memref<16384xf32, #tpu.memory_space<vmem>>[vector<16xi32>], vector<16xf32>,
        %parallel_loop3A_752 = vector.broadcast %parallel_loop3A_663 : i32 to vector<16xi32>
        %parallel_loop3A_753 = arith.addi %and3A_47, %parallel_loop3A_752 : vector<16xi32>
        %parallel_loop3A_754 = arith.constant 0 : i32
        %parallel_loop3A_755 = arith.constant 0 : i32
        %parallel_loop3A_756 = tpu.memref_slice %arg13[%parallel_loop3A_401, %parallel_loop3A_754, %parallel_loop3A_755] : memref<2x512x32xf32, #tpu.memory_space<vmem>> -> memref<1x512x32xf32, #tpu.memory_space<vmem>>
        %parallel_loop3A_757 = tpu.memref_squeeze %parallel_loop3A_756 : memref<1x512x32xf32, #tpu.memory_space<vmem>> -> memref<512x32xf32, #tpu.memory_space<vmem>>
        %parallel_loop3A_758 = tpu.vector_load_idx %parallel_loop3A_757[%parallel_loop3A_753, %add3A_104] : memref<512x32xf32, #tpu.memory_space<vmem>>[vector<16xi32>, vector<16xi32>], vector<16xf32>,
        %parallel_loop3A_759 = arith.addf %parallel_loop3A_758, %get3A_391 : vector<16xf32>
        %parallel_loop3A_760 = arith.addi %add3A_116, %parallel_loop3A_753 : vector<16xi32>
        %parallel_loop3A_761 = vector.broadcast %parallel_loop3A_667 : i32 to vector<16xi32>
        %parallel_loop3A_762 = arith.addi %parallel_loop3A_760, %parallel_loop3A_761 : vector<16xi32>
        %parallel_loop3A_763 = arith.constant 0 : i32
        %parallel_loop3A_764 = tpu.memref_slice %arg9[%parallel_loop3A_402, %parallel_loop3A_763] : memref<2x16384xf32, #tpu.memory_space<vmem>> -> memref<1x16384xf32, #tpu.memory_space<vmem>>
        %parallel_loop3A_765 = tpu.memref_squeeze %parallel_loop3A_764 : memref<1x16384xf32, #tpu.memory_space<vmem>> -> memref<16384xf32, #tpu.memory_space<vmem>>
        tpu.vector_store_idx %parallel_loop3A_765[%parallel_loop3A_762], %parallel_loop3A_759 : memref<16384xf32, #tpu.memory_space<vmem>>[vector<16xi32>], vector<16xf32>,
        %parallel_loop3A_766 = vector.broadcast %parallel_loop3A_663 : i32 to vector<16xi32>
        %parallel_loop3A_767 = arith.addi %and3A_53, %parallel_loop3A_766 : vector<16xi32>
        %parallel_loop3A_768 = arith.constant 0 : i32
        %parallel_loop3A_769 = arith.constant 0 : i32
        %parallel_loop3A_770 = tpu.memref_slice %arg13[%parallel_loop3A_401, %parallel_loop3A_768, %parallel_loop3A_769] : memref<2x512x32xf32, #tpu.memory_space<vmem>> -> memref<1x512x32xf32, #tpu.memory_space<vmem>>
        %parallel_loop3A_771 = tpu.memref_squeeze %parallel_loop3A_770 : memref<1x512x32xf32, #tpu.memory_space<vmem>> -> memref<512x32xf32, #tpu.memory_space<vmem>>
        %parallel_loop3A_772 = tpu.vector_load_idx %parallel_loop3A_771[%parallel_loop3A_767, %add3A_104] : memref<512x32xf32, #tpu.memory_space<vmem>>[vector<16xi32>, vector<16xi32>], vector<16xf32>,
        %parallel_loop3A_773 = arith.addf %parallel_loop3A_772, %get3A_391 : vector<16xf32>
        %parallel_loop3A_774 = arith.addi %add3A_116, %parallel_loop3A_767 : vector<16xi32>
        %parallel_loop3A_775 = vector.broadcast %parallel_loop3A_667 : i32 to vector<16xi32>
        %parallel_loop3A_776 = arith.addi %parallel_loop3A_774, %parallel_loop3A_775 : vector<16xi32>
        %parallel_loop3A_777 = arith.constant 0 : i32
        %parallel_loop3A_778 = tpu.memref_slice %arg9[%parallel_loop3A_402, %parallel_loop3A_777] : memref<2x16384xf32, #tpu.memory_space<vmem>> -> memref<1x16384xf32, #tpu.memory_space<vmem>>
        %parallel_loop3A_779 = tpu.memref_squeeze %parallel_loop3A_778 : memref<1x16384xf32, #tpu.memory_space<vmem>> -> memref<16384xf32, #tpu.memory_space<vmem>>
        tpu.vector_store_idx %parallel_loop3A_779[%parallel_loop3A_776], %parallel_loop3A_773 : memref<16384xf32, #tpu.memory_space<vmem>>[vector<16xi32>], vector<16xf32>,
        %parallel_loop3A_780 = vector.broadcast %parallel_loop3A_663 : i32 to vector<16xi32>
        %parallel_loop3A_781 = arith.addi %and3A_59, %parallel_loop3A_780 : vector<16xi32>
        %parallel_loop3A_782 = arith.constant 0 : i32
        %parallel_loop3A_783 = arith.constant 0 : i32
        %parallel_loop3A_784 = tpu.memref_slice %arg13[%parallel_loop3A_401, %parallel_loop3A_782, %parallel_loop3A_783] : memref<2x512x32xf32, #tpu.memory_space<vmem>> -> memref<1x512x32xf32, #tpu.memory_space<vmem>>
        %parallel_loop3A_785 = tpu.memref_squeeze %parallel_loop3A_784 : memref<1x512x32xf32, #tpu.memory_space<vmem>> -> memref<512x32xf32, #tpu.memory_space<vmem>>
        %parallel_loop3A_786 = tpu.vector_load_idx %parallel_loop3A_785[%parallel_loop3A_781, %add3A_104] : memref<512x32xf32, #tpu.memory_space<vmem>>[vector<16xi32>, vector<16xi32>], vector<16xf32>,
        %parallel_loop3A_787 = arith.addf %parallel_loop3A_786, %get3A_391 : vector<16xf32>
        %parallel_loop3A_788 = arith.addi %add3A_116, %parallel_loop3A_781 : vector<16xi32>
        %parallel_loop3A_789 = vector.broadcast %parallel_loop3A_667 : i32 to vector<16xi32>
        %parallel_loop3A_790 = arith.addi %parallel_loop3A_788, %parallel_loop3A_789 : vector<16xi32>
        %parallel_loop3A_791 = arith.constant 0 : i32
        %parallel_loop3A_792 = tpu.memref_slice %arg9[%parallel_loop3A_402, %parallel_loop3A_791] : memref<2x16384xf32, #tpu.memory_space<vmem>> -> memref<1x16384xf32, #tpu.memory_space<vmem>>
        %parallel_loop3A_793 = tpu.memref_squeeze %parallel_loop3A_792 : memref<1x16384xf32, #tpu.memory_space<vmem>> -> memref<16384xf32, #tpu.memory_space<vmem>>
        tpu.vector_store_idx %parallel_loop3A_793[%parallel_loop3A_790], %parallel_loop3A_787 : memref<16384xf32, #tpu.memory_space<vmem>>[vector<16xi32>], vector<16xf32>,
        %parallel_loop3A_794 = vector.broadcast %parallel_loop3A_663 : i32 to vector<16xi32>
        %parallel_loop3A_795 = arith.addi %and3A_65, %parallel_loop3A_794 : vector<16xi32>
        %parallel_loop3A_796 = arith.constant 0 : i32
        %parallel_loop3A_797 = arith.constant 0 : i32
        %parallel_loop3A_798 = tpu.memref_slice %arg13[%parallel_loop3A_401, %parallel_loop3A_796, %parallel_loop3A_797] : memref<2x512x32xf32, #tpu.memory_space<vmem>> -> memref<1x512x32xf32, #tpu.memory_space<vmem>>
        %parallel_loop3A_799 = tpu.memref_squeeze %parallel_loop3A_798 : memref<1x512x32xf32, #tpu.memory_space<vmem>> -> memref<512x32xf32, #tpu.memory_space<vmem>>
        %parallel_loop3A_800 = tpu.vector_load_idx %parallel_loop3A_799[%parallel_loop3A_795, %add3A_104] : memref<512x32xf32, #tpu.memory_space<vmem>>[vector<16xi32>, vector<16xi32>], vector<16xf32>,
        %parallel_loop3A_801 = arith.addf %parallel_loop3A_800, %get3A_391 : vector<16xf32>
        %parallel_loop3A_802 = arith.addi %add3A_116, %parallel_loop3A_795 : vector<16xi32>
        %parallel_loop3A_803 = vector.broadcast %parallel_loop3A_667 : i32 to vector<16xi32>
        %parallel_loop3A_804 = arith.addi %parallel_loop3A_802, %parallel_loop3A_803 : vector<16xi32>
        %parallel_loop3A_805 = arith.constant 0 : i32
        %parallel_loop3A_806 = tpu.memref_slice %arg9[%parallel_loop3A_402, %parallel_loop3A_805] : memref<2x16384xf32, #tpu.memory_space<vmem>> -> memref<1x16384xf32, #tpu.memory_space<vmem>>
        %parallel_loop3A_807 = tpu.memref_squeeze %parallel_loop3A_806 : memref<1x16384xf32, #tpu.memory_space<vmem>> -> memref<16384xf32, #tpu.memory_space<vmem>>
        tpu.vector_store_idx %parallel_loop3A_807[%parallel_loop3A_804], %parallel_loop3A_801 : memref<16384xf32, #tpu.memory_space<vmem>>[vector<16xi32>], vector<16xf32>,
        %parallel_loop3A_808 = vector.broadcast %parallel_loop3A_663 : i32 to vector<16xi32>
        %parallel_loop3A_809 = arith.addi %and3A_71, %parallel_loop3A_808 : vector<16xi32>
        %parallel_loop3A_810 = arith.constant 0 : i32
        %parallel_loop3A_811 = arith.constant 0 : i32
        %parallel_loop3A_812 = tpu.memref_slice %arg13[%parallel_loop3A_401, %parallel_loop3A_810, %parallel_loop3A_811] : memref<2x512x32xf32, #tpu.memory_space<vmem>> -> memref<1x512x32xf32, #tpu.memory_space<vmem>>
        %parallel_loop3A_813 = tpu.memref_squeeze %parallel_loop3A_812 : memref<1x512x32xf32, #tpu.memory_space<vmem>> -> memref<512x32xf32, #tpu.memory_space<vmem>>
        %parallel_loop3A_814 = tpu.vector_load_idx %parallel_loop3A_813[%parallel_loop3A_809, %add3A_104] : memref<512x32xf32, #tpu.memory_space<vmem>>[vector<16xi32>, vector<16xi32>], vector<16xf32>,
        %parallel_loop3A_815 = arith.addf %parallel_loop3A_814, %get3A_391 : vector<16xf32>
        %parallel_loop3A_816 = arith.addi %add3A_116, %parallel_loop3A_809 : vector<16xi32>
        %parallel_loop3A_817 = vector.broadcast %parallel_loop3A_667 : i32 to vector<16xi32>
        %parallel_loop3A_818 = arith.addi %parallel_loop3A_816, %parallel_loop3A_817 : vector<16xi32>
        %parallel_loop3A_819 = arith.constant 0 : i32
        %parallel_loop3A_820 = tpu.memref_slice %arg9[%parallel_loop3A_402, %parallel_loop3A_819] : memref<2x16384xf32, #tpu.memory_space<vmem>> -> memref<1x16384xf32, #tpu.memory_space<vmem>>
        %parallel_loop3A_821 = tpu.memref_squeeze %parallel_loop3A_820 : memref<1x16384xf32, #tpu.memory_space<vmem>> -> memref<16384xf32, #tpu.memory_space<vmem>>
        tpu.vector_store_idx %parallel_loop3A_821[%parallel_loop3A_818], %parallel_loop3A_815 : memref<16384xf32, #tpu.memory_space<vmem>>[vector<16xi32>], vector<16xf32>,
        %parallel_loop3A_822 = vector.broadcast %parallel_loop3A_663 : i32 to vector<16xi32>
        %parallel_loop3A_823 = arith.addi %and3A_77, %parallel_loop3A_822 : vector<16xi32>
        %parallel_loop3A_824 = arith.constant 0 : i32
        %parallel_loop3A_825 = arith.constant 0 : i32
        %parallel_loop3A_826 = tpu.memref_slice %arg13[%parallel_loop3A_401, %parallel_loop3A_824, %parallel_loop3A_825] : memref<2x512x32xf32, #tpu.memory_space<vmem>> -> memref<1x512x32xf32, #tpu.memory_space<vmem>>
        %parallel_loop3A_827 = tpu.memref_squeeze %parallel_loop3A_826 : memref<1x512x32xf32, #tpu.memory_space<vmem>> -> memref<512x32xf32, #tpu.memory_space<vmem>>
        %parallel_loop3A_828 = tpu.vector_load_idx %parallel_loop3A_827[%parallel_loop3A_823, %add3A_104] : memref<512x32xf32, #tpu.memory_space<vmem>>[vector<16xi32>, vector<16xi32>], vector<16xf32>,
        %parallel_loop3A_829 = arith.addf %parallel_loop3A_828, %get3A_391 : vector<16xf32>
        %parallel_loop3A_830 = arith.addi %add3A_116, %parallel_loop3A_823 : vector<16xi32>
        %parallel_loop3A_831 = vector.broadcast %parallel_loop3A_667 : i32 to vector<16xi32>
        %parallel_loop3A_832 = arith.addi %parallel_loop3A_830, %parallel_loop3A_831 : vector<16xi32>
        %parallel_loop3A_833 = arith.constant 0 : i32
        %parallel_loop3A_834 = tpu.memref_slice %arg9[%parallel_loop3A_402, %parallel_loop3A_833] : memref<2x16384xf32, #tpu.memory_space<vmem>> -> memref<1x16384xf32, #tpu.memory_space<vmem>>
        %parallel_loop3A_835 = tpu.memref_squeeze %parallel_loop3A_834 : memref<1x16384xf32, #tpu.memory_space<vmem>> -> memref<16384xf32, #tpu.memory_space<vmem>>
        tpu.vector_store_idx %parallel_loop3A_835[%parallel_loop3A_832], %parallel_loop3A_829 : memref<16384xf32, #tpu.memory_space<vmem>>[vector<16xi32>], vector<16xf32>,
        %parallel_loop3A_836 = vector.broadcast %parallel_loop3A_663 : i32 to vector<16xi32>
        %parallel_loop3A_837 = arith.addi %and3A_83, %parallel_loop3A_836 : vector<16xi32>
        %parallel_loop3A_838 = arith.constant 0 : i32
        %parallel_loop3A_839 = arith.constant 0 : i32
        %parallel_loop3A_840 = tpu.memref_slice %arg13[%parallel_loop3A_401, %parallel_loop3A_838, %parallel_loop3A_839] : memref<2x512x32xf32, #tpu.memory_space<vmem>> -> memref<1x512x32xf32, #tpu.memory_space<vmem>>
        %parallel_loop3A_841 = tpu.memref_squeeze %parallel_loop3A_840 : memref<1x512x32xf32, #tpu.memory_space<vmem>> -> memref<512x32xf32, #tpu.memory_space<vmem>>
        %parallel_loop3A_842 = tpu.vector_load_idx %parallel_loop3A_841[%parallel_loop3A_837, %add3A_104] : memref<512x32xf32, #tpu.memory_space<vmem>>[vector<16xi32>, vector<16xi32>], vector<16xf32>,
        %parallel_loop3A_843 = arith.addf %parallel_loop3A_842, %get3A_391 : vector<16xf32>
        %parallel_loop3A_844 = arith.addi %add3A_116, %parallel_loop3A_837 : vector<16xi32>
        %parallel_loop3A_845 = vector.broadcast %parallel_loop3A_667 : i32 to vector<16xi32>
        %parallel_loop3A_846 = arith.addi %parallel_loop3A_844, %parallel_loop3A_845 : vector<16xi32>
        %parallel_loop3A_847 = arith.constant 0 : i32
        %parallel_loop3A_848 = tpu.memref_slice %arg9[%parallel_loop3A_402, %parallel_loop3A_847] : memref<2x16384xf32, #tpu.memory_space<vmem>> -> memref<1x16384xf32, #tpu.memory_space<vmem>>
        %parallel_loop3A_849 = tpu.memref_squeeze %parallel_loop3A_848 : memref<1x16384xf32, #tpu.memory_space<vmem>> -> memref<16384xf32, #tpu.memory_space<vmem>>
        tpu.vector_store_idx %parallel_loop3A_849[%parallel_loop3A_846], %parallel_loop3A_843 : memref<16384xf32, #tpu.memory_space<vmem>>[vector<16xi32>], vector<16xf32>,
        %parallel_loop3A_850 = vector.broadcast %parallel_loop3A_663 : i32 to vector<16xi32>
        %parallel_loop3A_851 = arith.addi %and3A_89, %parallel_loop3A_850 : vector<16xi32>
        %parallel_loop3A_852 = arith.constant 0 : i32
        %parallel_loop3A_853 = arith.constant 0 : i32
        %parallel_loop3A_854 = tpu.memref_slice %arg13[%parallel_loop3A_401, %parallel_loop3A_852, %parallel_loop3A_853] : memref<2x512x32xf32, #tpu.memory_space<vmem>> -> memref<1x512x32xf32, #tpu.memory_space<vmem>>
        %parallel_loop3A_855 = tpu.memref_squeeze %parallel_loop3A_854 : memref<1x512x32xf32, #tpu.memory_space<vmem>> -> memref<512x32xf32, #tpu.memory_space<vmem>>
        %parallel_loop3A_856 = tpu.vector_load_idx %parallel_loop3A_855[%parallel_loop3A_851, %add3A_104] : memref<512x32xf32, #tpu.memory_space<vmem>>[vector<16xi32>, vector<16xi32>], vector<16xf32>,
        %parallel_loop3A_857 = arith.addf %parallel_loop3A_856, %get3A_391 : vector<16xf32>
        %parallel_loop3A_858 = arith.addi %add3A_116, %parallel_loop3A_851 : vector<16xi32>
        %parallel_loop3A_859 = vector.broadcast %parallel_loop3A_667 : i32 to vector<16xi32>
        %parallel_loop3A_860 = arith.addi %parallel_loop3A_858, %parallel_loop3A_859 : vector<16xi32>
        %parallel_loop3A_861 = arith.constant 0 : i32
        %parallel_loop3A_862 = tpu.memref_slice %arg9[%parallel_loop3A_402, %parallel_loop3A_861] : memref<2x16384xf32, #tpu.memory_space<vmem>> -> memref<1x16384xf32, #tpu.memory_space<vmem>>
        %parallel_loop3A_863 = tpu.memref_squeeze %parallel_loop3A_862 : memref<1x16384xf32, #tpu.memory_space<vmem>> -> memref<16384xf32, #tpu.memory_space<vmem>>
        tpu.vector_store_idx %parallel_loop3A_863[%parallel_loop3A_860], %parallel_loop3A_857 : memref<16384xf32, #tpu.memory_space<vmem>>[vector<16xi32>], vector<16xf32>,
        %parallel_loop3A_864 = vector.broadcast %parallel_loop3A_663 : i32 to vector<16xi32>
        %parallel_loop3A_865 = arith.addi %and3A_95, %parallel_loop3A_864 : vector<16xi32>
        %parallel_loop3A_866 = arith.constant 0 : i32
        %parallel_loop3A_867 = arith.constant 0 : i32
        %parallel_loop3A_868 = tpu.memref_slice %arg13[%parallel_loop3A_401, %parallel_loop3A_866, %parallel_loop3A_867] : memref<2x512x32xf32, #tpu.memory_space<vmem>> -> memref<1x512x32xf32, #tpu.memory_space<vmem>>
        %parallel_loop3A_869 = tpu.memref_squeeze %parallel_loop3A_868 : memref<1x512x32xf32, #tpu.memory_space<vmem>> -> memref<512x32xf32, #tpu.memory_space<vmem>>
        %parallel_loop3A_870 = tpu.vector_load_idx %parallel_loop3A_869[%parallel_loop3A_865, %add3A_104] : memref<512x32xf32, #tpu.memory_space<vmem>>[vector<16xi32>, vector<16xi32>], vector<16xf32>,
        %parallel_loop3A_871 = arith.addf %parallel_loop3A_870, %get3A_391 : vector<16xf32>
        %parallel_loop3A_872 = arith.addi %add3A_116, %parallel_loop3A_865 : vector<16xi32>
        %parallel_loop3A_873 = vector.broadcast %parallel_loop3A_667 : i32 to vector<16xi32>
        %parallel_loop3A_874 = arith.addi %parallel_loop3A_872, %parallel_loop3A_873 : vector<16xi32>
        %parallel_loop3A_875 = arith.constant 0 : i32
        %parallel_loop3A_876 = tpu.memref_slice %arg9[%parallel_loop3A_402, %parallel_loop3A_875] : memref<2x16384xf32, #tpu.memory_space<vmem>> -> memref<1x16384xf32, #tpu.memory_space<vmem>>
        %parallel_loop3A_877 = tpu.memref_squeeze %parallel_loop3A_876 : memref<1x16384xf32, #tpu.memory_space<vmem>> -> memref<16384xf32, #tpu.memory_space<vmem>>
        tpu.vector_store_idx %parallel_loop3A_877[%parallel_loop3A_874], %parallel_loop3A_871 : memref<16384xf32, #tpu.memory_space<vmem>>[vector<16xi32>], vector<16xf32>,
        %parallel_loop3A_878 = vector.broadcast %parallel_loop3A_663 : i32 to vector<16xi32>
        %parallel_loop3A_879 = arith.addi %and3A_101, %parallel_loop3A_878 : vector<16xi32>
        %parallel_loop3A_880 = arith.constant 0 : i32
        %parallel_loop3A_881 = arith.constant 0 : i32
        %parallel_loop3A_882 = tpu.memref_slice %arg13[%parallel_loop3A_401, %parallel_loop3A_880, %parallel_loop3A_881] : memref<2x512x32xf32, #tpu.memory_space<vmem>> -> memref<1x512x32xf32, #tpu.memory_space<vmem>>
        %parallel_loop3A_883 = tpu.memref_squeeze %parallel_loop3A_882 : memref<1x512x32xf32, #tpu.memory_space<vmem>> -> memref<512x32xf32, #tpu.memory_space<vmem>>
        %parallel_loop3A_884 = tpu.vector_load_idx %parallel_loop3A_883[%parallel_loop3A_879, %add3A_104] : memref<512x32xf32, #tpu.memory_space<vmem>>[vector<16xi32>, vector<16xi32>], vector<16xf32>,
        %parallel_loop3A_885 = arith.addf %parallel_loop3A_884, %get3A_391 : vector<16xf32>
        %parallel_loop3A_886 = arith.addi %add3A_116, %parallel_loop3A_879 : vector<16xi32>
        %parallel_loop3A_887 = vector.broadcast %parallel_loop3A_667 : i32 to vector<16xi32>
        %parallel_loop3A_888 = arith.addi %parallel_loop3A_886, %parallel_loop3A_887 : vector<16xi32>
        %parallel_loop3A_889 = arith.constant 0 : i32
        %parallel_loop3A_890 = tpu.memref_slice %arg9[%parallel_loop3A_402, %parallel_loop3A_889] : memref<2x16384xf32, #tpu.memory_space<vmem>> -> memref<1x16384xf32, #tpu.memory_space<vmem>>
        %parallel_loop3A_891 = tpu.memref_squeeze %parallel_loop3A_890 : memref<1x16384xf32, #tpu.memory_space<vmem>> -> memref<16384xf32, #tpu.memory_space<vmem>>
        tpu.vector_store_idx %parallel_loop3A_891[%parallel_loop3A_888], %parallel_loop3A_885 : memref<16384xf32, #tpu.memory_space<vmem>>[vector<16xi32>], vector<16xf32>,
      } {sc.loop_unroll_factor = 2 : i64, sc.parallel_access}
      %parallel_loop3A_403 = arith.constant 0 : i32
      %parallel_loop3A_404 = arith.constant 512 : i32
      %parallel_loop3A_405 = arith.constant 16 : i32
      %parallel_loop3A_406 = arith.constant 0 : i32
      %parallel_loop3A_407 = arith.constant 0 : i32
      scf.for %parallel_loop3A_663 = %parallel_loop3A_403 to %parallel_loop3A_404 step %parallel_loop3A_405  : i32 {
        %parallel_loop3A_664 = arith.constant 7 : i32
        %parallel_loop3A_665 = arith.shrsi %parallel_loop3A_663, %parallel_loop3A_664 : i32
        %parallel_loop3A_666 = arith.constant 896 : i32
        %parallel_loop3A_667 = arith.muli %parallel_loop3A_665, %parallel_loop3A_666 : i32
        %parallel_loop3A_668 = vector.broadcast %parallel_loop3A_663 : i32 to vector<16xi32>
        %parallel_loop3A_669 = arith.addi %and3A_11, %parallel_loop3A_668 : vector<16xi32>
        %parallel_loop3A_670 = arith.constant 0 : i32
        %parallel_loop3A_671 = arith.constant 0 : i32
        %parallel_loop3A_672 = tpu.memref_slice %arg13[%parallel_loop3A_406, %parallel_loop3A_670, %parallel_loop3A_671] : memref<2x512x32xf32, #tpu.memory_space<vmem>> -> memref<1x512x32xf32, #tpu.memory_space<vmem>>
        %parallel_loop3A_673 = tpu.memref_squeeze %parallel_loop3A_672 : memref<1x512x32xf32, #tpu.memory_space<vmem>> -> memref<512x32xf32, #tpu.memory_space<vmem>>
        %parallel_loop3A_674 = tpu.vector_load_idx %parallel_loop3A_673[%parallel_loop3A_669, %add3A_119] : memref<512x32xf32, #tpu.memory_space<vmem>>[vector<16xi32>, vector<16xi32>], vector<16xf32>,
        %parallel_loop3A_675 = arith.addf %parallel_loop3A_674, %get3A_397 : vector<16xf32>
        %parallel_loop3A_676 = arith.addi %add3A_132, %parallel_loop3A_669 : vector<16xi32>
        %parallel_loop3A_677 = vector.broadcast %parallel_loop3A_667 : i32 to vector<16xi32>
        %parallel_loop3A_678 = arith.addi %parallel_loop3A_676, %parallel_loop3A_677 : vector<16xi32>
        %parallel_loop3A_679 = arith.constant 0 : i32
        %parallel_loop3A_680 = tpu.memref_slice %arg9[%parallel_loop3A_407, %parallel_loop3A_679] : memref<2x16384xf32, #tpu.memory_space<vmem>> -> memref<1x16384xf32, #tpu.memory_space<vmem>>
        %parallel_loop3A_681 = tpu.memref_squeeze %parallel_loop3A_680 : memref<1x16384xf32, #tpu.memory_space<vmem>> -> memref<16384xf32, #tpu.memory_space<vmem>>
        tpu.vector_store_idx %parallel_loop3A_681[%parallel_loop3A_678], %parallel_loop3A_675 : memref<16384xf32, #tpu.memory_space<vmem>>[vector<16xi32>], vector<16xf32>,
        %parallel_loop3A_682 = vector.broadcast %parallel_loop3A_663 : i32 to vector<16xi32>
        %parallel_loop3A_683 = arith.addi %and3A_17, %parallel_loop3A_682 : vector<16xi32>
        %parallel_loop3A_684 = arith.constant 0 : i32
        %parallel_loop3A_685 = arith.constant 0 : i32
        %parallel_loop3A_686 = tpu.memref_slice %arg13[%parallel_loop3A_406, %parallel_loop3A_684, %parallel_loop3A_685] : memref<2x512x32xf32, #tpu.memory_space<vmem>> -> memref<1x512x32xf32, #tpu.memory_space<vmem>>
        %parallel_loop3A_687 = tpu.memref_squeeze %parallel_loop3A_686 : memref<1x512x32xf32, #tpu.memory_space<vmem>> -> memref<512x32xf32, #tpu.memory_space<vmem>>
        %parallel_loop3A_688 = tpu.vector_load_idx %parallel_loop3A_687[%parallel_loop3A_683, %add3A_119] : memref<512x32xf32, #tpu.memory_space<vmem>>[vector<16xi32>, vector<16xi32>], vector<16xf32>,
        %parallel_loop3A_689 = arith.addf %parallel_loop3A_688, %get3A_397 : vector<16xf32>
        %parallel_loop3A_690 = arith.addi %add3A_132, %parallel_loop3A_683 : vector<16xi32>
        %parallel_loop3A_691 = vector.broadcast %parallel_loop3A_667 : i32 to vector<16xi32>
        %parallel_loop3A_692 = arith.addi %parallel_loop3A_690, %parallel_loop3A_691 : vector<16xi32>
        %parallel_loop3A_693 = arith.constant 0 : i32
        %parallel_loop3A_694 = tpu.memref_slice %arg9[%parallel_loop3A_407, %parallel_loop3A_693] : memref<2x16384xf32, #tpu.memory_space<vmem>> -> memref<1x16384xf32, #tpu.memory_space<vmem>>
        %parallel_loop3A_695 = tpu.memref_squeeze %parallel_loop3A_694 : memref<1x16384xf32, #tpu.memory_space<vmem>> -> memref<16384xf32, #tpu.memory_space<vmem>>
        tpu.vector_store_idx %parallel_loop3A_695[%parallel_loop3A_692], %parallel_loop3A_689 : memref<16384xf32, #tpu.memory_space<vmem>>[vector<16xi32>], vector<16xf32>,
        %parallel_loop3A_696 = vector.broadcast %parallel_loop3A_663 : i32 to vector<16xi32>
        %parallel_loop3A_697 = arith.addi %and3A_23, %parallel_loop3A_696 : vector<16xi32>
        %parallel_loop3A_698 = arith.constant 0 : i32
        %parallel_loop3A_699 = arith.constant 0 : i32
        %parallel_loop3A_700 = tpu.memref_slice %arg13[%parallel_loop3A_406, %parallel_loop3A_698, %parallel_loop3A_699] : memref<2x512x32xf32, #tpu.memory_space<vmem>> -> memref<1x512x32xf32, #tpu.memory_space<vmem>>
        %parallel_loop3A_701 = tpu.memref_squeeze %parallel_loop3A_700 : memref<1x512x32xf32, #tpu.memory_space<vmem>> -> memref<512x32xf32, #tpu.memory_space<vmem>>
        %parallel_loop3A_702 = tpu.vector_load_idx %parallel_loop3A_701[%parallel_loop3A_697, %add3A_119] : memref<512x32xf32, #tpu.memory_space<vmem>>[vector<16xi32>, vector<16xi32>], vector<16xf32>,
        %parallel_loop3A_703 = arith.addf %parallel_loop3A_702, %get3A_397 : vector<16xf32>
        %parallel_loop3A_704 = arith.addi %add3A_132, %parallel_loop3A_697 : vector<16xi32>
        %parallel_loop3A_705 = vector.broadcast %parallel_loop3A_667 : i32 to vector<16xi32>
        %parallel_loop3A_706 = arith.addi %parallel_loop3A_704, %parallel_loop3A_705 : vector<16xi32>
        %parallel_loop3A_707 = arith.constant 0 : i32
        %parallel_loop3A_708 = tpu.memref_slice %arg9[%parallel_loop3A_407, %parallel_loop3A_707] : memref<2x16384xf32, #tpu.memory_space<vmem>> -> memref<1x16384xf32, #tpu.memory_space<vmem>>
        %parallel_loop3A_709 = tpu.memref_squeeze %parallel_loop3A_708 : memref<1x16384xf32, #tpu.memory_space<vmem>> -> memref<16384xf32, #tpu.memory_space<vmem>>
        tpu.vector_store_idx %parallel_loop3A_709[%parallel_loop3A_706], %parallel_loop3A_703 : memref<16384xf32, #tpu.memory_space<vmem>>[vector<16xi32>], vector<16xf32>,
        %parallel_loop3A_710 = vector.broadcast %parallel_loop3A_663 : i32 to vector<16xi32>
        %parallel_loop3A_711 = arith.addi %and3A_29, %parallel_loop3A_710 : vector<16xi32>
        %parallel_loop3A_712 = arith.constant 0 : i32
        %parallel_loop3A_713 = arith.constant 0 : i32
        %parallel_loop3A_714 = tpu.memref_slice %arg13[%parallel_loop3A_406, %parallel_loop3A_712, %parallel_loop3A_713] : memref<2x512x32xf32, #tpu.memory_space<vmem>> -> memref<1x512x32xf32, #tpu.memory_space<vmem>>
        %parallel_loop3A_715 = tpu.memref_squeeze %parallel_loop3A_714 : memref<1x512x32xf32, #tpu.memory_space<vmem>> -> memref<512x32xf32, #tpu.memory_space<vmem>>
        %parallel_loop3A_716 = tpu.vector_load_idx %parallel_loop3A_715[%parallel_loop3A_711, %add3A_119] : memref<512x32xf32, #tpu.memory_space<vmem>>[vector<16xi32>, vector<16xi32>], vector<16xf32>,
        %parallel_loop3A_717 = arith.addf %parallel_loop3A_716, %get3A_397 : vector<16xf32>
        %parallel_loop3A_718 = arith.addi %add3A_132, %parallel_loop3A_711 : vector<16xi32>
        %parallel_loop3A_719 = vector.broadcast %parallel_loop3A_667 : i32 to vector<16xi32>
        %parallel_loop3A_720 = arith.addi %parallel_loop3A_718, %parallel_loop3A_719 : vector<16xi32>
        %parallel_loop3A_721 = arith.constant 0 : i32
        %parallel_loop3A_722 = tpu.memref_slice %arg9[%parallel_loop3A_407, %parallel_loop3A_721] : memref<2x16384xf32, #tpu.memory_space<vmem>> -> memref<1x16384xf32, #tpu.memory_space<vmem>>
        %parallel_loop3A_723 = tpu.memref_squeeze %parallel_loop3A_722 : memref<1x16384xf32, #tpu.memory_space<vmem>> -> memref<16384xf32, #tpu.memory_space<vmem>>
        tpu.vector_store_idx %parallel_loop3A_723[%parallel_loop3A_720], %parallel_loop3A_717 : memref<16384xf32, #tpu.memory_space<vmem>>[vector<16xi32>], vector<16xf32>,
        %parallel_loop3A_724 = vector.broadcast %parallel_loop3A_663 : i32 to vector<16xi32>
        %parallel_loop3A_725 = arith.addi %and3A_35, %parallel_loop3A_724 : vector<16xi32>
        %parallel_loop3A_726 = arith.constant 0 : i32
        %parallel_loop3A_727 = arith.constant 0 : i32
        %parallel_loop3A_728 = tpu.memref_slice %arg13[%parallel_loop3A_406, %parallel_loop3A_726, %parallel_loop3A_727] : memref<2x512x32xf32, #tpu.memory_space<vmem>> -> memref<1x512x32xf32, #tpu.memory_space<vmem>>
        %parallel_loop3A_729 = tpu.memref_squeeze %parallel_loop3A_728 : memref<1x512x32xf32, #tpu.memory_space<vmem>> -> memref<512x32xf32, #tpu.memory_space<vmem>>
        %parallel_loop3A_730 = tpu.vector_load_idx %parallel_loop3A_729[%parallel_loop3A_725, %add3A_119] : memref<512x32xf32, #tpu.memory_space<vmem>>[vector<16xi32>, vector<16xi32>], vector<16xf32>,
        %parallel_loop3A_731 = arith.addf %parallel_loop3A_730, %get3A_397 : vector<16xf32>
        %parallel_loop3A_732 = arith.addi %add3A_132, %parallel_loop3A_725 : vector<16xi32>
        %parallel_loop3A_733 = vector.broadcast %parallel_loop3A_667 : i32 to vector<16xi32>
        %parallel_loop3A_734 = arith.addi %parallel_loop3A_732, %parallel_loop3A_733 : vector<16xi32>
        %parallel_loop3A_735 = arith.constant 0 : i32
        %parallel_loop3A_736 = tpu.memref_slice %arg9[%parallel_loop3A_407, %parallel_loop3A_735] : memref<2x16384xf32, #tpu.memory_space<vmem>> -> memref<1x16384xf32, #tpu.memory_space<vmem>>
        %parallel_loop3A_737 = tpu.memref_squeeze %parallel_loop3A_736 : memref<1x16384xf32, #tpu.memory_space<vmem>> -> memref<16384xf32, #tpu.memory_space<vmem>>
        tpu.vector_store_idx %parallel_loop3A_737[%parallel_loop3A_734], %parallel_loop3A_731 : memref<16384xf32, #tpu.memory_space<vmem>>[vector<16xi32>], vector<16xf32>,
        %parallel_loop3A_738 = vector.broadcast %parallel_loop3A_663 : i32 to vector<16xi32>
        %parallel_loop3A_739 = arith.addi %and3A_41, %parallel_loop3A_738 : vector<16xi32>
        %parallel_loop3A_740 = arith.constant 0 : i32
        %parallel_loop3A_741 = arith.constant 0 : i32
        %parallel_loop3A_742 = tpu.memref_slice %arg13[%parallel_loop3A_406, %parallel_loop3A_740, %parallel_loop3A_741] : memref<2x512x32xf32, #tpu.memory_space<vmem>> -> memref<1x512x32xf32, #tpu.memory_space<vmem>>
        %parallel_loop3A_743 = tpu.memref_squeeze %parallel_loop3A_742 : memref<1x512x32xf32, #tpu.memory_space<vmem>> -> memref<512x32xf32, #tpu.memory_space<vmem>>
        %parallel_loop3A_744 = tpu.vector_load_idx %parallel_loop3A_743[%parallel_loop3A_739, %add3A_119] : memref<512x32xf32, #tpu.memory_space<vmem>>[vector<16xi32>, vector<16xi32>], vector<16xf32>,
        %parallel_loop3A_745 = arith.addf %parallel_loop3A_744, %get3A_397 : vector<16xf32>
        %parallel_loop3A_746 = arith.addi %add3A_132, %parallel_loop3A_739 : vector<16xi32>
        %parallel_loop3A_747 = vector.broadcast %parallel_loop3A_667 : i32 to vector<16xi32>
        %parallel_loop3A_748 = arith.addi %parallel_loop3A_746, %parallel_loop3A_747 : vector<16xi32>
        %parallel_loop3A_749 = arith.constant 0 : i32
        %parallel_loop3A_750 = tpu.memref_slice %arg9[%parallel_loop3A_407, %parallel_loop3A_749] : memref<2x16384xf32, #tpu.memory_space<vmem>> -> memref<1x16384xf32, #tpu.memory_space<vmem>>
        %parallel_loop3A_751 = tpu.memref_squeeze %parallel_loop3A_750 : memref<1x16384xf32, #tpu.memory_space<vmem>> -> memref<16384xf32, #tpu.memory_space<vmem>>
        tpu.vector_store_idx %parallel_loop3A_751[%parallel_loop3A_748], %parallel_loop3A_745 : memref<16384xf32, #tpu.memory_space<vmem>>[vector<16xi32>], vector<16xf32>,
        %parallel_loop3A_752 = vector.broadcast %parallel_loop3A_663 : i32 to vector<16xi32>
        %parallel_loop3A_753 = arith.addi %and3A_47, %parallel_loop3A_752 : vector<16xi32>
        %parallel_loop3A_754 = arith.constant 0 : i32
        %parallel_loop3A_755 = arith.constant 0 : i32
        %parallel_loop3A_756 = tpu.memref_slice %arg13[%parallel_loop3A_406, %parallel_loop3A_754, %parallel_loop3A_755] : memref<2x512x32xf32, #tpu.memory_space<vmem>> -> memref<1x512x32xf32, #tpu.memory_space<vmem>>
        %parallel_loop3A_757 = tpu.memref_squeeze %parallel_loop3A_756 : memref<1x512x32xf32, #tpu.memory_space<vmem>> -> memref<512x32xf32, #tpu.memory_space<vmem>>
        %parallel_loop3A_758 = tpu.vector_load_idx %parallel_loop3A_757[%parallel_loop3A_753, %add3A_119] : memref<512x32xf32, #tpu.memory_space<vmem>>[vector<16xi32>, vector<16xi32>], vector<16xf32>,
        %parallel_loop3A_759 = arith.addf %parallel_loop3A_758, %get3A_397 : vector<16xf32>
        %parallel_loop3A_760 = arith.addi %add3A_132, %parallel_loop3A_753 : vector<16xi32>
        %parallel_loop3A_761 = vector.broadcast %parallel_loop3A_667 : i32 to vector<16xi32>
        %parallel_loop3A_762 = arith.addi %parallel_loop3A_760, %parallel_loop3A_761 : vector<16xi32>
        %parallel_loop3A_763 = arith.constant 0 : i32
        %parallel_loop3A_764 = tpu.memref_slice %arg9[%parallel_loop3A_407, %parallel_loop3A_763] : memref<2x16384xf32, #tpu.memory_space<vmem>> -> memref<1x16384xf32, #tpu.memory_space<vmem>>
        %parallel_loop3A_765 = tpu.memref_squeeze %parallel_loop3A_764 : memref<1x16384xf32, #tpu.memory_space<vmem>> -> memref<16384xf32, #tpu.memory_space<vmem>>
        tpu.vector_store_idx %parallel_loop3A_765[%parallel_loop3A_762], %parallel_loop3A_759 : memref<16384xf32, #tpu.memory_space<vmem>>[vector<16xi32>], vector<16xf32>,
        %parallel_loop3A_766 = vector.broadcast %parallel_loop3A_663 : i32 to vector<16xi32>
        %parallel_loop3A_767 = arith.addi %and3A_53, %parallel_loop3A_766 : vector<16xi32>
        %parallel_loop3A_768 = arith.constant 0 : i32
        %parallel_loop3A_769 = arith.constant 0 : i32
        %parallel_loop3A_770 = tpu.memref_slice %arg13[%parallel_loop3A_406, %parallel_loop3A_768, %parallel_loop3A_769] : memref<2x512x32xf32, #tpu.memory_space<vmem>> -> memref<1x512x32xf32, #tpu.memory_space<vmem>>
        %parallel_loop3A_771 = tpu.memref_squeeze %parallel_loop3A_770 : memref<1x512x32xf32, #tpu.memory_space<vmem>> -> memref<512x32xf32, #tpu.memory_space<vmem>>
        %parallel_loop3A_772 = tpu.vector_load_idx %parallel_loop3A_771[%parallel_loop3A_767, %add3A_119] : memref<512x32xf32, #tpu.memory_space<vmem>>[vector<16xi32>, vector<16xi32>], vector<16xf32>,
        %parallel_loop3A_773 = arith.addf %parallel_loop3A_772, %get3A_397 : vector<16xf32>
        %parallel_loop3A_774 = arith.addi %add3A_132, %parallel_loop3A_767 : vector<16xi32>
        %parallel_loop3A_775 = vector.broadcast %parallel_loop3A_667 : i32 to vector<16xi32>
        %parallel_loop3A_776 = arith.addi %parallel_loop3A_774, %parallel_loop3A_775 : vector<16xi32>
        %parallel_loop3A_777 = arith.constant 0 : i32
        %parallel_loop3A_778 = tpu.memref_slice %arg9[%parallel_loop3A_407, %parallel_loop3A_777] : memref<2x16384xf32, #tpu.memory_space<vmem>> -> memref<1x16384xf32, #tpu.memory_space<vmem>>
        %parallel_loop3A_779 = tpu.memref_squeeze %parallel_loop3A_778 : memref<1x16384xf32, #tpu.memory_space<vmem>> -> memref<16384xf32, #tpu.memory_space<vmem>>
        tpu.vector_store_idx %parallel_loop3A_779[%parallel_loop3A_776], %parallel_loop3A_773 : memref<16384xf32, #tpu.memory_space<vmem>>[vector<16xi32>], vector<16xf32>,
        %parallel_loop3A_780 = vector.broadcast %parallel_loop3A_663 : i32 to vector<16xi32>
        %parallel_loop3A_781 = arith.addi %and3A_59, %parallel_loop3A_780 : vector<16xi32>
        %parallel_loop3A_782 = arith.constant 0 : i32
        %parallel_loop3A_783 = arith.constant 0 : i32
        %parallel_loop3A_784 = tpu.memref_slice %arg13[%parallel_loop3A_406, %parallel_loop3A_782, %parallel_loop3A_783] : memref<2x512x32xf32, #tpu.memory_space<vmem>> -> memref<1x512x32xf32, #tpu.memory_space<vmem>>
        %parallel_loop3A_785 = tpu.memref_squeeze %parallel_loop3A_784 : memref<1x512x32xf32, #tpu.memory_space<vmem>> -> memref<512x32xf32, #tpu.memory_space<vmem>>
        %parallel_loop3A_786 = tpu.vector_load_idx %parallel_loop3A_785[%parallel_loop3A_781, %add3A_119] : memref<512x32xf32, #tpu.memory_space<vmem>>[vector<16xi32>, vector<16xi32>], vector<16xf32>,
        %parallel_loop3A_787 = arith.addf %parallel_loop3A_786, %get3A_397 : vector<16xf32>
        %parallel_loop3A_788 = arith.addi %add3A_132, %parallel_loop3A_781 : vector<16xi32>
        %parallel_loop3A_789 = vector.broadcast %parallel_loop3A_667 : i32 to vector<16xi32>
        %parallel_loop3A_790 = arith.addi %parallel_loop3A_788, %parallel_loop3A_789 : vector<16xi32>
        %parallel_loop3A_791 = arith.constant 0 : i32
        %parallel_loop3A_792 = tpu.memref_slice %arg9[%parallel_loop3A_407, %parallel_loop3A_791] : memref<2x16384xf32, #tpu.memory_space<vmem>> -> memref<1x16384xf32, #tpu.memory_space<vmem>>
        %parallel_loop3A_793 = tpu.memref_squeeze %parallel_loop3A_792 : memref<1x16384xf32, #tpu.memory_space<vmem>> -> memref<16384xf32, #tpu.memory_space<vmem>>
        tpu.vector_store_idx %parallel_loop3A_793[%parallel_loop3A_790], %parallel_loop3A_787 : memref<16384xf32, #tpu.memory_space<vmem>>[vector<16xi32>], vector<16xf32>,
        %parallel_loop3A_794 = vector.broadcast %parallel_loop3A_663 : i32 to vector<16xi32>
        %parallel_loop3A_795 = arith.addi %and3A_65, %parallel_loop3A_794 : vector<16xi32>
        %parallel_loop3A_796 = arith.constant 0 : i32
        %parallel_loop3A_797 = arith.constant 0 : i32
        %parallel_loop3A_798 = tpu.memref_slice %arg13[%parallel_loop3A_406, %parallel_loop3A_796, %parallel_loop3A_797] : memref<2x512x32xf32, #tpu.memory_space<vmem>> -> memref<1x512x32xf32, #tpu.memory_space<vmem>>
        %parallel_loop3A_799 = tpu.memref_squeeze %parallel_loop3A_798 : memref<1x512x32xf32, #tpu.memory_space<vmem>> -> memref<512x32xf32, #tpu.memory_space<vmem>>
        %parallel_loop3A_800 = tpu.vector_load_idx %parallel_loop3A_799[%parallel_loop3A_795, %add3A_119] : memref<512x32xf32, #tpu.memory_space<vmem>>[vector<16xi32>, vector<16xi32>], vector<16xf32>,
        %parallel_loop3A_801 = arith.addf %parallel_loop3A_800, %get3A_397 : vector<16xf32>
        %parallel_loop3A_802 = arith.addi %add3A_132, %parallel_loop3A_795 : vector<16xi32>
        %parallel_loop3A_803 = vector.broadcast %parallel_loop3A_667 : i32 to vector<16xi32>
        %parallel_loop3A_804 = arith.addi %parallel_loop3A_802, %parallel_loop3A_803 : vector<16xi32>
        %parallel_loop3A_805 = arith.constant 0 : i32
        %parallel_loop3A_806 = tpu.memref_slice %arg9[%parallel_loop3A_407, %parallel_loop3A_805] : memref<2x16384xf32, #tpu.memory_space<vmem>> -> memref<1x16384xf32, #tpu.memory_space<vmem>>
        %parallel_loop3A_807 = tpu.memref_squeeze %parallel_loop3A_806 : memref<1x16384xf32, #tpu.memory_space<vmem>> -> memref<16384xf32, #tpu.memory_space<vmem>>
        tpu.vector_store_idx %parallel_loop3A_807[%parallel_loop3A_804], %parallel_loop3A_801 : memref<16384xf32, #tpu.memory_space<vmem>>[vector<16xi32>], vector<16xf32>,
        %parallel_loop3A_808 = vector.broadcast %parallel_loop3A_663 : i32 to vector<16xi32>
        %parallel_loop3A_809 = arith.addi %and3A_71, %parallel_loop3A_808 : vector<16xi32>
        %parallel_loop3A_810 = arith.constant 0 : i32
        %parallel_loop3A_811 = arith.constant 0 : i32
        %parallel_loop3A_812 = tpu.memref_slice %arg13[%parallel_loop3A_406, %parallel_loop3A_810, %parallel_loop3A_811] : memref<2x512x32xf32, #tpu.memory_space<vmem>> -> memref<1x512x32xf32, #tpu.memory_space<vmem>>
        %parallel_loop3A_813 = tpu.memref_squeeze %parallel_loop3A_812 : memref<1x512x32xf32, #tpu.memory_space<vmem>> -> memref<512x32xf32, #tpu.memory_space<vmem>>
        %parallel_loop3A_814 = tpu.vector_load_idx %parallel_loop3A_813[%parallel_loop3A_809, %add3A_119] : memref<512x32xf32, #tpu.memory_space<vmem>>[vector<16xi32>, vector<16xi32>], vector<16xf32>,
        %parallel_loop3A_815 = arith.addf %parallel_loop3A_814, %get3A_397 : vector<16xf32>
        %parallel_loop3A_816 = arith.addi %add3A_132, %parallel_loop3A_809 : vector<16xi32>
        %parallel_loop3A_817 = vector.broadcast %parallel_loop3A_667 : i32 to vector<16xi32>
        %parallel_loop3A_818 = arith.addi %parallel_loop3A_816, %parallel_loop3A_817 : vector<16xi32>
        %parallel_loop3A_819 = arith.constant 0 : i32
        %parallel_loop3A_820 = tpu.memref_slice %arg9[%parallel_loop3A_407, %parallel_loop3A_819] : memref<2x16384xf32, #tpu.memory_space<vmem>> -> memref<1x16384xf32, #tpu.memory_space<vmem>>
        %parallel_loop3A_821 = tpu.memref_squeeze %parallel_loop3A_820 : memref<1x16384xf32, #tpu.memory_space<vmem>> -> memref<16384xf32, #tpu.memory_space<vmem>>
        tpu.vector_store_idx %parallel_loop3A_821[%parallel_loop3A_818], %parallel_loop3A_815 : memref<16384xf32, #tpu.memory_space<vmem>>[vector<16xi32>], vector<16xf32>,
        %parallel_loop3A_822 = vector.broadcast %parallel_loop3A_663 : i32 to vector<16xi32>
        %parallel_loop3A_823 = arith.addi %and3A_77, %parallel_loop3A_822 : vector<16xi32>
        %parallel_loop3A_824 = arith.constant 0 : i32
        %parallel_loop3A_825 = arith.constant 0 : i32
        %parallel_loop3A_826 = tpu.memref_slice %arg13[%parallel_loop3A_406, %parallel_loop3A_824, %parallel_loop3A_825] : memref<2x512x32xf32, #tpu.memory_space<vmem>> -> memref<1x512x32xf32, #tpu.memory_space<vmem>>
        %parallel_loop3A_827 = tpu.memref_squeeze %parallel_loop3A_826 : memref<1x512x32xf32, #tpu.memory_space<vmem>> -> memref<512x32xf32, #tpu.memory_space<vmem>>
        %parallel_loop3A_828 = tpu.vector_load_idx %parallel_loop3A_827[%parallel_loop3A_823, %add3A_119] : memref<512x32xf32, #tpu.memory_space<vmem>>[vector<16xi32>, vector<16xi32>], vector<16xf32>,
        %parallel_loop3A_829 = arith.addf %parallel_loop3A_828, %get3A_397 : vector<16xf32>
        %parallel_loop3A_830 = arith.addi %add3A_132, %parallel_loop3A_823 : vector<16xi32>
        %parallel_loop3A_831 = vector.broadcast %parallel_loop3A_667 : i32 to vector<16xi32>
        %parallel_loop3A_832 = arith.addi %parallel_loop3A_830, %parallel_loop3A_831 : vector<16xi32>
        %parallel_loop3A_833 = arith.constant 0 : i32
        %parallel_loop3A_834 = tpu.memref_slice %arg9[%parallel_loop3A_407, %parallel_loop3A_833] : memref<2x16384xf32, #tpu.memory_space<vmem>> -> memref<1x16384xf32, #tpu.memory_space<vmem>>
        %parallel_loop3A_835 = tpu.memref_squeeze %parallel_loop3A_834 : memref<1x16384xf32, #tpu.memory_space<vmem>> -> memref<16384xf32, #tpu.memory_space<vmem>>
        tpu.vector_store_idx %parallel_loop3A_835[%parallel_loop3A_832], %parallel_loop3A_829 : memref<16384xf32, #tpu.memory_space<vmem>>[vector<16xi32>], vector<16xf32>,
        %parallel_loop3A_836 = vector.broadcast %parallel_loop3A_663 : i32 to vector<16xi32>
        %parallel_loop3A_837 = arith.addi %and3A_83, %parallel_loop3A_836 : vector<16xi32>
        %parallel_loop3A_838 = arith.constant 0 : i32
        %parallel_loop3A_839 = arith.constant 0 : i32
        %parallel_loop3A_840 = tpu.memref_slice %arg13[%parallel_loop3A_406, %parallel_loop3A_838, %parallel_loop3A_839] : memref<2x512x32xf32, #tpu.memory_space<vmem>> -> memref<1x512x32xf32, #tpu.memory_space<vmem>>
        %parallel_loop3A_841 = tpu.memref_squeeze %parallel_loop3A_840 : memref<1x512x32xf32, #tpu.memory_space<vmem>> -> memref<512x32xf32, #tpu.memory_space<vmem>>
        %parallel_loop3A_842 = tpu.vector_load_idx %parallel_loop3A_841[%parallel_loop3A_837, %add3A_119] : memref<512x32xf32, #tpu.memory_space<vmem>>[vector<16xi32>, vector<16xi32>], vector<16xf32>,
        %parallel_loop3A_843 = arith.addf %parallel_loop3A_842, %get3A_397 : vector<16xf32>
        %parallel_loop3A_844 = arith.addi %add3A_132, %parallel_loop3A_837 : vector<16xi32>
        %parallel_loop3A_845 = vector.broadcast %parallel_loop3A_667 : i32 to vector<16xi32>
        %parallel_loop3A_846 = arith.addi %parallel_loop3A_844, %parallel_loop3A_845 : vector<16xi32>
        %parallel_loop3A_847 = arith.constant 0 : i32
        %parallel_loop3A_848 = tpu.memref_slice %arg9[%parallel_loop3A_407, %parallel_loop3A_847] : memref<2x16384xf32, #tpu.memory_space<vmem>> -> memref<1x16384xf32, #tpu.memory_space<vmem>>
        %parallel_loop3A_849 = tpu.memref_squeeze %parallel_loop3A_848 : memref<1x16384xf32, #tpu.memory_space<vmem>> -> memref<16384xf32, #tpu.memory_space<vmem>>
        tpu.vector_store_idx %parallel_loop3A_849[%parallel_loop3A_846], %parallel_loop3A_843 : memref<16384xf32, #tpu.memory_space<vmem>>[vector<16xi32>], vector<16xf32>,
        %parallel_loop3A_850 = vector.broadcast %parallel_loop3A_663 : i32 to vector<16xi32>
        %parallel_loop3A_851 = arith.addi %and3A_89, %parallel_loop3A_850 : vector<16xi32>
        %parallel_loop3A_852 = arith.constant 0 : i32
        %parallel_loop3A_853 = arith.constant 0 : i32
        %parallel_loop3A_854 = tpu.memref_slice %arg13[%parallel_loop3A_406, %parallel_loop3A_852, %parallel_loop3A_853] : memref<2x512x32xf32, #tpu.memory_space<vmem>> -> memref<1x512x32xf32, #tpu.memory_space<vmem>>
        %parallel_loop3A_855 = tpu.memref_squeeze %parallel_loop3A_854 : memref<1x512x32xf32, #tpu.memory_space<vmem>> -> memref<512x32xf32, #tpu.memory_space<vmem>>
        %parallel_loop3A_856 = tpu.vector_load_idx %parallel_loop3A_855[%parallel_loop3A_851, %add3A_119] : memref<512x32xf32, #tpu.memory_space<vmem>>[vector<16xi32>, vector<16xi32>], vector<16xf32>,
        %parallel_loop3A_857 = arith.addf %parallel_loop3A_856, %get3A_397 : vector<16xf32>
        %parallel_loop3A_858 = arith.addi %add3A_132, %parallel_loop3A_851 : vector<16xi32>
        %parallel_loop3A_859 = vector.broadcast %parallel_loop3A_667 : i32 to vector<16xi32>
        %parallel_loop3A_860 = arith.addi %parallel_loop3A_858, %parallel_loop3A_859 : vector<16xi32>
        %parallel_loop3A_861 = arith.constant 0 : i32
        %parallel_loop3A_862 = tpu.memref_slice %arg9[%parallel_loop3A_407, %parallel_loop3A_861] : memref<2x16384xf32, #tpu.memory_space<vmem>> -> memref<1x16384xf32, #tpu.memory_space<vmem>>
        %parallel_loop3A_863 = tpu.memref_squeeze %parallel_loop3A_862 : memref<1x16384xf32, #tpu.memory_space<vmem>> -> memref<16384xf32, #tpu.memory_space<vmem>>
        tpu.vector_store_idx %parallel_loop3A_863[%parallel_loop3A_860], %parallel_loop3A_857 : memref<16384xf32, #tpu.memory_space<vmem>>[vector<16xi32>], vector<16xf32>,
        %parallel_loop3A_864 = vector.broadcast %parallel_loop3A_663 : i32 to vector<16xi32>
        %parallel_loop3A_865 = arith.addi %and3A_95, %parallel_loop3A_864 : vector<16xi32>
        %parallel_loop3A_866 = arith.constant 0 : i32
        %parallel_loop3A_867 = arith.constant 0 : i32
        %parallel_loop3A_868 = tpu.memref_slice %arg13[%parallel_loop3A_406, %parallel_loop3A_866, %parallel_loop3A_867] : memref<2x512x32xf32, #tpu.memory_space<vmem>> -> memref<1x512x32xf32, #tpu.memory_space<vmem>>
        %parallel_loop3A_869 = tpu.memref_squeeze %parallel_loop3A_868 : memref<1x512x32xf32, #tpu.memory_space<vmem>> -> memref<512x32xf32, #tpu.memory_space<vmem>>
        %parallel_loop3A_870 = tpu.vector_load_idx %parallel_loop3A_869[%parallel_loop3A_865, %add3A_119] : memref<512x32xf32, #tpu.memory_space<vmem>>[vector<16xi32>, vector<16xi32>], vector<16xf32>,
        %parallel_loop3A_871 = arith.addf %parallel_loop3A_870, %get3A_397 : vector<16xf32>
        %parallel_loop3A_872 = arith.addi %add3A_132, %parallel_loop3A_865 : vector<16xi32>
        %parallel_loop3A_873 = vector.broadcast %parallel_loop3A_667 : i32 to vector<16xi32>
        %parallel_loop3A_874 = arith.addi %parallel_loop3A_872, %parallel_loop3A_873 : vector<16xi32>
        %parallel_loop3A_875 = arith.constant 0 : i32
        %parallel_loop3A_876 = tpu.memref_slice %arg9[%parallel_loop3A_407, %parallel_loop3A_875] : memref<2x16384xf32, #tpu.memory_space<vmem>> -> memref<1x16384xf32, #tpu.memory_space<vmem>>
        %parallel_loop3A_877 = tpu.memref_squeeze %parallel_loop3A_876 : memref<1x16384xf32, #tpu.memory_space<vmem>> -> memref<16384xf32, #tpu.memory_space<vmem>>
        tpu.vector_store_idx %parallel_loop3A_877[%parallel_loop3A_874], %parallel_loop3A_871 : memref<16384xf32, #tpu.memory_space<vmem>>[vector<16xi32>], vector<16xf32>,
        %parallel_loop3A_878 = vector.broadcast %parallel_loop3A_663 : i32 to vector<16xi32>
        %parallel_loop3A_879 = arith.addi %and3A_101, %parallel_loop3A_878 : vector<16xi32>
        %parallel_loop3A_880 = arith.constant 0 : i32
        %parallel_loop3A_881 = arith.constant 0 : i32
        %parallel_loop3A_882 = tpu.memref_slice %arg13[%parallel_loop3A_406, %parallel_loop3A_880, %parallel_loop3A_881] : memref<2x512x32xf32, #tpu.memory_space<vmem>> -> memref<1x512x32xf32, #tpu.memory_space<vmem>>
        %parallel_loop3A_883 = tpu.memref_squeeze %parallel_loop3A_882 : memref<1x512x32xf32, #tpu.memory_space<vmem>> -> memref<512x32xf32, #tpu.memory_space<vmem>>
        %parallel_loop3A_884 = tpu.vector_load_idx %parallel_loop3A_883[%parallel_loop3A_879, %add3A_119] : memref<512x32xf32, #tpu.memory_space<vmem>>[vector<16xi32>, vector<16xi32>], vector<16xf32>,
        %parallel_loop3A_885 = arith.addf %parallel_loop3A_884, %get3A_397 : vector<16xf32>
        %parallel_loop3A_886 = arith.addi %add3A_132, %parallel_loop3A_879 : vector<16xi32>
        %parallel_loop3A_887 = vector.broadcast %parallel_loop3A_667 : i32 to vector<16xi32>
        %parallel_loop3A_888 = arith.addi %parallel_loop3A_886, %parallel_loop3A_887 : vector<16xi32>
        %parallel_loop3A_889 = arith.constant 0 : i32
        %parallel_loop3A_890 = tpu.memref_slice %arg9[%parallel_loop3A_407, %parallel_loop3A_889] : memref<2x16384xf32, #tpu.memory_space<vmem>> -> memref<1x16384xf32, #tpu.memory_space<vmem>>
        %parallel_loop3A_891 = tpu.memref_squeeze %parallel_loop3A_890 : memref<1x16384xf32, #tpu.memory_space<vmem>> -> memref<16384xf32, #tpu.memory_space<vmem>>
        tpu.vector_store_idx %parallel_loop3A_891[%parallel_loop3A_888], %parallel_loop3A_885 : memref<16384xf32, #tpu.memory_space<vmem>>[vector<16xi32>], vector<16xf32>,
      } {sc.loop_unroll_factor = 2 : i64, sc.parallel_access}
      %jit3A_408 = arith.constant 8 : i32
      %div3A_409 = arith.divsi %add3A_351, %jit3A_408 : i32
      %sign3A_410 = arith.constant 0 : i32
      %sign3A_411 = arith.cmpi sgt, %add3A_351, %sign3A_410 : i32
      %sign3A_412 = arith.extui %sign3A_411 : i1 to i32
      %sign3A_413 = arith.constant 0 : i32
      %sign3A_414 = arith.cmpi slt, %add3A_351, %sign3A_413 : i32
      %sign3A_415 = arith.extui %sign3A_414 : i1 to i32
      %sign3A_416 = arith.subi %sign3A_412, %sign3A_415 : i32
      %sign3A_417 = arith.constant 0 : i32
      %sign3A_418 = arith.cmpi sgt, %jit3A_408, %sign3A_417 : i32
      %sign3A_419 = arith.extui %sign3A_418 : i1 to i32
      %sign3A_420 = arith.constant 0 : i32
      %sign3A_421 = arith.cmpi slt, %jit3A_408, %sign3A_420 : i32
      %sign3A_422 = arith.extui %sign3A_421 : i1 to i32
      %sign3A_423 = arith.subi %sign3A_419, %sign3A_422 : i32
      %ne3A_424 = arith.cmpi ne, %sign3A_416, %sign3A_423 : i32
      %rem3A_425 = arith.remsi %add3A_351, %jit3A_408 : i32
      %ne3A_426 = arith.constant 0 : i32
      %ne3A_427 = arith.cmpi ne, %rem3A_425, %ne3A_426 : i32
      %and3A_428 = arith.andi %ne3A_424, %ne3A_427 : i1
      %sub3A_429 = arith.constant 1 : i32
      %sub3A_430 = arith.subi %div3A_409, %sub3A_429 : i32
      %select_n3A_431 = arith.select %and3A_428, %sub3A_430, %div3A_409 : i32
      %jit3A_432 = arith.constant 8 : i32
      %eq3A_433 = arith.constant 0 : i32
      %eq3A_434 = arith.cmpi eq, %jit3A_432, %eq3A_433 : i32
      %jit3A_435 = arith.constant 1 : i32
      %select_n3A_436 = arith.select %eq3A_434, %jit3A_435, %jit3A_432 : i32
      %rem3A_437 = arith.remsi %add3A_351, %select_n3A_436 : i32
      %ne3A_438 = arith.constant 0 : i32
      %ne3A_439 = arith.cmpi ne, %rem3A_437, %ne3A_438 : i32
      %lt3A_440 = arith.constant 0 : i32
      %lt3A_441 = arith.cmpi slt, %rem3A_437, %lt3A_440 : i32
      %lt3A_442 = arith.constant 0 : i32
      %lt3A_443 = arith.cmpi slt, %select_n3A_436, %lt3A_442 : i32
      %ne3A_444 = arith.xori %lt3A_441, %lt3A_443 : i1
      %and3A_445 = arith.andi %ne3A_444, %ne3A_439 : i1
      %add3A_446 = arith.addi %rem3A_437, %select_n3A_436 : i32
      %select_n3A_447 = arith.select %and3A_445, %add3A_446, %rem3A_437 : i32
      %mul3A_448 = arith.constant 131072 : i32
      %mul3A_449 = arith.muli %select_n3A_431, %mul3A_448 : i32
      %mul3A_450 = arith.constant 4096 : i32
      %mul3A_451 = arith.muli %select_n3A_447, %mul3A_450 : i32
      %add3A_452 = arith.addi %mul3A_449, %mul3A_451 : i32
      %add3A_453 = arith.constant 0 : i32
      %add3A_454 = arith.addi %add3A_452, %add3A_453 : i32
      %dma_start3A_455 = arith.constant 0 : i32
      %dma_start3A_456 = arith.constant 0 : i32
      %dma_start3A_457 = tpu.memref_slice %arg9[%dma_start3A_455, %dma_start3A_456] : memref<2x16384xf32, #tpu.memory_space<vmem>> -> memref<1x4096xf32, #tpu.memory_space<vmem>>
      %dma_start3A_458 = tpu.memref_squeeze %dma_start3A_457 : memref<1x4096xf32, #tpu.memory_space<vmem>> -> memref<4096xf32, #tpu.memory_space<vmem>>
      %dma_start3A_459 = tpu.memref_slice %arg5[%add3A_454] : memref<26214400xf32, #tpu.memory_space<hbm>> -> memref<4096xf32, #tpu.memory_space<hbm>>
      %dma_start3A_460 = tpu.memref_slice %arg5[%add3A_454] : memref<26214400xf32, #tpu.memory_space<hbm>> -> memref<4096xf32, #tpu.memory_space<hbm>>
      %dma_start3A_461 = arith.constant 0 : i32
      %dma_start3A_462 = tpu.memref_slice %arg9[%dma_start3A_455, %dma_start3A_461] : memref<2x16384xf32, #tpu.memory_space<vmem>> -> memref<1x4096xf32, #tpu.memory_space<vmem>>
      %dma_start3A_463 = tpu.memref_squeeze %dma_start3A_462 : memref<1x4096xf32, #tpu.memory_space<vmem>> -> memref<4096xf32, #tpu.memory_space<vmem>>
      tpu.enqueue_dma source(%dma_start3A_463 : memref<4096xf32, #tpu.memory_space<vmem>>) target(%dma_start3A_460 : memref<4096xf32, #tpu.memory_space<hbm>>) target_semaphore(%arg10 : memref<!tpu.dma_semaphore, #tpu.memory_space<semaphore_mem>>)
      %add3A_464 = arith.constant 32768 : i32
      %add3A_465 = arith.addi %add3A_452, %add3A_464 : i32
      %dma_start3A_466 = arith.constant 0 : i32
      %dma_start3A_467 = arith.constant 4096 : i32
      %dma_start3A_468 = tpu.memref_slice %arg9[%dma_start3A_466, %dma_start3A_467] : memref<2x16384xf32, #tpu.memory_space<vmem>> -> memref<1x4096xf32, #tpu.memory_space<vmem>>
      %dma_start3A_469 = tpu.memref_squeeze %dma_start3A_468 : memref<1x4096xf32, #tpu.memory_space<vmem>> -> memref<4096xf32, #tpu.memory_space<vmem>>
      %dma_start3A_470 = tpu.memref_slice %arg5[%add3A_465] : memref<26214400xf32, #tpu.memory_space<hbm>> -> memref<4096xf32, #tpu.memory_space<hbm>>
      %dma_start3A_471 = tpu.memref_slice %arg5[%add3A_465] : memref<26214400xf32, #tpu.memory_space<hbm>> -> memref<4096xf32, #tpu.memory_space<hbm>>
      %dma_start3A_472 = arith.constant 4096 : i32
      %dma_start3A_473 = tpu.memref_slice %arg9[%dma_start3A_466, %dma_start3A_472] : memref<2x16384xf32, #tpu.memory_space<vmem>> -> memref<1x4096xf32, #tpu.memory_space<vmem>>
      %dma_start3A_474 = tpu.memref_squeeze %dma_start3A_473 : memref<1x4096xf32, #tpu.memory_space<vmem>> -> memref<4096xf32, #tpu.memory_space<vmem>>
      tpu.enqueue_dma source(%dma_start3A_474 : memref<4096xf32, #tpu.memory_space<vmem>>) target(%dma_start3A_471 : memref<4096xf32, #tpu.memory_space<hbm>>) target_semaphore(%arg10 : memref<!tpu.dma_semaphore, #tpu.memory_space<semaphore_mem>>)
      %add3A_475 = arith.constant 65536 : i32
      %add3A_476 = arith.addi %add3A_452, %add3A_475 : i32
      %dma_start3A_477 = arith.constant 0 : i32
      %dma_start3A_478 = arith.constant 8192 : i32
      %dma_start3A_479 = tpu.memref_slice %arg9[%dma_start3A_477, %dma_start3A_478] : memref<2x16384xf32, #tpu.memory_space<vmem>> -> memref<1x4096xf32, #tpu.memory_space<vmem>>
      %dma_start3A_480 = tpu.memref_squeeze %dma_start3A_479 : memref<1x4096xf32, #tpu.memory_space<vmem>> -> memref<4096xf32, #tpu.memory_space<vmem>>
      %dma_start3A_481 = tpu.memref_slice %arg5[%add3A_476] : memref<26214400xf32, #tpu.memory_space<hbm>> -> memref<4096xf32, #tpu.memory_space<hbm>>
      %dma_start3A_482 = tpu.memref_slice %arg5[%add3A_476] : memref<26214400xf32, #tpu.memory_space<hbm>> -> memref<4096xf32, #tpu.memory_space<hbm>>
      %dma_start3A_483 = arith.constant 8192 : i32
      %dma_start3A_484 = tpu.memref_slice %arg9[%dma_start3A_477, %dma_start3A_483] : memref<2x16384xf32, #tpu.memory_space<vmem>> -> memref<1x4096xf32, #tpu.memory_space<vmem>>
      %dma_start3A_485 = tpu.memref_squeeze %dma_start3A_484 : memref<1x4096xf32, #tpu.memory_space<vmem>> -> memref<4096xf32, #tpu.memory_space<vmem>>
      tpu.enqueue_dma source(%dma_start3A_485 : memref<4096xf32, #tpu.memory_space<vmem>>) target(%dma_start3A_482 : memref<4096xf32, #tpu.memory_space<hbm>>) target_semaphore(%arg10 : memref<!tpu.dma_semaphore, #tpu.memory_space<semaphore_mem>>)
      %add3A_486 = arith.constant 98304 : i32
      %add3A_487 = arith.addi %add3A_452, %add3A_486 : i32
      %dma_start3A_488 = arith.constant 0 : i32
      %dma_start3A_489 = arith.constant 12288 : i32
      %dma_start3A_490 = tpu.memref_slice %arg9[%dma_start3A_488, %dma_start3A_489] : memref<2x16384xf32, #tpu.memory_space<vmem>> -> memref<1x4096xf32, #tpu.memory_space<vmem>>
      %dma_start3A_491 = tpu.memref_squeeze %dma_start3A_490 : memref<1x4096xf32, #tpu.memory_space<vmem>> -> memref<4096xf32, #tpu.memory_space<vmem>>
      %dma_start3A_492 = tpu.memref_slice %arg5[%add3A_487] : memref<26214400xf32, #tpu.memory_space<hbm>> -> memref<4096xf32, #tpu.memory_space<hbm>>
      %dma_start3A_493 = tpu.memref_slice %arg5[%add3A_487] : memref<26214400xf32, #tpu.memory_space<hbm>> -> memref<4096xf32, #tpu.memory_space<hbm>>
      %dma_start3A_494 = arith.constant 12288 : i32
      %dma_start3A_495 = tpu.memref_slice %arg9[%dma_start3A_488, %dma_start3A_494] : memref<2x16384xf32, #tpu.memory_space<vmem>> -> memref<1x4096xf32, #tpu.memory_space<vmem>>
      %dma_start3A_496 = tpu.memref_squeeze %dma_start3A_495 : memref<1x4096xf32, #tpu.memory_space<vmem>> -> memref<4096xf32, #tpu.memory_space<vmem>>
      tpu.enqueue_dma source(%dma_start3A_496 : memref<4096xf32, #tpu.memory_space<vmem>>) target(%dma_start3A_493 : memref<4096xf32, #tpu.memory_space<hbm>>) target_semaphore(%arg10 : memref<!tpu.dma_semaphore, #tpu.memory_space<semaphore_mem>>)
      %add3A_497 = arith.constant 2 : i32
      %add3A_498 = arith.addi %add3A_350, %add3A_497 : i32
      %lt3A_499 = arith.constant 50 : i32
      %lt3A_500 = arith.cmpi slt, %add3A_498, %lt3A_499 : i32
      %convert_element_type3A_501 = arith.extui %lt3A_500 : i1 to i32
      %cond3A_502 = arith.constant 0 : i32
      %cond3A_503 = arith.cmpi ne, %convert_element_type3A_501, %cond3A_502 : i32
      scf.if %cond3A_503 {
        %add3A_663 = arith.constant 2 : i32
        %add3A_664 = arith.addi %add3A_351, %add3A_663 : i32
        %sub3A_665 = arith.subi %add3A_664, %mul3A_2 : i32
        %mul3A_666 = arith.constant 512 : i32
        %mul3A_667 = arith.muli %sub3A_665, %mul3A_666 : i32
        %dma_start3A_668 = arith.constant 0 : i32
        %dma_start3A_669 = arith.constant 0 : i32
        %dma_start3A_670 = arith.constant 0 : i32
        %dma_start3A_671 = tpu.memref_slice %arg13[%dma_start3A_668, %dma_start3A_669, %dma_start3A_670] : memref<2x512x32xf32, #tpu.memory_space<vmem>> -> memref<1x512x32xf32, #tpu.memory_space<vmem>>
        %dma_start3A_672 = tpu.memref_squeeze %dma_start3A_671 : memref<1x512x32xf32, #tpu.memory_space<vmem>> -> memref<512x32xf32, #tpu.memory_space<vmem>>
        %dma_start3A_673 = tpu.memref_slice %arg8[%mul3A_667] : memref<25600xi32, #tpu.memory_space<vmem>> -> memref<512xi32, #tpu.memory_space<vmem>>
        %dma_start3A_674 = arith.constant 0 : i32
        %dma_start3A_675 = arith.constant 0 : i32
        %dma_start3A_676 = tpu.memref_slice %arg3[%dma_start3A_674, %dma_start3A_675] : memref<1007616x32xf32, #tpu.memory_space<hbm>> -> memref<1007616x32xf32, #tpu.memory_space<hbm>>
        tpu.enqueue_indirect_dma source(%dma_start3A_676 : memref<1007616x32xf32, #tpu.memory_space<hbm>>) target(%dma_start3A_672 : memref<512x32xf32, #tpu.memory_space<vmem>>) offsets(%dma_start3A_673 : memref<512xi32, #tpu.memory_space<vmem>>) semaphore(%arg6 : memref<!tpu.dma_semaphore, #tpu.memory_space<semaphore_mem>>)
      } else {
      }
      %add3A_504 = arith.constant 1 : i32
      %add3A_505 = arith.addi %add3A_348, %add3A_504 : i32
      %add3A_506 = arith.addi %mul3A_2, %add3A_505 : i32
      %jit3A_507 = arith.constant 8 : i32
      %div3A_508 = arith.divsi %add3A_506, %jit3A_507 : i32
      %sign3A_509 = arith.constant 0 : i32
      %sign3A_510 = arith.cmpi sgt, %add3A_506, %sign3A_509 : i32
      %sign3A_511 = arith.extui %sign3A_510 : i1 to i32
      %sign3A_512 = arith.constant 0 : i32
      %sign3A_513 = arith.cmpi slt, %add3A_506, %sign3A_512 : i32
      %sign3A_514 = arith.extui %sign3A_513 : i1 to i32
      %sign3A_515 = arith.subi %sign3A_511, %sign3A_514 : i32
      %sign3A_516 = arith.constant 0 : i32
      %sign3A_517 = arith.cmpi sgt, %jit3A_507, %sign3A_516 : i32
      %sign3A_518 = arith.extui %sign3A_517 : i1 to i32
      %sign3A_519 = arith.constant 0 : i32
      %sign3A_520 = arith.cmpi slt, %jit3A_507, %sign3A_519 : i32
      %sign3A_521 = arith.extui %sign3A_520 : i1 to i32
      %sign3A_522 = arith.subi %sign3A_518, %sign3A_521 : i32
      %ne3A_523 = arith.cmpi ne, %sign3A_515, %sign3A_522 : i32
      %rem3A_524 = arith.remsi %add3A_506, %jit3A_507 : i32
      %ne3A_525 = arith.constant 0 : i32
      %ne3A_526 = arith.cmpi ne, %rem3A_524, %ne3A_525 : i32
      %and3A_527 = arith.andi %ne3A_523, %ne3A_526 : i1
      %sub3A_528 = arith.constant 1 : i32
      %sub3A_529 = arith.subi %div3A_508, %sub3A_528 : i32
      %select_n3A_530 = arith.select %and3A_527, %sub3A_529, %div3A_508 : i32
      %mul3A_531 = arith.constant 512 : i32
      %mul3A_532 = arith.muli %add3A_505, %mul3A_531 : i32
      %dma_wait3A_533 = arith.constant 1 : i32
      %dma_wait3A_534 = arith.constant 0 : i32
      %dma_wait3A_535 = arith.constant 0 : i32
      %dma_wait3A_536 = tpu.memref_slice %arg13[%dma_wait3A_533, %dma_wait3A_534, %dma_wait3A_535] : memref<2x512x32xf32, #tpu.memory_space<vmem>> -> memref<1x512x32xf32, #tpu.memory_space<vmem>>
      %dma_wait3A_537 = tpu.memref_squeeze %dma_wait3A_536 : memref<1x512x32xf32, #tpu.memory_space<vmem>> -> memref<512x32xf32, #tpu.memory_space<vmem>>
      %dma_wait3A_538 = tpu.memref_slice %arg8[%mul3A_532] : memref<25600xi32, #tpu.memory_space<vmem>> -> memref<512xi32, #tpu.memory_space<vmem>>
      %dma_wait3A_539 = arith.constant 0 : i32
      %dma_wait3A_540 = arith.constant 0 : i32
      %dma_wait3A_541 = tpu.memref_slice %arg3[%dma_wait3A_539, %dma_wait3A_540] : memref<1007616x32xf32, #tpu.memory_space<hbm>> -> memref<1007616x32xf32, #tpu.memory_space<hbm>>
      tpu.wait_indirect_dma semaphore(%arg7 : memref<!tpu.dma_semaphore, #tpu.memory_space<semaphore_mem>>) src(%dma_wait3A_541 : memref<1007616x32xf32, #tpu.memory_space<hbm>>) dst(%dma_wait3A_537 : memref<512x32xf32, #tpu.memory_space<vmem>>)
      %ge3A_542 = arith.constant 2 : i32
      %ge3A_543 = arith.cmpi sge, %add3A_505, %ge3A_542 : i32
      %convert_element_type3A_544 = arith.extui %ge3A_543 : i1 to i32
      %cond3A_545 = arith.constant 0 : i32
      %cond3A_546 = arith.cmpi ne, %convert_element_type3A_544, %cond3A_545 : i32
      scf.if %cond3A_546 {
        %sub3A_663 = arith.constant 2 : i32
        %sub3A_664 = arith.subi %add3A_506, %sub3A_663 : i32
        %jit3A_665 = arith.constant 8 : i32
        %div3A_666 = arith.divsi %sub3A_664, %jit3A_665 : i32
        %sign3A_667 = arith.constant 0 : i32
        %sign3A_668 = arith.cmpi sgt, %sub3A_664, %sign3A_667 : i32
        %sign3A_669 = arith.extui %sign3A_668 : i1 to i32
        %sign3A_670 = arith.constant 0 : i32
        %sign3A_671 = arith.cmpi slt, %sub3A_664, %sign3A_670 : i32
        %sign3A_672 = arith.extui %sign3A_671 : i1 to i32
        %sign3A_673 = arith.subi %sign3A_669, %sign3A_672 : i32
        %sign3A_674 = arith.constant 0 : i32
        %sign3A_675 = arith.cmpi sgt, %jit3A_665, %sign3A_674 : i32
        %sign3A_676 = arith.extui %sign3A_675 : i1 to i32
        %sign3A_677 = arith.constant 0 : i32
        %sign3A_678 = arith.cmpi slt, %jit3A_665, %sign3A_677 : i32
        %sign3A_679 = arith.extui %sign3A_678 : i1 to i32
        %sign3A_680 = arith.subi %sign3A_676, %sign3A_679 : i32
        %ne3A_681 = arith.cmpi ne, %sign3A_673, %sign3A_680 : i32
        %rem3A_682 = arith.remsi %sub3A_664, %jit3A_665 : i32
        %ne3A_683 = arith.constant 0 : i32
        %ne3A_684 = arith.cmpi ne, %rem3A_682, %ne3A_683 : i32
        %and3A_685 = arith.andi %ne3A_681, %ne3A_684 : i1
        %sub3A_686 = arith.constant 1 : i32
        %sub3A_687 = arith.subi %div3A_666, %sub3A_686 : i32
        %select_n3A_688 = arith.select %and3A_685, %sub3A_687, %div3A_666 : i32
        %jit3A_689 = arith.constant 8 : i32
        %eq3A_690 = arith.constant 0 : i32
        %eq3A_691 = arith.cmpi eq, %jit3A_689, %eq3A_690 : i32
        %jit3A_692 = arith.constant 1 : i32
        %select_n3A_693 = arith.select %eq3A_691, %jit3A_692, %jit3A_689 : i32
        %rem3A_694 = arith.remsi %sub3A_664, %select_n3A_693 : i32
        %ne3A_695 = arith.constant 0 : i32
        %ne3A_696 = arith.cmpi ne, %rem3A_694, %ne3A_695 : i32
        %lt3A_697 = arith.constant 0 : i32
        %lt3A_698 = arith.cmpi slt, %rem3A_694, %lt3A_697 : i32
        %lt3A_699 = arith.constant 0 : i32
        %lt3A_700 = arith.cmpi slt, %select_n3A_693, %lt3A_699 : i32
        %ne3A_701 = arith.xori %lt3A_698, %lt3A_700 : i1
        %and3A_702 = arith.andi %ne3A_701, %ne3A_696 : i1
        %add3A_703 = arith.addi %rem3A_694, %select_n3A_693 : i32
        %select_n3A_704 = arith.select %and3A_702, %add3A_703, %rem3A_694 : i32
        %mul3A_705 = arith.constant 131072 : i32
        %mul3A_706 = arith.muli %select_n3A_688, %mul3A_705 : i32
        %mul3A_707 = arith.constant 4096 : i32
        %mul3A_708 = arith.muli %select_n3A_704, %mul3A_707 : i32
        %add3A_709 = arith.addi %mul3A_706, %mul3A_708 : i32
        %add3A_710 = arith.constant 0 : i32
        %add3A_711 = arith.addi %add3A_709, %add3A_710 : i32
        %dma_wait3A_712 = arith.constant 1 : i32
        %dma_wait3A_713 = arith.constant 0 : i32
        %dma_wait3A_714 = tpu.memref_slice %arg9[%dma_wait3A_712, %dma_wait3A_713] : memref<2x16384xf32, #tpu.memory_space<vmem>> -> memref<1x4096xf32, #tpu.memory_space<vmem>>
        %dma_wait3A_715 = tpu.memref_squeeze %dma_wait3A_714 : memref<1x4096xf32, #tpu.memory_space<vmem>> -> memref<4096xf32, #tpu.memory_space<vmem>>
        %dma_wait3A_716 = tpu.memref_slice %arg5[%add3A_711] : memref<26214400xf32, #tpu.memory_space<hbm>> -> memref<4096xf32, #tpu.memory_space<hbm>>
        %dma_wait3A_717 = tpu.memref_slice %arg5[%add3A_711] : memref<26214400xf32, #tpu.memory_space<hbm>> -> memref<4096xf32, #tpu.memory_space<hbm>>
        %dma_wait3A_718 = arith.constant 0 : i32
        %dma_wait3A_719 = tpu.memref_slice %arg9[%dma_wait3A_712, %dma_wait3A_718] : memref<2x16384xf32, #tpu.memory_space<vmem>> -> memref<1x4096xf32, #tpu.memory_space<vmem>>
        %dma_wait3A_720 = tpu.memref_squeeze %dma_wait3A_719 : memref<1x4096xf32, #tpu.memory_space<vmem>> -> memref<4096xf32, #tpu.memory_space<vmem>>
        tpu.wait_dma2 semaphore(%arg11 : memref<!tpu.dma_semaphore, #tpu.memory_space<semaphore_mem>>) src(%dma_wait3A_720 : memref<4096xf32, #tpu.memory_space<vmem>>) dst(%dma_wait3A_717 : memref<4096xf32, #tpu.memory_space<hbm>>)
        %add3A_721 = arith.constant 32768 : i32
        %add3A_722 = arith.addi %add3A_709, %add3A_721 : i32
        %dma_wait3A_723 = arith.constant 1 : i32
        %dma_wait3A_724 = arith.constant 4096 : i32
        %dma_wait3A_725 = tpu.memref_slice %arg9[%dma_wait3A_723, %dma_wait3A_724] : memref<2x16384xf32, #tpu.memory_space<vmem>> -> memref<1x4096xf32, #tpu.memory_space<vmem>>
        %dma_wait3A_726 = tpu.memref_squeeze %dma_wait3A_725 : memref<1x4096xf32, #tpu.memory_space<vmem>> -> memref<4096xf32, #tpu.memory_space<vmem>>
        %dma_wait3A_727 = tpu.memref_slice %arg5[%add3A_722] : memref<26214400xf32, #tpu.memory_space<hbm>> -> memref<4096xf32, #tpu.memory_space<hbm>>
        %dma_wait3A_728 = tpu.memref_slice %arg5[%add3A_722] : memref<26214400xf32, #tpu.memory_space<hbm>> -> memref<4096xf32, #tpu.memory_space<hbm>>
        %dma_wait3A_729 = arith.constant 4096 : i32
        %dma_wait3A_730 = tpu.memref_slice %arg9[%dma_wait3A_723, %dma_wait3A_729] : memref<2x16384xf32, #tpu.memory_space<vmem>> -> memref<1x4096xf32, #tpu.memory_space<vmem>>
        %dma_wait3A_731 = tpu.memref_squeeze %dma_wait3A_730 : memref<1x4096xf32, #tpu.memory_space<vmem>> -> memref<4096xf32, #tpu.memory_space<vmem>>
        tpu.wait_dma2 semaphore(%arg11 : memref<!tpu.dma_semaphore, #tpu.memory_space<semaphore_mem>>) src(%dma_wait3A_731 : memref<4096xf32, #tpu.memory_space<vmem>>) dst(%dma_wait3A_728 : memref<4096xf32, #tpu.memory_space<hbm>>)
        %add3A_732 = arith.constant 65536 : i32
        %add3A_733 = arith.addi %add3A_709, %add3A_732 : i32
        %dma_wait3A_734 = arith.constant 1 : i32
        %dma_wait3A_735 = arith.constant 8192 : i32
        %dma_wait3A_736 = tpu.memref_slice %arg9[%dma_wait3A_734, %dma_wait3A_735] : memref<2x16384xf32, #tpu.memory_space<vmem>> -> memref<1x4096xf32, #tpu.memory_space<vmem>>
        %dma_wait3A_737 = tpu.memref_squeeze %dma_wait3A_736 : memref<1x4096xf32, #tpu.memory_space<vmem>> -> memref<4096xf32, #tpu.memory_space<vmem>>
        %dma_wait3A_738 = tpu.memref_slice %arg5[%add3A_733] : memref<26214400xf32, #tpu.memory_space<hbm>> -> memref<4096xf32, #tpu.memory_space<hbm>>
        %dma_wait3A_739 = tpu.memref_slice %arg5[%add3A_733] : memref<26214400xf32, #tpu.memory_space<hbm>> -> memref<4096xf32, #tpu.memory_space<hbm>>
        %dma_wait3A_740 = arith.constant 8192 : i32
        %dma_wait3A_741 = tpu.memref_slice %arg9[%dma_wait3A_734, %dma_wait3A_740] : memref<2x16384xf32, #tpu.memory_space<vmem>> -> memref<1x4096xf32, #tpu.memory_space<vmem>>
        %dma_wait3A_742 = tpu.memref_squeeze %dma_wait3A_741 : memref<1x4096xf32, #tpu.memory_space<vmem>> -> memref<4096xf32, #tpu.memory_space<vmem>>
        tpu.wait_dma2 semaphore(%arg11 : memref<!tpu.dma_semaphore, #tpu.memory_space<semaphore_mem>>) src(%dma_wait3A_742 : memref<4096xf32, #tpu.memory_space<vmem>>) dst(%dma_wait3A_739 : memref<4096xf32, #tpu.memory_space<hbm>>)
        %add3A_743 = arith.constant 98304 : i32
        %add3A_744 = arith.addi %add3A_709, %add3A_743 : i32
        %dma_wait3A_745 = arith.constant 1 : i32
        %dma_wait3A_746 = arith.constant 12288 : i32
        %dma_wait3A_747 = tpu.memref_slice %arg9[%dma_wait3A_745, %dma_wait3A_746] : memref<2x16384xf32, #tpu.memory_space<vmem>> -> memref<1x4096xf32, #tpu.memory_space<vmem>>
        %dma_wait3A_748 = tpu.memref_squeeze %dma_wait3A_747 : memref<1x4096xf32, #tpu.memory_space<vmem>> -> memref<4096xf32, #tpu.memory_space<vmem>>
        %dma_wait3A_749 = tpu.memref_slice %arg5[%add3A_744] : memref<26214400xf32, #tpu.memory_space<hbm>> -> memref<4096xf32, #tpu.memory_space<hbm>>
        %dma_wait3A_750 = tpu.memref_slice %arg5[%add3A_744] : memref<26214400xf32, #tpu.memory_space<hbm>> -> memref<4096xf32, #tpu.memory_space<hbm>>
        %dma_wait3A_751 = arith.constant 12288 : i32
        %dma_wait3A_752 = tpu.memref_slice %arg9[%dma_wait3A_745, %dma_wait3A_751] : memref<2x16384xf32, #tpu.memory_space<vmem>> -> memref<1x4096xf32, #tpu.memory_space<vmem>>
        %dma_wait3A_753 = tpu.memref_squeeze %dma_wait3A_752 : memref<1x4096xf32, #tpu.memory_space<vmem>> -> memref<4096xf32, #tpu.memory_space<vmem>>
        tpu.wait_dma2 semaphore(%arg11 : memref<!tpu.dma_semaphore, #tpu.memory_space<semaphore_mem>>) src(%dma_wait3A_753 : memref<4096xf32, #tpu.memory_space<vmem>>) dst(%dma_wait3A_750 : memref<4096xf32, #tpu.memory_space<hbm>>)
      } else {
      }
      %mul3A_547 = arith.constant 32 : i32
      %mul3A_548 = arith.muli %select_n3A_530, %mul3A_547 : i32
      %get3A_549 = arith.index_cast %mul3A_548 : i32 to index
      %get3A_550 = tpu.vector_load %arg12[%get3A_549] {strides = array<i32>} : memref<6400xf32, #tpu.memory_space<vmem>>, vector<16xf32>,
      %mul3A_551 = arith.constant 32 : i32
      %mul3A_552 = arith.muli %select_n3A_530, %mul3A_551 : i32
      %add3A_553 = arith.constant 16 : i32
      %add3A_554 = arith.addi %mul3A_552, %add3A_553 : i32
      %get3A_555 = arith.index_cast %add3A_554 : i32 to index
      %get3A_556 = tpu.vector_load %arg12[%get3A_555] {strides = array<i32>} : memref<6400xf32, #tpu.memory_space<vmem>>, vector<16xf32>,
      %parallel_loop3A_557 = arith.constant 0 : i32
      %parallel_loop3A_558 = arith.constant 512 : i32
      %parallel_loop3A_559 = arith.constant 16 : i32
      %parallel_loop3A_560 = arith.constant 1 : i32
      %parallel_loop3A_561 = arith.constant 1 : i32
      scf.for %parallel_loop3A_663 = %parallel_loop3A_557 to %parallel_loop3A_558 step %parallel_loop3A_559  : i32 {
        %parallel_loop3A_664 = arith.constant 7 : i32
        %parallel_loop3A_665 = arith.shrsi %parallel_loop3A_663, %parallel_loop3A_664 : i32
        %parallel_loop3A_666 = arith.constant 896 : i32
        %parallel_loop3A_667 = arith.muli %parallel_loop3A_665, %parallel_loop3A_666 : i32
        %parallel_loop3A_668 = vector.broadcast %parallel_loop3A_663 : i32 to vector<16xi32>
        %parallel_loop3A_669 = arith.addi %and3A_11, %parallel_loop3A_668 : vector<16xi32>
        %parallel_loop3A_670 = arith.constant 0 : i32
        %parallel_loop3A_671 = arith.constant 0 : i32
        %parallel_loop3A_672 = tpu.memref_slice %arg13[%parallel_loop3A_560, %parallel_loop3A_670, %parallel_loop3A_671] : memref<2x512x32xf32, #tpu.memory_space<vmem>> -> memref<1x512x32xf32, #tpu.memory_space<vmem>>
        %parallel_loop3A_673 = tpu.memref_squeeze %parallel_loop3A_672 : memref<1x512x32xf32, #tpu.memory_space<vmem>> -> memref<512x32xf32, #tpu.memory_space<vmem>>
        %parallel_loop3A_674 = tpu.vector_load_idx %parallel_loop3A_673[%parallel_loop3A_669, %add3A_104] : memref<512x32xf32, #tpu.memory_space<vmem>>[vector<16xi32>, vector<16xi32>], vector<16xf32>,
        %parallel_loop3A_675 = arith.addf %parallel_loop3A_674, %get3A_550 : vector<16xf32>
        %parallel_loop3A_676 = arith.addi %add3A_116, %parallel_loop3A_669 : vector<16xi32>
        %parallel_loop3A_677 = vector.broadcast %parallel_loop3A_667 : i32 to vector<16xi32>
        %parallel_loop3A_678 = arith.addi %parallel_loop3A_676, %parallel_loop3A_677 : vector<16xi32>
        %parallel_loop3A_679 = arith.constant 0 : i32
        %parallel_loop3A_680 = tpu.memref_slice %arg9[%parallel_loop3A_561, %parallel_loop3A_679] : memref<2x16384xf32, #tpu.memory_space<vmem>> -> memref<1x16384xf32, #tpu.memory_space<vmem>>
        %parallel_loop3A_681 = tpu.memref_squeeze %parallel_loop3A_680 : memref<1x16384xf32, #tpu.memory_space<vmem>> -> memref<16384xf32, #tpu.memory_space<vmem>>
        tpu.vector_store_idx %parallel_loop3A_681[%parallel_loop3A_678], %parallel_loop3A_675 : memref<16384xf32, #tpu.memory_space<vmem>>[vector<16xi32>], vector<16xf32>,
        %parallel_loop3A_682 = vector.broadcast %parallel_loop3A_663 : i32 to vector<16xi32>
        %parallel_loop3A_683 = arith.addi %and3A_17, %parallel_loop3A_682 : vector<16xi32>
        %parallel_loop3A_684 = arith.constant 0 : i32
        %parallel_loop3A_685 = arith.constant 0 : i32
        %parallel_loop3A_686 = tpu.memref_slice %arg13[%parallel_loop3A_560, %parallel_loop3A_684, %parallel_loop3A_685] : memref<2x512x32xf32, #tpu.memory_space<vmem>> -> memref<1x512x32xf32, #tpu.memory_space<vmem>>
        %parallel_loop3A_687 = tpu.memref_squeeze %parallel_loop3A_686 : memref<1x512x32xf32, #tpu.memory_space<vmem>> -> memref<512x32xf32, #tpu.memory_space<vmem>>
        %parallel_loop3A_688 = tpu.vector_load_idx %parallel_loop3A_687[%parallel_loop3A_683, %add3A_104] : memref<512x32xf32, #tpu.memory_space<vmem>>[vector<16xi32>, vector<16xi32>], vector<16xf32>,
        %parallel_loop3A_689 = arith.addf %parallel_loop3A_688, %get3A_550 : vector<16xf32>
        %parallel_loop3A_690 = arith.addi %add3A_116, %parallel_loop3A_683 : vector<16xi32>
        %parallel_loop3A_691 = vector.broadcast %parallel_loop3A_667 : i32 to vector<16xi32>
        %parallel_loop3A_692 = arith.addi %parallel_loop3A_690, %parallel_loop3A_691 : vector<16xi32>
        %parallel_loop3A_693 = arith.constant 0 : i32
        %parallel_loop3A_694 = tpu.memref_slice %arg9[%parallel_loop3A_561, %parallel_loop3A_693] : memref<2x16384xf32, #tpu.memory_space<vmem>> -> memref<1x16384xf32, #tpu.memory_space<vmem>>
        %parallel_loop3A_695 = tpu.memref_squeeze %parallel_loop3A_694 : memref<1x16384xf32, #tpu.memory_space<vmem>> -> memref<16384xf32, #tpu.memory_space<vmem>>
        tpu.vector_store_idx %parallel_loop3A_695[%parallel_loop3A_692], %parallel_loop3A_689 : memref<16384xf32, #tpu.memory_space<vmem>>[vector<16xi32>], vector<16xf32>,
        %parallel_loop3A_696 = vector.broadcast %parallel_loop3A_663 : i32 to vector<16xi32>
        %parallel_loop3A_697 = arith.addi %and3A_23, %parallel_loop3A_696 : vector<16xi32>
        %parallel_loop3A_698 = arith.constant 0 : i32
        %parallel_loop3A_699 = arith.constant 0 : i32
        %parallel_loop3A_700 = tpu.memref_slice %arg13[%parallel_loop3A_560, %parallel_loop3A_698, %parallel_loop3A_699] : memref<2x512x32xf32, #tpu.memory_space<vmem>> -> memref<1x512x32xf32, #tpu.memory_space<vmem>>
        %parallel_loop3A_701 = tpu.memref_squeeze %parallel_loop3A_700 : memref<1x512x32xf32, #tpu.memory_space<vmem>> -> memref<512x32xf32, #tpu.memory_space<vmem>>
        %parallel_loop3A_702 = tpu.vector_load_idx %parallel_loop3A_701[%parallel_loop3A_697, %add3A_104] : memref<512x32xf32, #tpu.memory_space<vmem>>[vector<16xi32>, vector<16xi32>], vector<16xf32>,
        %parallel_loop3A_703 = arith.addf %parallel_loop3A_702, %get3A_550 : vector<16xf32>
        %parallel_loop3A_704 = arith.addi %add3A_116, %parallel_loop3A_697 : vector<16xi32>
        %parallel_loop3A_705 = vector.broadcast %parallel_loop3A_667 : i32 to vector<16xi32>
        %parallel_loop3A_706 = arith.addi %parallel_loop3A_704, %parallel_loop3A_705 : vector<16xi32>
        %parallel_loop3A_707 = arith.constant 0 : i32
        %parallel_loop3A_708 = tpu.memref_slice %arg9[%parallel_loop3A_561, %parallel_loop3A_707] : memref<2x16384xf32, #tpu.memory_space<vmem>> -> memref<1x16384xf32, #tpu.memory_space<vmem>>
        %parallel_loop3A_709 = tpu.memref_squeeze %parallel_loop3A_708 : memref<1x16384xf32, #tpu.memory_space<vmem>> -> memref<16384xf32, #tpu.memory_space<vmem>>
        tpu.vector_store_idx %parallel_loop3A_709[%parallel_loop3A_706], %parallel_loop3A_703 : memref<16384xf32, #tpu.memory_space<vmem>>[vector<16xi32>], vector<16xf32>,
        %parallel_loop3A_710 = vector.broadcast %parallel_loop3A_663 : i32 to vector<16xi32>
        %parallel_loop3A_711 = arith.addi %and3A_29, %parallel_loop3A_710 : vector<16xi32>
        %parallel_loop3A_712 = arith.constant 0 : i32
        %parallel_loop3A_713 = arith.constant 0 : i32
        %parallel_loop3A_714 = tpu.memref_slice %arg13[%parallel_loop3A_560, %parallel_loop3A_712, %parallel_loop3A_713] : memref<2x512x32xf32, #tpu.memory_space<vmem>> -> memref<1x512x32xf32, #tpu.memory_space<vmem>>
        %parallel_loop3A_715 = tpu.memref_squeeze %parallel_loop3A_714 : memref<1x512x32xf32, #tpu.memory_space<vmem>> -> memref<512x32xf32, #tpu.memory_space<vmem>>
        %parallel_loop3A_716 = tpu.vector_load_idx %parallel_loop3A_715[%parallel_loop3A_711, %add3A_104] : memref<512x32xf32, #tpu.memory_space<vmem>>[vector<16xi32>, vector<16xi32>], vector<16xf32>,
        %parallel_loop3A_717 = arith.addf %parallel_loop3A_716, %get3A_550 : vector<16xf32>
        %parallel_loop3A_718 = arith.addi %add3A_116, %parallel_loop3A_711 : vector<16xi32>
        %parallel_loop3A_719 = vector.broadcast %parallel_loop3A_667 : i32 to vector<16xi32>
        %parallel_loop3A_720 = arith.addi %parallel_loop3A_718, %parallel_loop3A_719 : vector<16xi32>
        %parallel_loop3A_721 = arith.constant 0 : i32
        %parallel_loop3A_722 = tpu.memref_slice %arg9[%parallel_loop3A_561, %parallel_loop3A_721] : memref<2x16384xf32, #tpu.memory_space<vmem>> -> memref<1x16384xf32, #tpu.memory_space<vmem>>
        %parallel_loop3A_723 = tpu.memref_squeeze %parallel_loop3A_722 : memref<1x16384xf32, #tpu.memory_space<vmem>> -> memref<16384xf32, #tpu.memory_space<vmem>>
        tpu.vector_store_idx %parallel_loop3A_723[%parallel_loop3A_720], %parallel_loop3A_717 : memref<16384xf32, #tpu.memory_space<vmem>>[vector<16xi32>], vector<16xf32>,
        %parallel_loop3A_724 = vector.broadcast %parallel_loop3A_663 : i32 to vector<16xi32>
        %parallel_loop3A_725 = arith.addi %and3A_35, %parallel_loop3A_724 : vector<16xi32>
        %parallel_loop3A_726 = arith.constant 0 : i32
        %parallel_loop3A_727 = arith.constant 0 : i32
        %parallel_loop3A_728 = tpu.memref_slice %arg13[%parallel_loop3A_560, %parallel_loop3A_726, %parallel_loop3A_727] : memref<2x512x32xf32, #tpu.memory_space<vmem>> -> memref<1x512x32xf32, #tpu.memory_space<vmem>>
        %parallel_loop3A_729 = tpu.memref_squeeze %parallel_loop3A_728 : memref<1x512x32xf32, #tpu.memory_space<vmem>> -> memref<512x32xf32, #tpu.memory_space<vmem>>
        %parallel_loop3A_730 = tpu.vector_load_idx %parallel_loop3A_729[%parallel_loop3A_725, %add3A_104] : memref<512x32xf32, #tpu.memory_space<vmem>>[vector<16xi32>, vector<16xi32>], vector<16xf32>,
        %parallel_loop3A_731 = arith.addf %parallel_loop3A_730, %get3A_550 : vector<16xf32>
        %parallel_loop3A_732 = arith.addi %add3A_116, %parallel_loop3A_725 : vector<16xi32>
        %parallel_loop3A_733 = vector.broadcast %parallel_loop3A_667 : i32 to vector<16xi32>
        %parallel_loop3A_734 = arith.addi %parallel_loop3A_732, %parallel_loop3A_733 : vector<16xi32>
        %parallel_loop3A_735 = arith.constant 0 : i32
        %parallel_loop3A_736 = tpu.memref_slice %arg9[%parallel_loop3A_561, %parallel_loop3A_735] : memref<2x16384xf32, #tpu.memory_space<vmem>> -> memref<1x16384xf32, #tpu.memory_space<vmem>>
        %parallel_loop3A_737 = tpu.memref_squeeze %parallel_loop3A_736 : memref<1x16384xf32, #tpu.memory_space<vmem>> -> memref<16384xf32, #tpu.memory_space<vmem>>
        tpu.vector_store_idx %parallel_loop3A_737[%parallel_loop3A_734], %parallel_loop3A_731 : memref<16384xf32, #tpu.memory_space<vmem>>[vector<16xi32>], vector<16xf32>,
        %parallel_loop3A_738 = vector.broadcast %parallel_loop3A_663 : i32 to vector<16xi32>
        %parallel_loop3A_739 = arith.addi %and3A_41, %parallel_loop3A_738 : vector<16xi32>
        %parallel_loop3A_740 = arith.constant 0 : i32
        %parallel_loop3A_741 = arith.constant 0 : i32
        %parallel_loop3A_742 = tpu.memref_slice %arg13[%parallel_loop3A_560, %parallel_loop3A_740, %parallel_loop3A_741] : memref<2x512x32xf32, #tpu.memory_space<vmem>> -> memref<1x512x32xf32, #tpu.memory_space<vmem>>
        %parallel_loop3A_743 = tpu.memref_squeeze %parallel_loop3A_742 : memref<1x512x32xf32, #tpu.memory_space<vmem>> -> memref<512x32xf32, #tpu.memory_space<vmem>>
        %parallel_loop3A_744 = tpu.vector_load_idx %parallel_loop3A_743[%parallel_loop3A_739, %add3A_104] : memref<512x32xf32, #tpu.memory_space<vmem>>[vector<16xi32>, vector<16xi32>], vector<16xf32>,
        %parallel_loop3A_745 = arith.addf %parallel_loop3A_744, %get3A_550 : vector<16xf32>
        %parallel_loop3A_746 = arith.addi %add3A_116, %parallel_loop3A_739 : vector<16xi32>
        %parallel_loop3A_747 = vector.broadcast %parallel_loop3A_667 : i32 to vector<16xi32>
        %parallel_loop3A_748 = arith.addi %parallel_loop3A_746, %parallel_loop3A_747 : vector<16xi32>
        %parallel_loop3A_749 = arith.constant 0 : i32
        %parallel_loop3A_750 = tpu.memref_slice %arg9[%parallel_loop3A_561, %parallel_loop3A_749] : memref<2x16384xf32, #tpu.memory_space<vmem>> -> memref<1x16384xf32, #tpu.memory_space<vmem>>
        %parallel_loop3A_751 = tpu.memref_squeeze %parallel_loop3A_750 : memref<1x16384xf32, #tpu.memory_space<vmem>> -> memref<16384xf32, #tpu.memory_space<vmem>>
        tpu.vector_store_idx %parallel_loop3A_751[%parallel_loop3A_748], %parallel_loop3A_745 : memref<16384xf32, #tpu.memory_space<vmem>>[vector<16xi32>], vector<16xf32>,
        %parallel_loop3A_752 = vector.broadcast %parallel_loop3A_663 : i32 to vector<16xi32>
        %parallel_loop3A_753 = arith.addi %and3A_47, %parallel_loop3A_752 : vector<16xi32>
        %parallel_loop3A_754 = arith.constant 0 : i32
        %parallel_loop3A_755 = arith.constant 0 : i32
        %parallel_loop3A_756 = tpu.memref_slice %arg13[%parallel_loop3A_560, %parallel_loop3A_754, %parallel_loop3A_755] : memref<2x512x32xf32, #tpu.memory_space<vmem>> -> memref<1x512x32xf32, #tpu.memory_space<vmem>>
        %parallel_loop3A_757 = tpu.memref_squeeze %parallel_loop3A_756 : memref<1x512x32xf32, #tpu.memory_space<vmem>> -> memref<512x32xf32, #tpu.memory_space<vmem>>
        %parallel_loop3A_758 = tpu.vector_load_idx %parallel_loop3A_757[%parallel_loop3A_753, %add3A_104] : memref<512x32xf32, #tpu.memory_space<vmem>>[vector<16xi32>, vector<16xi32>], vector<16xf32>,
        %parallel_loop3A_759 = arith.addf %parallel_loop3A_758, %get3A_550 : vector<16xf32>
        %parallel_loop3A_760 = arith.addi %add3A_116, %parallel_loop3A_753 : vector<16xi32>
        %parallel_loop3A_761 = vector.broadcast %parallel_loop3A_667 : i32 to vector<16xi32>
        %parallel_loop3A_762 = arith.addi %parallel_loop3A_760, %parallel_loop3A_761 : vector<16xi32>
        %parallel_loop3A_763 = arith.constant 0 : i32
        %parallel_loop3A_764 = tpu.memref_slice %arg9[%parallel_loop3A_561, %parallel_loop3A_763] : memref<2x16384xf32, #tpu.memory_space<vmem>> -> memref<1x16384xf32, #tpu.memory_space<vmem>>
        %parallel_loop3A_765 = tpu.memref_squeeze %parallel_loop3A_764 : memref<1x16384xf32, #tpu.memory_space<vmem>> -> memref<16384xf32, #tpu.memory_space<vmem>>
        tpu.vector_store_idx %parallel_loop3A_765[%parallel_loop3A_762], %parallel_loop3A_759 : memref<16384xf32, #tpu.memory_space<vmem>>[vector<16xi32>], vector<16xf32>,
        %parallel_loop3A_766 = vector.broadcast %parallel_loop3A_663 : i32 to vector<16xi32>
        %parallel_loop3A_767 = arith.addi %and3A_53, %parallel_loop3A_766 : vector<16xi32>
        %parallel_loop3A_768 = arith.constant 0 : i32
        %parallel_loop3A_769 = arith.constant 0 : i32
        %parallel_loop3A_770 = tpu.memref_slice %arg13[%parallel_loop3A_560, %parallel_loop3A_768, %parallel_loop3A_769] : memref<2x512x32xf32, #tpu.memory_space<vmem>> -> memref<1x512x32xf32, #tpu.memory_space<vmem>>
        %parallel_loop3A_771 = tpu.memref_squeeze %parallel_loop3A_770 : memref<1x512x32xf32, #tpu.memory_space<vmem>> -> memref<512x32xf32, #tpu.memory_space<vmem>>
        %parallel_loop3A_772 = tpu.vector_load_idx %parallel_loop3A_771[%parallel_loop3A_767, %add3A_104] : memref<512x32xf32, #tpu.memory_space<vmem>>[vector<16xi32>, vector<16xi32>], vector<16xf32>,
        %parallel_loop3A_773 = arith.addf %parallel_loop3A_772, %get3A_550 : vector<16xf32>
        %parallel_loop3A_774 = arith.addi %add3A_116, %parallel_loop3A_767 : vector<16xi32>
        %parallel_loop3A_775 = vector.broadcast %parallel_loop3A_667 : i32 to vector<16xi32>
        %parallel_loop3A_776 = arith.addi %parallel_loop3A_774, %parallel_loop3A_775 : vector<16xi32>
        %parallel_loop3A_777 = arith.constant 0 : i32
        %parallel_loop3A_778 = tpu.memref_slice %arg9[%parallel_loop3A_561, %parallel_loop3A_777] : memref<2x16384xf32, #tpu.memory_space<vmem>> -> memref<1x16384xf32, #tpu.memory_space<vmem>>
        %parallel_loop3A_779 = tpu.memref_squeeze %parallel_loop3A_778 : memref<1x16384xf32, #tpu.memory_space<vmem>> -> memref<16384xf32, #tpu.memory_space<vmem>>
        tpu.vector_store_idx %parallel_loop3A_779[%parallel_loop3A_776], %parallel_loop3A_773 : memref<16384xf32, #tpu.memory_space<vmem>>[vector<16xi32>], vector<16xf32>,
        %parallel_loop3A_780 = vector.broadcast %parallel_loop3A_663 : i32 to vector<16xi32>
        %parallel_loop3A_781 = arith.addi %and3A_59, %parallel_loop3A_780 : vector<16xi32>
        %parallel_loop3A_782 = arith.constant 0 : i32
        %parallel_loop3A_783 = arith.constant 0 : i32
        %parallel_loop3A_784 = tpu.memref_slice %arg13[%parallel_loop3A_560, %parallel_loop3A_782, %parallel_loop3A_783] : memref<2x512x32xf32, #tpu.memory_space<vmem>> -> memref<1x512x32xf32, #tpu.memory_space<vmem>>
        %parallel_loop3A_785 = tpu.memref_squeeze %parallel_loop3A_784 : memref<1x512x32xf32, #tpu.memory_space<vmem>> -> memref<512x32xf32, #tpu.memory_space<vmem>>
        %parallel_loop3A_786 = tpu.vector_load_idx %parallel_loop3A_785[%parallel_loop3A_781, %add3A_104] : memref<512x32xf32, #tpu.memory_space<vmem>>[vector<16xi32>, vector<16xi32>], vector<16xf32>,
        %parallel_loop3A_787 = arith.addf %parallel_loop3A_786, %get3A_550 : vector<16xf32>
        %parallel_loop3A_788 = arith.addi %add3A_116, %parallel_loop3A_781 : vector<16xi32>
        %parallel_loop3A_789 = vector.broadcast %parallel_loop3A_667 : i32 to vector<16xi32>
        %parallel_loop3A_790 = arith.addi %parallel_loop3A_788, %parallel_loop3A_789 : vector<16xi32>
        %parallel_loop3A_791 = arith.constant 0 : i32
        %parallel_loop3A_792 = tpu.memref_slice %arg9[%parallel_loop3A_561, %parallel_loop3A_791] : memref<2x16384xf32, #tpu.memory_space<vmem>> -> memref<1x16384xf32, #tpu.memory_space<vmem>>
        %parallel_loop3A_793 = tpu.memref_squeeze %parallel_loop3A_792 : memref<1x16384xf32, #tpu.memory_space<vmem>> -> memref<16384xf32, #tpu.memory_space<vmem>>
        tpu.vector_store_idx %parallel_loop3A_793[%parallel_loop3A_790], %parallel_loop3A_787 : memref<16384xf32, #tpu.memory_space<vmem>>[vector<16xi32>], vector<16xf32>,
        %parallel_loop3A_794 = vector.broadcast %parallel_loop3A_663 : i32 to vector<16xi32>
        %parallel_loop3A_795 = arith.addi %and3A_65, %parallel_loop3A_794 : vector<16xi32>
        %parallel_loop3A_796 = arith.constant 0 : i32
        %parallel_loop3A_797 = arith.constant 0 : i32
        %parallel_loop3A_798 = tpu.memref_slice %arg13[%parallel_loop3A_560, %parallel_loop3A_796, %parallel_loop3A_797] : memref<2x512x32xf32, #tpu.memory_space<vmem>> -> memref<1x512x32xf32, #tpu.memory_space<vmem>>
        %parallel_loop3A_799 = tpu.memref_squeeze %parallel_loop3A_798 : memref<1x512x32xf32, #tpu.memory_space<vmem>> -> memref<512x32xf32, #tpu.memory_space<vmem>>
        %parallel_loop3A_800 = tpu.vector_load_idx %parallel_loop3A_799[%parallel_loop3A_795, %add3A_104] : memref<512x32xf32, #tpu.memory_space<vmem>>[vector<16xi32>, vector<16xi32>], vector<16xf32>,
        %parallel_loop3A_801 = arith.addf %parallel_loop3A_800, %get3A_550 : vector<16xf32>
        %parallel_loop3A_802 = arith.addi %add3A_116, %parallel_loop3A_795 : vector<16xi32>
        %parallel_loop3A_803 = vector.broadcast %parallel_loop3A_667 : i32 to vector<16xi32>
        %parallel_loop3A_804 = arith.addi %parallel_loop3A_802, %parallel_loop3A_803 : vector<16xi32>
        %parallel_loop3A_805 = arith.constant 0 : i32
        %parallel_loop3A_806 = tpu.memref_slice %arg9[%parallel_loop3A_561, %parallel_loop3A_805] : memref<2x16384xf32, #tpu.memory_space<vmem>> -> memref<1x16384xf32, #tpu.memory_space<vmem>>
        %parallel_loop3A_807 = tpu.memref_squeeze %parallel_loop3A_806 : memref<1x16384xf32, #tpu.memory_space<vmem>> -> memref<16384xf32, #tpu.memory_space<vmem>>
        tpu.vector_store_idx %parallel_loop3A_807[%parallel_loop3A_804], %parallel_loop3A_801 : memref<16384xf32, #tpu.memory_space<vmem>>[vector<16xi32>], vector<16xf32>,
        %parallel_loop3A_808 = vector.broadcast %parallel_loop3A_663 : i32 to vector<16xi32>
        %parallel_loop3A_809 = arith.addi %and3A_71, %parallel_loop3A_808 : vector<16xi32>
        %parallel_loop3A_810 = arith.constant 0 : i32
        %parallel_loop3A_811 = arith.constant 0 : i32
        %parallel_loop3A_812 = tpu.memref_slice %arg13[%parallel_loop3A_560, %parallel_loop3A_810, %parallel_loop3A_811] : memref<2x512x32xf32, #tpu.memory_space<vmem>> -> memref<1x512x32xf32, #tpu.memory_space<vmem>>
        %parallel_loop3A_813 = tpu.memref_squeeze %parallel_loop3A_812 : memref<1x512x32xf32, #tpu.memory_space<vmem>> -> memref<512x32xf32, #tpu.memory_space<vmem>>
        %parallel_loop3A_814 = tpu.vector_load_idx %parallel_loop3A_813[%parallel_loop3A_809, %add3A_104] : memref<512x32xf32, #tpu.memory_space<vmem>>[vector<16xi32>, vector<16xi32>], vector<16xf32>,
        %parallel_loop3A_815 = arith.addf %parallel_loop3A_814, %get3A_550 : vector<16xf32>
        %parallel_loop3A_816 = arith.addi %add3A_116, %parallel_loop3A_809 : vector<16xi32>
        %parallel_loop3A_817 = vector.broadcast %parallel_loop3A_667 : i32 to vector<16xi32>
        %parallel_loop3A_818 = arith.addi %parallel_loop3A_816, %parallel_loop3A_817 : vector<16xi32>
        %parallel_loop3A_819 = arith.constant 0 : i32
        %parallel_loop3A_820 = tpu.memref_slice %arg9[%parallel_loop3A_561, %parallel_loop3A_819] : memref<2x16384xf32, #tpu.memory_space<vmem>> -> memref<1x16384xf32, #tpu.memory_space<vmem>>
        %parallel_loop3A_821 = tpu.memref_squeeze %parallel_loop3A_820 : memref<1x16384xf32, #tpu.memory_space<vmem>> -> memref<16384xf32, #tpu.memory_space<vmem>>
        tpu.vector_store_idx %parallel_loop3A_821[%parallel_loop3A_818], %parallel_loop3A_815 : memref<16384xf32, #tpu.memory_space<vmem>>[vector<16xi32>], vector<16xf32>,
        %parallel_loop3A_822 = vector.broadcast %parallel_loop3A_663 : i32 to vector<16xi32>
        %parallel_loop3A_823 = arith.addi %and3A_77, %parallel_loop3A_822 : vector<16xi32>
        %parallel_loop3A_824 = arith.constant 0 : i32
        %parallel_loop3A_825 = arith.constant 0 : i32
        %parallel_loop3A_826 = tpu.memref_slice %arg13[%parallel_loop3A_560, %parallel_loop3A_824, %parallel_loop3A_825] : memref<2x512x32xf32, #tpu.memory_space<vmem>> -> memref<1x512x32xf32, #tpu.memory_space<vmem>>
        %parallel_loop3A_827 = tpu.memref_squeeze %parallel_loop3A_826 : memref<1x512x32xf32, #tpu.memory_space<vmem>> -> memref<512x32xf32, #tpu.memory_space<vmem>>
        %parallel_loop3A_828 = tpu.vector_load_idx %parallel_loop3A_827[%parallel_loop3A_823, %add3A_104] : memref<512x32xf32, #tpu.memory_space<vmem>>[vector<16xi32>, vector<16xi32>], vector<16xf32>,
        %parallel_loop3A_829 = arith.addf %parallel_loop3A_828, %get3A_550 : vector<16xf32>
        %parallel_loop3A_830 = arith.addi %add3A_116, %parallel_loop3A_823 : vector<16xi32>
        %parallel_loop3A_831 = vector.broadcast %parallel_loop3A_667 : i32 to vector<16xi32>
        %parallel_loop3A_832 = arith.addi %parallel_loop3A_830, %parallel_loop3A_831 : vector<16xi32>
        %parallel_loop3A_833 = arith.constant 0 : i32
        %parallel_loop3A_834 = tpu.memref_slice %arg9[%parallel_loop3A_561, %parallel_loop3A_833] : memref<2x16384xf32, #tpu.memory_space<vmem>> -> memref<1x16384xf32, #tpu.memory_space<vmem>>
        %parallel_loop3A_835 = tpu.memref_squeeze %parallel_loop3A_834 : memref<1x16384xf32, #tpu.memory_space<vmem>> -> memref<16384xf32, #tpu.memory_space<vmem>>
        tpu.vector_store_idx %parallel_loop3A_835[%parallel_loop3A_832], %parallel_loop3A_829 : memref<16384xf32, #tpu.memory_space<vmem>>[vector<16xi32>], vector<16xf32>,
        %parallel_loop3A_836 = vector.broadcast %parallel_loop3A_663 : i32 to vector<16xi32>
        %parallel_loop3A_837 = arith.addi %and3A_83, %parallel_loop3A_836 : vector<16xi32>
        %parallel_loop3A_838 = arith.constant 0 : i32
        %parallel_loop3A_839 = arith.constant 0 : i32
        %parallel_loop3A_840 = tpu.memref_slice %arg13[%parallel_loop3A_560, %parallel_loop3A_838, %parallel_loop3A_839] : memref<2x512x32xf32, #tpu.memory_space<vmem>> -> memref<1x512x32xf32, #tpu.memory_space<vmem>>
        %parallel_loop3A_841 = tpu.memref_squeeze %parallel_loop3A_840 : memref<1x512x32xf32, #tpu.memory_space<vmem>> -> memref<512x32xf32, #tpu.memory_space<vmem>>
        %parallel_loop3A_842 = tpu.vector_load_idx %parallel_loop3A_841[%parallel_loop3A_837, %add3A_104] : memref<512x32xf32, #tpu.memory_space<vmem>>[vector<16xi32>, vector<16xi32>], vector<16xf32>,
        %parallel_loop3A_843 = arith.addf %parallel_loop3A_842, %get3A_550 : vector<16xf32>
        %parallel_loop3A_844 = arith.addi %add3A_116, %parallel_loop3A_837 : vector<16xi32>
        %parallel_loop3A_845 = vector.broadcast %parallel_loop3A_667 : i32 to vector<16xi32>
        %parallel_loop3A_846 = arith.addi %parallel_loop3A_844, %parallel_loop3A_845 : vector<16xi32>
        %parallel_loop3A_847 = arith.constant 0 : i32
        %parallel_loop3A_848 = tpu.memref_slice %arg9[%parallel_loop3A_561, %parallel_loop3A_847] : memref<2x16384xf32, #tpu.memory_space<vmem>> -> memref<1x16384xf32, #tpu.memory_space<vmem>>
        %parallel_loop3A_849 = tpu.memref_squeeze %parallel_loop3A_848 : memref<1x16384xf32, #tpu.memory_space<vmem>> -> memref<16384xf32, #tpu.memory_space<vmem>>
        tpu.vector_store_idx %parallel_loop3A_849[%parallel_loop3A_846], %parallel_loop3A_843 : memref<16384xf32, #tpu.memory_space<vmem>>[vector<16xi32>], vector<16xf32>,
        %parallel_loop3A_850 = vector.broadcast %parallel_loop3A_663 : i32 to vector<16xi32>
        %parallel_loop3A_851 = arith.addi %and3A_89, %parallel_loop3A_850 : vector<16xi32>
        %parallel_loop3A_852 = arith.constant 0 : i32
        %parallel_loop3A_853 = arith.constant 0 : i32
        %parallel_loop3A_854 = tpu.memref_slice %arg13[%parallel_loop3A_560, %parallel_loop3A_852, %parallel_loop3A_853] : memref<2x512x32xf32, #tpu.memory_space<vmem>> -> memref<1x512x32xf32, #tpu.memory_space<vmem>>
        %parallel_loop3A_855 = tpu.memref_squeeze %parallel_loop3A_854 : memref<1x512x32xf32, #tpu.memory_space<vmem>> -> memref<512x32xf32, #tpu.memory_space<vmem>>
        %parallel_loop3A_856 = tpu.vector_load_idx %parallel_loop3A_855[%parallel_loop3A_851, %add3A_104] : memref<512x32xf32, #tpu.memory_space<vmem>>[vector<16xi32>, vector<16xi32>], vector<16xf32>,
        %parallel_loop3A_857 = arith.addf %parallel_loop3A_856, %get3A_550 : vector<16xf32>
        %parallel_loop3A_858 = arith.addi %add3A_116, %parallel_loop3A_851 : vector<16xi32>
        %parallel_loop3A_859 = vector.broadcast %parallel_loop3A_667 : i32 to vector<16xi32>
        %parallel_loop3A_860 = arith.addi %parallel_loop3A_858, %parallel_loop3A_859 : vector<16xi32>
        %parallel_loop3A_861 = arith.constant 0 : i32
        %parallel_loop3A_862 = tpu.memref_slice %arg9[%parallel_loop3A_561, %parallel_loop3A_861] : memref<2x16384xf32, #tpu.memory_space<vmem>> -> memref<1x16384xf32, #tpu.memory_space<vmem>>
        %parallel_loop3A_863 = tpu.memref_squeeze %parallel_loop3A_862 : memref<1x16384xf32, #tpu.memory_space<vmem>> -> memref<16384xf32, #tpu.memory_space<vmem>>
        tpu.vector_store_idx %parallel_loop3A_863[%parallel_loop3A_860], %parallel_loop3A_857 : memref<16384xf32, #tpu.memory_space<vmem>>[vector<16xi32>], vector<16xf32>,
        %parallel_loop3A_864 = vector.broadcast %parallel_loop3A_663 : i32 to vector<16xi32>
        %parallel_loop3A_865 = arith.addi %and3A_95, %parallel_loop3A_864 : vector<16xi32>
        %parallel_loop3A_866 = arith.constant 0 : i32
        %parallel_loop3A_867 = arith.constant 0 : i32
        %parallel_loop3A_868 = tpu.memref_slice %arg13[%parallel_loop3A_560, %parallel_loop3A_866, %parallel_loop3A_867] : memref<2x512x32xf32, #tpu.memory_space<vmem>> -> memref<1x512x32xf32, #tpu.memory_space<vmem>>
        %parallel_loop3A_869 = tpu.memref_squeeze %parallel_loop3A_868 : memref<1x512x32xf32, #tpu.memory_space<vmem>> -> memref<512x32xf32, #tpu.memory_space<vmem>>
        %parallel_loop3A_870 = tpu.vector_load_idx %parallel_loop3A_869[%parallel_loop3A_865, %add3A_104] : memref<512x32xf32, #tpu.memory_space<vmem>>[vector<16xi32>, vector<16xi32>], vector<16xf32>,
        %parallel_loop3A_871 = arith.addf %parallel_loop3A_870, %get3A_550 : vector<16xf32>
        %parallel_loop3A_872 = arith.addi %add3A_116, %parallel_loop3A_865 : vector<16xi32>
        %parallel_loop3A_873 = vector.broadcast %parallel_loop3A_667 : i32 to vector<16xi32>
        %parallel_loop3A_874 = arith.addi %parallel_loop3A_872, %parallel_loop3A_873 : vector<16xi32>
        %parallel_loop3A_875 = arith.constant 0 : i32
        %parallel_loop3A_876 = tpu.memref_slice %arg9[%parallel_loop3A_561, %parallel_loop3A_875] : memref<2x16384xf32, #tpu.memory_space<vmem>> -> memref<1x16384xf32, #tpu.memory_space<vmem>>
        %parallel_loop3A_877 = tpu.memref_squeeze %parallel_loop3A_876 : memref<1x16384xf32, #tpu.memory_space<vmem>> -> memref<16384xf32, #tpu.memory_space<vmem>>
        tpu.vector_store_idx %parallel_loop3A_877[%parallel_loop3A_874], %parallel_loop3A_871 : memref<16384xf32, #tpu.memory_space<vmem>>[vector<16xi32>], vector<16xf32>,
        %parallel_loop3A_878 = vector.broadcast %parallel_loop3A_663 : i32 to vector<16xi32>
        %parallel_loop3A_879 = arith.addi %and3A_101, %parallel_loop3A_878 : vector<16xi32>
        %parallel_loop3A_880 = arith.constant 0 : i32
        %parallel_loop3A_881 = arith.constant 0 : i32
        %parallel_loop3A_882 = tpu.memref_slice %arg13[%parallel_loop3A_560, %parallel_loop3A_880, %parallel_loop3A_881] : memref<2x512x32xf32, #tpu.memory_space<vmem>> -> memref<1x512x32xf32, #tpu.memory_space<vmem>>
        %parallel_loop3A_883 = tpu.memref_squeeze %parallel_loop3A_882 : memref<1x512x32xf32, #tpu.memory_space<vmem>> -> memref<512x32xf32, #tpu.memory_space<vmem>>
        %parallel_loop3A_884 = tpu.vector_load_idx %parallel_loop3A_883[%parallel_loop3A_879, %add3A_104] : memref<512x32xf32, #tpu.memory_space<vmem>>[vector<16xi32>, vector<16xi32>], vector<16xf32>,
        %parallel_loop3A_885 = arith.addf %parallel_loop3A_884, %get3A_550 : vector<16xf32>
        %parallel_loop3A_886 = arith.addi %add3A_116, %parallel_loop3A_879 : vector<16xi32>
        %parallel_loop3A_887 = vector.broadcast %parallel_loop3A_667 : i32 to vector<16xi32>
        %parallel_loop3A_888 = arith.addi %parallel_loop3A_886, %parallel_loop3A_887 : vector<16xi32>
        %parallel_loop3A_889 = arith.constant 0 : i32
        %parallel_loop3A_890 = tpu.memref_slice %arg9[%parallel_loop3A_561, %parallel_loop3A_889] : memref<2x16384xf32, #tpu.memory_space<vmem>> -> memref<1x16384xf32, #tpu.memory_space<vmem>>
        %parallel_loop3A_891 = tpu.memref_squeeze %parallel_loop3A_890 : memref<1x16384xf32, #tpu.memory_space<vmem>> -> memref<16384xf32, #tpu.memory_space<vmem>>
        tpu.vector_store_idx %parallel_loop3A_891[%parallel_loop3A_888], %parallel_loop3A_885 : memref<16384xf32, #tpu.memory_space<vmem>>[vector<16xi32>], vector<16xf32>,
      } {sc.loop_unroll_factor = 2 : i64, sc.parallel_access}
      %parallel_loop3A_562 = arith.constant 0 : i32
      %parallel_loop3A_563 = arith.constant 512 : i32
      %parallel_loop3A_564 = arith.constant 16 : i32
      %parallel_loop3A_565 = arith.constant 1 : i32
      %parallel_loop3A_566 = arith.constant 1 : i32
      scf.for %parallel_loop3A_663 = %parallel_loop3A_562 to %parallel_loop3A_563 step %parallel_loop3A_564  : i32 {
        %parallel_loop3A_664 = arith.constant 7 : i32
        %parallel_loop3A_665 = arith.shrsi %parallel_loop3A_663, %parallel_loop3A_664 : i32
        %parallel_loop3A_666 = arith.constant 896 : i32
        %parallel_loop3A_667 = arith.muli %parallel_loop3A_665, %parallel_loop3A_666 : i32
        %parallel_loop3A_668 = vector.broadcast %parallel_loop3A_663 : i32 to vector<16xi32>
        %parallel_loop3A_669 = arith.addi %and3A_11, %parallel_loop3A_668 : vector<16xi32>
        %parallel_loop3A_670 = arith.constant 0 : i32
        %parallel_loop3A_671 = arith.constant 0 : i32
        %parallel_loop3A_672 = tpu.memref_slice %arg13[%parallel_loop3A_565, %parallel_loop3A_670, %parallel_loop3A_671] : memref<2x512x32xf32, #tpu.memory_space<vmem>> -> memref<1x512x32xf32, #tpu.memory_space<vmem>>
        %parallel_loop3A_673 = tpu.memref_squeeze %parallel_loop3A_672 : memref<1x512x32xf32, #tpu.memory_space<vmem>> -> memref<512x32xf32, #tpu.memory_space<vmem>>
        %parallel_loop3A_674 = tpu.vector_load_idx %parallel_loop3A_673[%parallel_loop3A_669, %add3A_119] : memref<512x32xf32, #tpu.memory_space<vmem>>[vector<16xi32>, vector<16xi32>], vector<16xf32>,
        %parallel_loop3A_675 = arith.addf %parallel_loop3A_674, %get3A_556 : vector<16xf32>
        %parallel_loop3A_676 = arith.addi %add3A_132, %parallel_loop3A_669 : vector<16xi32>
        %parallel_loop3A_677 = vector.broadcast %parallel_loop3A_667 : i32 to vector<16xi32>
        %parallel_loop3A_678 = arith.addi %parallel_loop3A_676, %parallel_loop3A_677 : vector<16xi32>
        %parallel_loop3A_679 = arith.constant 0 : i32
        %parallel_loop3A_680 = tpu.memref_slice %arg9[%parallel_loop3A_566, %parallel_loop3A_679] : memref<2x16384xf32, #tpu.memory_space<vmem>> -> memref<1x16384xf32, #tpu.memory_space<vmem>>
        %parallel_loop3A_681 = tpu.memref_squeeze %parallel_loop3A_680 : memref<1x16384xf32, #tpu.memory_space<vmem>> -> memref<16384xf32, #tpu.memory_space<vmem>>
        tpu.vector_store_idx %parallel_loop3A_681[%parallel_loop3A_678], %parallel_loop3A_675 : memref<16384xf32, #tpu.memory_space<vmem>>[vector<16xi32>], vector<16xf32>,
        %parallel_loop3A_682 = vector.broadcast %parallel_loop3A_663 : i32 to vector<16xi32>
        %parallel_loop3A_683 = arith.addi %and3A_17, %parallel_loop3A_682 : vector<16xi32>
        %parallel_loop3A_684 = arith.constant 0 : i32
        %parallel_loop3A_685 = arith.constant 0 : i32
        %parallel_loop3A_686 = tpu.memref_slice %arg13[%parallel_loop3A_565, %parallel_loop3A_684, %parallel_loop3A_685] : memref<2x512x32xf32, #tpu.memory_space<vmem>> -> memref<1x512x32xf32, #tpu.memory_space<vmem>>
        %parallel_loop3A_687 = tpu.memref_squeeze %parallel_loop3A_686 : memref<1x512x32xf32, #tpu.memory_space<vmem>> -> memref<512x32xf32, #tpu.memory_space<vmem>>
        %parallel_loop3A_688 = tpu.vector_load_idx %parallel_loop3A_687[%parallel_loop3A_683, %add3A_119] : memref<512x32xf32, #tpu.memory_space<vmem>>[vector<16xi32>, vector<16xi32>], vector<16xf32>,
        %parallel_loop3A_689 = arith.addf %parallel_loop3A_688, %get3A_556 : vector<16xf32>
        %parallel_loop3A_690 = arith.addi %add3A_132, %parallel_loop3A_683 : vector<16xi32>
        %parallel_loop3A_691 = vector.broadcast %parallel_loop3A_667 : i32 to vector<16xi32>
        %parallel_loop3A_692 = arith.addi %parallel_loop3A_690, %parallel_loop3A_691 : vector<16xi32>
        %parallel_loop3A_693 = arith.constant 0 : i32
        %parallel_loop3A_694 = tpu.memref_slice %arg9[%parallel_loop3A_566, %parallel_loop3A_693] : memref<2x16384xf32, #tpu.memory_space<vmem>> -> memref<1x16384xf32, #tpu.memory_space<vmem>>
        %parallel_loop3A_695 = tpu.memref_squeeze %parallel_loop3A_694 : memref<1x16384xf32, #tpu.memory_space<vmem>> -> memref<16384xf32, #tpu.memory_space<vmem>>
        tpu.vector_store_idx %parallel_loop3A_695[%parallel_loop3A_692], %parallel_loop3A_689 : memref<16384xf32, #tpu.memory_space<vmem>>[vector<16xi32>], vector<16xf32>,
        %parallel_loop3A_696 = vector.broadcast %parallel_loop3A_663 : i32 to vector<16xi32>
        %parallel_loop3A_697 = arith.addi %and3A_23, %parallel_loop3A_696 : vector<16xi32>
        %parallel_loop3A_698 = arith.constant 0 : i32
        %parallel_loop3A_699 = arith.constant 0 : i32
        %parallel_loop3A_700 = tpu.memref_slice %arg13[%parallel_loop3A_565, %parallel_loop3A_698, %parallel_loop3A_699] : memref<2x512x32xf32, #tpu.memory_space<vmem>> -> memref<1x512x32xf32, #tpu.memory_space<vmem>>
        %parallel_loop3A_701 = tpu.memref_squeeze %parallel_loop3A_700 : memref<1x512x32xf32, #tpu.memory_space<vmem>> -> memref<512x32xf32, #tpu.memory_space<vmem>>
        %parallel_loop3A_702 = tpu.vector_load_idx %parallel_loop3A_701[%parallel_loop3A_697, %add3A_119] : memref<512x32xf32, #tpu.memory_space<vmem>>[vector<16xi32>, vector<16xi32>], vector<16xf32>,
        %parallel_loop3A_703 = arith.addf %parallel_loop3A_702, %get3A_556 : vector<16xf32>
        %parallel_loop3A_704 = arith.addi %add3A_132, %parallel_loop3A_697 : vector<16xi32>
        %parallel_loop3A_705 = vector.broadcast %parallel_loop3A_667 : i32 to vector<16xi32>
        %parallel_loop3A_706 = arith.addi %parallel_loop3A_704, %parallel_loop3A_705 : vector<16xi32>
        %parallel_loop3A_707 = arith.constant 0 : i32
        %parallel_loop3A_708 = tpu.memref_slice %arg9[%parallel_loop3A_566, %parallel_loop3A_707] : memref<2x16384xf32, #tpu.memory_space<vmem>> -> memref<1x16384xf32, #tpu.memory_space<vmem>>
        %parallel_loop3A_709 = tpu.memref_squeeze %parallel_loop3A_708 : memref<1x16384xf32, #tpu.memory_space<vmem>> -> memref<16384xf32, #tpu.memory_space<vmem>>
        tpu.vector_store_idx %parallel_loop3A_709[%parallel_loop3A_706], %parallel_loop3A_703 : memref<16384xf32, #tpu.memory_space<vmem>>[vector<16xi32>], vector<16xf32>,
        %parallel_loop3A_710 = vector.broadcast %parallel_loop3A_663 : i32 to vector<16xi32>
        %parallel_loop3A_711 = arith.addi %and3A_29, %parallel_loop3A_710 : vector<16xi32>
        %parallel_loop3A_712 = arith.constant 0 : i32
        %parallel_loop3A_713 = arith.constant 0 : i32
        %parallel_loop3A_714 = tpu.memref_slice %arg13[%parallel_loop3A_565, %parallel_loop3A_712, %parallel_loop3A_713] : memref<2x512x32xf32, #tpu.memory_space<vmem>> -> memref<1x512x32xf32, #tpu.memory_space<vmem>>
        %parallel_loop3A_715 = tpu.memref_squeeze %parallel_loop3A_714 : memref<1x512x32xf32, #tpu.memory_space<vmem>> -> memref<512x32xf32, #tpu.memory_space<vmem>>
        %parallel_loop3A_716 = tpu.vector_load_idx %parallel_loop3A_715[%parallel_loop3A_711, %add3A_119] : memref<512x32xf32, #tpu.memory_space<vmem>>[vector<16xi32>, vector<16xi32>], vector<16xf32>,
        %parallel_loop3A_717 = arith.addf %parallel_loop3A_716, %get3A_556 : vector<16xf32>
        %parallel_loop3A_718 = arith.addi %add3A_132, %parallel_loop3A_711 : vector<16xi32>
        %parallel_loop3A_719 = vector.broadcast %parallel_loop3A_667 : i32 to vector<16xi32>
        %parallel_loop3A_720 = arith.addi %parallel_loop3A_718, %parallel_loop3A_719 : vector<16xi32>
        %parallel_loop3A_721 = arith.constant 0 : i32
        %parallel_loop3A_722 = tpu.memref_slice %arg9[%parallel_loop3A_566, %parallel_loop3A_721] : memref<2x16384xf32, #tpu.memory_space<vmem>> -> memref<1x16384xf32, #tpu.memory_space<vmem>>
        %parallel_loop3A_723 = tpu.memref_squeeze %parallel_loop3A_722 : memref<1x16384xf32, #tpu.memory_space<vmem>> -> memref<16384xf32, #tpu.memory_space<vmem>>
        tpu.vector_store_idx %parallel_loop3A_723[%parallel_loop3A_720], %parallel_loop3A_717 : memref<16384xf32, #tpu.memory_space<vmem>>[vector<16xi32>], vector<16xf32>,
        %parallel_loop3A_724 = vector.broadcast %parallel_loop3A_663 : i32 to vector<16xi32>
        %parallel_loop3A_725 = arith.addi %and3A_35, %parallel_loop3A_724 : vector<16xi32>
        %parallel_loop3A_726 = arith.constant 0 : i32
        %parallel_loop3A_727 = arith.constant 0 : i32
        %parallel_loop3A_728 = tpu.memref_slice %arg13[%parallel_loop3A_565, %parallel_loop3A_726, %parallel_loop3A_727] : memref<2x512x32xf32, #tpu.memory_space<vmem>> -> memref<1x512x32xf32, #tpu.memory_space<vmem>>
        %parallel_loop3A_729 = tpu.memref_squeeze %parallel_loop3A_728 : memref<1x512x32xf32, #tpu.memory_space<vmem>> -> memref<512x32xf32, #tpu.memory_space<vmem>>
        %parallel_loop3A_730 = tpu.vector_load_idx %parallel_loop3A_729[%parallel_loop3A_725, %add3A_119] : memref<512x32xf32, #tpu.memory_space<vmem>>[vector<16xi32>, vector<16xi32>], vector<16xf32>,
        %parallel_loop3A_731 = arith.addf %parallel_loop3A_730, %get3A_556 : vector<16xf32>
        %parallel_loop3A_732 = arith.addi %add3A_132, %parallel_loop3A_725 : vector<16xi32>
        %parallel_loop3A_733 = vector.broadcast %parallel_loop3A_667 : i32 to vector<16xi32>
        %parallel_loop3A_734 = arith.addi %parallel_loop3A_732, %parallel_loop3A_733 : vector<16xi32>
        %parallel_loop3A_735 = arith.constant 0 : i32
        %parallel_loop3A_736 = tpu.memref_slice %arg9[%parallel_loop3A_566, %parallel_loop3A_735] : memref<2x16384xf32, #tpu.memory_space<vmem>> -> memref<1x16384xf32, #tpu.memory_space<vmem>>
        %parallel_loop3A_737 = tpu.memref_squeeze %parallel_loop3A_736 : memref<1x16384xf32, #tpu.memory_space<vmem>> -> memref<16384xf32, #tpu.memory_space<vmem>>
        tpu.vector_store_idx %parallel_loop3A_737[%parallel_loop3A_734], %parallel_loop3A_731 : memref<16384xf32, #tpu.memory_space<vmem>>[vector<16xi32>], vector<16xf32>,
        %parallel_loop3A_738 = vector.broadcast %parallel_loop3A_663 : i32 to vector<16xi32>
        %parallel_loop3A_739 = arith.addi %and3A_41, %parallel_loop3A_738 : vector<16xi32>
        %parallel_loop3A_740 = arith.constant 0 : i32
        %parallel_loop3A_741 = arith.constant 0 : i32
        %parallel_loop3A_742 = tpu.memref_slice %arg13[%parallel_loop3A_565, %parallel_loop3A_740, %parallel_loop3A_741] : memref<2x512x32xf32, #tpu.memory_space<vmem>> -> memref<1x512x32xf32, #tpu.memory_space<vmem>>
        %parallel_loop3A_743 = tpu.memref_squeeze %parallel_loop3A_742 : memref<1x512x32xf32, #tpu.memory_space<vmem>> -> memref<512x32xf32, #tpu.memory_space<vmem>>
        %parallel_loop3A_744 = tpu.vector_load_idx %parallel_loop3A_743[%parallel_loop3A_739, %add3A_119] : memref<512x32xf32, #tpu.memory_space<vmem>>[vector<16xi32>, vector<16xi32>], vector<16xf32>,
        %parallel_loop3A_745 = arith.addf %parallel_loop3A_744, %get3A_556 : vector<16xf32>
        %parallel_loop3A_746 = arith.addi %add3A_132, %parallel_loop3A_739 : vector<16xi32>
        %parallel_loop3A_747 = vector.broadcast %parallel_loop3A_667 : i32 to vector<16xi32>
        %parallel_loop3A_748 = arith.addi %parallel_loop3A_746, %parallel_loop3A_747 : vector<16xi32>
        %parallel_loop3A_749 = arith.constant 0 : i32
        %parallel_loop3A_750 = tpu.memref_slice %arg9[%parallel_loop3A_566, %parallel_loop3A_749] : memref<2x16384xf32, #tpu.memory_space<vmem>> -> memref<1x16384xf32, #tpu.memory_space<vmem>>
        %parallel_loop3A_751 = tpu.memref_squeeze %parallel_loop3A_750 : memref<1x16384xf32, #tpu.memory_space<vmem>> -> memref<16384xf32, #tpu.memory_space<vmem>>
        tpu.vector_store_idx %parallel_loop3A_751[%parallel_loop3A_748], %parallel_loop3A_745 : memref<16384xf32, #tpu.memory_space<vmem>>[vector<16xi32>], vector<16xf32>,
        %parallel_loop3A_752 = vector.broadcast %parallel_loop3A_663 : i32 to vector<16xi32>
        %parallel_loop3A_753 = arith.addi %and3A_47, %parallel_loop3A_752 : vector<16xi32>
        %parallel_loop3A_754 = arith.constant 0 : i32
        %parallel_loop3A_755 = arith.constant 0 : i32
        %parallel_loop3A_756 = tpu.memref_slice %arg13[%parallel_loop3A_565, %parallel_loop3A_754, %parallel_loop3A_755] : memref<2x512x32xf32, #tpu.memory_space<vmem>> -> memref<1x512x32xf32, #tpu.memory_space<vmem>>
        %parallel_loop3A_757 = tpu.memref_squeeze %parallel_loop3A_756 : memref<1x512x32xf32, #tpu.memory_space<vmem>> -> memref<512x32xf32, #tpu.memory_space<vmem>>
        %parallel_loop3A_758 = tpu.vector_load_idx %parallel_loop3A_757[%parallel_loop3A_753, %add3A_119] : memref<512x32xf32, #tpu.memory_space<vmem>>[vector<16xi32>, vector<16xi32>], vector<16xf32>,
        %parallel_loop3A_759 = arith.addf %parallel_loop3A_758, %get3A_556 : vector<16xf32>
        %parallel_loop3A_760 = arith.addi %add3A_132, %parallel_loop3A_753 : vector<16xi32>
        %parallel_loop3A_761 = vector.broadcast %parallel_loop3A_667 : i32 to vector<16xi32>
        %parallel_loop3A_762 = arith.addi %parallel_loop3A_760, %parallel_loop3A_761 : vector<16xi32>
        %parallel_loop3A_763 = arith.constant 0 : i32
        %parallel_loop3A_764 = tpu.memref_slice %arg9[%parallel_loop3A_566, %parallel_loop3A_763] : memref<2x16384xf32, #tpu.memory_space<vmem>> -> memref<1x16384xf32, #tpu.memory_space<vmem>>
        %parallel_loop3A_765 = tpu.memref_squeeze %parallel_loop3A_764 : memref<1x16384xf32, #tpu.memory_space<vmem>> -> memref<16384xf32, #tpu.memory_space<vmem>>
        tpu.vector_store_idx %parallel_loop3A_765[%parallel_loop3A_762], %parallel_loop3A_759 : memref<16384xf32, #tpu.memory_space<vmem>>[vector<16xi32>], vector<16xf32>,
        %parallel_loop3A_766 = vector.broadcast %parallel_loop3A_663 : i32 to vector<16xi32>
        %parallel_loop3A_767 = arith.addi %and3A_53, %parallel_loop3A_766 : vector<16xi32>
        %parallel_loop3A_768 = arith.constant 0 : i32
        %parallel_loop3A_769 = arith.constant 0 : i32
        %parallel_loop3A_770 = tpu.memref_slice %arg13[%parallel_loop3A_565, %parallel_loop3A_768, %parallel_loop3A_769] : memref<2x512x32xf32, #tpu.memory_space<vmem>> -> memref<1x512x32xf32, #tpu.memory_space<vmem>>
        %parallel_loop3A_771 = tpu.memref_squeeze %parallel_loop3A_770 : memref<1x512x32xf32, #tpu.memory_space<vmem>> -> memref<512x32xf32, #tpu.memory_space<vmem>>
        %parallel_loop3A_772 = tpu.vector_load_idx %parallel_loop3A_771[%parallel_loop3A_767, %add3A_119] : memref<512x32xf32, #tpu.memory_space<vmem>>[vector<16xi32>, vector<16xi32>], vector<16xf32>,
        %parallel_loop3A_773 = arith.addf %parallel_loop3A_772, %get3A_556 : vector<16xf32>
        %parallel_loop3A_774 = arith.addi %add3A_132, %parallel_loop3A_767 : vector<16xi32>
        %parallel_loop3A_775 = vector.broadcast %parallel_loop3A_667 : i32 to vector<16xi32>
        %parallel_loop3A_776 = arith.addi %parallel_loop3A_774, %parallel_loop3A_775 : vector<16xi32>
        %parallel_loop3A_777 = arith.constant 0 : i32
        %parallel_loop3A_778 = tpu.memref_slice %arg9[%parallel_loop3A_566, %parallel_loop3A_777] : memref<2x16384xf32, #tpu.memory_space<vmem>> -> memref<1x16384xf32, #tpu.memory_space<vmem>>
        %parallel_loop3A_779 = tpu.memref_squeeze %parallel_loop3A_778 : memref<1x16384xf32, #tpu.memory_space<vmem>> -> memref<16384xf32, #tpu.memory_space<vmem>>
        tpu.vector_store_idx %parallel_loop3A_779[%parallel_loop3A_776], %parallel_loop3A_773 : memref<16384xf32, #tpu.memory_space<vmem>>[vector<16xi32>], vector<16xf32>,
        %parallel_loop3A_780 = vector.broadcast %parallel_loop3A_663 : i32 to vector<16xi32>
        %parallel_loop3A_781 = arith.addi %and3A_59, %parallel_loop3A_780 : vector<16xi32>
        %parallel_loop3A_782 = arith.constant 0 : i32
        %parallel_loop3A_783 = arith.constant 0 : i32
        %parallel_loop3A_784 = tpu.memref_slice %arg13[%parallel_loop3A_565, %parallel_loop3A_782, %parallel_loop3A_783] : memref<2x512x32xf32, #tpu.memory_space<vmem>> -> memref<1x512x32xf32, #tpu.memory_space<vmem>>
        %parallel_loop3A_785 = tpu.memref_squeeze %parallel_loop3A_784 : memref<1x512x32xf32, #tpu.memory_space<vmem>> -> memref<512x32xf32, #tpu.memory_space<vmem>>
        %parallel_loop3A_786 = tpu.vector_load_idx %parallel_loop3A_785[%parallel_loop3A_781, %add3A_119] : memref<512x32xf32, #tpu.memory_space<vmem>>[vector<16xi32>, vector<16xi32>], vector<16xf32>,
        %parallel_loop3A_787 = arith.addf %parallel_loop3A_786, %get3A_556 : vector<16xf32>
        %parallel_loop3A_788 = arith.addi %add3A_132, %parallel_loop3A_781 : vector<16xi32>
        %parallel_loop3A_789 = vector.broadcast %parallel_loop3A_667 : i32 to vector<16xi32>
        %parallel_loop3A_790 = arith.addi %parallel_loop3A_788, %parallel_loop3A_789 : vector<16xi32>
        %parallel_loop3A_791 = arith.constant 0 : i32
        %parallel_loop3A_792 = tpu.memref_slice %arg9[%parallel_loop3A_566, %parallel_loop3A_791] : memref<2x16384xf32, #tpu.memory_space<vmem>> -> memref<1x16384xf32, #tpu.memory_space<vmem>>
        %parallel_loop3A_793 = tpu.memref_squeeze %parallel_loop3A_792 : memref<1x16384xf32, #tpu.memory_space<vmem>> -> memref<16384xf32, #tpu.memory_space<vmem>>
        tpu.vector_store_idx %parallel_loop3A_793[%parallel_loop3A_790], %parallel_loop3A_787 : memref<16384xf32, #tpu.memory_space<vmem>>[vector<16xi32>], vector<16xf32>,
        %parallel_loop3A_794 = vector.broadcast %parallel_loop3A_663 : i32 to vector<16xi32>
        %parallel_loop3A_795 = arith.addi %and3A_65, %parallel_loop3A_794 : vector<16xi32>
        %parallel_loop3A_796 = arith.constant 0 : i32
        %parallel_loop3A_797 = arith.constant 0 : i32
        %parallel_loop3A_798 = tpu.memref_slice %arg13[%parallel_loop3A_565, %parallel_loop3A_796, %parallel_loop3A_797] : memref<2x512x32xf32, #tpu.memory_space<vmem>> -> memref<1x512x32xf32, #tpu.memory_space<vmem>>
        %parallel_loop3A_799 = tpu.memref_squeeze %parallel_loop3A_798 : memref<1x512x32xf32, #tpu.memory_space<vmem>> -> memref<512x32xf32, #tpu.memory_space<vmem>>
        %parallel_loop3A_800 = tpu.vector_load_idx %parallel_loop3A_799[%parallel_loop3A_795, %add3A_119] : memref<512x32xf32, #tpu.memory_space<vmem>>[vector<16xi32>, vector<16xi32>], vector<16xf32>,
        %parallel_loop3A_801 = arith.addf %parallel_loop3A_800, %get3A_556 : vector<16xf32>
        %parallel_loop3A_802 = arith.addi %add3A_132, %parallel_loop3A_795 : vector<16xi32>
        %parallel_loop3A_803 = vector.broadcast %parallel_loop3A_667 : i32 to vector<16xi32>
        %parallel_loop3A_804 = arith.addi %parallel_loop3A_802, %parallel_loop3A_803 : vector<16xi32>
        %parallel_loop3A_805 = arith.constant 0 : i32
        %parallel_loop3A_806 = tpu.memref_slice %arg9[%parallel_loop3A_566, %parallel_loop3A_805] : memref<2x16384xf32, #tpu.memory_space<vmem>> -> memref<1x16384xf32, #tpu.memory_space<vmem>>
        %parallel_loop3A_807 = tpu.memref_squeeze %parallel_loop3A_806 : memref<1x16384xf32, #tpu.memory_space<vmem>> -> memref<16384xf32, #tpu.memory_space<vmem>>
        tpu.vector_store_idx %parallel_loop3A_807[%parallel_loop3A_804], %parallel_loop3A_801 : memref<16384xf32, #tpu.memory_space<vmem>>[vector<16xi32>], vector<16xf32>,
        %parallel_loop3A_808 = vector.broadcast %parallel_loop3A_663 : i32 to vector<16xi32>
        %parallel_loop3A_809 = arith.addi %and3A_71, %parallel_loop3A_808 : vector<16xi32>
        %parallel_loop3A_810 = arith.constant 0 : i32
        %parallel_loop3A_811 = arith.constant 0 : i32
        %parallel_loop3A_812 = tpu.memref_slice %arg13[%parallel_loop3A_565, %parallel_loop3A_810, %parallel_loop3A_811] : memref<2x512x32xf32, #tpu.memory_space<vmem>> -> memref<1x512x32xf32, #tpu.memory_space<vmem>>
        %parallel_loop3A_813 = tpu.memref_squeeze %parallel_loop3A_812 : memref<1x512x32xf32, #tpu.memory_space<vmem>> -> memref<512x32xf32, #tpu.memory_space<vmem>>
        %parallel_loop3A_814 = tpu.vector_load_idx %parallel_loop3A_813[%parallel_loop3A_809, %add3A_119] : memref<512x32xf32, #tpu.memory_space<vmem>>[vector<16xi32>, vector<16xi32>], vector<16xf32>,
        %parallel_loop3A_815 = arith.addf %parallel_loop3A_814, %get3A_556 : vector<16xf32>
        %parallel_loop3A_816 = arith.addi %add3A_132, %parallel_loop3A_809 : vector<16xi32>
        %parallel_loop3A_817 = vector.broadcast %parallel_loop3A_667 : i32 to vector<16xi32>
        %parallel_loop3A_818 = arith.addi %parallel_loop3A_816, %parallel_loop3A_817 : vector<16xi32>
        %parallel_loop3A_819 = arith.constant 0 : i32
        %parallel_loop3A_820 = tpu.memref_slice %arg9[%parallel_loop3A_566, %parallel_loop3A_819] : memref<2x16384xf32, #tpu.memory_space<vmem>> -> memref<1x16384xf32, #tpu.memory_space<vmem>>
        %parallel_loop3A_821 = tpu.memref_squeeze %parallel_loop3A_820 : memref<1x16384xf32, #tpu.memory_space<vmem>> -> memref<16384xf32, #tpu.memory_space<vmem>>
        tpu.vector_store_idx %parallel_loop3A_821[%parallel_loop3A_818], %parallel_loop3A_815 : memref<16384xf32, #tpu.memory_space<vmem>>[vector<16xi32>], vector<16xf32>,
        %parallel_loop3A_822 = vector.broadcast %parallel_loop3A_663 : i32 to vector<16xi32>
        %parallel_loop3A_823 = arith.addi %and3A_77, %parallel_loop3A_822 : vector<16xi32>
        %parallel_loop3A_824 = arith.constant 0 : i32
        %parallel_loop3A_825 = arith.constant 0 : i32
        %parallel_loop3A_826 = tpu.memref_slice %arg13[%parallel_loop3A_565, %parallel_loop3A_824, %parallel_loop3A_825] : memref<2x512x32xf32, #tpu.memory_space<vmem>> -> memref<1x512x32xf32, #tpu.memory_space<vmem>>
        %parallel_loop3A_827 = tpu.memref_squeeze %parallel_loop3A_826 : memref<1x512x32xf32, #tpu.memory_space<vmem>> -> memref<512x32xf32, #tpu.memory_space<vmem>>
        %parallel_loop3A_828 = tpu.vector_load_idx %parallel_loop3A_827[%parallel_loop3A_823, %add3A_119] : memref<512x32xf32, #tpu.memory_space<vmem>>[vector<16xi32>, vector<16xi32>], vector<16xf32>,
        %parallel_loop3A_829 = arith.addf %parallel_loop3A_828, %get3A_556 : vector<16xf32>
        %parallel_loop3A_830 = arith.addi %add3A_132, %parallel_loop3A_823 : vector<16xi32>
        %parallel_loop3A_831 = vector.broadcast %parallel_loop3A_667 : i32 to vector<16xi32>
        %parallel_loop3A_832 = arith.addi %parallel_loop3A_830, %parallel_loop3A_831 : vector<16xi32>
        %parallel_loop3A_833 = arith.constant 0 : i32
        %parallel_loop3A_834 = tpu.memref_slice %arg9[%parallel_loop3A_566, %parallel_loop3A_833] : memref<2x16384xf32, #tpu.memory_space<vmem>> -> memref<1x16384xf32, #tpu.memory_space<vmem>>
        %parallel_loop3A_835 = tpu.memref_squeeze %parallel_loop3A_834 : memref<1x16384xf32, #tpu.memory_space<vmem>> -> memref<16384xf32, #tpu.memory_space<vmem>>
        tpu.vector_store_idx %parallel_loop3A_835[%parallel_loop3A_832], %parallel_loop3A_829 : memref<16384xf32, #tpu.memory_space<vmem>>[vector<16xi32>], vector<16xf32>,
        %parallel_loop3A_836 = vector.broadcast %parallel_loop3A_663 : i32 to vector<16xi32>
        %parallel_loop3A_837 = arith.addi %and3A_83, %parallel_loop3A_836 : vector<16xi32>
        %parallel_loop3A_838 = arith.constant 0 : i32
        %parallel_loop3A_839 = arith.constant 0 : i32
        %parallel_loop3A_840 = tpu.memref_slice %arg13[%parallel_loop3A_565, %parallel_loop3A_838, %parallel_loop3A_839] : memref<2x512x32xf32, #tpu.memory_space<vmem>> -> memref<1x512x32xf32, #tpu.memory_space<vmem>>
        %parallel_loop3A_841 = tpu.memref_squeeze %parallel_loop3A_840 : memref<1x512x32xf32, #tpu.memory_space<vmem>> -> memref<512x32xf32, #tpu.memory_space<vmem>>
        %parallel_loop3A_842 = tpu.vector_load_idx %parallel_loop3A_841[%parallel_loop3A_837, %add3A_119] : memref<512x32xf32, #tpu.memory_space<vmem>>[vector<16xi32>, vector<16xi32>], vector<16xf32>,
        %parallel_loop3A_843 = arith.addf %parallel_loop3A_842, %get3A_556 : vector<16xf32>
        %parallel_loop3A_844 = arith.addi %add3A_132, %parallel_loop3A_837 : vector<16xi32>
        %parallel_loop3A_845 = vector.broadcast %parallel_loop3A_667 : i32 to vector<16xi32>
        %parallel_loop3A_846 = arith.addi %parallel_loop3A_844, %parallel_loop3A_845 : vector<16xi32>
        %parallel_loop3A_847 = arith.constant 0 : i32
        %parallel_loop3A_848 = tpu.memref_slice %arg9[%parallel_loop3A_566, %parallel_loop3A_847] : memref<2x16384xf32, #tpu.memory_space<vmem>> -> memref<1x16384xf32, #tpu.memory_space<vmem>>
        %parallel_loop3A_849 = tpu.memref_squeeze %parallel_loop3A_848 : memref<1x16384xf32, #tpu.memory_space<vmem>> -> memref<16384xf32, #tpu.memory_space<vmem>>
        tpu.vector_store_idx %parallel_loop3A_849[%parallel_loop3A_846], %parallel_loop3A_843 : memref<16384xf32, #tpu.memory_space<vmem>>[vector<16xi32>], vector<16xf32>,
        %parallel_loop3A_850 = vector.broadcast %parallel_loop3A_663 : i32 to vector<16xi32>
        %parallel_loop3A_851 = arith.addi %and3A_89, %parallel_loop3A_850 : vector<16xi32>
        %parallel_loop3A_852 = arith.constant 0 : i32
        %parallel_loop3A_853 = arith.constant 0 : i32
        %parallel_loop3A_854 = tpu.memref_slice %arg13[%parallel_loop3A_565, %parallel_loop3A_852, %parallel_loop3A_853] : memref<2x512x32xf32, #tpu.memory_space<vmem>> -> memref<1x512x32xf32, #tpu.memory_space<vmem>>
        %parallel_loop3A_855 = tpu.memref_squeeze %parallel_loop3A_854 : memref<1x512x32xf32, #tpu.memory_space<vmem>> -> memref<512x32xf32, #tpu.memory_space<vmem>>
        %parallel_loop3A_856 = tpu.vector_load_idx %parallel_loop3A_855[%parallel_loop3A_851, %add3A_119] : memref<512x32xf32, #tpu.memory_space<vmem>>[vector<16xi32>, vector<16xi32>], vector<16xf32>,
        %parallel_loop3A_857 = arith.addf %parallel_loop3A_856, %get3A_556 : vector<16xf32>
        %parallel_loop3A_858 = arith.addi %add3A_132, %parallel_loop3A_851 : vector<16xi32>
        %parallel_loop3A_859 = vector.broadcast %parallel_loop3A_667 : i32 to vector<16xi32>
        %parallel_loop3A_860 = arith.addi %parallel_loop3A_858, %parallel_loop3A_859 : vector<16xi32>
        %parallel_loop3A_861 = arith.constant 0 : i32
        %parallel_loop3A_862 = tpu.memref_slice %arg9[%parallel_loop3A_566, %parallel_loop3A_861] : memref<2x16384xf32, #tpu.memory_space<vmem>> -> memref<1x16384xf32, #tpu.memory_space<vmem>>
        %parallel_loop3A_863 = tpu.memref_squeeze %parallel_loop3A_862 : memref<1x16384xf32, #tpu.memory_space<vmem>> -> memref<16384xf32, #tpu.memory_space<vmem>>
        tpu.vector_store_idx %parallel_loop3A_863[%parallel_loop3A_860], %parallel_loop3A_857 : memref<16384xf32, #tpu.memory_space<vmem>>[vector<16xi32>], vector<16xf32>,
        %parallel_loop3A_864 = vector.broadcast %parallel_loop3A_663 : i32 to vector<16xi32>
        %parallel_loop3A_865 = arith.addi %and3A_95, %parallel_loop3A_864 : vector<16xi32>
        %parallel_loop3A_866 = arith.constant 0 : i32
        %parallel_loop3A_867 = arith.constant 0 : i32
        %parallel_loop3A_868 = tpu.memref_slice %arg13[%parallel_loop3A_565, %parallel_loop3A_866, %parallel_loop3A_867] : memref<2x512x32xf32, #tpu.memory_space<vmem>> -> memref<1x512x32xf32, #tpu.memory_space<vmem>>
        %parallel_loop3A_869 = tpu.memref_squeeze %parallel_loop3A_868 : memref<1x512x32xf32, #tpu.memory_space<vmem>> -> memref<512x32xf32, #tpu.memory_space<vmem>>
        %parallel_loop3A_870 = tpu.vector_load_idx %parallel_loop3A_869[%parallel_loop3A_865, %add3A_119] : memref<512x32xf32, #tpu.memory_space<vmem>>[vector<16xi32>, vector<16xi32>], vector<16xf32>,
        %parallel_loop3A_871 = arith.addf %parallel_loop3A_870, %get3A_556 : vector<16xf32>
        %parallel_loop3A_872 = arith.addi %add3A_132, %parallel_loop3A_865 : vector<16xi32>
        %parallel_loop3A_873 = vector.broadcast %parallel_loop3A_667 : i32 to vector<16xi32>
        %parallel_loop3A_874 = arith.addi %parallel_loop3A_872, %parallel_loop3A_873 : vector<16xi32>
        %parallel_loop3A_875 = arith.constant 0 : i32
        %parallel_loop3A_876 = tpu.memref_slice %arg9[%parallel_loop3A_566, %parallel_loop3A_875] : memref<2x16384xf32, #tpu.memory_space<vmem>> -> memref<1x16384xf32, #tpu.memory_space<vmem>>
        %parallel_loop3A_877 = tpu.memref_squeeze %parallel_loop3A_876 : memref<1x16384xf32, #tpu.memory_space<vmem>> -> memref<16384xf32, #tpu.memory_space<vmem>>
        tpu.vector_store_idx %parallel_loop3A_877[%parallel_loop3A_874], %parallel_loop3A_871 : memref<16384xf32, #tpu.memory_space<vmem>>[vector<16xi32>], vector<16xf32>,
        %parallel_loop3A_878 = vector.broadcast %parallel_loop3A_663 : i32 to vector<16xi32>
        %parallel_loop3A_879 = arith.addi %and3A_101, %parallel_loop3A_878 : vector<16xi32>
        %parallel_loop3A_880 = arith.constant 0 : i32
        %parallel_loop3A_881 = arith.constant 0 : i32
        %parallel_loop3A_882 = tpu.memref_slice %arg13[%parallel_loop3A_565, %parallel_loop3A_880, %parallel_loop3A_881] : memref<2x512x32xf32, #tpu.memory_space<vmem>> -> memref<1x512x32xf32, #tpu.memory_space<vmem>>
        %parallel_loop3A_883 = tpu.memref_squeeze %parallel_loop3A_882 : memref<1x512x32xf32, #tpu.memory_space<vmem>> -> memref<512x32xf32, #tpu.memory_space<vmem>>
        %parallel_loop3A_884 = tpu.vector_load_idx %parallel_loop3A_883[%parallel_loop3A_879, %add3A_119] : memref<512x32xf32, #tpu.memory_space<vmem>>[vector<16xi32>, vector<16xi32>], vector<16xf32>,
        %parallel_loop3A_885 = arith.addf %parallel_loop3A_884, %get3A_556 : vector<16xf32>
        %parallel_loop3A_886 = arith.addi %add3A_132, %parallel_loop3A_879 : vector<16xi32>
        %parallel_loop3A_887 = vector.broadcast %parallel_loop3A_667 : i32 to vector<16xi32>
        %parallel_loop3A_888 = arith.addi %parallel_loop3A_886, %parallel_loop3A_887 : vector<16xi32>
        %parallel_loop3A_889 = arith.constant 0 : i32
        %parallel_loop3A_890 = tpu.memref_slice %arg9[%parallel_loop3A_566, %parallel_loop3A_889] : memref<2x16384xf32, #tpu.memory_space<vmem>> -> memref<1x16384xf32, #tpu.memory_space<vmem>>
        %parallel_loop3A_891 = tpu.memref_squeeze %parallel_loop3A_890 : memref<1x16384xf32, #tpu.memory_space<vmem>> -> memref<16384xf32, #tpu.memory_space<vmem>>
        tpu.vector_store_idx %parallel_loop3A_891[%parallel_loop3A_888], %parallel_loop3A_885 : memref<16384xf32, #tpu.memory_space<vmem>>[vector<16xi32>], vector<16xf32>,
      } {sc.loop_unroll_factor = 2 : i64, sc.parallel_access}
      %jit3A_567 = arith.constant 8 : i32
      %div3A_568 = arith.divsi %add3A_506, %jit3A_567 : i32
      %sign3A_569 = arith.constant 0 : i32
      %sign3A_570 = arith.cmpi sgt, %add3A_506, %sign3A_569 : i32
      %sign3A_571 = arith.extui %sign3A_570 : i1 to i32
      %sign3A_572 = arith.constant 0 : i32
      %sign3A_573 = arith.cmpi slt, %add3A_506, %sign3A_572 : i32
      %sign3A_574 = arith.extui %sign3A_573 : i1 to i32
      %sign3A_575 = arith.subi %sign3A_571, %sign3A_574 : i32
      %sign3A_576 = arith.constant 0 : i32
      %sign3A_577 = arith.cmpi sgt, %jit3A_567, %sign3A_576 : i32
      %sign3A_578 = arith.extui %sign3A_577 : i1 to i32
      %sign3A_579 = arith.constant 0 : i32
      %sign3A_580 = arith.cmpi slt, %jit3A_567, %sign3A_579 : i32
      %sign3A_581 = arith.extui %sign3A_580 : i1 to i32
      %sign3A_582 = arith.subi %sign3A_578, %sign3A_581 : i32
      %ne3A_583 = arith.cmpi ne, %sign3A_575, %sign3A_582 : i32
      %rem3A_584 = arith.remsi %add3A_506, %jit3A_567 : i32
      %ne3A_585 = arith.constant 0 : i32
      %ne3A_586 = arith.cmpi ne, %rem3A_584, %ne3A_585 : i32
      %and3A_587 = arith.andi %ne3A_583, %ne3A_586 : i1
      %sub3A_588 = arith.constant 1 : i32
      %sub3A_589 = arith.subi %div3A_568, %sub3A_588 : i32
      %select_n3A_590 = arith.select %and3A_587, %sub3A_589, %div3A_568 : i32
      %jit3A_591 = arith.constant 8 : i32
      %eq3A_592 = arith.constant 0 : i32
      %eq3A_593 = arith.cmpi eq, %jit3A_591, %eq3A_592 : i32
      %jit3A_594 = arith.constant 1 : i32
      %select_n3A_595 = arith.select %eq3A_593, %jit3A_594, %jit3A_591 : i32
      %rem3A_596 = arith.remsi %add3A_506, %select_n3A_595 : i32
      %ne3A_597 = arith.constant 0 : i32
      %ne3A_598 = arith.cmpi ne, %rem3A_596, %ne3A_597 : i32
      %lt3A_599 = arith.constant 0 : i32
      %lt3A_600 = arith.cmpi slt, %rem3A_596, %lt3A_599 : i32
      %lt3A_601 = arith.constant 0 : i32
      %lt3A_602 = arith.cmpi slt, %select_n3A_595, %lt3A_601 : i32
      %ne3A_603 = arith.xori %lt3A_600, %lt3A_602 : i1
      %and3A_604 = arith.andi %ne3A_603, %ne3A_598 : i1
      %add3A_605 = arith.addi %rem3A_596, %select_n3A_595 : i32
      %select_n3A_606 = arith.select %and3A_604, %add3A_605, %rem3A_596 : i32
      %mul3A_607 = arith.constant 131072 : i32
      %mul3A_608 = arith.muli %select_n3A_590, %mul3A_607 : i32
      %mul3A_609 = arith.constant 4096 : i32
      %mul3A_610 = arith.muli %select_n3A_606, %mul3A_609 : i32
      %add3A_611 = arith.addi %mul3A_608, %mul3A_610 : i32
      %add3A_612 = arith.constant 0 : i32
      %add3A_613 = arith.addi %add3A_611, %add3A_612 : i32
      %dma_start3A_614 = arith.constant 1 : i32
      %dma_start3A_615 = arith.constant 0 : i32
      %dma_start3A_616 = tpu.memref_slice %arg9[%dma_start3A_614, %dma_start3A_615] : memref<2x16384xf32, #tpu.memory_space<vmem>> -> memref<1x4096xf32, #tpu.memory_space<vmem>>
      %dma_start3A_617 = tpu.memref_squeeze %dma_start3A_616 : memref<1x4096xf32, #tpu.memory_space<vmem>> -> memref<4096xf32, #tpu.memory_space<vmem>>
      %dma_start3A_618 = tpu.memref_slice %arg5[%add3A_613] : memref<26214400xf32, #tpu.memory_space<hbm>> -> memref<4096xf32, #tpu.memory_space<hbm>>
      %dma_start3A_619 = tpu.memref_slice %arg5[%add3A_613] : memref<26214400xf32, #tpu.memory_space<hbm>> -> memref<4096xf32, #tpu.memory_space<hbm>>
      %dma_start3A_620 = arith.constant 0 : i32
      %dma_start3A_621 = tpu.memref_slice %arg9[%dma_start3A_614, %dma_start3A_620] : memref<2x16384xf32, #tpu.memory_space<vmem>> -> memref<1x4096xf32, #tpu.memory_space<vmem>>
      %dma_start3A_622 = tpu.memref_squeeze %dma_start3A_621 : memref<1x4096xf32, #tpu.memory_space<vmem>> -> memref<4096xf32, #tpu.memory_space<vmem>>
      tpu.enqueue_dma source(%dma_start3A_622 : memref<4096xf32, #tpu.memory_space<vmem>>) target(%dma_start3A_619 : memref<4096xf32, #tpu.memory_space<hbm>>) target_semaphore(%arg11 : memref<!tpu.dma_semaphore, #tpu.memory_space<semaphore_mem>>)
      %add3A_623 = arith.constant 32768 : i32
      %add3A_624 = arith.addi %add3A_611, %add3A_623 : i32
      %dma_start3A_625 = arith.constant 1 : i32
      %dma_start3A_626 = arith.constant 4096 : i32
      %dma_start3A_627 = tpu.memref_slice %arg9[%dma_start3A_625, %dma_start3A_626] : memref<2x16384xf32, #tpu.memory_space<vmem>> -> memref<1x4096xf32, #tpu.memory_space<vmem>>
      %dma_start3A_628 = tpu.memref_squeeze %dma_start3A_627 : memref<1x4096xf32, #tpu.memory_space<vmem>> -> memref<4096xf32, #tpu.memory_space<vmem>>
      %dma_start3A_629 = tpu.memref_slice %arg5[%add3A_624] : memref<26214400xf32, #tpu.memory_space<hbm>> -> memref<4096xf32, #tpu.memory_space<hbm>>
      %dma_start3A_630 = tpu.memref_slice %arg5[%add3A_624] : memref<26214400xf32, #tpu.memory_space<hbm>> -> memref<4096xf32, #tpu.memory_space<hbm>>
      %dma_start3A_631 = arith.constant 4096 : i32
      %dma_start3A_632 = tpu.memref_slice %arg9[%dma_start3A_625, %dma_start3A_631] : memref<2x16384xf32, #tpu.memory_space<vmem>> -> memref<1x4096xf32, #tpu.memory_space<vmem>>
      %dma_start3A_633 = tpu.memref_squeeze %dma_start3A_632 : memref<1x4096xf32, #tpu.memory_space<vmem>> -> memref<4096xf32, #tpu.memory_space<vmem>>
      tpu.enqueue_dma source(%dma_start3A_633 : memref<4096xf32, #tpu.memory_space<vmem>>) target(%dma_start3A_630 : memref<4096xf32, #tpu.memory_space<hbm>>) target_semaphore(%arg11 : memref<!tpu.dma_semaphore, #tpu.memory_space<semaphore_mem>>)
      %add3A_634 = arith.constant 65536 : i32
      %add3A_635 = arith.addi %add3A_611, %add3A_634 : i32
      %dma_start3A_636 = arith.constant 1 : i32
      %dma_start3A_637 = arith.constant 8192 : i32
      %dma_start3A_638 = tpu.memref_slice %arg9[%dma_start3A_636, %dma_start3A_637] : memref<2x16384xf32, #tpu.memory_space<vmem>> -> memref<1x4096xf32, #tpu.memory_space<vmem>>
      %dma_start3A_639 = tpu.memref_squeeze %dma_start3A_638 : memref<1x4096xf32, #tpu.memory_space<vmem>> -> memref<4096xf32, #tpu.memory_space<vmem>>
      %dma_start3A_640 = tpu.memref_slice %arg5[%add3A_635] : memref<26214400xf32, #tpu.memory_space<hbm>> -> memref<4096xf32, #tpu.memory_space<hbm>>
      %dma_start3A_641 = tpu.memref_slice %arg5[%add3A_635] : memref<26214400xf32, #tpu.memory_space<hbm>> -> memref<4096xf32, #tpu.memory_space<hbm>>
      %dma_start3A_642 = arith.constant 8192 : i32
      %dma_start3A_643 = tpu.memref_slice %arg9[%dma_start3A_636, %dma_start3A_642] : memref<2x16384xf32, #tpu.memory_space<vmem>> -> memref<1x4096xf32, #tpu.memory_space<vmem>>
      %dma_start3A_644 = tpu.memref_squeeze %dma_start3A_643 : memref<1x4096xf32, #tpu.memory_space<vmem>> -> memref<4096xf32, #tpu.memory_space<vmem>>
      tpu.enqueue_dma source(%dma_start3A_644 : memref<4096xf32, #tpu.memory_space<vmem>>) target(%dma_start3A_641 : memref<4096xf32, #tpu.memory_space<hbm>>) target_semaphore(%arg11 : memref<!tpu.dma_semaphore, #tpu.memory_space<semaphore_mem>>)
      %add3A_645 = arith.constant 98304 : i32
      %add3A_646 = arith.addi %add3A_611, %add3A_645 : i32
      %dma_start3A_647 = arith.constant 1 : i32
      %dma_start3A_648 = arith.constant 12288 : i32
      %dma_start3A_649 = tpu.memref_slice %arg9[%dma_start3A_647, %dma_start3A_648] : memref<2x16384xf32, #tpu.memory_space<vmem>> -> memref<1x4096xf32, #tpu.memory_space<vmem>>
      %dma_start3A_650 = tpu.memref_squeeze %dma_start3A_649 : memref<1x4096xf32, #tpu.memory_space<vmem>> -> memref<4096xf32, #tpu.memory_space<vmem>>
      %dma_start3A_651 = tpu.memref_slice %arg5[%add3A_646] : memref<26214400xf32, #tpu.memory_space<hbm>> -> memref<4096xf32, #tpu.memory_space<hbm>>
      %dma_start3A_652 = tpu.memref_slice %arg5[%add3A_646] : memref<26214400xf32, #tpu.memory_space<hbm>> -> memref<4096xf32, #tpu.memory_space<hbm>>
      %dma_start3A_653 = arith.constant 12288 : i32
      %dma_start3A_654 = tpu.memref_slice %arg9[%dma_start3A_647, %dma_start3A_653] : memref<2x16384xf32, #tpu.memory_space<vmem>> -> memref<1x4096xf32, #tpu.memory_space<vmem>>
      %dma_start3A_655 = tpu.memref_squeeze %dma_start3A_654 : memref<1x4096xf32, #tpu.memory_space<vmem>> -> memref<4096xf32, #tpu.memory_space<vmem>>
      tpu.enqueue_dma source(%dma_start3A_655 : memref<4096xf32, #tpu.memory_space<vmem>>) target(%dma_start3A_652 : memref<4096xf32, #tpu.memory_space<hbm>>) target_semaphore(%arg11 : memref<!tpu.dma_semaphore, #tpu.memory_space<semaphore_mem>>)
      %add3A_656 = arith.constant 2 : i32
      %add3A_657 = arith.addi %add3A_505, %add3A_656 : i32
      %lt3A_658 = arith.constant 50 : i32
      %lt3A_659 = arith.cmpi slt, %add3A_657, %lt3A_658 : i32
      %convert_element_type3A_660 = arith.extui %lt3A_659 : i1 to i32
      %cond3A_661 = arith.constant 0 : i32
      %cond3A_662 = arith.cmpi ne, %convert_element_type3A_660, %cond3A_661 : i32
      scf.if %cond3A_662 {
        %add3A_663 = arith.constant 2 : i32
        %add3A_664 = arith.addi %add3A_506, %add3A_663 : i32
        %sub3A_665 = arith.subi %add3A_664, %mul3A_2 : i32
        %mul3A_666 = arith.constant 512 : i32
        %mul3A_667 = arith.muli %sub3A_665, %mul3A_666 : i32
        %dma_start3A_668 = arith.constant 1 : i32
        %dma_start3A_669 = arith.constant 0 : i32
        %dma_start3A_670 = arith.constant 0 : i32
        %dma_start3A_671 = tpu.memref_slice %arg13[%dma_start3A_668, %dma_start3A_669, %dma_start3A_670] : memref<2x512x32xf32, #tpu.memory_space<vmem>> -> memref<1x512x32xf32, #tpu.memory_space<vmem>>
        %dma_start3A_672 = tpu.memref_squeeze %dma_start3A_671 : memref<1x512x32xf32, #tpu.memory_space<vmem>> -> memref<512x32xf32, #tpu.memory_space<vmem>>
        %dma_start3A_673 = tpu.memref_slice %arg8[%mul3A_667] : memref<25600xi32, #tpu.memory_space<vmem>> -> memref<512xi32, #tpu.memory_space<vmem>>
        %dma_start3A_674 = arith.constant 0 : i32
        %dma_start3A_675 = arith.constant 0 : i32
        %dma_start3A_676 = tpu.memref_slice %arg3[%dma_start3A_674, %dma_start3A_675] : memref<1007616x32xf32, #tpu.memory_space<hbm>> -> memref<1007616x32xf32, #tpu.memory_space<hbm>>
        tpu.enqueue_indirect_dma source(%dma_start3A_676 : memref<1007616x32xf32, #tpu.memory_space<hbm>>) target(%dma_start3A_672 : memref<512x32xf32, #tpu.memory_space<vmem>>) offsets(%dma_start3A_673 : memref<512xi32, #tpu.memory_space<vmem>>) semaphore(%arg7 : memref<!tpu.dma_semaphore, #tpu.memory_space<semaphore_mem>>)
      } else {
      }
    }
    %scan3A_162 = arith.constant 25 : i32
    %add3A_163 = arith.constant 50 : i32
    %add3A_164 = arith.addi %mul3A_2, %add3A_163 : i32
    %sub3A_165 = arith.constant 2 : i32
    %sub3A_166 = arith.subi %add3A_164, %sub3A_165 : i32
    %add3A_167 = arith.constant 0 : i32
    %add3A_168 = arith.addi %sub3A_166, %add3A_167 : i32
    %jit3A = arith.constant 8 : i32
    %div3A = arith.divsi %add3A_168, %jit3A : i32
    %sign3A = arith.constant 0 : i32
    %sign3A_169 = arith.cmpi sgt, %add3A_168, %sign3A : i32
    %sign3A_170 = arith.extui %sign3A_169 : i1 to i32
    %sign3A_171 = arith.constant 0 : i32
    %sign3A_172 = arith.cmpi slt, %add3A_168, %sign3A_171 : i32
    %sign3A_173 = arith.extui %sign3A_172 : i1 to i32
    %sign3A_174 = arith.subi %sign3A_170, %sign3A_173 : i32
    %sign3A_175 = arith.constant 0 : i32
    %sign3A_176 = arith.cmpi sgt, %jit3A, %sign3A_175 : i32
    %sign3A_177 = arith.extui %sign3A_176 : i1 to i32
    %sign3A_178 = arith.constant 0 : i32
    %sign3A_179 = arith.cmpi slt, %jit3A, %sign3A_178 : i32
    %sign3A_180 = arith.extui %sign3A_179 : i1 to i32
    %sign3A_181 = arith.subi %sign3A_177, %sign3A_180 : i32
    %ne3A = arith.cmpi ne, %sign3A_174, %sign3A_181 : i32
    %rem3A = arith.remsi %add3A_168, %jit3A : i32
    %ne3A_182 = arith.constant 0 : i32
    %ne3A_183 = arith.cmpi ne, %rem3A, %ne3A_182 : i32
    %and3A_184 = arith.andi %ne3A, %ne3A_183 : i1
    %sub3A_185 = arith.constant 1 : i32
    %sub3A_186 = arith.subi %div3A, %sub3A_185 : i32
    %select_n3A = arith.select %and3A_184, %sub3A_186, %div3A : i32
    %jit3A_187 = arith.constant 8 : i32
    %eq3A = arith.constant 0 : i32
    %eq3A_188 = arith.cmpi eq, %jit3A_187, %eq3A : i32
    %jit3A_189 = arith.constant 1 : i32
    %select_n3A_190 = arith.select %eq3A_188, %jit3A_189, %jit3A_187 : i32
    %rem3A_191 = arith.remsi %add3A_168, %select_n3A_190 : i32
    %ne3A_192 = arith.constant 0 : i32
    %ne3A_193 = arith.cmpi ne, %rem3A_191, %ne3A_192 : i32
    %lt3A = arith.constant 0 : i32
    %lt3A_194 = arith.cmpi slt, %rem3A_191, %lt3A : i32
    %lt3A_195 = arith.constant 0 : i32
    %lt3A_196 = arith.cmpi slt, %select_n3A_190, %lt3A_195 : i32
    %ne3A_197 = arith.xori %lt3A_194, %lt3A_196 : i1
    %and3A_198 = arith.andi %ne3A_197, %ne3A_193 : i1
    %add3A_199 = arith.addi %rem3A_191, %select_n3A_190 : i32
    %select_n3A_200 = arith.select %and3A_198, %add3A_199, %rem3A_191 : i32
    %mul3A_201 = arith.constant 131072 : i32
    %mul3A_202 = arith.muli %select_n3A, %mul3A_201 : i32
    %mul3A_203 = arith.constant 4096 : i32
    %mul3A_204 = arith.muli %select_n3A_200, %mul3A_203 : i32
    %add3A_205 = arith.addi %mul3A_202, %mul3A_204 : i32
    %add3A_206 = arith.constant 0 : i32
    %add3A_207 = arith.addi %add3A_205, %add3A_206 : i32
    %dma_wait3A = arith.constant 0 : i32
    %dma_wait3A_208 = arith.constant 0 : i32
    %dma_wait3A_209 = tpu.memref_slice %arg9[%dma_wait3A, %dma_wait3A_208] : memref<2x16384xf32, #tpu.memory_space<vmem>> -> memref<1x4096xf32, #tpu.memory_space<vmem>>
    %dma_wait3A_210 = tpu.memref_squeeze %dma_wait3A_209 : memref<1x4096xf32, #tpu.memory_space<vmem>> -> memref<4096xf32, #tpu.memory_space<vmem>>
    %dma_wait3A_211 = tpu.memref_slice %arg5[%add3A_207] : memref<26214400xf32, #tpu.memory_space<hbm>> -> memref<4096xf32, #tpu.memory_space<hbm>>
    %dma_wait3A_212 = tpu.memref_slice %arg5[%add3A_207] : memref<26214400xf32, #tpu.memory_space<hbm>> -> memref<4096xf32, #tpu.memory_space<hbm>>
    %dma_wait3A_213 = arith.constant 0 : i32
    %dma_wait3A_214 = tpu.memref_slice %arg9[%dma_wait3A, %dma_wait3A_213] : memref<2x16384xf32, #tpu.memory_space<vmem>> -> memref<1x4096xf32, #tpu.memory_space<vmem>>
    %dma_wait3A_215 = tpu.memref_squeeze %dma_wait3A_214 : memref<1x4096xf32, #tpu.memory_space<vmem>> -> memref<4096xf32, #tpu.memory_space<vmem>>
    tpu.wait_dma2 semaphore(%arg10 : memref<!tpu.dma_semaphore, #tpu.memory_space<semaphore_mem>>) src(%dma_wait3A_215 : memref<4096xf32, #tpu.memory_space<vmem>>) dst(%dma_wait3A_212 : memref<4096xf32, #tpu.memory_space<hbm>>)
    %add3A_216 = arith.constant 32768 : i32
    %add3A_217 = arith.addi %add3A_205, %add3A_216 : i32
    %dma_wait3A_218 = arith.constant 0 : i32
    %dma_wait3A_219 = arith.constant 4096 : i32
    %dma_wait3A_220 = tpu.memref_slice %arg9[%dma_wait3A_218, %dma_wait3A_219] : memref<2x16384xf32, #tpu.memory_space<vmem>> -> memref<1x4096xf32, #tpu.memory_space<vmem>>
    %dma_wait3A_221 = tpu.memref_squeeze %dma_wait3A_220 : memref<1x4096xf32, #tpu.memory_space<vmem>> -> memref<4096xf32, #tpu.memory_space<vmem>>
    %dma_wait3A_222 = tpu.memref_slice %arg5[%add3A_217] : memref<26214400xf32, #tpu.memory_space<hbm>> -> memref<4096xf32, #tpu.memory_space<hbm>>
    %dma_wait3A_223 = tpu.memref_slice %arg5[%add3A_217] : memref<26214400xf32, #tpu.memory_space<hbm>> -> memref<4096xf32, #tpu.memory_space<hbm>>
    %dma_wait3A_224 = arith.constant 4096 : i32
    %dma_wait3A_225 = tpu.memref_slice %arg9[%dma_wait3A_218, %dma_wait3A_224] : memref<2x16384xf32, #tpu.memory_space<vmem>> -> memref<1x4096xf32, #tpu.memory_space<vmem>>
    %dma_wait3A_226 = tpu.memref_squeeze %dma_wait3A_225 : memref<1x4096xf32, #tpu.memory_space<vmem>> -> memref<4096xf32, #tpu.memory_space<vmem>>
    tpu.wait_dma2 semaphore(%arg10 : memref<!tpu.dma_semaphore, #tpu.memory_space<semaphore_mem>>) src(%dma_wait3A_226 : memref<4096xf32, #tpu.memory_space<vmem>>) dst(%dma_wait3A_223 : memref<4096xf32, #tpu.memory_space<hbm>>)
    %add3A_227 = arith.constant 65536 : i32
    %add3A_228 = arith.addi %add3A_205, %add3A_227 : i32
    %dma_wait3A_229 = arith.constant 0 : i32
    %dma_wait3A_230 = arith.constant 8192 : i32
    %dma_wait3A_231 = tpu.memref_slice %arg9[%dma_wait3A_229, %dma_wait3A_230] : memref<2x16384xf32, #tpu.memory_space<vmem>> -> memref<1x4096xf32, #tpu.memory_space<vmem>>
    %dma_wait3A_232 = tpu.memref_squeeze %dma_wait3A_231 : memref<1x4096xf32, #tpu.memory_space<vmem>> -> memref<4096xf32, #tpu.memory_space<vmem>>
    %dma_wait3A_233 = tpu.memref_slice %arg5[%add3A_228] : memref<26214400xf32, #tpu.memory_space<hbm>> -> memref<4096xf32, #tpu.memory_space<hbm>>
    %dma_wait3A_234 = tpu.memref_slice %arg5[%add3A_228] : memref<26214400xf32, #tpu.memory_space<hbm>> -> memref<4096xf32, #tpu.memory_space<hbm>>
    %dma_wait3A_235 = arith.constant 8192 : i32
    %dma_wait3A_236 = tpu.memref_slice %arg9[%dma_wait3A_229, %dma_wait3A_235] : memref<2x16384xf32, #tpu.memory_space<vmem>> -> memref<1x4096xf32, #tpu.memory_space<vmem>>
    %dma_wait3A_237 = tpu.memref_squeeze %dma_wait3A_236 : memref<1x4096xf32, #tpu.memory_space<vmem>> -> memref<4096xf32, #tpu.memory_space<vmem>>
    tpu.wait_dma2 semaphore(%arg10 : memref<!tpu.dma_semaphore, #tpu.memory_space<semaphore_mem>>) src(%dma_wait3A_237 : memref<4096xf32, #tpu.memory_space<vmem>>) dst(%dma_wait3A_234 : memref<4096xf32, #tpu.memory_space<hbm>>)
    %add3A_238 = arith.constant 98304 : i32
    %add3A_239 = arith.addi %add3A_205, %add3A_238 : i32
    %dma_wait3A_240 = arith.constant 0 : i32
    %dma_wait3A_241 = arith.constant 12288 : i32
    %dma_wait3A_242 = tpu.memref_slice %arg9[%dma_wait3A_240, %dma_wait3A_241] : memref<2x16384xf32, #tpu.memory_space<vmem>> -> memref<1x4096xf32, #tpu.memory_space<vmem>>
    %dma_wait3A_243 = tpu.memref_squeeze %dma_wait3A_242 : memref<1x4096xf32, #tpu.memory_space<vmem>> -> memref<4096xf32, #tpu.memory_space<vmem>>
    %dma_wait3A_244 = tpu.memref_slice %arg5[%add3A_239] : memref<26214400xf32, #tpu.memory_space<hbm>> -> memref<4096xf32, #tpu.memory_space<hbm>>
    %dma_wait3A_245 = tpu.memref_slice %arg5[%add3A_239] : memref<26214400xf32, #tpu.memory_space<hbm>> -> memref<4096xf32, #tpu.memory_space<hbm>>
    %dma_wait3A_246 = arith.constant 12288 : i32
    %dma_wait3A_247 = tpu.memref_slice %arg9[%dma_wait3A_240, %dma_wait3A_246] : memref<2x16384xf32, #tpu.memory_space<vmem>> -> memref<1x4096xf32, #tpu.memory_space<vmem>>
    %dma_wait3A_248 = tpu.memref_squeeze %dma_wait3A_247 : memref<1x4096xf32, #tpu.memory_space<vmem>> -> memref<4096xf32, #tpu.memory_space<vmem>>
    tpu.wait_dma2 semaphore(%arg10 : memref<!tpu.dma_semaphore, #tpu.memory_space<semaphore_mem>>) src(%dma_wait3A_248 : memref<4096xf32, #tpu.memory_space<vmem>>) dst(%dma_wait3A_245 : memref<4096xf32, #tpu.memory_space<hbm>>)
    %add3A_249 = arith.constant 50 : i32
    %add3A_250 = arith.addi %mul3A_2, %add3A_249 : i32
    %sub3A_251 = arith.constant 2 : i32
    %sub3A_252 = arith.subi %add3A_250, %sub3A_251 : i32
    %add3A_253 = arith.constant 1 : i32
    %add3A_254 = arith.addi %sub3A_252, %add3A_253 : i32
    %jit3A_255 = arith.constant 8 : i32
    %div3A_256 = arith.divsi %add3A_254, %jit3A_255 : i32
    %sign3A_257 = arith.constant 0 : i32
    %sign3A_258 = arith.cmpi sgt, %add3A_254, %sign3A_257 : i32
    %sign3A_259 = arith.extui %sign3A_258 : i1 to i32
    %sign3A_260 = arith.constant 0 : i32
    %sign3A_261 = arith.cmpi slt, %add3A_254, %sign3A_260 : i32
    %sign3A_262 = arith.extui %sign3A_261 : i1 to i32
    %sign3A_263 = arith.subi %sign3A_259, %sign3A_262 : i32
    %sign3A_264 = arith.constant 0 : i32
    %sign3A_265 = arith.cmpi sgt, %jit3A_255, %sign3A_264 : i32
    %sign3A_266 = arith.extui %sign3A_265 : i1 to i32
    %sign3A_267 = arith.constant 0 : i32
    %sign3A_268 = arith.cmpi slt, %jit3A_255, %sign3A_267 : i32
    %sign3A_269 = arith.extui %sign3A_268 : i1 to i32
    %sign3A_270 = arith.subi %sign3A_266, %sign3A_269 : i32
    %ne3A_271 = arith.cmpi ne, %sign3A_263, %sign3A_270 : i32
    %rem3A_272 = arith.remsi %add3A_254, %jit3A_255 : i32
    %ne3A_273 = arith.constant 0 : i32
    %ne3A_274 = arith.cmpi ne, %rem3A_272, %ne3A_273 : i32
    %and3A_275 = arith.andi %ne3A_271, %ne3A_274 : i1
    %sub3A_276 = arith.constant 1 : i32
    %sub3A_277 = arith.subi %div3A_256, %sub3A_276 : i32
    %select_n3A_278 = arith.select %and3A_275, %sub3A_277, %div3A_256 : i32
    %jit3A_279 = arith.constant 8 : i32
    %eq3A_280 = arith.constant 0 : i32
    %eq3A_281 = arith.cmpi eq, %jit3A_279, %eq3A_280 : i32
    %jit3A_282 = arith.constant 1 : i32
    %select_n3A_283 = arith.select %eq3A_281, %jit3A_282, %jit3A_279 : i32
    %rem3A_284 = arith.remsi %add3A_254, %select_n3A_283 : i32
    %ne3A_285 = arith.constant 0 : i32
    %ne3A_286 = arith.cmpi ne, %rem3A_284, %ne3A_285 : i32
    %lt3A_287 = arith.constant 0 : i32
    %lt3A_288 = arith.cmpi slt, %rem3A_284, %lt3A_287 : i32
    %lt3A_289 = arith.constant 0 : i32
    %lt3A_290 = arith.cmpi slt, %select_n3A_283, %lt3A_289 : i32
    %ne3A_291 = arith.xori %lt3A_288, %lt3A_290 : i1
    %and3A_292 = arith.andi %ne3A_291, %ne3A_286 : i1
    %add3A_293 = arith.addi %rem3A_284, %select_n3A_283 : i32
    %select_n3A_294 = arith.select %and3A_292, %add3A_293, %rem3A_284 : i32
    %mul3A_295 = arith.constant 131072 : i32
    %mul3A_296 = arith.muli %select_n3A_278, %mul3A_295 : i32
    %mul3A_297 = arith.constant 4096 : i32
    %mul3A_298 = arith.muli %select_n3A_294, %mul3A_297 : i32
    %add3A_299 = arith.addi %mul3A_296, %mul3A_298 : i32
    %add3A_300 = arith.constant 0 : i32
    %add3A_301 = arith.addi %add3A_299, %add3A_300 : i32
    %dma_wait3A_302 = arith.constant 1 : i32
    %dma_wait3A_303 = arith.constant 0 : i32
    %dma_wait3A_304 = tpu.memref_slice %arg9[%dma_wait3A_302, %dma_wait3A_303] : memref<2x16384xf32, #tpu.memory_space<vmem>> -> memref<1x4096xf32, #tpu.memory_space<vmem>>
    %dma_wait3A_305 = tpu.memref_squeeze %dma_wait3A_304 : memref<1x4096xf32, #tpu.memory_space<vmem>> -> memref<4096xf32, #tpu.memory_space<vmem>>
    %dma_wait3A_306 = tpu.memref_slice %arg5[%add3A_301] : memref<26214400xf32, #tpu.memory_space<hbm>> -> memref<4096xf32, #tpu.memory_space<hbm>>
    %dma_wait3A_307 = tpu.memref_slice %arg5[%add3A_301] : memref<26214400xf32, #tpu.memory_space<hbm>> -> memref<4096xf32, #tpu.memory_space<hbm>>
    %dma_wait3A_308 = arith.constant 0 : i32
    %dma_wait3A_309 = tpu.memref_slice %arg9[%dma_wait3A_302, %dma_wait3A_308] : memref<2x16384xf32, #tpu.memory_space<vmem>> -> memref<1x4096xf32, #tpu.memory_space<vmem>>
    %dma_wait3A_310 = tpu.memref_squeeze %dma_wait3A_309 : memref<1x4096xf32, #tpu.memory_space<vmem>> -> memref<4096xf32, #tpu.memory_space<vmem>>
    tpu.wait_dma2 semaphore(%arg11 : memref<!tpu.dma_semaphore, #tpu.memory_space<semaphore_mem>>) src(%dma_wait3A_310 : memref<4096xf32, #tpu.memory_space<vmem>>) dst(%dma_wait3A_307 : memref<4096xf32, #tpu.memory_space<hbm>>)
    %add3A_311 = arith.constant 32768 : i32
    %add3A_312 = arith.addi %add3A_299, %add3A_311 : i32
    %dma_wait3A_313 = arith.constant 1 : i32
    %dma_wait3A_314 = arith.constant 4096 : i32
    %dma_wait3A_315 = tpu.memref_slice %arg9[%dma_wait3A_313, %dma_wait3A_314] : memref<2x16384xf32, #tpu.memory_space<vmem>> -> memref<1x4096xf32, #tpu.memory_space<vmem>>
    %dma_wait3A_316 = tpu.memref_squeeze %dma_wait3A_315 : memref<1x4096xf32, #tpu.memory_space<vmem>> -> memref<4096xf32, #tpu.memory_space<vmem>>
    %dma_wait3A_317 = tpu.memref_slice %arg5[%add3A_312] : memref<26214400xf32, #tpu.memory_space<hbm>> -> memref<4096xf32, #tpu.memory_space<hbm>>
    %dma_wait3A_318 = tpu.memref_slice %arg5[%add3A_312] : memref<26214400xf32, #tpu.memory_space<hbm>> -> memref<4096xf32, #tpu.memory_space<hbm>>
    %dma_wait3A_319 = arith.constant 4096 : i32
    %dma_wait3A_320 = tpu.memref_slice %arg9[%dma_wait3A_313, %dma_wait3A_319] : memref<2x16384xf32, #tpu.memory_space<vmem>> -> memref<1x4096xf32, #tpu.memory_space<vmem>>
    %dma_wait3A_321 = tpu.memref_squeeze %dma_wait3A_320 : memref<1x4096xf32, #tpu.memory_space<vmem>> -> memref<4096xf32, #tpu.memory_space<vmem>>
    tpu.wait_dma2 semaphore(%arg11 : memref<!tpu.dma_semaphore, #tpu.memory_space<semaphore_mem>>) src(%dma_wait3A_321 : memref<4096xf32, #tpu.memory_space<vmem>>) dst(%dma_wait3A_318 : memref<4096xf32, #tpu.memory_space<hbm>>)
    %add3A_322 = arith.constant 65536 : i32
    %add3A_323 = arith.addi %add3A_299, %add3A_322 : i32
    %dma_wait3A_324 = arith.constant 1 : i32
    %dma_wait3A_325 = arith.constant 8192 : i32
    %dma_wait3A_326 = tpu.memref_slice %arg9[%dma_wait3A_324, %dma_wait3A_325] : memref<2x16384xf32, #tpu.memory_space<vmem>> -> memref<1x4096xf32, #tpu.memory_space<vmem>>
    %dma_wait3A_327 = tpu.memref_squeeze %dma_wait3A_326 : memref<1x4096xf32, #tpu.memory_space<vmem>> -> memref<4096xf32, #tpu.memory_space<vmem>>
    %dma_wait3A_328 = tpu.memref_slice %arg5[%add3A_323] : memref<26214400xf32, #tpu.memory_space<hbm>> -> memref<4096xf32, #tpu.memory_space<hbm>>
    %dma_wait3A_329 = tpu.memref_slice %arg5[%add3A_323] : memref<26214400xf32, #tpu.memory_space<hbm>> -> memref<4096xf32, #tpu.memory_space<hbm>>
    %dma_wait3A_330 = arith.constant 8192 : i32
    %dma_wait3A_331 = tpu.memref_slice %arg9[%dma_wait3A_324, %dma_wait3A_330] : memref<2x16384xf32, #tpu.memory_space<vmem>> -> memref<1x4096xf32, #tpu.memory_space<vmem>>
    %dma_wait3A_332 = tpu.memref_squeeze %dma_wait3A_331 : memref<1x4096xf32, #tpu.memory_space<vmem>> -> memref<4096xf32, #tpu.memory_space<vmem>>
    tpu.wait_dma2 semaphore(%arg11 : memref<!tpu.dma_semaphore, #tpu.memory_space<semaphore_mem>>) src(%dma_wait3A_332 : memref<4096xf32, #tpu.memory_space<vmem>>) dst(%dma_wait3A_329 : memref<4096xf32, #tpu.memory_space<hbm>>)
    %add3A_333 = arith.constant 98304 : i32
    %add3A_334 = arith.addi %add3A_299, %add3A_333 : i32
    %dma_wait3A_335 = arith.constant 1 : i32
    %dma_wait3A_336 = arith.constant 12288 : i32
    %dma_wait3A_337 = tpu.memref_slice %arg9[%dma_wait3A_335, %dma_wait3A_336] : memref<2x16384xf32, #tpu.memory_space<vmem>> -> memref<1x4096xf32, #tpu.memory_space<vmem>>
    %dma_wait3A_338 = tpu.memref_squeeze %dma_wait3A_337 : memref<1x4096xf32, #tpu.memory_space<vmem>> -> memref<4096xf32, #tpu.memory_space<vmem>>
    %dma_wait3A_339 = tpu.memref_slice %arg5[%add3A_334] : memref<26214400xf32, #tpu.memory_space<hbm>> -> memref<4096xf32, #tpu.memory_space<hbm>>
    %dma_wait3A_340 = tpu.memref_slice %arg5[%add3A_334] : memref<26214400xf32, #tpu.memory_space<hbm>> -> memref<4096xf32, #tpu.memory_space<hbm>>
    %dma_wait3A_341 = arith.constant 12288 : i32
    %dma_wait3A_342 = tpu.memref_slice %arg9[%dma_wait3A_335, %dma_wait3A_341] : memref<2x16384xf32, #tpu.memory_space<vmem>> -> memref<1x4096xf32, #tpu.memory_space<vmem>>
    %dma_wait3A_343 = tpu.memref_squeeze %dma_wait3A_342 : memref<1x4096xf32, #tpu.memory_space<vmem>> -> memref<4096xf32, #tpu.memory_space<vmem>>
    tpu.wait_dma2 semaphore(%arg11 : memref<!tpu.dma_semaphore, #tpu.memory_space<semaphore_mem>>) src(%dma_wait3A_343 : memref<4096xf32, #tpu.memory_space<vmem>>) dst(%dma_wait3A_340 : memref<4096xf32, #tpu.memory_space<hbm>>)
    return
  }
}

module attributes {stable_mosaic.version = 14 : i64} {
  func.func @_tc_transpose_body(%arg0: i32, %arg1: memref<32x8192xf32, #tpu.memory_space<vmem>>, %arg2: memref<2048x128xf32, #tpu.memory_space<vmem>>) attributes {dimension_semantics = [#tpu.dimension_semantics<arbitrary>], iteration_bounds = array<i64: 123>, scalar_prefetch = 0 : i64, scratch_operands = 0 : i64, tpu.core_type = #tpu.core_type<tc>, window_params = [{transform_indices = @transform_0, window_bounds = array<i64: 32, 8192>}, {transform_indices = @transform_1, window_bounds = array<i64: 2048, 128>}]} {
    %get3A = arith.constant 0 : index
    %get3A_0 = arith.constant 0 : index
    %get3A_1 = vector.load %arg1[%get3A, %get3A_0] : memref<32x8192xf32, #tpu.memory_space<vmem>>, vector<32x128xf32>
    %transpose3A = tpu.transpose %get3A_1, [1, 0] : vector<32x128xf32> -> vector<128x32xf32>
    %get3A_2 = arith.constant 0 : index
    %get3A_3 = arith.constant 128 : index
    %get3A_4 = vector.load %arg1[%get3A_2, %get3A_3] : memref<32x8192xf32, #tpu.memory_space<vmem>>, vector<32x128xf32>
    %transpose3A_5 = tpu.transpose %get3A_4, [1, 0] : vector<32x128xf32> -> vector<128x32xf32>
    %get3A_6 = arith.constant 0 : index
    %get3A_7 = arith.constant 256 : index
    %get3A_8 = vector.load %arg1[%get3A_6, %get3A_7] : memref<32x8192xf32, #tpu.memory_space<vmem>>, vector<32x128xf32>
    %transpose3A_9 = tpu.transpose %get3A_8, [1, 0] : vector<32x128xf32> -> vector<128x32xf32>
    %get3A_10 = arith.constant 0 : index
    %get3A_11 = arith.constant 384 : index
    %get3A_12 = vector.load %arg1[%get3A_10, %get3A_11] : memref<32x8192xf32, #tpu.memory_space<vmem>>, vector<32x128xf32>
    %transpose3A_13 = tpu.transpose %get3A_12, [1, 0] : vector<32x128xf32> -> vector<128x32xf32>
    %concatenate3A = tpu.concatenate %transpose3A, %transpose3A_5, %transpose3A_9, %transpose3A_13 in 1 : vector<128x32xf32>, vector<128x32xf32>, vector<128x32xf32>, vector<128x32xf32> -> vector<128x128xf32>
    %swap3A = arith.constant 0 : index
    %swap3A_14 = arith.constant 0 : index
    %swap3A_15 = vector.load %arg2[%swap3A, %swap3A_14] : memref<2048x128xf32, #tpu.memory_space<vmem>>, vector<128x128xf32>
    tpu.vector_store %arg2[%swap3A, %swap3A_14], %concatenate3A {strides = array<i32>} : memref<2048x128xf32, #tpu.memory_space<vmem>>, vector<128x128xf32>,
    %get3A_16 = arith.constant 0 : index
    %get3A_17 = arith.constant 512 : index
    %get3A_18 = vector.load %arg1[%get3A_16, %get3A_17] : memref<32x8192xf32, #tpu.memory_space<vmem>>, vector<32x128xf32>
    %transpose3A_19 = tpu.transpose %get3A_18, [1, 0] : vector<32x128xf32> -> vector<128x32xf32>
    %get3A_20 = arith.constant 0 : index
    %get3A_21 = arith.constant 640 : index
    %get3A_22 = vector.load %arg1[%get3A_20, %get3A_21] : memref<32x8192xf32, #tpu.memory_space<vmem>>, vector<32x128xf32>
    %transpose3A_23 = tpu.transpose %get3A_22, [1, 0] : vector<32x128xf32> -> vector<128x32xf32>
    %get3A_24 = arith.constant 0 : index
    %get3A_25 = arith.constant 768 : index
    %get3A_26 = vector.load %arg1[%get3A_24, %get3A_25] : memref<32x8192xf32, #tpu.memory_space<vmem>>, vector<32x128xf32>
    %transpose3A_27 = tpu.transpose %get3A_26, [1, 0] : vector<32x128xf32> -> vector<128x32xf32>
    %get3A_28 = arith.constant 0 : index
    %get3A_29 = arith.constant 896 : index
    %get3A_30 = vector.load %arg1[%get3A_28, %get3A_29] : memref<32x8192xf32, #tpu.memory_space<vmem>>, vector<32x128xf32>
    %transpose3A_31 = tpu.transpose %get3A_30, [1, 0] : vector<32x128xf32> -> vector<128x32xf32>
    %concatenate3A_32 = tpu.concatenate %transpose3A_19, %transpose3A_23, %transpose3A_27, %transpose3A_31 in 1 : vector<128x32xf32>, vector<128x32xf32>, vector<128x32xf32>, vector<128x32xf32> -> vector<128x128xf32>
    %swap3A_33 = arith.constant 128 : index
    %swap3A_34 = arith.constant 0 : index
    %swap3A_35 = vector.load %arg2[%swap3A_33, %swap3A_34] : memref<2048x128xf32, #tpu.memory_space<vmem>>, vector<128x128xf32>
    tpu.vector_store %arg2[%swap3A_33, %swap3A_34], %concatenate3A_32 {strides = array<i32>} : memref<2048x128xf32, #tpu.memory_space<vmem>>, vector<128x128xf32>,
    %get3A_36 = arith.constant 0 : index
    %get3A_37 = arith.constant 1024 : index
    %get3A_38 = vector.load %arg1[%get3A_36, %get3A_37] : memref<32x8192xf32, #tpu.memory_space<vmem>>, vector<32x128xf32>
    %transpose3A_39 = tpu.transpose %get3A_38, [1, 0] : vector<32x128xf32> -> vector<128x32xf32>
    %get3A_40 = arith.constant 0 : index
    %get3A_41 = arith.constant 1152 : index
    %get3A_42 = vector.load %arg1[%get3A_40, %get3A_41] : memref<32x8192xf32, #tpu.memory_space<vmem>>, vector<32x128xf32>
    %transpose3A_43 = tpu.transpose %get3A_42, [1, 0] : vector<32x128xf32> -> vector<128x32xf32>
    %get3A_44 = arith.constant 0 : index
    %get3A_45 = arith.constant 1280 : index
    %get3A_46 = vector.load %arg1[%get3A_44, %get3A_45] : memref<32x8192xf32, #tpu.memory_space<vmem>>, vector<32x128xf32>
    %transpose3A_47 = tpu.transpose %get3A_46, [1, 0] : vector<32x128xf32> -> vector<128x32xf32>
    %get3A_48 = arith.constant 0 : index
    %get3A_49 = arith.constant 1408 : index
    %get3A_50 = vector.load %arg1[%get3A_48, %get3A_49] : memref<32x8192xf32, #tpu.memory_space<vmem>>, vector<32x128xf32>
    %transpose3A_51 = tpu.transpose %get3A_50, [1, 0] : vector<32x128xf32> -> vector<128x32xf32>
    %concatenate3A_52 = tpu.concatenate %transpose3A_39, %transpose3A_43, %transpose3A_47, %transpose3A_51 in 1 : vector<128x32xf32>, vector<128x32xf32>, vector<128x32xf32>, vector<128x32xf32> -> vector<128x128xf32>
    %swap3A_53 = arith.constant 256 : index
    %swap3A_54 = arith.constant 0 : index
    %swap3A_55 = vector.load %arg2[%swap3A_53, %swap3A_54] : memref<2048x128xf32, #tpu.memory_space<vmem>>, vector<128x128xf32>
    tpu.vector_store %arg2[%swap3A_53, %swap3A_54], %concatenate3A_52 {strides = array<i32>} : memref<2048x128xf32, #tpu.memory_space<vmem>>, vector<128x128xf32>,
    %get3A_56 = arith.constant 0 : index
    %get3A_57 = arith.constant 1536 : index
    %get3A_58 = vector.load %arg1[%get3A_56, %get3A_57] : memref<32x8192xf32, #tpu.memory_space<vmem>>, vector<32x128xf32>
    %transpose3A_59 = tpu.transpose %get3A_58, [1, 0] : vector<32x128xf32> -> vector<128x32xf32>
    %get3A_60 = arith.constant 0 : index
    %get3A_61 = arith.constant 1664 : index
    %get3A_62 = vector.load %arg1[%get3A_60, %get3A_61] : memref<32x8192xf32, #tpu.memory_space<vmem>>, vector<32x128xf32>
    %transpose3A_63 = tpu.transpose %get3A_62, [1, 0] : vector<32x128xf32> -> vector<128x32xf32>
    %get3A_64 = arith.constant 0 : index
    %get3A_65 = arith.constant 1792 : index
    %get3A_66 = vector.load %arg1[%get3A_64, %get3A_65] : memref<32x8192xf32, #tpu.memory_space<vmem>>, vector<32x128xf32>
    %transpose3A_67 = tpu.transpose %get3A_66, [1, 0] : vector<32x128xf32> -> vector<128x32xf32>
    %get3A_68 = arith.constant 0 : index
    %get3A_69 = arith.constant 1920 : index
    %get3A_70 = vector.load %arg1[%get3A_68, %get3A_69] : memref<32x8192xf32, #tpu.memory_space<vmem>>, vector<32x128xf32>
    %transpose3A_71 = tpu.transpose %get3A_70, [1, 0] : vector<32x128xf32> -> vector<128x32xf32>
    %concatenate3A_72 = tpu.concatenate %transpose3A_59, %transpose3A_63, %transpose3A_67, %transpose3A_71 in 1 : vector<128x32xf32>, vector<128x32xf32>, vector<128x32xf32>, vector<128x32xf32> -> vector<128x128xf32>
    %swap3A_73 = arith.constant 384 : index
    %swap3A_74 = arith.constant 0 : index
    %swap3A_75 = vector.load %arg2[%swap3A_73, %swap3A_74] : memref<2048x128xf32, #tpu.memory_space<vmem>>, vector<128x128xf32>
    tpu.vector_store %arg2[%swap3A_73, %swap3A_74], %concatenate3A_72 {strides = array<i32>} : memref<2048x128xf32, #tpu.memory_space<vmem>>, vector<128x128xf32>,
    %get3A_76 = arith.constant 0 : index
    %get3A_77 = arith.constant 2048 : index
    %get3A_78 = vector.load %arg1[%get3A_76, %get3A_77] : memref<32x8192xf32, #tpu.memory_space<vmem>>, vector<32x128xf32>
    %transpose3A_79 = tpu.transpose %get3A_78, [1, 0] : vector<32x128xf32> -> vector<128x32xf32>
    %get3A_80 = arith.constant 0 : index
    %get3A_81 = arith.constant 2176 : index
    %get3A_82 = vector.load %arg1[%get3A_80, %get3A_81] : memref<32x8192xf32, #tpu.memory_space<vmem>>, vector<32x128xf32>
    %transpose3A_83 = tpu.transpose %get3A_82, [1, 0] : vector<32x128xf32> -> vector<128x32xf32>
    %get3A_84 = arith.constant 0 : index
    %get3A_85 = arith.constant 2304 : index
    %get3A_86 = vector.load %arg1[%get3A_84, %get3A_85] : memref<32x8192xf32, #tpu.memory_space<vmem>>, vector<32x128xf32>
    %transpose3A_87 = tpu.transpose %get3A_86, [1, 0] : vector<32x128xf32> -> vector<128x32xf32>
    %get3A_88 = arith.constant 0 : index
    %get3A_89 = arith.constant 2432 : index
    %get3A_90 = vector.load %arg1[%get3A_88, %get3A_89] : memref<32x8192xf32, #tpu.memory_space<vmem>>, vector<32x128xf32>
    %transpose3A_91 = tpu.transpose %get3A_90, [1, 0] : vector<32x128xf32> -> vector<128x32xf32>
    %concatenate3A_92 = tpu.concatenate %transpose3A_79, %transpose3A_83, %transpose3A_87, %transpose3A_91 in 1 : vector<128x32xf32>, vector<128x32xf32>, vector<128x32xf32>, vector<128x32xf32> -> vector<128x128xf32>
    %swap3A_93 = arith.constant 512 : index
    %swap3A_94 = arith.constant 0 : index
    %swap3A_95 = vector.load %arg2[%swap3A_93, %swap3A_94] : memref<2048x128xf32, #tpu.memory_space<vmem>>, vector<128x128xf32>
    tpu.vector_store %arg2[%swap3A_93, %swap3A_94], %concatenate3A_92 {strides = array<i32>} : memref<2048x128xf32, #tpu.memory_space<vmem>>, vector<128x128xf32>,
    %get3A_96 = arith.constant 0 : index
    %get3A_97 = arith.constant 2560 : index
    %get3A_98 = vector.load %arg1[%get3A_96, %get3A_97] : memref<32x8192xf32, #tpu.memory_space<vmem>>, vector<32x128xf32>
    %transpose3A_99 = tpu.transpose %get3A_98, [1, 0] : vector<32x128xf32> -> vector<128x32xf32>
    %get3A_100 = arith.constant 0 : index
    %get3A_101 = arith.constant 2688 : index
    %get3A_102 = vector.load %arg1[%get3A_100, %get3A_101] : memref<32x8192xf32, #tpu.memory_space<vmem>>, vector<32x128xf32>
    %transpose3A_103 = tpu.transpose %get3A_102, [1, 0] : vector<32x128xf32> -> vector<128x32xf32>
    %get3A_104 = arith.constant 0 : index
    %get3A_105 = arith.constant 2816 : index
    %get3A_106 = vector.load %arg1[%get3A_104, %get3A_105] : memref<32x8192xf32, #tpu.memory_space<vmem>>, vector<32x128xf32>
    %transpose3A_107 = tpu.transpose %get3A_106, [1, 0] : vector<32x128xf32> -> vector<128x32xf32>
    %get3A_108 = arith.constant 0 : index
    %get3A_109 = arith.constant 2944 : index
    %get3A_110 = vector.load %arg1[%get3A_108, %get3A_109] : memref<32x8192xf32, #tpu.memory_space<vmem>>, vector<32x128xf32>
    %transpose3A_111 = tpu.transpose %get3A_110, [1, 0] : vector<32x128xf32> -> vector<128x32xf32>
    %concatenate3A_112 = tpu.concatenate %transpose3A_99, %transpose3A_103, %transpose3A_107, %transpose3A_111 in 1 : vector<128x32xf32>, vector<128x32xf32>, vector<128x32xf32>, vector<128x32xf32> -> vector<128x128xf32>
    %swap3A_113 = arith.constant 640 : index
    %swap3A_114 = arith.constant 0 : index
    %swap3A_115 = vector.load %arg2[%swap3A_113, %swap3A_114] : memref<2048x128xf32, #tpu.memory_space<vmem>>, vector<128x128xf32>
    tpu.vector_store %arg2[%swap3A_113, %swap3A_114], %concatenate3A_112 {strides = array<i32>} : memref<2048x128xf32, #tpu.memory_space<vmem>>, vector<128x128xf32>,
    %get3A_116 = arith.constant 0 : index
    %get3A_117 = arith.constant 3072 : index
    %get3A_118 = vector.load %arg1[%get3A_116, %get3A_117] : memref<32x8192xf32, #tpu.memory_space<vmem>>, vector<32x128xf32>
    %transpose3A_119 = tpu.transpose %get3A_118, [1, 0] : vector<32x128xf32> -> vector<128x32xf32>
    %get3A_120 = arith.constant 0 : index
    %get3A_121 = arith.constant 3200 : index
    %get3A_122 = vector.load %arg1[%get3A_120, %get3A_121] : memref<32x8192xf32, #tpu.memory_space<vmem>>, vector<32x128xf32>
    %transpose3A_123 = tpu.transpose %get3A_122, [1, 0] : vector<32x128xf32> -> vector<128x32xf32>
    %get3A_124 = arith.constant 0 : index
    %get3A_125 = arith.constant 3328 : index
    %get3A_126 = vector.load %arg1[%get3A_124, %get3A_125] : memref<32x8192xf32, #tpu.memory_space<vmem>>, vector<32x128xf32>
    %transpose3A_127 = tpu.transpose %get3A_126, [1, 0] : vector<32x128xf32> -> vector<128x32xf32>
    %get3A_128 = arith.constant 0 : index
    %get3A_129 = arith.constant 3456 : index
    %get3A_130 = vector.load %arg1[%get3A_128, %get3A_129] : memref<32x8192xf32, #tpu.memory_space<vmem>>, vector<32x128xf32>
    %transpose3A_131 = tpu.transpose %get3A_130, [1, 0] : vector<32x128xf32> -> vector<128x32xf32>
    %concatenate3A_132 = tpu.concatenate %transpose3A_119, %transpose3A_123, %transpose3A_127, %transpose3A_131 in 1 : vector<128x32xf32>, vector<128x32xf32>, vector<128x32xf32>, vector<128x32xf32> -> vector<128x128xf32>
    %swap3A_133 = arith.constant 768 : index
    %swap3A_134 = arith.constant 0 : index
    %swap3A_135 = vector.load %arg2[%swap3A_133, %swap3A_134] : memref<2048x128xf32, #tpu.memory_space<vmem>>, vector<128x128xf32>
    tpu.vector_store %arg2[%swap3A_133, %swap3A_134], %concatenate3A_132 {strides = array<i32>} : memref<2048x128xf32, #tpu.memory_space<vmem>>, vector<128x128xf32>,
    %get3A_136 = arith.constant 0 : index
    %get3A_137 = arith.constant 3584 : index
    %get3A_138 = vector.load %arg1[%get3A_136, %get3A_137] : memref<32x8192xf32, #tpu.memory_space<vmem>>, vector<32x128xf32>
    %transpose3A_139 = tpu.transpose %get3A_138, [1, 0] : vector<32x128xf32> -> vector<128x32xf32>
    %get3A_140 = arith.constant 0 : index
    %get3A_141 = arith.constant 3712 : index
    %get3A_142 = vector.load %arg1[%get3A_140, %get3A_141] : memref<32x8192xf32, #tpu.memory_space<vmem>>, vector<32x128xf32>
    %transpose3A_143 = tpu.transpose %get3A_142, [1, 0] : vector<32x128xf32> -> vector<128x32xf32>
    %get3A_144 = arith.constant 0 : index
    %get3A_145 = arith.constant 3840 : index
    %get3A_146 = vector.load %arg1[%get3A_144, %get3A_145] : memref<32x8192xf32, #tpu.memory_space<vmem>>, vector<32x128xf32>
    %transpose3A_147 = tpu.transpose %get3A_146, [1, 0] : vector<32x128xf32> -> vector<128x32xf32>
    %get3A_148 = arith.constant 0 : index
    %get3A_149 = arith.constant 3968 : index
    %get3A_150 = vector.load %arg1[%get3A_148, %get3A_149] : memref<32x8192xf32, #tpu.memory_space<vmem>>, vector<32x128xf32>
    %transpose3A_151 = tpu.transpose %get3A_150, [1, 0] : vector<32x128xf32> -> vector<128x32xf32>
    %concatenate3A_152 = tpu.concatenate %transpose3A_139, %transpose3A_143, %transpose3A_147, %transpose3A_151 in 1 : vector<128x32xf32>, vector<128x32xf32>, vector<128x32xf32>, vector<128x32xf32> -> vector<128x128xf32>
    %swap3A_153 = arith.constant 896 : index
    %swap3A_154 = arith.constant 0 : index
    %swap3A_155 = vector.load %arg2[%swap3A_153, %swap3A_154] : memref<2048x128xf32, #tpu.memory_space<vmem>>, vector<128x128xf32>
    tpu.vector_store %arg2[%swap3A_153, %swap3A_154], %concatenate3A_152 {strides = array<i32>} : memref<2048x128xf32, #tpu.memory_space<vmem>>, vector<128x128xf32>,
    %get3A_156 = arith.constant 0 : index
    %get3A_157 = arith.constant 4096 : index
    %get3A_158 = vector.load %arg1[%get3A_156, %get3A_157] : memref<32x8192xf32, #tpu.memory_space<vmem>>, vector<32x128xf32>
    %transpose3A_159 = tpu.transpose %get3A_158, [1, 0] : vector<32x128xf32> -> vector<128x32xf32>
    %get3A_160 = arith.constant 0 : index
    %get3A_161 = arith.constant 4224 : index
    %get3A_162 = vector.load %arg1[%get3A_160, %get3A_161] : memref<32x8192xf32, #tpu.memory_space<vmem>>, vector<32x128xf32>
    %transpose3A_163 = tpu.transpose %get3A_162, [1, 0] : vector<32x128xf32> -> vector<128x32xf32>
    %get3A_164 = arith.constant 0 : index
    %get3A_165 = arith.constant 4352 : index
    %get3A_166 = vector.load %arg1[%get3A_164, %get3A_165] : memref<32x8192xf32, #tpu.memory_space<vmem>>, vector<32x128xf32>
    %transpose3A_167 = tpu.transpose %get3A_166, [1, 0] : vector<32x128xf32> -> vector<128x32xf32>
    %get3A_168 = arith.constant 0 : index
    %get3A_169 = arith.constant 4480 : index
    %get3A_170 = vector.load %arg1[%get3A_168, %get3A_169] : memref<32x8192xf32, #tpu.memory_space<vmem>>, vector<32x128xf32>
    %transpose3A_171 = tpu.transpose %get3A_170, [1, 0] : vector<32x128xf32> -> vector<128x32xf32>
    %concatenate3A_172 = tpu.concatenate %transpose3A_159, %transpose3A_163, %transpose3A_167, %transpose3A_171 in 1 : vector<128x32xf32>, vector<128x32xf32>, vector<128x32xf32>, vector<128x32xf32> -> vector<128x128xf32>
    %swap3A_173 = arith.constant 1024 : index
    %swap3A_174 = arith.constant 0 : index
    %swap3A_175 = vector.load %arg2[%swap3A_173, %swap3A_174] : memref<2048x128xf32, #tpu.memory_space<vmem>>, vector<128x128xf32>
    tpu.vector_store %arg2[%swap3A_173, %swap3A_174], %concatenate3A_172 {strides = array<i32>} : memref<2048x128xf32, #tpu.memory_space<vmem>>, vector<128x128xf32>,
    %get3A_176 = arith.constant 0 : index
    %get3A_177 = arith.constant 4608 : index
    %get3A_178 = vector.load %arg1[%get3A_176, %get3A_177] : memref<32x8192xf32, #tpu.memory_space<vmem>>, vector<32x128xf32>
    %transpose3A_179 = tpu.transpose %get3A_178, [1, 0] : vector<32x128xf32> -> vector<128x32xf32>
    %get3A_180 = arith.constant 0 : index
    %get3A_181 = arith.constant 4736 : index
    %get3A_182 = vector.load %arg1[%get3A_180, %get3A_181] : memref<32x8192xf32, #tpu.memory_space<vmem>>, vector<32x128xf32>
    %transpose3A_183 = tpu.transpose %get3A_182, [1, 0] : vector<32x128xf32> -> vector<128x32xf32>
    %get3A_184 = arith.constant 0 : index
    %get3A_185 = arith.constant 4864 : index
    %get3A_186 = vector.load %arg1[%get3A_184, %get3A_185] : memref<32x8192xf32, #tpu.memory_space<vmem>>, vector<32x128xf32>
    %transpose3A_187 = tpu.transpose %get3A_186, [1, 0] : vector<32x128xf32> -> vector<128x32xf32>
    %get3A_188 = arith.constant 0 : index
    %get3A_189 = arith.constant 4992 : index
    %get3A_190 = vector.load %arg1[%get3A_188, %get3A_189] : memref<32x8192xf32, #tpu.memory_space<vmem>>, vector<32x128xf32>
    %transpose3A_191 = tpu.transpose %get3A_190, [1, 0] : vector<32x128xf32> -> vector<128x32xf32>
    %concatenate3A_192 = tpu.concatenate %transpose3A_179, %transpose3A_183, %transpose3A_187, %transpose3A_191 in 1 : vector<128x32xf32>, vector<128x32xf32>, vector<128x32xf32>, vector<128x32xf32> -> vector<128x128xf32>
    %swap3A_193 = arith.constant 1152 : index
    %swap3A_194 = arith.constant 0 : index
    %swap3A_195 = vector.load %arg2[%swap3A_193, %swap3A_194] : memref<2048x128xf32, #tpu.memory_space<vmem>>, vector<128x128xf32>
    tpu.vector_store %arg2[%swap3A_193, %swap3A_194], %concatenate3A_192 {strides = array<i32>} : memref<2048x128xf32, #tpu.memory_space<vmem>>, vector<128x128xf32>,
    %get3A_196 = arith.constant 0 : index
    %get3A_197 = arith.constant 5120 : index
    %get3A_198 = vector.load %arg1[%get3A_196, %get3A_197] : memref<32x8192xf32, #tpu.memory_space<vmem>>, vector<32x128xf32>
    %transpose3A_199 = tpu.transpose %get3A_198, [1, 0] : vector<32x128xf32> -> vector<128x32xf32>
    %get3A_200 = arith.constant 0 : index
    %get3A_201 = arith.constant 5248 : index
    %get3A_202 = vector.load %arg1[%get3A_200, %get3A_201] : memref<32x8192xf32, #tpu.memory_space<vmem>>, vector<32x128xf32>
    %transpose3A_203 = tpu.transpose %get3A_202, [1, 0] : vector<32x128xf32> -> vector<128x32xf32>
    %get3A_204 = arith.constant 0 : index
    %get3A_205 = arith.constant 5376 : index
    %get3A_206 = vector.load %arg1[%get3A_204, %get3A_205] : memref<32x8192xf32, #tpu.memory_space<vmem>>, vector<32x128xf32>
    %transpose3A_207 = tpu.transpose %get3A_206, [1, 0] : vector<32x128xf32> -> vector<128x32xf32>
    %get3A_208 = arith.constant 0 : index
    %get3A_209 = arith.constant 5504 : index
    %get3A_210 = vector.load %arg1[%get3A_208, %get3A_209] : memref<32x8192xf32, #tpu.memory_space<vmem>>, vector<32x128xf32>
    %transpose3A_211 = tpu.transpose %get3A_210, [1, 0] : vector<32x128xf32> -> vector<128x32xf32>
    %concatenate3A_212 = tpu.concatenate %transpose3A_199, %transpose3A_203, %transpose3A_207, %transpose3A_211 in 1 : vector<128x32xf32>, vector<128x32xf32>, vector<128x32xf32>, vector<128x32xf32> -> vector<128x128xf32>
    %swap3A_213 = arith.constant 1280 : index
    %swap3A_214 = arith.constant 0 : index
    %swap3A_215 = vector.load %arg2[%swap3A_213, %swap3A_214] : memref<2048x128xf32, #tpu.memory_space<vmem>>, vector<128x128xf32>
    tpu.vector_store %arg2[%swap3A_213, %swap3A_214], %concatenate3A_212 {strides = array<i32>} : memref<2048x128xf32, #tpu.memory_space<vmem>>, vector<128x128xf32>,
    %get3A_216 = arith.constant 0 : index
    %get3A_217 = arith.constant 5632 : index
    %get3A_218 = vector.load %arg1[%get3A_216, %get3A_217] : memref<32x8192xf32, #tpu.memory_space<vmem>>, vector<32x128xf32>
    %transpose3A_219 = tpu.transpose %get3A_218, [1, 0] : vector<32x128xf32> -> vector<128x32xf32>
    %get3A_220 = arith.constant 0 : index
    %get3A_221 = arith.constant 5760 : index
    %get3A_222 = vector.load %arg1[%get3A_220, %get3A_221] : memref<32x8192xf32, #tpu.memory_space<vmem>>, vector<32x128xf32>
    %transpose3A_223 = tpu.transpose %get3A_222, [1, 0] : vector<32x128xf32> -> vector<128x32xf32>
    %get3A_224 = arith.constant 0 : index
    %get3A_225 = arith.constant 5888 : index
    %get3A_226 = vector.load %arg1[%get3A_224, %get3A_225] : memref<32x8192xf32, #tpu.memory_space<vmem>>, vector<32x128xf32>
    %transpose3A_227 = tpu.transpose %get3A_226, [1, 0] : vector<32x128xf32> -> vector<128x32xf32>
    %get3A_228 = arith.constant 0 : index
    %get3A_229 = arith.constant 6016 : index
    %get3A_230 = vector.load %arg1[%get3A_228, %get3A_229] : memref<32x8192xf32, #tpu.memory_space<vmem>>, vector<32x128xf32>
    %transpose3A_231 = tpu.transpose %get3A_230, [1, 0] : vector<32x128xf32> -> vector<128x32xf32>
    %concatenate3A_232 = tpu.concatenate %transpose3A_219, %transpose3A_223, %transpose3A_227, %transpose3A_231 in 1 : vector<128x32xf32>, vector<128x32xf32>, vector<128x32xf32>, vector<128x32xf32> -> vector<128x128xf32>
    %swap3A_233 = arith.constant 1408 : index
    %swap3A_234 = arith.constant 0 : index
    %swap3A_235 = vector.load %arg2[%swap3A_233, %swap3A_234] : memref<2048x128xf32, #tpu.memory_space<vmem>>, vector<128x128xf32>
    tpu.vector_store %arg2[%swap3A_233, %swap3A_234], %concatenate3A_232 {strides = array<i32>} : memref<2048x128xf32, #tpu.memory_space<vmem>>, vector<128x128xf32>,
    %get3A_236 = arith.constant 0 : index
    %get3A_237 = arith.constant 6144 : index
    %get3A_238 = vector.load %arg1[%get3A_236, %get3A_237] : memref<32x8192xf32, #tpu.memory_space<vmem>>, vector<32x128xf32>
    %transpose3A_239 = tpu.transpose %get3A_238, [1, 0] : vector<32x128xf32> -> vector<128x32xf32>
    %get3A_240 = arith.constant 0 : index
    %get3A_241 = arith.constant 6272 : index
    %get3A_242 = vector.load %arg1[%get3A_240, %get3A_241] : memref<32x8192xf32, #tpu.memory_space<vmem>>, vector<32x128xf32>
    %transpose3A_243 = tpu.transpose %get3A_242, [1, 0] : vector<32x128xf32> -> vector<128x32xf32>
    %get3A_244 = arith.constant 0 : index
    %get3A_245 = arith.constant 6400 : index
    %get3A_246 = vector.load %arg1[%get3A_244, %get3A_245] : memref<32x8192xf32, #tpu.memory_space<vmem>>, vector<32x128xf32>
    %transpose3A_247 = tpu.transpose %get3A_246, [1, 0] : vector<32x128xf32> -> vector<128x32xf32>
    %get3A_248 = arith.constant 0 : index
    %get3A_249 = arith.constant 6528 : index
    %get3A_250 = vector.load %arg1[%get3A_248, %get3A_249] : memref<32x8192xf32, #tpu.memory_space<vmem>>, vector<32x128xf32>
    %transpose3A_251 = tpu.transpose %get3A_250, [1, 0] : vector<32x128xf32> -> vector<128x32xf32>
    %concatenate3A_252 = tpu.concatenate %transpose3A_239, %transpose3A_243, %transpose3A_247, %transpose3A_251 in 1 : vector<128x32xf32>, vector<128x32xf32>, vector<128x32xf32>, vector<128x32xf32> -> vector<128x128xf32>
    %swap3A_253 = arith.constant 1536 : index
    %swap3A_254 = arith.constant 0 : index
    %swap3A_255 = vector.load %arg2[%swap3A_253, %swap3A_254] : memref<2048x128xf32, #tpu.memory_space<vmem>>, vector<128x128xf32>
    tpu.vector_store %arg2[%swap3A_253, %swap3A_254], %concatenate3A_252 {strides = array<i32>} : memref<2048x128xf32, #tpu.memory_space<vmem>>, vector<128x128xf32>,
    %get3A_256 = arith.constant 0 : index
    %get3A_257 = arith.constant 6656 : index
    %get3A_258 = vector.load %arg1[%get3A_256, %get3A_257] : memref<32x8192xf32, #tpu.memory_space<vmem>>, vector<32x128xf32>
    %transpose3A_259 = tpu.transpose %get3A_258, [1, 0] : vector<32x128xf32> -> vector<128x32xf32>
    %get3A_260 = arith.constant 0 : index
    %get3A_261 = arith.constant 6784 : index
    %get3A_262 = vector.load %arg1[%get3A_260, %get3A_261] : memref<32x8192xf32, #tpu.memory_space<vmem>>, vector<32x128xf32>
    %transpose3A_263 = tpu.transpose %get3A_262, [1, 0] : vector<32x128xf32> -> vector<128x32xf32>
    %get3A_264 = arith.constant 0 : index
    %get3A_265 = arith.constant 6912 : index
    %get3A_266 = vector.load %arg1[%get3A_264, %get3A_265] : memref<32x8192xf32, #tpu.memory_space<vmem>>, vector<32x128xf32>
    %transpose3A_267 = tpu.transpose %get3A_266, [1, 0] : vector<32x128xf32> -> vector<128x32xf32>
    %get3A_268 = arith.constant 0 : index
    %get3A_269 = arith.constant 7040 : index
    %get3A_270 = vector.load %arg1[%get3A_268, %get3A_269] : memref<32x8192xf32, #tpu.memory_space<vmem>>, vector<32x128xf32>
    %transpose3A_271 = tpu.transpose %get3A_270, [1, 0] : vector<32x128xf32> -> vector<128x32xf32>
    %concatenate3A_272 = tpu.concatenate %transpose3A_259, %transpose3A_263, %transpose3A_267, %transpose3A_271 in 1 : vector<128x32xf32>, vector<128x32xf32>, vector<128x32xf32>, vector<128x32xf32> -> vector<128x128xf32>
    %swap3A_273 = arith.constant 1664 : index
    %swap3A_274 = arith.constant 0 : index
    %swap3A_275 = vector.load %arg2[%swap3A_273, %swap3A_274] : memref<2048x128xf32, #tpu.memory_space<vmem>>, vector<128x128xf32>
    tpu.vector_store %arg2[%swap3A_273, %swap3A_274], %concatenate3A_272 {strides = array<i32>} : memref<2048x128xf32, #tpu.memory_space<vmem>>, vector<128x128xf32>,
    %get3A_276 = arith.constant 0 : index
    %get3A_277 = arith.constant 7168 : index
    %get3A_278 = vector.load %arg1[%get3A_276, %get3A_277] : memref<32x8192xf32, #tpu.memory_space<vmem>>, vector<32x128xf32>
    %transpose3A_279 = tpu.transpose %get3A_278, [1, 0] : vector<32x128xf32> -> vector<128x32xf32>
    %get3A_280 = arith.constant 0 : index
    %get3A_281 = arith.constant 7296 : index
    %get3A_282 = vector.load %arg1[%get3A_280, %get3A_281] : memref<32x8192xf32, #tpu.memory_space<vmem>>, vector<32x128xf32>
    %transpose3A_283 = tpu.transpose %get3A_282, [1, 0] : vector<32x128xf32> -> vector<128x32xf32>
    %get3A_284 = arith.constant 0 : index
    %get3A_285 = arith.constant 7424 : index
    %get3A_286 = vector.load %arg1[%get3A_284, %get3A_285] : memref<32x8192xf32, #tpu.memory_space<vmem>>, vector<32x128xf32>
    %transpose3A_287 = tpu.transpose %get3A_286, [1, 0] : vector<32x128xf32> -> vector<128x32xf32>
    %get3A_288 = arith.constant 0 : index
    %get3A_289 = arith.constant 7552 : index
    %get3A_290 = vector.load %arg1[%get3A_288, %get3A_289] : memref<32x8192xf32, #tpu.memory_space<vmem>>, vector<32x128xf32>
    %transpose3A_291 = tpu.transpose %get3A_290, [1, 0] : vector<32x128xf32> -> vector<128x32xf32>
    %concatenate3A_292 = tpu.concatenate %transpose3A_279, %transpose3A_283, %transpose3A_287, %transpose3A_291 in 1 : vector<128x32xf32>, vector<128x32xf32>, vector<128x32xf32>, vector<128x32xf32> -> vector<128x128xf32>
    %swap3A_293 = arith.constant 1792 : index
    %swap3A_294 = arith.constant 0 : index
    %swap3A_295 = vector.load %arg2[%swap3A_293, %swap3A_294] : memref<2048x128xf32, #tpu.memory_space<vmem>>, vector<128x128xf32>
    tpu.vector_store %arg2[%swap3A_293, %swap3A_294], %concatenate3A_292 {strides = array<i32>} : memref<2048x128xf32, #tpu.memory_space<vmem>>, vector<128x128xf32>,
    %get3A_296 = arith.constant 0 : index
    %get3A_297 = arith.constant 7680 : index
    %get3A_298 = vector.load %arg1[%get3A_296, %get3A_297] : memref<32x8192xf32, #tpu.memory_space<vmem>>, vector<32x128xf32>
    %transpose3A_299 = tpu.transpose %get3A_298, [1, 0] : vector<32x128xf32> -> vector<128x32xf32>
    %get3A_300 = arith.constant 0 : index
    %get3A_301 = arith.constant 7808 : index
    %get3A_302 = vector.load %arg1[%get3A_300, %get3A_301] : memref<32x8192xf32, #tpu.memory_space<vmem>>, vector<32x128xf32>
    %transpose3A_303 = tpu.transpose %get3A_302, [1, 0] : vector<32x128xf32> -> vector<128x32xf32>
    %get3A_304 = arith.constant 0 : index
    %get3A_305 = arith.constant 7936 : index
    %get3A_306 = vector.load %arg1[%get3A_304, %get3A_305] : memref<32x8192xf32, #tpu.memory_space<vmem>>, vector<32x128xf32>
    %transpose3A_307 = tpu.transpose %get3A_306, [1, 0] : vector<32x128xf32> -> vector<128x32xf32>
    %get3A_308 = arith.constant 0 : index
    %get3A_309 = arith.constant 8064 : index
    %get3A_310 = vector.load %arg1[%get3A_308, %get3A_309] : memref<32x8192xf32, #tpu.memory_space<vmem>>, vector<32x128xf32>
    %transpose3A_311 = tpu.transpose %get3A_310, [1, 0] : vector<32x128xf32> -> vector<128x32xf32>
    %concatenate3A_312 = tpu.concatenate %transpose3A_299, %transpose3A_303, %transpose3A_307, %transpose3A_311 in 1 : vector<128x32xf32>, vector<128x32xf32>, vector<128x32xf32>, vector<128x32xf32> -> vector<128x128xf32>
    %swap3A_313 = arith.constant 1920 : index
    %swap3A_314 = arith.constant 0 : index
    %swap3A_315 = vector.load %arg2[%swap3A_313, %swap3A_314] : memref<2048x128xf32, #tpu.memory_space<vmem>>, vector<128x128xf32>
    tpu.vector_store %arg2[%swap3A_313, %swap3A_314], %concatenate3A_312 {strides = array<i32>} : memref<2048x128xf32, #tpu.memory_space<vmem>>, vector<128x128xf32>,
    return
  }
  func.func @transform_0(%arg0: i32) -> (i32, i32) {
    %c0_i32 = arith.constant 0 : i32
    %c0_i32_0 = arith.constant 0 : i32
    return %c0_i32, %arg0 : i32, i32
  }
  func.func @transform_1(%arg0: i32) -> (i32, i32) {
    %c0_i32 = arith.constant 0 : i32
    %c0_i32_0 = arith.constant 0 : i32
    return %arg0, %c0_i32 : i32, i32
  }
}

</mosaic_0001>

<sc_bundles>
// kernel: kernel.4.cloned.1.call-start
scs
__scs_entry_jumppad:
0x0: {  	(pc) =	sbr.rel $0x88, $3  }
0x1: {  	(tag) =	ssettag $0x0;
	lr =	simm.s32 $0x1  }
0x2: {  	[smem:$0x3F9E] =	sst lr;
	_ =	strace $0xD0000000  }
0x3: {  	_ = 	snop  }
0x4: {  	_ = 	snop  }
0x5: {  	_ = 	snop  }
0x6: {  	_ = 	snop  }
0x7: {  	_ = 	snop  }
__scs_overlays_trampoline_lowered:
0x8: {  	[smem:$0x3FAD] =	sst s0  }
0x9: {  	[smem:$0x3FAE] =	sst s1  }
0xa: {  	[smem:$0x3FAF] =	sst s2  }
0xb: {  	[smem:$0x3FB0] =	sst s3  }
0xc: {  	[smem:$0x3FB1] =	sst s4  }
0xd: {  	[smem:$0x3FB2] =	sst s5  }
0xe: {  	[smem:$0x3FB3] =	sst s6  }
0xf: {  	[smem:$0x3FB4] =	sst s7  }
0x10: {  	[smem:$0x3FB5] =	sst s8  }
0x11: {  	[smem:$0x3FB6] =	sst s9;
	s0 =	simm.s32 @!p0 $0x0  }
0x12: {  	s1 =	sld [smem:$0x3F9C];
	s0 =	simm.s32 @p0 $0x1  }
0x13: {  	[smem:$0x3FB7] =	sst s0;
	s0 =	simm.s32 @!p1 $0x0  }
0x14: {  	s2 =	sld [smem:$0x3F9B];
	s0 =	simm.s32 @p1 $0x1  }
0x15: {  	[smem:$0x3FB8] =	sst s0;
	s0 =	simm.s32 @!p2 $0x0  }
0x16: {  	s3 =	sld [smem:$0x3FDB];
	s0 =	simm.s32 @p2 $0x1  }
0x17: {  	s4 =	simm.s32 $0x1BF5;
	[smem:$0x3FBA] =	sst s0  }
0x18: {  	s0 =	sld [smem:$0x3F9D];
	_ =	swait.ge [sflag:s4], $0x0  }
0x19: {  	s7 =	sld [smem:$0x3F9E]  }
0x1a: {  	s8 =	sadd.s32 $0xFFFFE003, lr  }
0x1b: {  	s9 =	sadd.s32 $0xFFFFFEF7, lr;
	s5 =	simm.s32 $0xFFFFFFFF;
	p2 =	slt.u32 s8, $0xFFFFF086  }
0x1c: {  	p1 =	slt.u32 s9, $0xF7A;
	s5 =	simm.s32 @!p2 $0x0  }
0x1d: {  	s5 =	simm.s32 @p1 $0x1;
	p0 =	seq.s32 s7, s2  }
0x1e: {  	s7 =	smul.u32 @!p0 $0xF7A, s2;
	p2 =	seq.s32 @!p0 s5, $0x0  }
0x1f: {  	s9 =	smul.u32 $0xF7A, s1;
	s8 =	simm.s32 @!p0 $0x1BF5;
	p2 =	por !p2, p0  }
0x20: {  	[sflag:s8] =	ssyncset.s32 @!p0 $0xFFFFF086;
	s6 =	sadd.s32 @!p0 s3, s7;
	s7 =	simm.s32 @!p0 $0x108  }
0x21: {  	s3 =	sadd.s32 s3, s9;
	s6 =	sadd.s32 @!p0 $0x88, s6;
	s7 =	simm.s32 @p2 $0x1082  }
0x22: {  	[simem:s7], [sflag:s8] =	dma.local @!p0 [hbm:s6], $0xF7A  }
0x23: {  	s9 =	sor.u32 $0xD0000000, s2;
	s6 =	simm.s32 $0x108;
	_ =	swait.ge @!p0 [sflag:s8], $0x0  }
0x24: {  	s3 =	sadd.s32 $0x88, s3;
	s6 =	simm.s32 @!p1 $0x1082;
	[sflag:s4] =	ssyncset.s32 $0xFFFFF086  }
0x25: {  	[simem:s6], [sflag:s4] =	dma.local [hbm:s3], $0xF7A  }
0x26: {  	[smem:$0x3F9E] =	sst s1;
	(tag) =	ssettag s2;
	_ =	strace s9  }
0x27: {  	s1 =	sld [smem:$0x3FAE]  }
0x28: {  	s2 =	sld [smem:$0x3FAF]  }
0x29: {  	s4 =	sld [smem:$0x3FB1]  }
0x2a: {  	p0 =	seq.s32 s5, $0x0;
	s5 =	sld [smem:$0x3FB2]  }
0x2b: {  	s6 =	sld [smem:$0x3FB3]  }
0x2c: {  	s7 =	sld [smem:$0x3FB4]  }
0x2d: {  	s3 =	simm.s32 $0x108;
	s8 =	sld [smem:$0x3FB5]  }
0x2e: {  	s3 =	simm.s32 @!p0 $0x1082;
	s9 =	sld [smem:$0x3FB6]  }
0x2f: {  	lr =	sadd.s32 s0, s3;
	s0 =	sld [smem:$0x3FAD]  }
0x30: {  	s3 =	sld [smem:$0x3FB0]  }
0x31: {  	[smem:$0x3FB9] =	sst s10  }
0x32: {  	s10 =	sld [smem:$0x3FB7];
	_ =	sdelay $0x3  }
0x33: {  	p0 =	seq.s32 s10, $0x1;
	s10 =	sld [smem:$0x3FB9];
	_ =	sdelay $0x3  }
0x34: {  	[smem:$0x3FB9] =	sst s10  }
0x35: {  	s10 =	sld [smem:$0x3FB8];
	_ =	sdelay $0x3  }
0x36: {  	p1 =	seq.s32 s10, $0x1;
	s10 =	sld [smem:$0x3FB9];
	_ =	sdelay $0x3  }
0x37: {  	[smem:$0x3FB9] =	sst s10  }
0x38: {  	s10 =	sld [smem:$0x3FBA]  }
0x39: {  	_ = 	snop;
	(pc) =	sbr.ind lr, $3  }
0x3a: {  	_ = 	snop  }
0x3b: {  	_ = 	snop  }
0x3c: {  	p2 =	seq.s32 s10, $0x1;
	s10 =	sld [smem:$0x3FB9]  }
0x3d: {  	_ =	shalt  }
0x3e: {  	_ =	shalt  }
0x3f: {  	_ =	shalt  }
0x40: {  	_ =	shalt  }
0x41: {  	_ =	shalt  }
0x42: {  	_ =	shalt  }
0x43: {  	_ =	shalt  }
0x44: {  	_ =	shalt  }
0x45: {  	_ =	shalt  }
0x46: {  	_ =	shalt  }
0x47: {  	_ =	shalt  }
0x48: {  	_ =	shalt  }
0x49: {  	_ =	shalt  }
0x4a: {  	_ =	shalt  }
0x4b: {  	_ =	shalt  }
0x4c: {  	_ =	shalt  }
0x4d: {  	_ =	shalt  }
0x4e: {  	_ =	shalt  }
0x4f: {  	_ =	shalt  }
0x50: {  	_ =	shalt  }
0x51: {  	_ =	shalt  }
0x52: {  	_ =	shalt  }
0x53: {  	_ =	shalt  }
0x54: {  	_ =	shalt  }
0x55: {  	_ =	shalt  }
0x56: {  	_ =	shalt  }
0x57: {  	_ =	shalt  }
0x58: {  	_ =	shalt  }
0x59: {  	_ =	shalt  }
0x5a: {  	_ =	shalt  }
0x5b: {  	_ =	shalt  }
0x5c: {  	_ =	shalt  }
0x5d: {  	_ =	shalt  }
0x5e: {  	_ =	shalt  }
0x5f: {  	_ =	shalt  }
0x60: {  	_ =	shalt  }
0x61: {  	_ =	shalt  }
0x62: {  	_ =	shalt  }
0x63: {  	_ =	shalt  }
0x64: {  	_ =	shalt  }
0x65: {  	_ =	shalt  }
0x66: {  	_ =	shalt  }
0x67: {  	_ =	shalt  }
0x68: {  	_ =	shalt  }
0x69: {  	_ =	shalt  }
0x6a: {  	_ =	shalt  }
0x6b: {  	_ =	shalt  }
0x6c: {  	_ =	shalt  }
0x6d: {  	_ =	shalt  }
0x6e: {  	_ =	shalt  }
0x6f: {  	_ =	shalt  }
0x70: {  	_ =	shalt  }
0x71: {  	_ =	shalt  }
0x72: {  	_ =	shalt  }
0x73: {  	_ =	shalt  }
0x74: {  	_ =	shalt  }
0x75: {  	_ =	shalt  }
0x76: {  	_ =	shalt  }
0x77: {  	_ =	shalt  }
0x78: {  	_ =	shalt  }
0x79: {  	_ =	shalt  }
0x7a: {  	_ =	shalt  }
0x7b: {  	_ =	shalt  }
0x7c: {  	_ =	shalt  }
0x7d: {  	_ =	shalt  }
0x7e: {  	_ =	shalt  }
0x7f: {  	_ =	shalt  }
0x80: {  	_ =	shalt  }
0x81: {  	_ =	shalt  }
0x82: {  	_ =	shalt  }
0x83: {  	_ =	shalt  }
0x84: {  	_ =	shalt  }
0x85: {  	_ =	shalt  }
0x86: {  	_ =	shalt  }
0x87: {  	_ =	shalt  }
.Lfunc_end0:
.L_simem_size_0:
called_computation_lowered:
.L_overlay_start_0:
0x88: {  	s2 =	sld [smem:$0x3FD9]  }
0x89: {  	s3 =	sld [smem:$0x3FFE];
	_ =	sdelay $0x1  }
0x8a: {  	s1 =	srdreg.scid  }
0x8b: {  	s0 =	sand.u32 $0x1, s1  }
0x8c: {  	s17 =	sshll.u32 s0, $0xA;
	s2 =	sadd.s32 s3, s2  }
0x8d: {  	s2 =	sadd.s32 s2, s17  }
0x8e: {  	[smem:$0x3FC5] =	sst s2  }
0x8f: {  	_ = 	snop  }
0x90: {  	s2 =	sld [smem:$0x3FD0];
	(tm) =	ssettm $0x1  }
0x91: {  	s18 =	sld [smem:$0x3FFB];
	_ =	sdelay $0x3  }
0x92: {  	_ =	strace s18  }
0x93: {  	s3 =	sld [smem:$0x3FFC];
	_ =	sdelay $0x3  }
0x94: {  	_ =	strace s3  }
0x95: {  	s3 =	sld [smem:$0x3FFD];
	_ =	sdelay $0x3  }
0x96: {  	_ =	strace s3  }
0x97: {  	_ =	strace $0x8FFFFFFF  }
0x98: {  	s19 =	sld [smem:$0x3FDB];
	_ =	sdelay $0x1  }
0x99: {  	s4 =	simm.s32 $_scs_section_size  }
0x9a: {  	s5 =	simm.s32 $_size__tile_overlayer_lowered;
	s6 =	simm.s32 $_tile_overlayer_lowered  }
0x9b: {  	s22 =	simm.s32 $0x1BFF;
	s21 =	sshll.u32 s6, $0x1;
	s3 =	sadd.s32 s4, s19  }
0x9c: {  	s7 =	simm.s32 $0x0;
	s20 =	sshll.u32 s5, $0x1;
	s5 =	sadd.s32 s21, s3  }
0x9d: {  	[timem:s7], [sflag:s22] =	dma.local [hbm:s5], s20  }
0x9e: {  	_ =	swait.ge [sflag:s22], s20  }
0x9f: {  	s4 =	ssub.s32 $0x0, s20;
	[sflag:s22] =	ssyncset.done $0x0  }
0xa0: {  	[sflag:s22] =	ssyncadd.s32 s4;
	_ =	sdelay $0x1  }
0xa1: {  	s23 =	simm.s32 $0x1B8B  }
0xa2: {  	_ =	swait.ge [sflag:s23], $0x1  }
0xa3: {  	[sflag:s23] =	ssyncset.done $0x0  }
0xa4: {  	s25 =	simm.s32 $0x1B8E;
	s24 =	sld [smem:$0x3FFE];
	[sflag:s23] =	ssyncadd.s32 $0xFFFFFFFF  }
0xa5: {  	s26 =	simm.s32 $execute0_lowered;
	[smem:$0x3FD2] =	sst s25  }
0xa6: {  	s5 =	sshll.u32 s26, $0x1;
	_ =	strace $0x80000046;
	[dreg:$0x1] =	wrdreg $0xFFFFFFFF  }
0xa7: {  	s28 =	simm.s32 $_size_execute0_lowered;
	s3 =	sadd.s32 s3, s5;
	[dreg:$0x0] =	wrdreg $0x0  }
0xa8: {  	s5 =	sshll.u32 s28, $0x1;
	[dreg:$0x2] =	wrdreg s3  }
0xa9: {  	[dreg:$0x3] =	wrdreg s5  }
0xaa: {  	[dreg:$0x4] =	wrdreg $0xC0  }
0xab: {  	_ =	task [dreg:s7], $0x5FFFF  }
0xac: {  	[dreg:$0x1] =	wrdreg $0xFFFFFFFF  }
0xad: {  	[dreg:$0x0] =	wrdreg $0x60  }
0xae: {  	[dreg:$0x2] =	wrdreg s24  }
0xaf: {  	[dreg:$0x3] =	wrdreg s2  }
0xb0: {  	[dreg:$0x4] =	wrdreg $0x9  }
0xb1: {  	_ =	task.clear_ibuf [dreg:s7], $0x5FFFF;
	_ =	strace $0x90000046  }
0xb2: {  	s29 =	simm.s32 $0x9;
	_ =	strace $0x80000048  }
0xb3: {  	_ =	swait.ge [sflag:s29], $0x1  }
0xb4: {  	[sflag:s29] =	ssyncadd.s32 $0xFFFFFFFF  }
0xb5: {  	_ =	strace $0x90000048  }
0xb6: {  	_ =	sfence  }
0xb7: {  	s30 =	sld [smem:$0x0];
	_ =	sdelay $0x2  }
0xb8: {  	s31 =	sshll.u32 s1, $0xD;
	s1 =	sshrl.u32 s1, $0x2  }
0xb9: {  	s3 =	sand.u32 $0x4000, s31;
	s1 =	sadd.s32 s1, s30  }
0xba: {  	s0 =	sor.u32 s3, s0;
	s1 =	sshll.u32 s1, $0x11  }
0xbb: {  	s0 =	sor.u32 s1, s0  }
0xbc: {  	s0 =	sadd.s32 $0x8F2B, s0  }
0xbd: {  	[sflag:s0] =	ssyncadd.remote.s32 $0x1  }
0xbe: {  	_ =	sfence.sel $0xFFFF  }
0xbf: {  	[dreg:$0x0] =	wrdreg $0xFFFFFFFF;
	(pc) =	sbr.abs _section_cstart, $3  }
0xc0: {  	[dreg:$0x1] =	wrdreg $0xFFFFFFFF  }
0xc1: {  	_ =	task.clear_ibuf [dreg:s7], $0x2FFFF;
	_ =	strace $0x9FFFFFFF  }
0xc2: {  	(tm) =	ssettm $0x7FFFFFFF  }
0xc3: {  	_ =	shalt  }
tec
execute0_lowered:
.L_overlay_start_1:
0x0: {  	(tag) =	ssettag $0x1  }
0x1: {  	v0 =	vimm.s32 $0x1380;
	vm14 =	vcmask $0x300  }
0x2: {  	vm13 =	vcmask $0x704;
	v0 =	vsel vm14, $0x0, v0  }
0x3: {  	vm12 =	vcmask $0xB08;
	v0 =	vsel vm13, $0x80, v0  }
0x4: {  	vm11 =	vcmask $0xF0C;
	v0 =	vsel vm12, $0x100, v0  }
0x5: {  	vm10 =	vcmask $0x1310;
	vm9 =	vcmask $0x1714;
	v0 =	vsel vm11, $0x180, v0  }
0x6: {  	vm8 =	vcmask $0x1B18;
	vm7 =	vcmask $0x1F1C;
	v0 =	vsel vm10, $0x200, v0  }
0x7: {  	vm6 =	vcmask $0x2320;
	vm5 =	vcmask $0x2724;
	v0 =	vsel vm9, $0x280, v0  }
0x8: {  	vm4 =	vcmask $0x2B28;
	vm3 =	vcmask $0x2F2C;
	v0 =	vsel vm8, $0x300, v0  }
0x9: {  	vm2 =	vcmask $0x3330;
	vm0 =	vcmask $0x3734;
	v0 =	vsel vm7, $0x380, v0  }
0xa: {  	v3 =	vimm.s32 $0x87654321;
	vm1 =	vcmask $0x3B38;
	v0 =	vsel vm6, $0x1000, v0  }
0xb: {  	v6 =	vimm.s32 $0x98765432;
	v7 =	vimm.s32 $0x7654321;
	v0 =	vsel vm5, $0x1080, v0  }
0xc: {  	v8 =	vimm.s32 $0xA9876543;
	v10 =	vimm.s32 $0x10765432;
	v0 =	vsel vm4, $0x1100, v0  }
0xd: {  	v12 =	vimm.s32 $0x43210FED;
	v14 =	vimm.s32 $0xCBA98765;
	v0 =	vsel vm3, $0x1180, v0  }
0xe: {  	v36 =	vimm.s32 $0x543210FE;
	v1 =	vsel vm2, $0x1200, v0;
	v0 =	vimm.s32 $0xFEDCBA9  }
0xf: {  	v19 =	vimm.s32 $0xDCBA9876;
	v43 =	vimm.s32 $0x6543210F;
	v2 =	vunpack.c.l.s4.s8 v0  }
0x10: {  	v45 =	vimm.s32 $0xEDCBA987;
	v21 =	vimm.s32 $0x54321076;
	v55 =	vimm.s32 $0x65432107  }
0x11: {  	v1 =	vsel vm0, $0x1280, v1;
	v5 =	vunpack.c.0.s8.s32 v2;
	v2 =	vimm.s32 $0x10FEDCBA  }
0x12: {  	v4 =	vunpack.c.l.s4.s8 v2;
	v2 =	vsel vm1, $0x1300, v1;
	v1 =	vunpack.c.l.s4.s8 v6  }
0x13: {  	v25 =	vimm.s32 $0xFEDCBA98;
	v3 =	vunpack.c.l.s4.s8 v3;
	v8 =	vunpack.c.l.s4.s8 v8  }
0x14: {  	v7 =	vunpack.c.l.s4.s8 v7;
	v9 =	vunpack.c.0.s8.s32 v4;
	v1 =	vunpack.c.0.s8.s32 v1  }
0x15: {  	v10 =	vunpack.c.l.s4.s8 v10;
	v34 =	vunpack.c.l.s4.s8 v14;
	v14 =	vunpack.c.l.s4.s8 v36  }
0x16: {  	v37 =	vunpack.c.l.s4.s8 v19;
	v21 =	vunpack.c.l.s4.s8 v21;
	v11 =	vcombine.low v1, v9  }
0x17: {  	v44 =	vunpack.c.0.s8.s32 v10;
	v10 =	vimm.s32 $0x3210FEDC;
	v4 =	vimm.s32 $0x210FEDCB  }
0x18: {  	v4 =	vunpack.c.l.s4.s8 v4;
	v38 =	vand.u32 $0xF, v11;
	v11 =	vimm.s32 $0xBA987654  }
0x19: {  	v25 =	vunpack.c.l.s4.s8 v25;
	v10 =	vunpack.c.l.s4.s8 v10;
	v11 =	vunpack.c.l.s4.s8 v11  }
0x1a: {  	v3 =	vunpack.c.0.s8.s32 v3;
	v15 =	vunpack.c.0.s8.s32 v8;
	v13 =	vunpack.c.0.s8.s32 v4  }
0x1b: {  	v63 =	vunpack.c.0.s8.s32 v7;
	v17 =	vunpack.c.0.s8.s32 v10;
	v11 =	vunpack.c.0.s8.s32 v11  }
0x1c: {  	v8 =	vimm.s32 $0x21076543;
	v6 =	vcombine.low v3, v5;
	v7 =	vcombine.low v15, v13  }
0x1d: {  	s0 =	srdreg.scid;
	s2 =	stileid.u32;
	v18 =	vunpack.c.0.s8.s32 v34;
	v19 =	vunpack.c.0.s8.s32 v14;
	v35 =	vcombine.low v11, v17  }
0x1e: {  	s0 =	sand.u32 $0x1, s0;
	s3 =	sshll.u32 s2, $0x1;
	v20 =	vunpack.c.0.s8.s32 v37;
	v60 =	vand.u32 $0xF, v6;
	v6 =	vand.u32 $0xF, v7  }
0x1f: {  	s1 =	rddreg [dreg:$0x0];
	s5 =	sor.u32 s0, s3;
	s3 =	simm.s32 $0x0;
	v25 =	vunpack.c.0.s8.s32 v25;
	v7 =	vunpack.c.l.s4.s8 v12;
	[tilespmem:$0x1FE70] =	vst v6;
	v6 =	vand.u32 $0xF, v35  }
0x20: {  	[smem:$0x7FF] =	sst s3;
	v8 =	vunpack.c.l.s4.s8 v8;
	v22 =	vcombine.low v20, v19;
	v10 =	vimm.s32 $0x32107654;
	[tilespmem:$0x1FE80] =	vst v6  }
0x21: {  	s2 =	rddreg [dreg:$0x1];
	v3 =	vcombine.low v5, v3;
	v5 =	vimm.s32 $0x76543210;
	v7 =	vunpack.c.0.s8.s32 v7;
	_ =	strace $0x80000047;
	[tilespmem:$0x1FEB0] =	vst v2  }
0x22: {  	v47 =	vunpack.c.0.s8.s32 v8;
	v10 =	vunpack.c.l.s4.s8 v10;
	v5 =	vunpack.c.l.s4.s8 v5;
	[tilespmem:$0x1FEC0] =	vst v60  }
0x23: {  	v50 =	vand.u32 $0xF, v22;
	v22 =	vunpack.c.l.s4.s8 v55;
	v16 =	vcombine.low v18, v7;
	[tilespmem:$0x1FED0] =	vst v63  }
0x24: {  	v59 =	vand.u32 $0xF, v25;
	v48 =	vunpack.c.0.s8.s32 v10;
	v5 =	vunpack.c.0.s8.s32 v5;
	[tilespmem:$0x1FEE0] =	vst v38  }
0x25: {  	v57 =	vunpack.c.0.s8.s32 v22;
	v41 =	vand.u32 $0xF, v16;
	v16 =	vimm.s32 $0x43210765;
	[tilespmem:$0x1FEF0] =	vst v47  }
0x26: {  	v46 =	vimm.s32 $0x3380;
	v36 =	vcombine.low v59, v5;
	[tilespmem:$0x1FF00] =	vst v48;
	v16 =	vunpack.c.l.s4.s8 v16  }
0x27: {  	v14 =	vunpack.c.l.s4.s8 v45;
	v51 =	vunpack.c.0.s8.s32 v21;
	v8 =	vand.u32 $0xF, v3;
	[tilespmem:$0x1FF30] =	vst v57  }
0x28: {  	v12 =	vunpack.c.l.s4.s8 v43;
	[tilespmem:$0x1FF40] =	vst v36;
	v52 =	vunpack.c.0.s8.s32 v16;
	v16 =	vsel vm14, $0x2000, v46  }
0x29: {  	v24 =	vunpack.c.0.s8.s32 v14;
	v0 =	vlaneseq.u32;
	[tilespmem:$0x1FF90] =	vst v8;
	v16 =	vsel vm13, $0x2080, v16  }
0x2a: {  	v62 =	vand.u32 $0x7, v0;
	v23 =	vunpack.c.0.s8.s32 v12;
	[tilespmem:$0x1FFB0] =	vst v50;
	v16 =	vsel vm12, $0x2100, v16  }
0x2b: {  	[tilespmem:$0x1FFC0] =	vst v62;
	v16 =	vsel vm11, $0x2180, v16  }
0x2c: {  	v54 =	vcombine.low v24, v23;
	[tilespmem:$0x1FFD0] =	vst v51;
	v16 =	vsel vm10, $0x2200, v16  }
0x2d: {  	v1 =	vcombine.low v9, v1;
	v5 =	vcombine.low v7, v18;
	[tilespmem:$0x1FFF0] =	vst v44;
	v26 =	vsel vm9, $0x2280, v16  }
0x2e: {  	s14 =	simm.s32 $0x200;
	s15 =	simm.s32 $0xFD00;
	s16 =	simm.s32 $0x13D00;
	v7 =	vcombine.low v19, v20;
	v58 =	vand.u32 $0xF, v54;
	[tilespmem:$0x1FF10] =	vst v41;
	v56 =	vsel vm8, $0x2300, v26  }
0x2f: {  	s17 =	simm.s32 $0x1;
	s18 =	simm.s32 $0x6400;
	s21 =	simm.s32 $0x9400;
	v9 =	vcombine.low v13, v15;
	v4 =	vand.u32 $0xF, v5;
	[tilespmem:$0x1FF20] =	vst v58;
	v21 =	vsel vm7, $0x2380, v56  }
0x30: {  	s22 =	simm.s32 $0x2;
	s23 =	simm.s32 $0xA400;
	s24 =	simm.s32 $0xB400;
	v6 =	vand.u32 $0xF, v7;
	[tilespmem:$0x1FF50] =	vst v4;
	v61 =	vsel vm6, $0x3000, v21  }
0x31: {  	s25 =	simm.s32 $0xC400;
	s26 =	simm.s32 $0xD400;
	s31 =	simm.s32 $0x0;
	[tilespmem:$0x1FF60] =	vst v6;
	v16 =	vand.u32 $0xF, v1;
	v1 =	vand.u32 $0xF, v9;
	v3 =	vsel vm5, $0x3080, v61  }
0x32: {  	s0 =	ssub.s32 $0x2, s0;
	s8 =	sadd.s32 $0x1000, s2;
	s4 =	smul.u32 $0xC80, s5;
	v9 =	vcombine.low v23, v24;
	[tilespmem:$0x1FE90] =	vst v1;
	v1 =	vsel vm4, $0x3100, v3  }
.Ltmp0:
0x33: {  	s9 =	sadd.s32 $0x2000, s2;
	s6 =	sshrl.u32 s0, $0x1;
	[tilespmem:$0x1FFE0] =	vst v52;
	v3 =	vcombine.low v17, v11;
	v1 =	vsel vm3, $0x3180, v1;
	(pc) =	sbr.rel .LBB2_1-.Ltmp0, $4  }
0x34: {  	s7 =	sadd.s32 s4, s1;
	s4 =	sadd.s32 $0x19800, s1;
	s1 =	sadd.s32 $0x400, s1;
	[tilespmem:$0x1FFA0] =	vst v16;
	v54 =	vand.u32 $0xF, v9;
	v1 =	vsel vm2, $0x3200, v1  }
0x35: {  	s0 =	ssub.s32 s0, s6;
	s30 =	sadd.s32 $0x800, s7;
	[dreg:$0x3] =	wrdreg s1;
	[tilespmem:$0x1FF80] =	vst v54;
	v53 =	vand.u32 $0xF, v3;
	v1 =	vsel vm0, $0x3280, v1  }
0x36: {  	s10 =	sadd.s32 $0x3000, s2;
	s0 =	smax.u32 s0, $0x1;
	[dreg:$0x4] =	wrdreg s30;
	[tilespmem:$0x1FF70] =	vst v53;
	v1 =	vsel vm1, $0x3300, v1  }
0x37: {  	s6 =	smul.u32 $0x32, s5;
	s5 =	simm.s32 $0x0;
	[dreg:$0x5] =	wrdreg s0;
	[tilespmem:$0x1FEA0] =	vst v1  }
.LBB2_20:
0x38: {  	s0 =	simm.s32 $0x3  }
0x39: {  	_ =	swait.ge [sflag:s0], $0x1000  }
0x3a: {  	[sflag:s0] =	ssyncset.done $0x0  }
0x3b: {  	[sflag:s0] =	ssyncadd.s32 $0xFFFFF000  }
0x3c: {  	_ =	swait.ge [sflag:s0], $0x1000  }
0x3d: {  	[sflag:s0] =	ssyncset.done $0x0  }
0x3e: {  	[sflag:s0] =	ssyncadd.s32 $0xFFFFF000  }
0x3f: {  	_ =	swait.ge [sflag:s0], $0x1000  }
0x40: {  	[sflag:s0] =	ssyncset.done $0x0  }
0x41: {  	[sflag:s0] =	ssyncadd.s32 $0xFFFFF000  }
0x42: {  	_ =	swait.ge [sflag:s0], $0x1000  }
0x43: {  	[sflag:s0] =	ssyncset.done $0x0  }
0x44: {  	s1 =	simm.s32 $0x4;
	[sflag:s0] =	ssyncadd.s32 $0xFFFFF000  }
0x45: {  	_ =	swait.ge [sflag:s1], $0x1000  }
0x46: {  	[sflag:s1] =	ssyncset.done $0x0  }
0x47: {  	[sflag:s1] =	ssyncadd.s32 $0xFFFFF000  }
0x48: {  	_ =	swait.ge [sflag:s1], $0x1000  }
0x49: {  	[sflag:s1] =	ssyncset.done $0x0  }
0x4a: {  	[sflag:s1] =	ssyncadd.s32 $0xFFFFF000  }
0x4b: {  	_ =	swait.ge [sflag:s1], $0x1000  }
0x4c: {  	[sflag:s1] =	ssyncset.done $0x0  }
0x4d: {  	[sflag:s1] =	ssyncadd.s32 $0xFFFFF000  }
0x4e: {  	_ =	swait.ge [sflag:s1], $0x1000  }
0x4f: {  	s5 =	rddreg [dreg:$0x6]  }
0x50: {  	s30 =	rddreg [dreg:$0x5];
	s5 =	sadd.s32 $0x1, s5  }
0x51: {  	p0 =	sne.s32 s5, s30  }
.Ltmp1:
0x52: {  	_ = 	snop;
	(pc) =	sbr.rel @!p0 .LBB2_21-.Ltmp1, $4  }
0x53: {  	_ = 	snop  }
0x54: {  	v2 =	vld [tilespmem:$0x1FEB0]  }
0x55: {  	[sflag:s1] =	ssyncset.done $0x0;
	v38 =	vld [tilespmem:$0x1FEE0]  }
0x56: {  	v62 =	vmov v23;
	v60 =	vld [tilespmem:$0x1FEC0];
	[sflag:s1] =	ssyncadd.s32 $0xFFFFF000  }
.LBB2_1:
0x57: {  	[dreg:$0x6] =	wrdreg s5  }
0x58: {  	s0 =	rddreg [dreg:$0x4];
	s1 =	simm.s32 $0x5  }
0x59: {  	[tilespmem:s3], [sflag:$0x5] =	stream.linear.gather [hbm4b:s0+s3], $0x6400, $0x38;
	[tilespmem:$0x17D00] =	vst v63  }
0x5a: {  	_ =	swait.ge [sflag:s1], $0x6400  }
0x5b: {  	[sflag:s1] =	ssyncset.done $0x0  }
0x5c: {  	s30 =	simm.s32 $0xE400;
	s29 =	rddreg [dreg:$0x3];
	[sflag:s1] =	ssyncadd.s32 $0xFFFF9C00  }
0x5d: {  	[tilespmem:s30], [sflag:$0x5] =	stream.linear.gather [hbm4b:s29+s3], $0x1900, $0x38;
	[tilespmem:$0x17D00] =	vst v63  }
0x5e: {  	_ =	swait.ge [sflag:s1], $0x1900  }
0x5f: {  	[sflag:s1] =	ssyncset.done $0x0  }
0x60: {  	s0 =	simm.s32 $0x20;
	[sflag:s1] =	ssyncadd.s32 $0xFFFFE700  }
0x61: {  	v7 =	vld [tilespmem:s0+$0x10]  }
0x62: {  	v1 =	vld [tilespmem:s0+$0xFFFFFFF0]  }
0x63: {  	v3 =	vld [tilespmem:s0+$0x0]  }
0x64: {  	v5 =	vld [tilespmem:s0+$0xFFFFFFE0];
	_ =	sdelay $0x1  }
0x65: {  	v9 =	vshll.u32 v7, $0x2  }
0x66: {  	v11 =	vand.u32 $0xFFFFFE00, v7;
	v7 =	vshrl.u32 v7, $0x7;
	v9 =	vand.u32 $0x1FC, v9  }
0x67: {  	v13 =	vshll.u32 v1, $0x2;
	v7 =	vand.u32 $0x3, v7;
	v9 =	vor.u32 v11, v9  }
0x68: {  	v15 =	vshll.u32 v3, $0x2;
	v11 =	vshll.u32 v5, $0x2;
	v17 =	vor.u32 v7, v9  }
0x69: {  	s5 =	simm.s32 $0x60;
	s1 =	simm.s32 $0x0;
	v11 =	vand.u32 $0x1FC, v11;
	v9 =	vand.u32 $0x1FC, v13;
	v7 =	vand.u32 $0x1FC, v15;
	[tilespmem:s0+$0x10] =	vst v17  }
.LBB2_2:
0x6a: {  	v13 =	vld [tilespmem:s5+$0x10];
	s1 =	sadd.s32 $0x40, s1;
	v15 =	vand.u32 $0xFFFFFE00, v5;
	v17 =	vshrl.u32 v5, $0x7;
	v5 =	vand.u32 $0xFFFFFE00, v1  }
0x6b: {  	v18 =	vshrl.u32 v1, $0x7;
	v19 =	vand.u32 $0xFFFFFE00, v3;
	v20 =	vshrl.u32 v3, $0x7;
	p0 =	slt.u32 s1, $0x63C0;
	v1 =	vld [tilespmem:s5+$0xFFFFFFF0]  }
0x6c: {  	v11 =	vor.u32 v15, v11;
	v9 =	vor.u32 v5, v9;
	v7 =	vor.u32 v19, v7;
	v3 =	vld [tilespmem:s5+$0x0]  }
0x6d: {  	v15 =	vand.u32 $0x3, v17;
	v17 =	vand.u32 $0x3, v18;
	v18 =	vand.u32 $0x3, v20;
	v5 =	vld [tilespmem:s5+$0xFFFFFFE0]  }
0x6e: {  	v11 =	vor.u32 v15, v11;
	v9 =	vor.u32 v17, v9;
	v7 =	vor.u32 v18, v7  }
.Ltmp2:
0x6f: {  	v15 =	vshll.u32 v13, $0x2;
	[tilespmem:s0+$0xFFFFFFE0] =	vst v11;
	(pc) =	sbr.rel @p0 .LBB2_2-.Ltmp2, $4  }
0x70: {  	v11 =	vand.u32 $0xFFFFFE00, v13;
	v13 =	vshrl.u32 v13, $0x7;
	v15 =	vand.u32 $0x1FC, v15;
	[tilespmem:s0+$0xFFFFFFF0] =	vst v9  }
0x71: {  	v9 =	vshll.u32 v1, $0x2;
	v13 =	vand.u32 $0x3, v13;
	v11 =	vor.u32 v11, v15;
	[tilespmem:s0+$0x0] =	vst v7;
	s0 =	smov.u32 s5  }
0x72: {  	v15 =	vshll.u32 v3, $0x2;
	v7 =	vshll.u32 v5, $0x2;
	v13 =	vor.u32 v13, v11  }
0x73: {  	v9 =	vand.u32 $0x1FC, v9;
	s5 =	sadd.s32 $0x40, s5;
	v11 =	vand.u32 $0x1FC, v7;
	v7 =	vand.u32 $0x1FC, v15;
	[tilespmem:s0+$0x10] =	vst v13  }
0x74: {  	v13 =	vand.u32 $0xFFFFFE00, v5;
	v5 =	vshrl.u32 v5, $0x7  }
0x75: {  	v15 =	vand.u32 $0xFFFFFE00, v1;
	v1 =	vshrl.u32 v1, $0x7;
	v17 =	vand.u32 $0xFFFFFE00, v3  }
0x76: {  	v3 =	vshrl.u32 v3, $0x7;
	v11 =	vor.u32 v13, v11;
	v5 =	vand.u32 $0x3, v5  }
0x77: {  	v9 =	vor.u32 v15, v9;
	v1 =	vand.u32 $0x3, v1;
	v5 =	vor.u32 v5, v11  }
0x78: {  	v7 =	vor.u32 v17, v7;
	v3 =	vand.u32 $0x3, v3;
	v1 =	vor.u32 v1, v9;
	[tilespmem:s0+$0xFFFFFFE0] =	vst v5  }
0x79: {  	v3 =	vor.u32 v3, v7;
	[tilespmem:s0+$0xFFFFFFF0] =	vst v1  }
0x7a: {  	[tilespmem:s0+$0x0] =	vst v3  }
0x7b: {  	[tilespmem:s15], [sflag:$0x1] =	stream.indirect.gather [hbm4b:s4+s14], $0x20, s31, s14, $0xb8;
	[tilespmem:$0x17D00] =	vst v63  }
0x7c: {  	s1 =	simm.s32 $0x0  }
0x7d: {  	[tilespmem:s16], [sflag:$0x2] =	stream.indirect.gather [hbm4b:s4+s14], $0x20, s14, s14, $0xb8;
	[tilespmem:$0x17D00] =	vst v63  }
.LBB2_4:
0x7e: {  	_ =	swait.ge [sflag:s17], $0x4000  }
0x7f: {  	p0 =	seq.s32 s1, $0x0;
	[sflag:s17] =	ssyncset.done $0x0  }
0x80: {  	s0 =	simm.s32 @!p0 $0x3;
	[sflag:s17] =	ssyncadd.s32 $0xFFFFC000  }
0x81: {  	_ =	swait.ge @!p0 [sflag:s0], $0x1000  }
0x82: {  	[sflag:s0] =	ssyncset.done @!p0 $0x0  }
0x83: {  	[sflag:s0] =	ssyncadd.s32 @!p0 $0xFFFFF000  }
0x84: {  	_ =	swait.ge @!p0 [sflag:s0], $0x1000  }
0x85: {  	[sflag:s0] =	ssyncset.done @!p0 $0x0  }
0x86: {  	s12 =	simm.s32 $0x10;
	[sflag:s0] =	ssyncadd.s32 @!p0 $0xFFFFF000  }
0x87: {  	v1 =	vor.u32 s12, v0;
	_ =	swait.ge @!p0 [sflag:s0], $0x1000  }
0x88: {  	s13 =	sshll.u32 s1, $0x1;
	v3 =	vor.u32 s31, v0;
	v5 =	vshll.u32 v1, $0x5;
	[sflag:s0] =	ssyncset.done @!p0 $0x0  }
0x89: {  	s5 =	sadd.s32 s6, s13;
	v7 =	vshll.u32 v3, $0x5;
	v5 =	vor.u32 v0, v5;
	[sflag:s0] =	ssyncadd.s32 @!p0 $0xFFFFF000  }
0x8a: {  	s11 =	simm.s32 $0x0;
	s7 =	sshrl.u32 s5, $0x3;
	v7 =	vor.u32 v0, v7;
	_ =	swait.ge @!p0 [sflag:s0], $0x1000  }
0x8b: {  	s11 =	smul.u32 $0x380, s11;
	s19 =	sshll.u32 s7, $0x5;
	[sflag:s0] =	ssyncset.done @!p0 $0x0  }
0x8c: {  	s28 =	sand.u32 $0x3FFFFFE0, s19;
	[sflag:s0] =	ssyncadd.s32 @!p0 $0xFFFFF000  }
0x8d: {  	v49 =	vadd.s32 s11, v2;
	v26 =	vld [tilespmem:s28+$0xE400]  }
0x8e: {  	v1 =	vadd.s32 v1, v49;
	v5 =	vld.idx.msk [tilespmem:v5+s15+$0x0], $0xffff  }
0x8f: {  	v11 =	vor.u32 s12, v60;
	v3 =	vadd.s32 v3, v49;
	v1 =	vand.u32 $0x7FFFFFF8, v1;
	v7 =	vld.idx.msk [tilespmem:v7+s15+$0x0], $0xffff  }
0x90: {  	v13 =	vshll.u32 v11, $0x5;
	v3 =	vand.u32 $0x3FE8, v3;
	v1 =	vor.u32 v62, v1  }
0x91: {  	v13 =	vor.u32 v0, v13;
	v3 =	vor.u32 v62, v3;
	_ =	sdelay $0x1  }
0x92: {  	v5 =	vadd.f32 v5, v26  }
0x93: {  	v9 =	vor.u32 s31, v60;
	v7 =	vadd.f32 v7, v26  }
0x94: {  	v15 =	vshll.u32 v9, $0x5;
	v27 =	vld [tilespmem:s28+$0xE410];
	[tilespmem:v1+s18+$0x0] =	vst.idx.msk $0xffff, v5  }
0x95: {  	v15 =	vor.u32 v0, v15;
	[tilespmem:v3+s18+$0x0] =	vst.idx.msk $0xffff, v7;
	v5 =	vadd.s32 v11, v49;
	v3 =	vld.idx.msk [tilespmem:v13+s15+$0x0], $0xffff  }
0x96: {  	v5 =	vand.u32 $0x7FFFFFF8, v5  }
0x97: {  	v5 =	vor.u32 v63, v5;
	_ =	sdelay $0x2  }
0x98: {  	v7 =	vadd.s32 v9, v49;
	v11 =	vor.u32 s12, v38;
	v9 =	vld.idx.msk [tilespmem:v15+s15+$0x0], $0xffff;
	v3 =	vadd.f32 v3, v26  }
0x99: {  	v1 =	vor.u32 s31, v38;
	v7 =	vand.u32 $0x3FE8, v7;
	v13 =	vshll.u32 v11, $0x5  }
0x9a: {  	v15 =	vshll.u32 v1, $0x5;
	v7 =	vor.u32 v63, v7;
	v13 =	vor.u32 v0, v13;
	[tilespmem:v5+s18+$0x0] =	vst.idx.msk $0xffff, v3  }
0x9b: {  	v15 =	vor.u32 v0, v15;
	v10 =	vld [tilespmem:$0x1FE70];
	_ =	sdelay $0x1  }
0x9c: {  	v9 =	vadd.f32 v9, v26;
	_ =	sdelay $0x1  }
0x9d: {  	v1 =	vadd.s32 v1, v49;
	[tilespmem:v7+s18+$0x0] =	vst.idx.msk $0xffff, v9;
	v7 =	vld.idx.msk [tilespmem:v13+s15+$0x0], $0xffff;
	v9 =	vadd.s32 v11, v49  }
0x9e: {  	v1 =	vand.u32 $0x3FE8, v1;
	v11 =	vld.idx.msk [tilespmem:v15+s15+$0x0], $0xffff;
	v9 =	vand.u32 $0x7FFFFFF8, v9;
	v13 =	vor.u32 s12, v10  }
0x9f: {  	v9 =	vor.u32 v44, v9;
	v5 =	vor.u32 s31, v10;
	v15 =	vshll.u32 v13, $0x5  }
0xa0: {  	v1 =	vor.u32 v44, v1;
	v61 =	vld [tilespmem:$0x1FE80];
	v18 =	vshll.u32 v5, $0x5;
	v15 =	vor.u32 v0, v15  }
0xa1: {  	v3 =	vor.u32 s31, v41;
	v18 =	vor.u32 v0, v18  }
0xa2: {  	v20 =	vshll.u32 v3, $0x5;
	v3 =	vadd.s32 v3, v49;
	v7 =	vadd.f32 v7, v26  }
0xa3: {  	v17 =	vor.u32 s31, v50;
	v3 =	vand.u32 $0x3FE8, v3;
	v11 =	vadd.f32 v11, v26  }
0xa4: {  	v22 =	vor.u32 s31, v58;
	v31 =	vor.u32 v52, v3;
	v5 =	vadd.s32 v5, v49;
	[tilespmem:v9+s18+$0x0] =	vst.idx.msk $0xffff, v7  }
0xa5: {  	v19 =	vor.u32 s31, v61;
	v5 =	vand.u32 $0x3FE8, v5;
	v7 =	vadd.s32 v13, v49;
	[tilespmem:v1+s18+$0x0] =	vst.idx.msk $0xffff, v11;
	v1 =	vld.idx.msk [tilespmem:v15+s15+$0x0], $0xffff  }
0xa6: {  	v24 =	vor.u32 v47, v5;
	v5 =	vadd.s32 v19, v49;
	v7 =	vand.u32 $0x7FFFFFF8, v7;
	v9 =	vld.idx.msk [tilespmem:v18+s15+$0x0], $0xffff  }
0xa7: {  	v11 =	vor.u32 s12, v61;
	v7 =	vor.u32 v47, v7;
	v15 =	vadd.s32 v17, v49  }
0xa8: {  	v5 =	vand.u32 $0x3FE8, v5;
	v13 =	vshll.u32 v11, $0x5;
	v59 =	vld [tilespmem:$0x1FF40];
	v3 =	vand.u32 $0x3FE8, v15  }
0xa9: {  	v2 =	vld [tilespmem:$0x1FF30];
	v25 =	vor.u32 v48, v5;
	v5 =	vadd.s32 v22, v49;
	v33 =	vor.u32 v51, v3  }
0xaa: {  	v3 =	vand.u32 $0x3FE8, v5;
	v5 =	vor.u32 s31, v53;
	v1 =	vadd.f32 v1, v26  }
0xab: {  	v21 =	vshll.u32 v19, $0x5;
	v13 =	vor.u32 v0, v13;
	[tilespmem:$0x1FE00] =	vst v5;
	v9 =	vadd.f32 v9, v26  }
0xac: {  	v21 =	vor.u32 v0, v21;
	[tilespmem:v7+s18+$0x0] =	vst.idx.msk $0xffff, v1  }
0xad: {  	v34 =	vor.u32 s31, v59;
	[tilespmem:v24+s18+$0x0] =	vst.idx.msk $0xffff, v9  }
0xae: {  	v23 =	vor.u32 v2, v3;
	v3 =	vadd.s32 v34, v49;
	v12 =	vld [tilespmem:$0x1FE90]  }
0xaf: {  	v35 =	vor.u32 s31, v8;
	v1 =	vand.u32 $0x3FE8, v3;
	v7 =	vadd.s32 v11, v49  }
0xb0: {  	v3 =	vld.idx.msk [tilespmem:v13+s15+$0x0], $0xffff;
	v7 =	vand.u32 $0x7FFFFFF8, v7;
	v13 =	vor.u32 s12, v41;
	v19 =	vor.u32 v62, v1  }
0xb1: {  	v11 =	vld.idx.msk [tilespmem:v21+s15+$0x0], $0xffff;
	v21 =	vor.u32 s31, v16;
	v1 =	vor.u32 v48, v7;
	v7 =	vshll.u32 v13, $0x5  }
0xb2: {  	v9 =	vadd.s32 v35, v49;
	v24 =	vor.u32 v0, v7;
	v7 =	vadd.s32 v21, v49  }
0xb3: {  	v9 =	vand.u32 $0x3FE8, v9;
	v7 =	vand.u32 $0x3FE8, v7;
	v36 =	vor.u32 s31, v12  }
0xb4: {  	v18 =	vor.u32 v63, v9;
	v15 =	vor.u32 v44, v7;
	v9 =	vadd.s32 v36, v49  }
0xb5: {  	v28 =	vadd.f32 v3, v26;
	v3 =	vor.u32 s31, v54;
	v7 =	vand.u32 $0x3FE8, v9  }
0xb6: {  	[tilespmem:$0x1FE40] =	vst v3;
	v9 =	vadd.f32 v11, v26;
	v11 =	vadd.s32 v5, v49;
	v5 =	vor.u32 v47, v7  }
0xb7: {  	v20 =	vor.u32 v0, v20;
	[tilespmem:$0x1FE10] =	vst v5  }
0xb8: {  	v5 =	vor.u32 s31, v4;
	[tilespmem:v1+s18+$0x0] =	vst.idx.msk $0xffff, v28  }
0xb9: {  	v1 =	vand.u32 $0x3FE8, v11;
	[tilespmem:$0x1FE20] =	vst v5  }
0xba: {  	v1 =	vor.u32 v48, v1;
	[tilespmem:v25+s18+$0x0] =	vst.idx.msk $0xffff, v9;
	v9 =	vadd.s32 v13, v49  }
0xbb: {  	v24 =	vld.idx.msk [tilespmem:v24+s15+$0x0], $0xffff;
	[tilespmem:$0x1FE30] =	vst v1;
	v1 =	vand.u32 $0x7FFFFFF8, v9  }
0xbc: {  	v9 =	vadd.s32 v5, v49;
	v5 =	vor.u32 s31, v6;
	v13 =	vld.idx.msk [tilespmem:v20+s15+$0x0], $0xffff;
	v20 =	vor.u32 s12, v50  }
0xbd: {  	v29 =	vor.u32 v52, v1;
	v28 =	vand.u32 $0x3FE8, v9;
	v1 =	vshll.u32 v20, $0x5  }
0xbe: {  	v32 =	vor.u32 v0, v1;
	v1 =	vor.u32 v52, v28;
	v28 =	vadd.s32 v5, v49  }
0xbf: {  	v17 =	vshll.u32 v17, $0x5;
	v30 =	vadd.s32 v3, v49;
	[tilespmem:$0x1FE50] =	vst v5;
	v28 =	vand.u32 $0x3FE8, v28  }
0xc0: {  	v17 =	vor.u32 v0, v17;
	v30 =	vand.u32 $0x3FE8, v30;
	[tilespmem:$0x1FE60] =	vst v1;
	v1 =	vor.u32 v51, v28  }
0xc1: {  	v24 =	vadd.f32 v24, v26;
	[tilespmem:$0x1FDD0] =	vst v1;
	v1 =	vor.u32 v2, v30  }
0xc2: {  	s29 =	simm.s32 $0x20;
	v13 =	vadd.f32 v13, v26;
	[tilespmem:$0x1FDE0] =	vst v1  }
0xc3: {  	v56 =	vor.u32 s29, v54;
	v39 =	vor.u32 s29, v41;
	v43 =	vor.u32 s29, v60;
	v30 =	vld [tilespmem:$0x1FEB0];
	[tilespmem:v29+s18+$0x0] =	vst.idx.msk $0xffff, v24  }
0xc4: {  	v40 =	vor.u32 s29, v61;
	v22 =	vshll.u32 v22, $0x5;
	[tilespmem:v31+s18+$0x0] =	vst.idx.msk $0xffff, v13;
	v13 =	vadd.s32 v20, v49;
	v24 =	vld.idx.msk [tilespmem:v32+s15+$0x0], $0xffff  }
0xc5: {  	v22 =	vor.u32 v0, v22;
	v31 =	vor.u32 s12, v58;
	v20 =	vld.idx.msk [tilespmem:v17+s15+$0x0], $0xffff;
	v17 =	vand.u32 $0x7FFFFFF8, v13  }
0xc6: {  	v34 =	vshll.u32 v34, $0x5;
	v46 =	vshll.u32 v31, $0x5;
	v37 =	vor.u32 v51, v17  }
0xc7: {  	v34 =	vor.u32 v0, v34;
	v35 =	vshll.u32 v35, $0x5;
	v9 =	vmovc v38;
	v38 =	vor.u32 v0, v46  }
0xc8: {  	v35 =	vor.u32 v0, v35;
	v21 =	vshll.u32 v21, $0x5;
	v36 =	vshll.u32 v36, $0x5  }
0xc9: {  	v7 =	vor.u32 s29, v53;
	v3 =	vmovc v53;
	v53 =	vshll.u32 v43, $0x5;
	v24 =	vadd.f32 v24, v26  }
0xca: {  	v14 =	vmovc v48;
	v11 =	vmovc v41;
	v41 =	vor.u32 s29, v10;
	v42 =	vor.u32 s29, v9;
	v20 =	vadd.f32 v20, v26  }
0xcb: {  	v45 =	vshll.u32 v41, $0x5;
	v5 =	vmovc v6;
	v6 =	vmovc v44;
	v44 =	vor.u32 s29, v0;
	v48 =	vshll.u32 v42, $0x5;
	[tilespmem:v37+s18+$0x0] =	vst.idx.msk $0xffff, v24  }
0xcc: {  	s0 =	simm.s32 $0x30;
	v31 =	vadd.s32 v31, v49;
	v17 =	vor.u32 s29, v50;
	v24 =	vshll.u32 v44, $0x5;
	[tilespmem:v33+s18+$0x0] =	vst.idx.msk $0xffff, v20;
	v20 =	vld.idx.msk [tilespmem:v38+s15+$0x0], $0xffff  }
0xcd: {  	v29 =	vmovc v50;
	v46 =	vshll.u32 v40, $0x5;
	v50 =	vor.u32 s0, v0;
	v24 =	vor.u32 v0, v24;
	v33 =	vld.idx.msk [tilespmem:v22+s15+$0x0], $0xffff  }
0xce: {  	v37 =	vshll.u32 v39, $0x5;
	v22 =	vand.u32 $0x7FFFFFF8, v31;
	v31 =	vor.u32 s12, v59  }
0xcf: {  	v38 =	vor.u32 v2, v22;
	v22 =	vshll.u32 v31, $0x5;
	v31 =	vadd.s32 v31, v49  }
0xd0: {  	v57 =	vmovc v47;
	v47 =	vor.u32 v0, v22;
	v22 =	vor.u32 v0, v36;
	v36 =	vshll.u32 v50, $0x5  }
0xd1: {  	v28 =	vmovc v52;
	v1 =	vmovc v51;
	v31 =	vand.u32 $0x7FFFFFF8, v31;
	v36 =	vor.u32 v0, v36;
	v20 =	vadd.f32 v20, v26  }
0xd2: {  	s30 =	simm.s32 $0x0;
	v51 =	vld.idx.msk [tilespmem:v24+s15+$0x0], $0xffff;
	v52 =	vadd.f32 v33, v26;
	v33 =	vor.u32 v0, v21;
	v24 =	vor.u32 v0, v46  }
0xd3: {  	s19 =	smul.u32 $0x380, s30;
	v32 =	vmovc v54;
	v21 =	vor.u32 v0, v37;
	v46 =	vor.u32 v0, v53;
	v53 =	vor.u32 s0, v60  }
0xd4: {  	v37 =	vor.u32 v0, v48;
	v54 =	vshll.u32 v53, $0x5;
	[tilespmem:v38+s18+$0x0] =	vst.idx.msk $0xffff, v20;
	v38 =	vor.u32 v0, v45  }
0xd5: {  	v45 =	vor.u32 s12, v8;
	v20 =	vld.idx.msk [tilespmem:v47+s15+$0x0], $0xffff;
	v47 =	vor.u32 v62, v31;
	v31 =	vadd.s32 s19, v30  }
0xd6: {  	v54 =	vor.u32 v0, v54;
	v55 =	vshll.u32 v45, $0x5;
	v36 =	vld.idx.msk [tilespmem:v36+s15+$0x0], $0xffff;
	v50 =	vadd.s32 v50, v31  }
0xd7: {  	[tilespmem:v23+s18+$0x0] =	vst.idx.msk $0xffff, v52;
	v45 =	vadd.s32 v45, v49;
	v44 =	vadd.s32 v44, v31;
	v50 =	vand.u32 $0x7FFFFFF8, v50  }
0xd8: {  	v34 =	vld.idx.msk [tilespmem:v34+s15+$0x0], $0xffff;
	v48 =	vor.u32 v0, v55;
	v44 =	vand.u32 $0x3FE8, v44;
	v50 =	vor.u32 v62, v50  }
0xd9: {  	v43 =	vadd.s32 v43, v31;
	v41 =	vadd.s32 v41, v31;
	v44 =	vor.u32 v62, v44  }
0xda: {  	v40 =	vadd.s32 v40, v31;
	v39 =	vadd.s32 v39, v31;
	v20 =	vadd.f32 v20, v26  }
0xdb: {  	v51 =	vadd.f32 v51, v26;
	v43 =	vand.u32 $0x3FE8, v43;
	v36 =	vadd.f32 v36, v26  }
0xdc: {  	v41 =	vand.u32 $0x3FE8, v41;
	v43 =	vor.u32 v63, v43;
	[tilespmem:v47+s18+$0x0] =	vst.idx.msk $0xffff, v20;
	v20 =	vadd.s32 v42, v31  }
0xdd: {  	v23 =	vand.u32 $0x3FE8, v40;
	v34 =	vadd.f32 v34, v26;
	v42 =	vld.idx.msk [tilespmem:v48+s15+$0x0], $0xffff;
	v20 =	vand.u32 $0x3FE8, v20;
	[tilespmem:v50+s18+$0x0] =	vst.idx.msk $0xffff, v36  }
0xde: {  	[tilespmem:v44+s18+$0x0] =	vst.idx.msk $0xffff, v51;
	v47 =	vor.u32 v6, v20;
	v20 =	vand.u32 $0x7FFFFFF8, v45;
	v45 =	vor.u32 s12, v16  }
0xdf: {  	v48 =	vld.idx.msk [tilespmem:v54+s15+$0x0], $0xffff;
	v54 =	vadd.s32 v53, v31;
	v36 =	vor.u32 v63, v20;
	v55 =	vshll.u32 v45, $0x5  }
0xe0: {  	[tilespmem:v19+s18+$0x0] =	vst.idx.msk $0xffff, v34;
	v46 =	vld.idx.msk [tilespmem:v46+s15+$0x0], $0xffff;
	v53 =	vor.u32 s0, v9;
	v50 =	vand.u32 $0x7FFFFFF8, v54;
	v44 =	vor.u32 v0, v55  }
0xe1: {  	v35 =	vld.idx.msk [tilespmem:v35+s15+$0x0], $0xffff;
	v54 =	vor.u32 v14, v23;
	v40 =	vor.u32 v63, v50;
	v50 =	vshll.u32 v53, $0x5  }
0xe2: {  	v23 =	vand.u32 $0x3FE8, v39;
	v39 =	vor.u32 v0, v50;
	v42 =	vadd.f32 v42, v26  }
0xe3: {  	v13 =	vor.u32 s29, v8;
	v41 =	vor.u32 v57, v41;
	v45 =	vadd.s32 v45, v49  }
0xe4: {  	v20 =	vor.u32 s29, v58;
	v45 =	vand.u32 $0x7FFFFFF8, v45;
	v55 =	vadd.f32 v48, v26;
	[tilespmem:v36+s18+$0x0] =	vst.idx.msk $0xffff, v42  }
0xe5: {  	v50 =	vor.u32 s29, v59;
	v46 =	vadd.f32 v46, v26;
	v48 =	vor.u32 s12, v12;
	v42 =	vld.idx.msk [tilespmem:v44+s15+$0x0], $0xffff  }
0xe6: {  	v35 =	vadd.f32 v35, v26;
	v36 =	vadd.s32 v20, v31;
	v52 =	vshll.u32 v48, $0x5;
	[tilespmem:v40+s18+$0x0] =	vst.idx.msk $0xffff, v55  }
0xe7: {  	v48 =	vadd.s32 v48, v49;
	v40 =	vor.u32 v6, v45;
	[tilespmem:v43+s18+$0x0] =	vst.idx.msk $0xffff, v46;
	v39 =	vld.idx.msk [tilespmem:v39+s15+$0x0], $0xffff  }
0xe8: {  	v36 =	vand.u32 $0x3FE8, v36;
	v43 =	vor.u32 v0, v52;
	v55 =	vadd.s32 v53, v31;
	v37 =	vld.idx.msk [tilespmem:v37+s15+$0x0], $0xffff  }
0xe9: {  	v45 =	vor.u32 s0, v10;
	v53 =	vadd.s32 v13, v31;
	v44 =	vand.u32 $0x7FFFFFF8, v55  }
0xea: {  	v52 =	vshll.u32 v45, $0x5;
	v44 =	vor.u32 v6, v44;
	v42 =	vadd.f32 v42, v26  }
0xeb: {  	v46 =	vor.u32 v2, v36;
	v36 =	vadd.s32 v50, v31;
	v55 =	vor.u32 v0, v52  }
0xec: {  	v45 =	vadd.s32 v45, v31;
	v36 =	vand.u32 $0x3FE8, v36;
	v52 =	vor.u32 s29, v16;
	[tilespmem:v40+s18+$0x0] =	vst.idx.msk $0xffff, v42  }
0xed: {  	v19 =	vadd.f32 v39, v26;
	v37 =	vadd.f32 v37, v26;
	v42 =	vor.u32 v62, v36;
	v34 =	vld.idx.msk [tilespmem:v43+s15+$0x0], $0xffff  }
0xee: {  	v40 =	vand.u32 $0x3FE8, v53;
	v36 =	vand.u32 $0x7FFFFFF8, v48;
	v43 =	vor.u32 s12, v3  }
0xef: {  	v53 =	vadd.s32 v52, v31;
	[tilespmem:v44+s18+$0x0] =	vst.idx.msk $0xffff, v19;
	v36 =	vor.u32 v57, v36;
	v48 =	vshll.u32 v43, $0x5  }
0xf0: {  	v45 =	vand.u32 $0x7FFFFFF8, v45;
	[tilespmem:v47+s18+$0x0] =	vst.idx.msk $0xffff, v37;
	v53 =	vand.u32 $0x3FE8, v53;
	v47 =	vld.idx.msk [tilespmem:v55+s15+$0x0], $0xffff;
	v44 =	vor.u32 v0, v48  }
0xf1: {  	v45 =	vor.u32 v57, v45;
	v39 =	vor.u32 v6, v53;
	v53 =	vor.u32 s0, v61  }
0xf2: {  	v19 =	vor.u32 s29, v12;
	v48 =	vld.idx.msk [tilespmem:v38+s15+$0x0], $0xffff;
	v38 =	vshll.u32 v53, $0x5;
	v34 =	vadd.f32 v34, v26  }
0xf3: {  	[tilespmem:v18+s18+$0x0] =	vst.idx.msk $0xffff, v35;
	v37 =	vadd.s32 v19, v31;
	v6 =	vmov v56;
	v56 =	vor.u32 v0, v38  }
0xf4: {  	v33 =	vld.idx.msk [tilespmem:v33+s15+$0x0], $0xffff;
	v55 =	vadd.s32 v7, v31;
	v37 =	vand.u32 $0x3FE8, v37;
	[tilespmem:v36+s18+$0x0] =	vst.idx.msk $0xffff, v34  }
0xf5: {  	v43 =	vadd.s32 v43, v49;
	v38 =	vor.u32 v57, v37;
	v37 =	vadd.f32 v47, v26;
	v18 =	vld.idx.msk [tilespmem:v44+s15+$0x0], $0xffff  }
0xf6: {  	v43 =	vand.u32 $0x7FFFFFF8, v43;
	v57 =	vand.u32 $0x3FE8, v55;
	v44 =	vor.u32 s12, v4  }
0xf7: {  	v55 =	vadd.f32 v48, v26;
	[tilespmem:v45+s18+$0x0] =	vst.idx.msk $0xffff, v37;
	v37 =	vor.u32 v14, v43;
	v48 =	vshll.u32 v44, $0x5  }
0xf8: {  	v47 =	vld.idx.msk [tilespmem:v56+s15+$0x0], $0xffff;
	v48 =	vor.u32 v0, v48  }
0xf9: {  	v33 =	vadd.f32 v33, v26  }
0xfa: {  	[tilespmem:v41+s18+$0x0] =	vst.idx.msk $0xffff, v55;
	v56 =	vadd.s32 v53, v31;
	v18 =	vadd.f32 v18, v26  }
0xfb: {  	[tilespmem:v15+s18+$0x0] =	vst.idx.msk $0xffff, v33;
	v24 =	vld.idx.msk [tilespmem:v24+s15+$0x0], $0xffff;
	v41 =	vand.u32 $0x7FFFFFF8, v56  }
0xfc: {  	v41 =	vor.u32 v14, v41;
	[tilespmem:v37+s18+$0x0] =	vst.idx.msk $0xffff, v18  }
0xfd: {  	v18 =	vadd.s32 v6, v31;
	v15 =	vld.idx.msk [tilespmem:v48+s15+$0x0], $0xffff;
	v48 =	vadd.f32 v47, v26;
	v47 =	vadd.s32 v44, v49  }
0xfe: {  	v18 =	vand.u32 $0x3FE8, v18;
	v44 =	vand.u32 $0x7FFFFFF8, v47  }
0xff: {  	v36 =	vor.u32 s29, v4;
	v4 =	vor.u32 v2, v18;
	v18 =	vor.u32 v28, v44  }
0x100: {  	v22 =	vld.idx.msk [tilespmem:v22+s15+$0x0], $0xffff;
	v24 =	vadd.f32 v24, v26;
	[tilespmem:$0x1FDF0] =	vst v4  }
0x101: {  	[tilespmem:v41+s18+$0x0] =	vst.idx.msk $0xffff, v48  }
0x102: {  	[tilespmem:v54+s18+$0x0] =	vst.idx.msk $0xffff, v24;
	v15 =	vadd.f32 v15, v26  }
0x103: {  	v4 =	vld [tilespmem:$0x1FE00]  }
0x104: {  	s11 =	simm.s32 $0x40;
	v35 =	vor.u32 v14, v57;
	v57 =	vadd.s32 v36, v31;
	v53 =	vor.u32 s0, v11;
	[tilespmem:v18+s18+$0x0] =	vst.idx.msk $0xffff, v15  }
0x105: {  	v55 =	vand.u32 $0x3FE8, v57;
	v57 =	vshll.u32 v53, $0x5;
	v41 =	vor.u32 s11, v3;
	v3 =	vld [tilespmem:$0x1FE10]  }
0x106: {  	v45 =	vor.u32 v28, v55;
	v56 =	vor.u32 s12, v5;
	v55 =	vor.u32 v0, v57  }
0x107: {  	v48 =	vshll.u32 v56, $0x5  }
0x108: {  	v34 =	vor.u32 s29, v5;
	v24 =	vor.u32 v0, v48;
	v5 =	vshll.u32 v4, $0x5  }
0x109: {  	v5 =	vor.u32 v0, v5;
	_ =	sdelay $0x1  }
0x10a: {  	v22 =	vadd.f32 v22, v26;
	v57 =	vadd.s32 v53, v31;
	v54 =	vld.idx.msk [tilespmem:v55+s15+$0x0], $0xffff  }
0x10b: {  	v25 =	vmov v10;
	v10 =	vmov v7;
	v44 =	vand.u32 $0x7FFFFFF8, v57;
	v21 =	vld.idx.msk [tilespmem:v21+s15+$0x0], $0xffff  }
0x10c: {  	v7 =	vadd.s32 v56, v49;
	v37 =	vor.u32 v28, v44;
	v18 =	vld.idx.msk [tilespmem:v24+s15+$0x0], $0xffff;
	[tilespmem:v3+s18+$0x0] =	vst.idx.msk $0xffff, v22  }
0x10d: {  	v51 =	vor.u32 v28, v23;
	v22 =	vld.idx.msk [tilespmem:v5+s15+$0x0], $0xffff;
	v5 =	vand.u32 $0x7FFFFFF8, v7  }
0x10e: {  	v23 =	vadd.s32 v17, v31;
	v24 =	vor.u32 v1, v5  }
0x10f: {  	v23 =	vand.u32 $0x3FE8, v23;
	v15 =	vadd.f32 v54, v26  }
0x110: {  	v23 =	vor.u32 v1, v23;
	v21 =	vadd.f32 v21, v26  }
0x111: {  	v33 =	vor.u32 s11, v32;
	v53 =	vor.u32 s0, v29;
	[tilespmem:v37+s18+$0x0] =	vst.idx.msk $0xffff, v15;
	v18 =	vadd.f32 v18, v26  }
0x112: {  	v43 =	vadd.s32 v34, v31;
	v54 =	vor.u32 s12, v32;
	v32 =	vadd.s32 v53, v31;
	[tilespmem:v51+s18+$0x0] =	vst.idx.msk $0xffff, v21  }
0x113: {  	v43 =	vand.u32 $0x3FE8, v43;
	v37 =	vshll.u32 v54, $0x5;
	v51 =	vand.u32 $0x7FFFFFF8, v32;
	v3 =	vld [tilespmem:$0x1FE20];
	[tilespmem:v24+s18+$0x0] =	vst.idx.msk $0xffff, v18  }
0x114: {  	v43 =	vor.u32 v1, v43;
	v21 =	vor.u32 v0, v37;
	v37 =	vor.u32 v1, v51;
	v1 =	vld [tilespmem:$0x1FE30];
	_ =	sdelay $0x1  }
0x115: {  	v57 =	vshll.u32 v53, $0x5  }
0x116: {  	v57 =	vor.u32 v0, v57  }
0x117: {  	v17 =	vshll.u32 v17, $0x5  }
0x118: {  	v17 =	vor.u32 v0, v17  }
0x119: {  	v5 =	vor.u32 s11, v11;
	v11 =	vshll.u32 v3, $0x5;
	v22 =	vadd.f32 v22, v26  }
0x11a: {  	v11 =	vor.u32 v0, v11  }
0x11b: {  	v7 =	vor.u32 s11, v61;
	v61 =	vld.idx.msk [tilespmem:v57+s15+$0x0], $0xffff;
	[tilespmem:v1+s18+$0x0] =	vst.idx.msk $0xffff, v22  }
0x11c: {  	v1 =	vld [tilespmem:$0x1FE40]  }
0x11d: {  	v17 =	vld.idx.msk [tilespmem:v17+s15+$0x0], $0xffff  }
0x11e: {  	v15 =	vor.u32 s11, v25;
	v25 =	vadd.s32 v54, v49;
	v21 =	vld.idx.msk [tilespmem:v21+s15+$0x0], $0xffff  }
0x11f: {  	v32 =	vld.idx.msk [tilespmem:v11+s15+$0x0], $0xffff;
	v11 =	vand.u32 $0x7FFFFFF8, v25  }
0x120: {  	v25 =	vor.u32 v2, v11  }
0x121: {  	v61 =	vadd.f32 v61, v26;
	v3 =	vshll.u32 v1, $0x5;
	v1 =	vld [tilespmem:$0x1FE50]  }
0x122: {  	v17 =	vadd.f32 v17, v26  }
0x123: {  	v21 =	vadd.f32 v21, v26;
	[tilespmem:v37+s18+$0x0] =	vst.idx.msk $0xffff, v61  }
0x124: {  	v20 =	vshll.u32 v20, $0x5;
	v40 =	vor.u32 v63, v40;
	v47 =	vor.u32 s11, v58;
	[tilespmem:v23+s18+$0x0] =	vst.idx.msk $0xffff, v17  }
0x125: {  	v44 =	vor.u32 s11, v8;
	v48 =	vor.u32 s11, v29;
	v53 =	vor.u32 s0, v58;
	[tilespmem:v25+s18+$0x0] =	vst.idx.msk $0xffff, v21  }
0x126: {  	v58 =	vshll.u32 v53, $0x5;
	v18 =	vor.u32 s11, v9;
	v9 =	vshll.u32 v1, $0x5;
	v1 =	vld [tilespmem:$0x1FE60]  }
0x127: {  	v54 =	vor.u32 v0, v20;
	v20 =	vshll.u32 v13, $0x5;
	v22 =	vor.u32 v0, v58  }
0x128: {  	v13 =	vshll.u32 v52, $0x5;
	v51 =	vor.u32 s11, v0;
	v52 =	vshll.u32 v7, $0x5  }
0x129: {  	v49 =	vshll.u32 v5, $0x5;
	v11 =	vshll.u32 v19, $0x5;
	v19 =	vshll.u32 v51, $0x5  }
0x12a: {  	v24 =	vor.u32 s11, v60;
	v55 =	vor.u32 v0, v19;
	v9 =	vor.u32 v0, v9  }
0x12b: {  	v19 =	vadd.s32 v53, v31;
	v53 =	vshll.u32 v15, $0x5;
	v37 =	vshll.u32 v50, $0x5  }
0x12c: {  	v17 =	vand.u32 $0x7FFFFFF8, v19;
	v19 =	vor.u32 s0, v59;
	v61 =	vadd.f32 v32, v26;
	v50 =	vld.idx.msk [tilespmem:v22+s15+$0x0], $0xffff  }
0x12d: {  	v23 =	vor.u32 v2, v17;
	v17 =	vshll.u32 v19, $0x5;
	v21 =	vld.idx.msk [tilespmem:v54+s15+$0x0], $0xffff;
	v22 =	vor.u32 v0, v37  }
0x12e: {  	s19 =	simm.s32 $0x60;
	s12 =	simm.s32 $0x50;
	v54 =	vshll.u32 v18, $0x5;
	v25 =	vor.u32 v0, v17;
	[tilespmem:v1+s18+$0x0] =	vst.idx.msk $0xffff, v61;
	v1 =	vor.u32 v0, v3  }
.LBB2_5:
0x12f: {  	v9 =	vld.idx.msk [tilespmem:v9+s15+$0x0], $0xffff  }
0x130: {  	v56 =	vor.u32 s12, v0;
	v17 =	vor.u32 v0, v11;
	v4 =	vld [tilespmem:$0x1FF90]  }
0x131: {  	v3 =	vmovc v45;
	v45 =	vor.u32 v0, v20;
	v20 =	vor.u32 v0, v52;
	v19 =	vadd.s32 v19, v31;
	v2 =	vld [tilespmem:$0x1FDD0]  }
0x132: {  	v61 =	vshll.u32 v56, $0x5;
	v32 =	vadd.f32 v21, v26;
	v21 =	vor.u32 v0, v13  }
0x133: {  	s28 =	sshrl.u32 s11, $0x7;
	v13 =	vshll.u32 v24, $0x5;
	v57 =	vor.u32 v0, v61;
	v11 =	vadd.f32 v50, v26  }
0x134: {  	s28 =	smul.u32 $0x380, s28;
	v19 =	vand.u32 $0x7FFFFFF8, v19;
	v13 =	vor.u32 v0, v13;
	v50 =	vld.idx.msk [tilespmem:v55+s15+$0x0], $0xffff;
	[tilespmem:v46+s18+$0x0] =	vst.idx.msk $0xffff, v32  }
0x135: {  	v19 =	vor.u32 v62, v19;
	v46 =	vor.u32 v0, v54;
	v52 =	vor.u32 s0, v4;
	[tilespmem:v23+s18+$0x0] =	vst.idx.msk $0xffff, v11  }
0x136: {  	v37 =	vadd.f32 v9, v26;
	v9 =	vadd.s32 s28, v30;
	v11 =	vor.u32 v0, v49;
	v23 =	vld.idx.msk [tilespmem:v25+s15+$0x0], $0xffff  }
0x137: {  	v49 =	vld.idx.msk [tilespmem:v22+s15+$0x0], $0xffff;
	v22 =	vshll.u32 v52, $0x5;
	v24 =	vadd.s32 v24, v9;
	v61 =	vadd.s32 v56, v9  }
0x138: {  	v18 =	vadd.s32 v18, v9;
	v52 =	vadd.s32 v52, v31;
	v54 =	vld.idx.msk [tilespmem:v57+s15+$0x0], $0xffff;
	v55 =	vor.u32 v0, v22  }
0x139: {  	v8 =	vld [tilespmem:$0x1FFF0];
	v32 =	vor.u32 s12, v60;
	v22 =	vadd.s32 v51, v9;
	v51 =	vand.u32 $0x7FFFFFF8, v61;
	[tilespmem:v2+s18+$0x0] =	vst.idx.msk $0xffff, v37;
	v2 =	vmovc v43  }
0x13a: {  	v57 =	vshll.u32 v32, $0x5;
	v37 =	vand.u32 $0x3FE8, v22;
	v51 =	vor.u32 v62, v51;
	[tilespmem:$0x1FDD0] =	vst v2;
	v2 =	vld [tilespmem:$0x1FFA0]  }
0x13b: {  	v58 =	vor.u32 v0, v57;
	v22 =	vld.idx.msk [tilespmem:v1+s15+$0x0], $0xffff;
	v1 =	vor.u32 v62, v37;
	v23 =	vadd.f32 v23, v26  }
0x13c: {  	v59 =	vadd.s32 v5, v9;
	v5 =	vadd.s32 v32, v9;
	v24 =	vand.u32 $0x3FE8, v24  }
0x13d: {  	[tilespmem:v19+s18+$0x0] =	vst.idx.msk $0xffff, v23;
	v19 =	vor.u32 v63, v24;
	v24 =	vadd.f32 v54, v26  }
0x13e: {  	v25 =	vor.u32 v0, v53;
	v18 =	vand.u32 $0x3FE8, v18;
	v50 =	vadd.f32 v50, v26;
	v23 =	vld.idx.msk [tilespmem:v55+s15+$0x0], $0xffff  }
0x13f: {  	v53 =	vor.u32 v8, v18;
	v18 =	vand.u32 $0x7FFFFFF8, v52;
	v52 =	vor.u32 s0, v2;
	[tilespmem:v51+s18+$0x0] =	vst.idx.msk $0xffff, v24  }
0x140: {  	v18 =	vor.u32 v63, v18;
	[tilespmem:v1+s18+$0x0] =	vst.idx.msk $0xffff, v50;
	v24 =	vshll.u32 v52, $0x5;
	v1 =	vld.idx.msk [tilespmem:v58+s15+$0x0], $0xffff  }
0x141: {  	v5 =	vand.u32 $0x7FFFFFF8, v5;
	v24 =	vor.u32 v0, v24  }
0x142: {  	v16 =	vld [tilespmem:$0x1FEE0];
	v61 =	vor.u32 v63, v5  }
0x143: {  	v29 =	vld [tilespmem:$0x1FFE0];
	v23 =	vadd.f32 v23, v26  }
0x144: {  	v12 =	vld [tilespmem:$0x1FE90]  }
0x145: {  	v13 =	vld.idx.msk [tilespmem:v13+s15+$0x0], $0xffff;
	[tilespmem:v18+s18+$0x0] =	vst.idx.msk $0xffff, v23;
	v58 =	vadd.f32 v1, v26  }
0x146: {  	v7 =	vadd.s32 v7, v9;
	v24 =	vld.idx.msk [tilespmem:v24+s15+$0x0], $0xffff  }
0x147: {  	v7 =	vand.u32 $0x3FE8, v7;
	[tilespmem:v61+s18+$0x0] =	vst.idx.msk $0xffff, v58;
	v61 =	vld [tilespmem:$0x1FF40]  }
0x148: {  	v30 =	vld [tilespmem:$0x1FF30];
	v5 =	vor.u32 v14, v7;
	v50 =	vor.u32 s12, v16  }
0x149: {  	v7 =	vand.u32 $0x3FE8, v59;
	v32 =	vshll.u32 v50, $0x5;
	v55 =	vor.u32 s0, v12  }
0x14a: {  	v28 =	vld [tilespmem:$0x1FFD0];
	v57 =	vor.u32 v0, v32;
	v59 =	vshll.u32 v55, $0x5;
	v13 =	vadd.f32 v13, v26  }
0x14b: {  	v43 =	vor.u32 v0, v59;
	v18 =	vor.u32 v29, v7;
	v23 =	vadd.s32 v47, v9  }
0x14c: {  	v59 =	vld [tilespmem:$0x1FE70];
	v7 =	vadd.s32 v48, v9;
	[tilespmem:v19+s18+$0x0] =	vst.idx.msk $0xffff, v13;
	v13 =	vand.u32 $0x3FE8, v23;
	v19 =	vor.u32 s11, v61  }
0x14d: {  	v1 =	vadd.s32 v52, v31;
	v51 =	vld.idx.msk [tilespmem:v46+s15+$0x0], $0xffff;
	v46 =	vor.u32 v30, v13;
	v13 =	vadd.s32 v19, v9  }
0x14e: {  	v7 =	vand.u32 $0x3FE8, v7;
	v52 =	vand.u32 $0x7FFFFFF8, v1;
	v32 =	vand.u32 $0x3FE8, v13  }
0x14f: {  	v49 =	vadd.f32 v49, v26;
	v1 =	vor.u32 v28, v7;
	v7 =	vor.u32 v8, v52  }
0x150: {  	v50 =	vadd.s32 v50, v9;
	v23 =	vld.idx.msk [tilespmem:v57+s15+$0x0], $0xffff  }
0x151: {  	v50 =	vand.u32 $0x7FFFFFF8, v50;
	[tilespmem:v42+s18+$0x0] =	vst.idx.msk $0xffff, v49;
	v52 =	vor.u32 s12, v59;
	v42 =	vor.u32 v62, v32;
	v32 =	vmovc v60;
	v60 =	vld [tilespmem:$0x1FF70]  }
0x152: {  	v37 =	vld [tilespmem:$0x1FEF0];
	v50 =	vor.u32 v8, v50;
	v54 =	vshll.u32 v52, $0x5;
	v24 =	vadd.f32 v24, v26  }
0x153: {  	v15 =	vadd.s32 v15, v9;
	v54 =	vor.u32 v0, v54  }
0x154: {  	v15 =	vand.u32 $0x3FE8, v15;
	v56 =	vadd.s32 v55, v31;
	v52 =	vadd.s32 v52, v9;
	[tilespmem:v7+s18+$0x0] =	vst.idx.msk $0xffff, v24  }
0x155: {  	v57 =	vadd.f32 v51, v26;
	v23 =	vadd.f32 v23, v26;
	v13 =	vadd.s32 v44, v9;
	v24 =	vld.idx.msk [tilespmem:v43+s15+$0x0], $0xffff  }
0x156: {  	v43 =	vld.idx.msk [tilespmem:v45+s15+$0x0], $0xffff;
	v45 =	vand.u32 $0x7FFFFFF8, v56;
	v7 =	vand.u32 $0x3FE8, v13;
	v51 =	vor.u32 s0, v60  }
0x157: {  	v13 =	vor.u32 s11, v2;
	[tilespmem:v50+s18+$0x0] =	vst.idx.msk $0xffff, v23;
	v45 =	vor.u32 v37, v45;
	v2 =	vmovc v62;
	v62 =	vld [tilespmem:$0x1FE80];
	v56 =	vshll.u32 v51, $0x5  }
0x158: {  	[tilespmem:v53+s18+$0x0] =	vst.idx.msk $0xffff, v57;
	v58 =	vadd.s32 v13, v9;
	v53 =	vld.idx.msk [tilespmem:v54+s15+$0x0], $0xffff;
	v50 =	vor.u32 v0, v56  }
0x159: {  	v15 =	vor.u32 v37, v15;
	v52 =	vand.u32 $0x7FFFFFF8, v52;
	v54 =	vld.idx.msk [tilespmem:v25+s15+$0x0], $0xffff;
	v57 =	vand.u32 $0x3FE8, v58  }
0x15a: {  	v23 =	vor.u32 s11, v12;
	v49 =	vor.u32 v8, v57;
	v8 =	vld [tilespmem:$0x1FF50];
	v24 =	vadd.f32 v24, v26  }
0x15b: {  	v52 =	vor.u32 v37, v52;
	v25 =	vadd.s32 v23, v9;
	v43 =	vadd.f32 v43, v26  }
0x15c: {  	v12 =	vld [tilespmem:$0x1FF60];
	v7 =	vor.u32 v63, v7;
	v25 =	vand.u32 $0x3FE8, v25;
	v57 =	vadd.s32 v41, v9;
	[tilespmem:v45+s18+$0x0] =	vst.idx.msk $0xffff, v24  }
0x15d: {  	v55 =	vor.u32 s12, v62;
	v24 =	vor.u32 v37, v25;
	[tilespmem:v40+s18+$0x0] =	vst.idx.msk $0xffff, v43;
	v43 =	vld.idx.msk [tilespmem:v50+s15+$0x0], $0xffff  }
0x15e: {  	v58 =	vadd.f32 v53, v26;
	v37 =	vadd.f32 v54, v26;
	v50 =	vld.idx.msk [tilespmem:v21+s15+$0x0], $0xffff;
	v21 =	vadd.s32 v51, v31  }
0x15f: {  	v53 =	vor.u32 s0, v8;
	v56 =	vshll.u32 v55, $0x5;
	v21 =	vand.u32 $0x7FFFFFF8, v21  }
0x160: {  	v54 =	vshll.u32 v53, $0x5;
	v56 =	vor.u32 v0, v56;
	[tilespmem:v52+s18+$0x0] =	vst.idx.msk $0xffff, v58;
	v52 =	vor.u32 v14, v21  }
0x161: {  	v25 =	vand.u32 $0x3FE8, v57;
	v57 =	vor.u32 s11, v8;
	v51 =	vor.u32 v0, v54  }
0x162: {  	v40 =	vmov v7;
	v7 =	vadd.s32 v57, v9  }
0x163: {  	v7 =	vand.u32 $0x3FE8, v7;
	v21 =	vor.u32 s11, v12;
	v43 =	vadd.f32 v43, v26  }
0x164: {  	v45 =	vor.u32 v29, v7;
	[tilespmem:v15+s18+$0x0] =	vst.idx.msk $0xffff, v37;
	v7 =	vadd.s32 v21, v9  }
0x165: {  	v15 =	vld.idx.msk [tilespmem:v56+s15+$0x0], $0xffff;
	v7 =	vand.u32 $0x3FE8, v7;
	[tilespmem:v52+s18+$0x0] =	vst.idx.msk $0xffff, v43  }
0x166: {  	v43 =	vor.u32 v28, v7;
	v7 =	vld.idx.msk [tilespmem:v51+s15+$0x0], $0xffff  }
0x167: {  	v51 =	vor.u32 s0, v12;
	v12 =	vld [tilespmem:$0x1FDE0]  }
0x168: {  	v8 =	vmov v63;
	v63 =	vld [tilespmem:$0x1FF10];
	_ =	sdelay $0x2  }
0x169: {  	v50 =	vadd.f32 v50, v26  }
0x16a: {  	v58 =	vadd.s32 v55, v9  }
0x16b: {  	v22 =	vadd.f32 v22, v26;
	v55 =	vor.u32 s12, v63;
	v20 =	vld.idx.msk [tilespmem:v20+s15+$0x0], $0xffff;
	v54 =	vand.u32 $0x7FFFFFF8, v58;
	[tilespmem:v39+s18+$0x0] =	vst.idx.msk $0xffff, v50  }
0x16c: {  	v37 =	vshll.u32 v55, $0x5;
	v58 =	vadd.s32 v33, v9;
	v54 =	vor.u32 v14, v54;
	v17 =	vld.idx.msk [tilespmem:v17+s15+$0x0], $0xffff  }
0x16d: {  	v56 =	vor.u32 v0, v37;
	v50 =	vand.u32 $0x3FE8, v58;
	v58 =	vadd.s32 v53, v31;
	[tilespmem:v12+s18+$0x0] =	vst.idx.msk $0xffff, v22;
	v22 =	vld [tilespmem:$0x1FDF0]  }
0x16e: {  	v37 =	vand.u32 $0x7FFFFFF8, v58  }
0x16f: {  	v15 =	vadd.f32 v15, v26  }
0x170: {  	v20 =	vadd.f32 v20, v26  }
0x171: {  	[tilespmem:v54+s18+$0x0] =	vst.idx.msk $0xffff, v15;
	v15 =	vor.u32 v29, v37;
	v37 =	vmov v6;
	v6 =	vld [tilespmem:$0x1FF80]  }
0x172: {  	v13 =	vshll.u32 v13, $0x5;
	[tilespmem:v5+s18+$0x0] =	vst.idx.msk $0xffff, v20;
	v20 =	vld.idx.msk [tilespmem:v56+s15+$0x0], $0xffff;
	v12 =	vmov v22  }
0x173: {  	v25 =	vor.u32 v14, v25;
	v5 =	vshll.u32 v10, $0x5;
	v11 =	vld.idx.msk [tilespmem:v11+s15+$0x0], $0xffff;
	[tilespmem:$0x1FDE0] =	vst v12;
	v12 =	vor.u32 v30, v50  }
0x174: {  	v58 =	vadd.s32 v55, v9;
	v22 =	vshll.u32 v51, $0x5;
	v50 =	vor.u32 v0, v5;
	[tilespmem:$0x1FDF0] =	vst v12;
	v12 =	vld [tilespmem:$0x1FFB0]  }
0x175: {  	v54 =	vor.u32 s19, v4;
	v7 =	vadd.f32 v7, v26;
	v22 =	vor.u32 v0, v22  }
0x176: {  	v17 =	vadd.f32 v17, v26;
	v52 =	vor.u32 s19, v6;
	v10 =	vmovc v41;
	v41 =	vor.u32 s19, v60  }
0x177: {  	v60 =	vshll.u32 v48, $0x5;
	[tilespmem:v15+s18+$0x0] =	vst.idx.msk $0xffff, v7;
	v7 =	vadd.s32 v51, v31;
	v5 =	vand.u32 $0x7FFFFFF8, v58  }
0x178: {  	v55 =	vor.u32 v0, v60;
	[tilespmem:v38+s18+$0x0] =	vst.idx.msk $0xffff, v17;
	v51 =	vor.u32 s19, v0;
	v53 =	vor.u32 v29, v5  }
0x179: {  	v39 =	vmovc v49;
	v15 =	vadd.f32 v20, v26;
	v11 =	vadd.f32 v11, v26;
	v20 =	vld.idx.msk [tilespmem:v50+s15+$0x0], $0xffff;
	v49 =	vor.u32 s12, v12  }
0x17a: {  	v17 =	vld.idx.msk [tilespmem:v22+s15+$0x0], $0xffff;
	v22 =	vand.u32 $0x7FFFFFF8, v7;
	v50 =	vor.u32 s0, v6;
	v5 =	vshll.u32 v49, $0x5  }
0x17b: {  	v38 =	vmovc v24;
	v7 =	vor.u32 s19, v62;
	v48 =	vor.u32 s19, v12;
	v12 =	vld [tilespmem:$0x1FF20];
	v56 =	vor.u32 v0, v5  }
0x17c: {  	v62 =	vmovc v2;
	[tilespmem:v18+s18+$0x0] =	vst.idx.msk $0xffff, v11;
	v2 =	vshll.u32 v36, $0x5;
	v22 =	vor.u32 v28, v22;
	v24 =	vshll.u32 v50, $0x5  }
0x17d: {  	v18 =	vor.u32 s19, v16;
	[tilespmem:v53+s18+$0x0] =	vst.idx.msk $0xffff, v15;
	v15 =	vor.u32 s19, v59;
	v53 =	vor.u32 v0, v24  }
0x17e: {  	v55 =	vld.idx.msk [tilespmem:v55+s15+$0x0], $0xffff;
	v24 =	vadd.s32 v49, v9;
	v49 =	vor.u32 v0, v2;
	v20 =	vadd.f32 v20, v26  }
0x17f: {  	v6 =	vmovc v33;
	v33 =	vmovc v52;
	v59 =	vshll.u32 v47, $0x5;
	v52 =	vshll.u32 v7, $0x5;
	v17 =	vadd.f32 v17, v26  }
0x180: {  	v36 =	vmovc v57;
	v5 =	vor.u32 s19, v63;
	v24 =	vand.u32 $0x7FFFFFF8, v24;
	v58 =	vor.u32 s19, v12;
	[tilespmem:v35+s18+$0x0] =	vst.idx.msk $0xffff, v20;
	v11 =	vld.idx.msk [tilespmem:v56+s15+$0x0], $0xffff  }
0x181: {  	s0 =	smov.u32 s12;
	v57 =	vor.u32 v28, v24;
	v24 =	vor.u32 s19, v32;
	v47 =	vmovc v58;
	v58 =	vshll.u32 v37, $0x5;
	[tilespmem:v22+s18+$0x0] =	vst.idx.msk $0xffff, v17  }
0x182: {  	v20 =	vadd.s32 v50, v31;
	v56 =	vor.u32 s0, v12;
	v17 =	vor.u32 v0, v59;
	v22 =	vld.idx.msk [tilespmem:v53+s15+$0x0], $0xffff  }
0x183: {  	v31 =	vmovc v9;
	v9 =	vadd.f32 v55, v26;
	v59 =	vshll.u32 v34, $0x5;
	v60 =	vshll.u32 v56, $0x5;
	v53 =	vld.idx.msk [tilespmem:v49+s15+$0x0], $0xffff  }
0x184: {  	v34 =	vmovc v21;
	v21 =	vshll.u32 v51, $0x5;
	v49 =	vshll.u32 v5, $0x5;
	v60 =	vor.u32 v0, v60  }
0x185: {  	v29 =	vadd.f32 v11, v26;
	v11 =	vshll.u32 v23, $0x5;
	v23 =	vand.u32 $0x7FFFFFF8, v20  }
0x186: {  	p1 =	slt.u32 s19, $0x1E0;
	[tilespmem:v1+s18+$0x0] =	vst.idx.msk $0xffff, v9;
	v1 =	vshll.u32 v19, $0x5;
	v55 =	vor.u32 v0, v21;
	v37 =	vor.u32 v30, v23  }
.Ltmp3:
0x187: {  	v63 =	vmovc v8;
	v9 =	vor.u32 v0, v59;
	v19 =	vor.u32 s0, v61;
	v21 =	vld.idx.msk [tilespmem:v17+s15+$0x0], $0xffff;
	v17 =	vadd.s32 v56, v31;
	(pc) =	sbr.rel @p1 .LBB2_5-.Ltmp3, $4  }
0x188: {  	v35 =	vmovc v25;
	v20 =	vshll.u32 v44, $0x5;
	v44 =	vmovc v54;
	v17 =	vand.u32 $0x7FFFFFF8, v17;
	v61 =	vadd.f32 v53, v26  }
0x189: {  	v22 =	vadd.f32 v22, v26;
	[tilespmem:v57+s18+$0x0] =	vst.idx.msk $0xffff, v29;
	v23 =	vor.u32 v30, v17;
	v17 =	vshll.u32 v19, $0x5  }
0x18a: {  	s11 =	smov.u32 s19;
	v54 =	vshll.u32 v18, $0x5;
	v53 =	vshll.u32 v15, $0x5;
	v50 =	vld.idx.msk [tilespmem:v60+s15+$0x0], $0xffff;
	v25 =	vor.u32 v0, v17;
	[tilespmem:v3+s18+$0x0] =	vst.idx.msk $0xffff, v61  }
0x18b: {  	s12 =	sadd.s32 $0x10, s11;
	s19 =	sadd.s32 $0x20, s19;
	v30 =	vld [tilespmem:$0x1FEB0];
	v60 =	vmov v32;
	[tilespmem:v37+s18+$0x0] =	vst.idx.msk $0xffff, v22;
	v22 =	vor.u32 v0, v1;
	v1 =	vor.u32 v0, v58  }
0x18c: {  	v17 =	vor.u32 s12, v0  }
0x18d: {  	v3 =	vshll.u32 v17, $0x5  }
0x18e: {  	v56 =	vor.u32 v0, v3  }
0x18f: {  	s19 =	sshrl.u32 s11, $0x7  }
0x190: {  	s19 =	smul.u32 $0x380, s19;
	_ =	sdelay $0x1  }
0x191: {  	v3 =	vadd.s32 s19, v30  }
0x192: {  	v17 =	vadd.s32 v17, v3;
	v56 =	vld.idx.msk [tilespmem:v56+s15+$0x0], $0xffff  }
0x193: {  	v57 =	vor.u32 s12, v60;
	v17 =	vand.u32 $0x7FFFFFF8, v17  }
0x194: {  	v55 =	vld.idx.msk [tilespmem:v55+s15+$0x0], $0xffff;
	v58 =	vshll.u32 v57, $0x5;
	v51 =	vadd.s32 v51, v3;
	v17 =	vor.u32 v62, v17  }
0x195: {  	v58 =	vor.u32 v0, v58;
	v51 =	vand.u32 $0x3FE8, v51  }
0x196: {  	v59 =	vshll.u32 v24, $0x5;
	v51 =	vor.u32 v62, v51  }
0x197: {  	v59 =	vor.u32 v0, v59;
	v56 =	vadd.f32 v56, v26;
	_ =	sdelay $0x1  }
0x198: {  	[tilespmem:v17+s18+$0x0] =	vst.idx.msk $0xffff, v56;
	v17 =	vadd.f32 v55, v26  }
0x199: {  	v61 =	vadd.s32 v57, v3;
	v55 =	vld.idx.msk [tilespmem:v58+s15+$0x0], $0xffff  }
0x19a: {  	v56 =	vand.u32 $0x7FFFFFF8, v61;
	v4 =	vld [tilespmem:$0x1FEE0];
	[tilespmem:v51+s18+$0x0] =	vst.idx.msk $0xffff, v17  }
0x19b: {  	v24 =	vadd.s32 v24, v3;
	v17 =	vor.u32 v63, v56;
	v61 =	vld.idx.msk [tilespmem:v59+s15+$0x0], $0xffff  }
0x19c: {  	v24 =	vand.u32 $0x3FE8, v24  }
0x19d: {  	v24 =	vor.u32 v63, v24  }
0x19e: {  	v55 =	vadd.f32 v55, v26  }
0x19f: {  	v32 =	vor.u32 s12, v4  }
0x1a0: {  	v37 =	vshll.u32 v32, $0x5;
	[tilespmem:v17+s18+$0x0] =	vst.idx.msk $0xffff, v55;
	v17 =	vadd.f32 v61, v26  }
0x1a1: {  	v51 =	vor.u32 v0, v37  }
0x1a2: {  	v29 =	vld [tilespmem:$0x1FE70];
	[tilespmem:v24+s18+$0x0] =	vst.idx.msk $0xffff, v17  }
0x1a3: {  	v54 =	vor.u32 v0, v54;
	v59 =	vld [tilespmem:$0x1FFF0];
	_ =	sdelay $0x2  }
0x1a4: {  	v32 =	vadd.s32 v32, v3;
	v51 =	vld.idx.msk [tilespmem:v51+s15+$0x0], $0xffff  }
0x1a5: {  	v55 =	vand.u32 $0x7FFFFFF8, v32  }
0x1a6: {  	v18 =	vadd.s32 v18, v3;
	v54 =	vld.idx.msk [tilespmem:v54+s15+$0x0], $0xffff;
	v17 =	vor.u32 v59, v55  }
0x1a7: {  	v18 =	vand.u32 $0x3FE8, v18  }
0x1a8: {  	v18 =	vor.u32 v59, v18  }
0x1a9: {  	v51 =	vadd.f32 v51, v26  }
0x1aa: {  	v37 =	vor.u32 s12, v29  }
0x1ab: {  	v24 =	vshll.u32 v37, $0x5;
	[tilespmem:v17+s18+$0x0] =	vst.idx.msk $0xffff, v51;
	v17 =	vadd.f32 v54, v26  }
0x1ac: {  	v24 =	vor.u32 v0, v24  }
0x1ad: {  	v56 =	vld [tilespmem:$0x1FE80];
	[tilespmem:v18+s18+$0x0] =	vst.idx.msk $0xffff, v17  }
0x1ae: {  	v53 =	vor.u32 v0, v53;
	v57 =	vld [tilespmem:$0x1FEF0];
	_ =	sdelay $0x2  }
0x1af: {  	v58 =	vadd.s32 v37, v3;
	v24 =	vld.idx.msk [tilespmem:v24+s15+$0x0], $0xffff  }
0x1b0: {  	v51 =	vand.u32 $0x7FFFFFF8, v58;
	v61 =	vor.u32 s12, v56  }
0x1b1: {  	v15 =	vadd.s32 v15, v3;
	v32 =	vld.idx.msk [tilespmem:v53+s15+$0x0], $0xffff;
	v18 =	vshll.u32 v61, $0x5;
	v17 =	vor.u32 v57, v51  }
0x1b2: {  	v15 =	vand.u32 $0x3FE8, v15;
	v18 =	vor.u32 v0, v18  }
0x1b3: {  	v15 =	vor.u32 v57, v15  }
0x1b4: {  	v52 =	vor.u32 v0, v52;
	v24 =	vadd.f32 v24, v26;
	_ =	sdelay $0x1  }
0x1b5: {  	[tilespmem:v17+s18+$0x0] =	vst.idx.msk $0xffff, v24;
	v17 =	vadd.f32 v32, v26  }
0x1b6: {  	v24 =	vadd.s32 v61, v3;
	v18 =	vld.idx.msk [tilespmem:v18+s15+$0x0], $0xffff  }
0x1b7: {  	v24 =	vand.u32 $0x7FFFFFF8, v24;
	v54 =	vld [tilespmem:$0x1FF10];
	[tilespmem:v15+s18+$0x0] =	vst.idx.msk $0xffff, v17  }
0x1b8: {  	v7 =	vadd.s32 v7, v3;
	v15 =	vor.u32 v14, v24;
	v24 =	vld.idx.msk [tilespmem:v52+s15+$0x0], $0xffff  }
0x1b9: {  	v7 =	vand.u32 $0x3FE8, v7  }
0x1ba: {  	v7 =	vor.u32 v14, v7  }
0x1bb: {  	v18 =	vadd.f32 v18, v26  }
0x1bc: {  	v37 =	vor.u32 s12, v54  }
0x1bd: {  	v17 =	vshll.u32 v37, $0x5;
	[tilespmem:v15+s18+$0x0] =	vst.idx.msk $0xffff, v18;
	v15 =	vadd.f32 v24, v26  }
0x1be: {  	v17 =	vor.u32 v0, v17  }
0x1bf: {  	v61 =	vld [tilespmem:$0x1FFB0];
	[tilespmem:v7+s18+$0x0] =	vst.idx.msk $0xffff, v15  }
0x1c0: {  	v49 =	vor.u32 v0, v49;
	v53 =	vld [tilespmem:$0x1FFE0];
	_ =	sdelay $0x2  }
0x1c1: {  	v18 =	vadd.s32 v37, v3;
	v17 =	vld.idx.msk [tilespmem:v17+s15+$0x0], $0xffff  }
0x1c2: {  	v18 =	vand.u32 $0x7FFFFFF8, v18  }
0x1c3: {  	v5 =	vadd.s32 v5, v3;
	v7 =	vor.u32 v53, v18;
	v18 =	vld.idx.msk [tilespmem:v49+s15+$0x0], $0xffff  }
0x1c4: {  	v5 =	vand.u32 $0x3FE8, v5  }
0x1c5: {  	v5 =	vor.u32 v53, v5  }
0x1c6: {  	v17 =	vadd.f32 v17, v26  }
0x1c7: {  	v24 =	vor.u32 s12, v61  }
0x1c8: {  	v15 =	vshll.u32 v24, $0x5;
	[tilespmem:v7+s18+$0x0] =	vst.idx.msk $0xffff, v17;
	v7 =	vadd.f32 v18, v26  }
0x1c9: {  	v15 =	vor.u32 v0, v15  }
0x1ca: {  	v55 =	vshll.u32 v48, $0x5;
	v51 =	vld [tilespmem:$0x1FF20];
	[tilespmem:v5+s18+$0x0] =	vst.idx.msk $0xffff, v7  }
0x1cb: {  	v49 =	vor.u32 v0, v55;
	v52 =	vld [tilespmem:$0x1FFD0];
	_ =	sdelay $0x2  }
0x1cc: {  	v17 =	vadd.s32 v24, v3;
	v15 =	vld.idx.msk [tilespmem:v15+s15+$0x0], $0xffff  }
0x1cd: {  	v17 =	vand.u32 $0x7FFFFFF8, v17  }
0x1ce: {  	v24 =	vld.idx.msk [tilespmem:v49+s15+$0x0], $0xffff;
	v5 =	vor.u32 v52, v17;
	v17 =	vadd.s32 v48, v3  }
0x1cf: {  	v17 =	vand.u32 $0x3FE8, v17  }
0x1d0: {  	v58 =	vadd.f32 v50, v26;
	v17 =	vor.u32 v52, v17  }
0x1d1: {  	v15 =	vadd.f32 v15, v26  }
0x1d2: {  	[tilespmem:v23+s18+$0x0] =	vst.idx.msk $0xffff, v58;
	v18 =	vor.u32 s12, v51  }
0x1d3: {  	v7 =	vshll.u32 v18, $0x5;
	[tilespmem:v5+s18+$0x0] =	vst.idx.msk $0xffff, v15;
	v15 =	vadd.f32 v24, v26  }
0x1d4: {  	v7 =	vor.u32 v0, v7;
	v8 =	vld [tilespmem:$0x1FF90]  }
0x1d5: {  	v12 =	vld [tilespmem:$0x1FF40];
	[tilespmem:v17+s18+$0x0] =	vst.idx.msk $0xffff, v15  }
0x1d6: {  	v49 =	vld [tilespmem:$0x1FF30]  }
0x1d7: {  	v32 =	vshll.u32 v47, $0x5  }
0x1d8: {  	v19 =	vadd.s32 v19, v31;
	v23 =	vor.u32 v0, v32;
	v25 =	vld.idx.msk [tilespmem:v25+s15+$0x0], $0xffff  }
0x1d9: {  	v19 =	vand.u32 $0x7FFFFFF8, v19;
	v18 =	vadd.s32 v18, v3;
	v7 =	vld.idx.msk [tilespmem:v7+s15+$0x0], $0xffff  }
0x1da: {  	v19 =	vor.u32 v62, v19;
	v18 =	vand.u32 $0x7FFFFFF8, v18  }
0x1db: {  	v24 =	vor.u32 s12, v12;
	v15 =	vor.u32 v49, v18  }
0x1dc: {  	v21 =	vadd.f32 v21, v26;
	v50 =	vadd.s32 v47, v3;
	v17 =	vshll.u32 v24, $0x5  }
0x1dd: {  	v25 =	vadd.f32 v25, v26;
	v23 =	vld.idx.msk [tilespmem:v23+s15+$0x0], $0xffff;
	v5 =	vor.u32 s0, v8;
	v17 =	vor.u32 v0, v17  }
0x1de: {  	v47 =	vand.u32 $0x3FE8, v50;
	[tilespmem:v46+s18+$0x0] =	vst.idx.msk $0xffff, v21;
	v7 =	vadd.f32 v7, v26;
	v37 =	vshll.u32 v5, $0x5  }
0x1df: {  	[tilespmem:v19+s18+$0x0] =	vst.idx.msk $0xffff, v25;
	v18 =	vor.u32 v0, v37;
	v21 =	vor.u32 v49, v47  }
0x1e0: {  	v22 =	vld.idx.msk [tilespmem:v22+s15+$0x0], $0xffff;
	v55 =	vor.u32 s11, v12;
	[tilespmem:v15+s18+$0x0] =	vst.idx.msk $0xffff, v7  }
0x1e1: {  	v32 =	vshll.u32 v55, $0x5;
	v58 =	vld [tilespmem:$0x1FFA0]  }
0x1e2: {  	v19 =	vor.u32 v0, v32;
	v7 =	vadd.f32 v23, v26;
	v15 =	vld.idx.msk [tilespmem:v17+s15+$0x0], $0xffff;
	v17 =	vadd.s32 v24, v3  }
0x1e3: {  	v20 =	vor.u32 v0, v20;
	v5 =	vadd.s32 v5, v31;
	v17 =	vand.u32 $0x7FFFFFF8, v17  }
0x1e4: {  	v5 =	vand.u32 $0x7FFFFFF8, v5;
	v18 =	vld.idx.msk [tilespmem:v18+s15+$0x0], $0xffff;
	v24 =	vor.u32 s12, v8;
	[tilespmem:v21+s18+$0x0] =	vst.idx.msk $0xffff, v7;
	v7 =	vor.u32 v62, v17  }
0x1e5: {  	v25 =	vadd.s32 v55, v3;
	v5 =	vor.u32 v63, v5;
	v17 =	vshll.u32 v24, $0x5  }
0x1e6: {  	v22 =	vadd.f32 v22, v26;
	v17 =	vor.u32 v0, v17;
	v23 =	vor.u32 s0, v58  }
0x1e7: {  	v25 =	vand.u32 $0x3FE8, v25;
	v19 =	vld.idx.msk [tilespmem:v19+s15+$0x0], $0xffff;
	v15 =	vadd.f32 v15, v26;
	v21 =	vshll.u32 v23, $0x5  }
0x1e8: {  	v37 =	vshll.u32 v44, $0x5;
	v25 =	vor.u32 v62, v25;
	[tilespmem:v42+s18+$0x0] =	vst.idx.msk $0xffff, v22;
	v21 =	vor.u32 v0, v21  }
0x1e9: {  	[tilespmem:v7+s18+$0x0] =	vst.idx.msk $0xffff, v15;
	v7 =	vor.u32 v0, v13;
	v13 =	vadd.f32 v18, v26;
	v15 =	vld.idx.msk [tilespmem:v20+s15+$0x0], $0xffff  }
0x1ea: {  	v22 =	vor.u32 v0, v37  }
0x1eb: {  	v20 =	vadd.s32 v24, v3;
	v17 =	vld.idx.msk [tilespmem:v17+s15+$0x0], $0xffff;
	[tilespmem:v5+s18+$0x0] =	vst.idx.msk $0xffff, v13  }
0x1ec: {  	v18 =	vadd.s32 v23, v31;
	v19 =	vadd.f32 v19, v26;
	v13 =	vand.u32 $0x7FFFFFF8, v20;
	v42 =	vld [tilespmem:$0x1FE90]  }
0x1ed: {  	v5 =	vand.u32 $0x7FFFFFF8, v18;
	v18 =	vor.u32 s12, v58;
	v13 =	vor.u32 v63, v13  }
0x1ee: {  	v23 =	vshll.u32 v18, $0x5;
	[tilespmem:v25+s18+$0x0] =	vst.idx.msk $0xffff, v19;
	v20 =	vld.idx.msk [tilespmem:v21+s15+$0x0], $0xffff;
	v15 =	vadd.f32 v15, v26  }
0x1ef: {  	v24 =	vor.u32 s11, v58;
	v19 =	vadd.s32 v44, v3;
	v23 =	vor.u32 v0, v23;
	v22 =	vld.idx.msk [tilespmem:v22+s15+$0x0], $0xffff  }
0x1f0: {  	v5 =	vor.u32 v59, v5;
	v25 =	vshll.u32 v24, $0x5;
	v19 =	vand.u32 $0x3FE8, v19;
	[tilespmem:v40+s18+$0x0] =	vst.idx.msk $0xffff, v15  }
0x1f1: {  	v19 =	vor.u32 v63, v19;
	v17 =	vadd.f32 v17, v26;
	v21 =	vor.u32 s0, v42;
	v7 =	vld.idx.msk [tilespmem:v7+s15+$0x0], $0xffff  }
0x1f2: {  	v25 =	vor.u32 v0, v25;
	v15 =	vshll.u32 v21, $0x5  }
0x1f3: {  	[tilespmem:v13+s18+$0x0] =	vst.idx.msk $0xffff, v17;
	v13 =	vor.u32 v0, v15;
	v15 =	vadd.f32 v20, v26  }
0x1f4: {  	v11 =	vor.u32 v0, v11;
	v18 =	vadd.s32 v18, v3;
	v17 =	vld.idx.msk [tilespmem:v23+s15+$0x0], $0xffff;
	v20 =	vadd.f32 v22, v26  }
0x1f5: {  	[tilespmem:v5+s18+$0x0] =	vst.idx.msk $0xffff, v15;
	v5 =	vand.u32 $0x7FFFFFF8, v18;
	v15 =	vor.u32 s12, v42;
	v18 =	vadd.s32 v21, v31  }
0x1f6: {  	[tilespmem:v19+s18+$0x0] =	vst.idx.msk $0xffff, v20;
	v5 =	vor.u32 v59, v5;
	v21 =	vshll.u32 v15, $0x5;
	v7 =	vadd.f32 v7, v26  }
0x1f7: {  	v19 =	vadd.s32 v24, v3;
	v20 =	vor.u32 v0, v21;
	v21 =	vld.idx.msk [tilespmem:v25+s15+$0x0], $0xffff  }
0x1f8: {  	v19 =	vand.u32 $0x3FE8, v19;
	v13 =	vld.idx.msk [tilespmem:v13+s15+$0x0], $0xffff;
	[tilespmem:v39+s18+$0x0] =	vst.idx.msk $0xffff, v7  }
0x1f9: {  	v18 =	vand.u32 $0x7FFFFFF8, v18;
	v19 =	vor.u32 v59, v19;
	v17 =	vadd.f32 v17, v26;
	v46 =	vld [tilespmem:$0x1FF70]  }
0x1fa: {  	v18 =	vor.u32 v57, v18  }
0x1fb: {  	v22 =	vor.u32 s11, v42;
	v11 =	vld.idx.msk [tilespmem:v11+s15+$0x0], $0xffff;
	[tilespmem:v5+s18+$0x0] =	vst.idx.msk $0xffff, v17  }
0x1fc: {  	v23 =	vshll.u32 v22, $0x5;
	v17 =	vld.idx.msk [tilespmem:v20+s15+$0x0], $0xffff;
	v20 =	vadd.f32 v21, v26  }
0x1fd: {  	v23 =	vor.u32 v0, v23;
	v13 =	vadd.f32 v13, v26  }
0x1fe: {  	v7 =	vor.u32 s0, v46;
	[tilespmem:v19+s18+$0x0] =	vst.idx.msk $0xffff, v20;
	v19 =	vshll.u32 v10, $0x5  }
0x1ff: {  	v5 =	vshll.u32 v7, $0x5;
	[tilespmem:v18+s18+$0x0] =	vst.idx.msk $0xffff, v13;
	v13 =	vor.u32 v0, v19  }
0x200: {  	v15 =	vadd.s32 v15, v3;
	v11 =	vadd.f32 v11, v26;
	v5 =	vor.u32 v0, v5  }
0x201: {  	v15 =	vand.u32 $0x7FFFFFF8, v15;
	v20 =	vor.u32 s12, v46  }
0x202: {  	v15 =	vor.u32 v57, v15;
	v18 =	vshll.u32 v20, $0x5;
	v19 =	vld.idx.msk [tilespmem:v23+s15+$0x0], $0xffff;
	[tilespmem:v38+s18+$0x0] =	vst.idx.msk $0xffff, v11  }
0x203: {  	v21 =	vadd.s32 v22, v3;
	v18 =	vor.u32 v0, v18;
	v16 =	vld [tilespmem:$0x1FF50]  }
0x204: {  	v22 =	vshll.u32 v41, $0x5;
	v21 =	vand.u32 $0x3FE8, v21;
	v13 =	vld.idx.msk [tilespmem:v13+s15+$0x0], $0xffff  }
0x205: {  	v21 =	vor.u32 v57, v21;
	v7 =	vadd.s32 v7, v31;
	v17 =	vadd.f32 v17, v26;
	v5 =	vld.idx.msk [tilespmem:v5+s15+$0x0], $0xffff  }
0x206: {  	v22 =	vor.u32 v0, v22;
	v7 =	vand.u32 $0x7FFFFFF8, v7  }
0x207: {  	v7 =	vor.u32 v14, v7;
	[tilespmem:v15+s18+$0x0] =	vst.idx.msk $0xffff, v17;
	v17 =	vadd.s32 v41, v3  }
0x208: {  	v20 =	vadd.s32 v20, v3;
	v19 =	vadd.f32 v19, v26;
	v17 =	vand.u32 $0x3FE8, v17;
	v18 =	vld.idx.msk [tilespmem:v18+s15+$0x0], $0xffff  }
0x209: {  	v17 =	vor.u32 v14, v17;
	v44 =	vor.u32 s0, v16;
	v13 =	vadd.f32 v13, v26  }
0x20a: {  	[tilespmem:v21+s18+$0x0] =	vst.idx.msk $0xffff, v19;
	v19 =	vand.u32 $0x7FFFFFF8, v20;
	v15 =	vshll.u32 v44, $0x5;
	v5 =	vadd.f32 v5, v26  }
0x20b: {  	v19 =	vor.u32 v14, v19;
	v22 =	vld.idx.msk [tilespmem:v22+s15+$0x0], $0xffff;
	v15 =	vor.u32 v0, v15;
	[tilespmem:v35+s18+$0x0] =	vst.idx.msk $0xffff, v13  }
0x20c: {  	v23 =	vor.u32 s11, v16;
	v20 =	vshll.u32 v36, $0x5;
	v21 =	vor.u32 s12, v16;
	[tilespmem:v7+s18+$0x0] =	vst.idx.msk $0xffff, v5  }
0x20d: {  	v18 =	vadd.f32 v18, v26;
	v7 =	vor.u32 v0, v20;
	v20 =	vshll.u32 v21, $0x5;
	v38 =	vld [tilespmem:$0x1FF60]  }
0x20e: {  	v5 =	vadd.s32 v23, v3;
	v23 =	vshll.u32 v23, $0x5;
	v20 =	vor.u32 v0, v20  }
0x20f: {  	v11 =	vadd.s32 v44, v31;
	v23 =	vor.u32 v0, v23  }
0x210: {  	v11 =	vand.u32 $0x7FFFFFF8, v11;
	v15 =	vld.idx.msk [tilespmem:v15+s15+$0x0], $0xffff;
	[tilespmem:v19+s18+$0x0] =	vst.idx.msk $0xffff, v18;
	v19 =	vadd.f32 v22, v26  }
0x211: {  	v11 =	vor.u32 v53, v11;
	v21 =	vadd.s32 v21, v3;
	v5 =	vand.u32 $0x3FE8, v5  }
0x212: {  	v5 =	vor.u32 v53, v5;
	[tilespmem:v17+s18+$0x0] =	vst.idx.msk $0xffff, v19;
	v17 =	vshll.u32 v34, $0x5;
	v7 =	vld.idx.msk [tilespmem:v7+s15+$0x0], $0xffff;
	v24 =	vor.u32 s0, v38  }
0x213: {  	v19 =	vand.u32 $0x7FFFFFF8, v21;
	v17 =	vor.u32 v0, v17;
	v20 =	vld.idx.msk [tilespmem:v20+s15+$0x0], $0xffff;
	v18 =	vshll.u32 v24, $0x5  }
0x214: {  	v19 =	vor.u32 v53, v19;
	v21 =	vor.u32 s12, v38;
	v22 =	vld.idx.msk [tilespmem:v23+s15+$0x0], $0xffff;
	v18 =	vor.u32 v0, v18  }
0x215: {  	v13 =	vor.u32 s11, v38;
	v15 =	vadd.f32 v15, v26;
	v23 =	vshll.u32 v21, $0x5  }
0x216: {  	v25 =	vadd.s32 v13, v3;
	v13 =	vshll.u32 v13, $0x5;
	v23 =	vor.u32 v0, v23  }
0x217: {  	[tilespmem:v11+s18+$0x0] =	vst.idx.msk $0xffff, v15;
	v13 =	vor.u32 v0, v13;
	v7 =	vadd.f32 v7, v26  }
0x218: {  	v41 =	vld [tilespmem:$0x1FF80];
	v20 =	vadd.f32 v20, v26  }
0x219: {  	[tilespmem:v45+s18+$0x0] =	vst.idx.msk $0xffff, v7;
	v7 =	vadd.f32 v22, v26;
	v18 =	vld.idx.msk [tilespmem:v18+s15+$0x0], $0xffff  }
0x21a: {  	v15 =	vadd.s32 v24, v31;
	v17 =	vld.idx.msk [tilespmem:v17+s15+$0x0], $0xffff;
	[tilespmem:v19+s18+$0x0] =	vst.idx.msk $0xffff, v20  }
0x21b: {  	v15 =	vand.u32 $0x7FFFFFF8, v15;
	v20 =	vld.idx.msk [tilespmem:v23+s15+$0x0], $0xffff;
	[tilespmem:v5+s18+$0x0] =	vst.idx.msk $0xffff, v7  }
0x21c: {  	v21 =	vadd.s32 v21, v3;
	v15 =	vor.u32 v52, v15;
	v13 =	vld.idx.msk [tilespmem:v13+s15+$0x0], $0xffff  }
0x21d: {  	v7 =	vand.u32 $0x7FFFFFF8, v21;
	v2 =	vld [tilespmem:$0x1FDD0]  }
0x21e: {  	v9 =	vld.idx.msk [tilespmem:v9+s15+$0x0], $0xffff;
	v47 =	vand.u32 $0x3FE8, v25;
	v24 =	vor.u32 s0, v41;
	v7 =	vor.u32 v52, v7  }
0x21f: {  	v11 =	vor.u32 v52, v47;
	v22 =	vshll.u32 v24, $0x5;
	v18 =	vadd.f32 v18, v26  }
0x220: {  	v19 =	vor.u32 v0, v22;
	v48 =	vadd.f32 v17, v26  }
0x221: {  	[tilespmem:v15+s18+$0x0] =	vst.idx.msk $0xffff, v18;
	v15 =	vadd.f32 v20, v26  }
0x222: {  	[tilespmem:v43+s18+$0x0] =	vst.idx.msk $0xffff, v48;
	v50 =	vadd.f32 v13, v26  }
0x223: {  	v9 =	vadd.f32 v9, v26;
	[tilespmem:v7+s18+$0x0] =	vst.idx.msk $0xffff, v15  }
0x224: {  	[tilespmem:v11+s18+$0x0] =	vst.idx.msk $0xffff, v50  }
0x225: {  	v21 =	vor.u32 s12, v41;
	s0 =	simm.s32 $0x0;
	v18 =	vld.idx.msk [tilespmem:v19+s15+$0x0], $0xffff;
	[tilespmem:v2+s18+$0x0] =	vst.idx.msk $0xffff, v9  }
0x226: {  	v37 =	vor.u32 s0, v42;
	v42 =	vor.u32 s0, v12;
	v13 =	vadd.s32 v24, v31;
	v12 =	vld [tilespmem:$0x1FDE0]  }
0x227: {  	v22 =	vshll.u32 v21, $0x5;
	v13 =	vand.u32 $0x7FFFFFF8, v13;
	v1 =	vld.idx.msk [tilespmem:v1+s15+$0x0], $0xffff  }
0x228: {  	v23 =	vshll.u32 v33, $0x5;
	v22 =	vor.u32 v0, v22;
	v13 =	vor.u32 v49, v13  }
0x229: {  	v17 =	vor.u32 v0, v23  }
0x22a: {  	v5 =	vshll.u32 v6, $0x5  }
0x22b: {  	v5 =	vor.u32 v0, v5;
	v15 =	vadd.f32 v18, v26  }
0x22c: {  	v1 =	vadd.f32 v1, v26  }
0x22d: {  	v7 =	vld.idx.msk [tilespmem:v22+s15+$0x0], $0xffff;
	[tilespmem:v13+s18+$0x0] =	vst.idx.msk $0xffff, v15  }
0x22e: {  	v55 =	vadd.s32 v33, v3;
	v3 =	vadd.s32 v21, v3;
	v9 =	vld.idx.msk [tilespmem:v17+s15+$0x0], $0xffff;
	[tilespmem:v12+s18+$0x0] =	vst.idx.msk $0xffff, v1  }
0x22f: {  	v3 =	vand.u32 $0x7FFFFFF8, v3;
	v22 =	vor.u32 s0, v0;
	v0 =	vld [tilespmem:$0x1FDF0]  }
0x230: {  	v3 =	vor.u32 v49, v3;
	v5 =	vld.idx.msk [tilespmem:v5+s15+$0x0], $0xffff;
	v11 =	vand.u32 $0x3FE8, v55  }
0x231: {  	v11 =	vor.u32 v49, v11;
	_ =	sdelay $0x1  }
0x232: {  	v7 =	vadd.f32 v7, v26  }
0x233: {  	v9 =	vadd.f32 v9, v26  }
0x234: {  	v5 =	vadd.f32 v5, v26;
	[tilespmem:v3+s18+$0x0] =	vst.idx.msk $0xffff, v7  }
0x235: {  	[tilespmem:v11+s18+$0x0] =	vst.idx.msk $0xffff, v9  }
0x236: {  	v44 =	vor.u32 s0, v41;
	[tilespmem:v0+s18+$0x0] =	vst.idx.msk $0xffff, v5  }
0x237: {  	v2 =	vor.u32 s0, v46;
	[tilespmem:$0x1FD20] =	vst v44  }
0x238: {  	v28 =	vor.u32 s0, v54;
	[tilespmem:$0x1FD30] =	vst v2  }
0x239: {  	v30 =	vor.u32 s0, v29;
	v29 =	vor.u32 s0, v56;
	[tilespmem:$0x1FD40] =	vst v28  }
0x23a: {  	[tilespmem:$0x1FD50] =	vst v29  }
0x23b: {  	v21 =	vshll.u32 v28, $0x5;
	[tilespmem:$0x1FD60] =	vst v30  }
0x23c: {  	p3 =	por $0x1, $0x1;
	v24 =	vshll.u32 v29, $0x5;
	[tilespmem:$0x1FD70] =	vst v21  }
.Ltmp4:
0x23d: {  	v32 =	vor.u32 s0, v16;
	v33 =	vor.u32 s0, v51;
	v12 =	vor.u32 s0, v4;
	[tilespmem:$0x1FD80] =	vst v24;
	(pc) =	sbr.rel @!p3 .LBB2_7-.Ltmp4, $4  }
0x23e: {  	v39 =	vor.u32 s0, v58;
	v25 =	vshll.u32 v33, $0x5;
	v23 =	vshll.u32 v30, $0x5;
	[tilespmem:$0x1FD90] =	vst v12  }
0x23f: {  	v35 =	vmovc v8;
	v34 =	vmovc v16;
	v40 =	vshll.u32 v39, $0x5;
	v43 =	vor.u32 s0, v61;
	v18 =	vor.u32 s0, v60;
	[tilespmem:$0x1FDA0] =	vst v23  }
0x240: {  	p1 =	por $0x0, $0x0;
	v47 =	vmovc v52;
	v56 =	vmovc v59;
	v31 =	vor.u32 s0, v8;
	v36 =	vshll.u32 v43, $0x5;
	v50 =	vor.u32 s0, v38;
	[tilespmem:$0x1FDB0] =	vst v18  }
0x241: {  	p2 =	por $0x0, $0x0;
	s11 =	simm.s32 $0x20;
	s12 =	simm.s32 $0x10;
	v51 =	vmovc v61;
	v48 =	vmovc v53;
	v6 =	vshll.u32 v50, $0x5;
	v1 =	vshll.u32 v42, $0x5;
	v0 =	vshll.u32 v32, $0x5;
	[tilespmem:$0x1FDC0] =	vst v22  }
0x242: {  	v8 =	vlaneseq.u32  }
0x243: {  	v9 =	vshll.u32 v22, $0x5;
	v54 =	vld [tilespmem:$0x1FEA0];
	v5 =	vor.u32 s12, v8;
	v3 =	vor.u32 $0x10, v8  }
0x244: {  	v7 =	vshll.u32 v5, $0x5;
	v9 =	vor.u32 v3, v9  }
0x245: {  	s19 =	simm.s32 $0x0;
	v7 =	vor.u32 v3, v7  }
0x246: {  	s19 =	smul.u32 $0x380, s19;
	_ =	sdelay $0x1  }
0x247: {  	v26 =	vmov v60;
	v60 =	vadd.s32 s19, v54  }
0x248: {  	v11 =	vadd.s32 v22, v60;
	v9 =	vld.idx.msk [tilespmem:v9+s15+$0x0], $0xffff  }
0x249: {  	v17 =	vshll.u32 v18, $0x5;
	v5 =	vadd.s32 v5, v60;
	v11 =	vand.u32 $0x7FE8, v11;
	v7 =	vld.idx.msk [tilespmem:v7+s15+$0x0], $0xffff  }
0x24a: {  	v13 =	vor.u32 s12, v26;
	v5 =	vand.u32 $0x7FFFFFF8, v5;
	v11 =	vor.u32 v62, v11  }
0x24b: {  	v15 =	vshll.u32 v13, $0x5;
	v17 =	vor.u32 v3, v17;
	v5 =	vor.u32 v62, v5  }
0x24c: {  	v15 =	vor.u32 v3, v15  }
0x24d: {  	v9 =	vadd.f32 v9, v27  }
0x24e: {  	v7 =	vadd.f32 v7, v27  }
0x24f: {  	[tilespmem:v11+s18+$0x0] =	vst.idx.msk $0xffff, v9  }
0x250: {  	v9 =	vadd.s32 v18, v60;
	[tilespmem:v5+s18+$0x0] =	vst.idx.msk $0xffff, v7;
	v11 =	vld.idx.msk [tilespmem:v17+s15+$0x0], $0xffff  }
0x251: {  	v7 =	vadd.s32 v13, v60;
	v9 =	vand.u32 $0x7FE8, v9;
	v5 =	vld.idx.msk [tilespmem:v15+s15+$0x0], $0xffff  }
0x252: {  	v7 =	vand.u32 $0x7FFFFFF8, v7;
	v9 =	vor.u32 v63, v9  }
0x253: {  	v7 =	vor.u32 v63, v7;
	_ =	sdelay $0x1  }
0x254: {  	v13 =	vor.u32 s12, v4;
	v17 =	vshll.u32 v12, $0x5;
	v11 =	vadd.f32 v11, v27  }
0x255: {  	v15 =	vshll.u32 v13, $0x5;
	v17 =	vor.u32 v3, v17;
	v5 =	vadd.f32 v5, v27  }
0x256: {  	v15 =	vor.u32 v3, v15;
	[tilespmem:v9+s18+$0x0] =	vst.idx.msk $0xffff, v11  }
0x257: {  	[tilespmem:v7+s18+$0x0] =	vst.idx.msk $0xffff, v5  }
0x258: {  	v9 =	vadd.s32 v12, v60;
	v12 =	vld [tilespmem:$0x1FE70];
	_ =	sdelay $0x1  }
0x259: {  	v11 =	vld.idx.msk [tilespmem:v17+s15+$0x0], $0xffff  }
0x25a: {  	v7 =	vadd.s32 v13, v60;
	v9 =	vand.u32 $0x7FE8, v9;
	v5 =	vld.idx.msk [tilespmem:v15+s15+$0x0], $0xffff  }
0x25b: {  	v7 =	vand.u32 $0x7FFFFFF8, v7;
	v9 =	vor.u32 v56, v9  }
0x25c: {  	v17 =	vor.u32 v3, v23;
	v7 =	vor.u32 v56, v7;
	v13 =	vor.u32 s12, v12  }
0x25d: {  	v15 =	vshll.u32 v13, $0x5  }
0x25e: {  	v52 =	vor.u32 v3, v1;
	v1 =	vadd.f32 v11, v27;
	v15 =	vor.u32 v3, v15  }
0x25f: {  	v5 =	vadd.f32 v5, v27  }
0x260: {  	v11 =	vadd.s32 v30, v60;
	[tilespmem:v9+s18+$0x0] =	vst.idx.msk $0xffff, v1  }
0x261: {  	[tilespmem:v7+s18+$0x0] =	vst.idx.msk $0xffff, v5;
	v5 =	vand.u32 $0x7FE8, v11;
	v11 =	vld.idx.msk [tilespmem:v17+s15+$0x0], $0xffff  }
0x262: {  	v16 =	vld [tilespmem:$0x1FE80]  }
0x263: {  	v9 =	vadd.s32 v13, v60;
	v1 =	vld.idx.msk [tilespmem:v15+s15+$0x0], $0xffff  }
0x264: {  	v9 =	vand.u32 $0x7FFFFFF8, v9;
	v5 =	vor.u32 v57, v5  }
0x265: {  	v9 =	vor.u32 v57, v9;
	_ =	sdelay $0x1  }
0x266: {  	v19 =	vor.u32 v3, v21;
	v21 =	vor.u32 v3, v25;
	v11 =	vadd.f32 v11, v27  }
0x267: {  	v22 =	vadd.s32 v29, v60;
	v13 =	vor.u32 s12, v16;
	v1 =	vadd.f32 v1, v27  }
0x268: {  	v25 =	vadd.s32 v42, v60;
	v18 =	vor.u32 v3, v24;
	v17 =	vshll.u32 v13, $0x5;
	[tilespmem:v5+s18+$0x0] =	vst.idx.msk $0xffff, v11  }
0x269: {  	v23 =	vadd.s32 v33, v60;
	v7 =	vand.u32 $0x7FE8, v22;
	v17 =	vor.u32 v3, v17;
	[tilespmem:v9+s18+$0x0] =	vst.idx.msk $0xffff, v1  }
0x26a: {  	v23 =	vand.u32 $0x7FE8, v23;
	v7 =	vor.u32 v14, v7;
	v15 =	vadd.s32 v28, v60;
	v28 =	vmovc v14;
	v14 =	vld [tilespmem:$0x1FF10]  }
0x26b: {  	v24 =	vshll.u32 v31, $0x5;
	v55 =	vor.u32 v49, v23;
	v23 =	vand.u32 $0x7FE8, v25  }
0x26c: {  	v59 =	vor.u32 v62, v23;
	v5 =	vadd.s32 v13, v60;
	v13 =	vadd.s32 v31, v60  }
0x26d: {  	v10 =	vmovc v57;
	v23 =	vshll.u32 v37, $0x5;
	v57 =	vor.u32 v3, v24;
	v13 =	vand.u32 $0x7FE8, v13;
	v9 =	vld.idx.msk [tilespmem:v18+s15+$0x0], $0xffff  }
0x26e: {  	v24 =	vadd.s32 v39, v60;
	v5 =	vand.u32 $0x7FFFFFF8, v5;
	v53 =	vor.u32 v63, v13;
	v1 =	vld.idx.msk [tilespmem:v17+s15+$0x0], $0xffff  }
0x26f: {  	v13 =	vand.u32 $0x7FE8, v24;
	v18 =	vor.u32 v3, v40;
	v11 =	vor.u32 s12, v14  }
0x270: {  	v5 =	vor.u32 v28, v5;
	v13 =	vor.u32 v56, v13;
	[tilespmem:$0x1FBF0] =	vst v18;
	v17 =	vshll.u32 v11, $0x5  }
0x271: {  	v23 =	vor.u32 v3, v23;
	v18 =	vshll.u32 v2, $0x5;
	[tilespmem:$0x1FC00] =	vst v13;
	v17 =	vor.u32 v3, v17  }
0x272: {  	[tilespmem:$0x1FC10] =	vst v23;
	v18 =	vor.u32 v3, v18;
	v9 =	vadd.f32 v9, v27  }
0x273: {  	v13 =	vadd.s32 v37, v60;
	[tilespmem:$0x1FC20] =	vst v18;
	v1 =	vadd.f32 v1, v27  }
0x274: {  	v0 =	vor.u32 v3, v0;
	v13 =	vand.u32 $0x7FE8, v13;
	[tilespmem:v7+s18+$0x0] =	vst.idx.msk $0xffff, v9  }
0x275: {  	[tilespmem:v5+s18+$0x0] =	vst.idx.msk $0xffff, v1;
	v1 =	vadd.s32 v2, v60;
	v2 =	vor.u32 v10, v13  }
0x276: {  	v15 =	vand.u32 $0x7FE8, v15;
	v7 =	vadd.s32 v11, v60;
	v13 =	vadd.s32 v32, v60;
	v5 =	vld.idx.msk [tilespmem:v17+s15+$0x0], $0xffff;
	[tilespmem:$0x1FC30] =	vst v2  }
0x277: {  	v15 =	vor.u32 v48, v15;
	v7 =	vand.u32 $0x7FFFFFF8, v7;
	v13 =	vand.u32 $0x7FE8, v13;
	v9 =	vld.idx.msk [tilespmem:v19+s15+$0x0], $0xffff  }
0x278: {  	v7 =	vor.u32 v48, v7;
	v1 =	vand.u32 $0x7FE8, v1;
	v37 =	vor.u32 v48, v13  }
0x279: {  	v13 =	vshll.u32 v44, $0x5;
	[tilespmem:$0x1FC40] =	vst v0;
	v0 =	vor.u32 v28, v1;
	v1 =	vadd.s32 v50, v60  }
0x27a: {  	v11 =	vor.u32 s12, v51;
	[tilespmem:$0x1FC50] =	vst v0;
	v1 =	vand.u32 $0x7FE8, v1;
	v0 =	vor.u32 v3, v13  }
0x27b: {  	v17 =	vshll.u32 v11, $0x5;
	[tilespmem:$0x1FC60] =	vst v0;
	v0 =	vor.u32 v47, v1;
	v5 =	vadd.f32 v5, v27  }
0x27c: {  	v17 =	vor.u32 v3, v17;
	[tilespmem:$0x1FC70] =	vst v0;
	v9 =	vadd.f32 v9, v27  }
0x27d: {  	v20 =	vor.u32 v3, v36;
	[tilespmem:v7+s18+$0x0] =	vst.idx.msk $0xffff, v5  }
0x27e: {  	[tilespmem:v15+s18+$0x0] =	vst.idx.msk $0xffff, v9  }
0x27f: {  	v29 =	vor.u32 v3, v6;
	v6 =	vld [tilespmem:$0x1FF20];
	_ =	sdelay $0x1  }
0x280: {  	v45 =	vor.u32 s11, v41;
	v22 =	vadd.s32 v43, v60;
	v5 =	vld.idx.msk [tilespmem:v17+s15+$0x0], $0xffff  }
0x281: {  	v41 =	vor.u32 s11, v46;
	v61 =	vor.u32 s11, v51;
	v22 =	vand.u32 $0x7FE8, v22;
	v9 =	vld.idx.msk [tilespmem:v20+s15+$0x0], $0xffff  }
0x282: {  	v22 =	vor.u32 v47, v22;
	v1 =	vadd.s32 v44, v60;
	v7 =	vadd.s32 v11, v60;
	v2 =	vld [tilespmem:$0x1FE90]  }
0x283: {  	v1 =	vand.u32 $0x7FE8, v1;
	v7 =	vand.u32 $0x7FFFFFF8, v7;
	v11 =	vor.u32 s12, v6  }
0x284: {  	v0 =	vor.u32 v49, v1;
	v1 =	vor.u32 v47, v7;
	v7 =	vshll.u32 v11, $0x5  }
0x285: {  	v63 =	vor.u32 s11, v35;
	v40 =	vor.u32 s11, v58;
	v13 =	vor.u32 v3, v7  }
0x286: {  	v30 =	vor.u32 s11, v14;
	v14 =	vshll.u32 v40, $0x5;
	v9 =	vadd.f32 v9, v27  }
0x287: {  	v50 =	vor.u32 s11, v38;
	[tilespmem:$0x1FC80] =	vst v0;
	v5 =	vadd.f32 v5, v27;
	v39 =	vor.u32 s11, v2;
	v2 =	vld [tilespmem:$0x1FF40]  }
0x288: {  	v28 =	vor.u32 s11, v34;
	v15 =	vor.u32 s11, v26;
	v17 =	vshll.u32 v61, $0x5;
	[tilespmem:v22+s18+$0x0] =	vst.idx.msk $0xffff, v9  }
0x289: {  	v0 =	vshll.u32 v28, $0x5;
	v42 =	vor.u32 s11, v6;
	v6 =	vshll.u32 v50, $0x5;
	[tilespmem:v1+s18+$0x0] =	vst.idx.msk $0xffff, v5;
	v26 =	vld.idx.msk [tilespmem:v21+s15+$0x0], $0xffff  }
0x28a: {  	p3 =	por $0x1, $0x1;
	v5 =	vor.u32 s11, v16;
	v1 =	vadd.s32 v11, v60;
	v25 =	vshll.u32 v42, $0x5;
	v19 =	vld.idx.msk [tilespmem:v13+s15+$0x0], $0xffff  }
.Ltmp5:
0x28b: {  	v7 =	vor.u32 s11, v12;
	v9 =	vor.u32 s11, v4;
	v1 =	vand.u32 $0x7FFFFFF8, v1;
	(pc) =	sbr.rel @!p3 .LBB2_9-.Ltmp5, $4  }
0x28c: {  	v22 =	vor.u32 s11, v8;
	v24 =	vshll.u32 v5, $0x5;
	v11 =	vor.u32 s12, v2  }
0x28d: {  	v21 =	vshll.u32 v30, $0x5;
	v13 =	vor.u32 v49, v1;
	v1 =	vshll.u32 v11, $0x5  }
0x28e: {  	v23 =	vshll.u32 v7, $0x5;
	v10 =	vor.u32 s11, v2;
	v18 =	vor.u32 v3, v1  }
0x28f: {  	s28 =	simm.s32 $0x30;
	s29 =	simm.s32 $0x40;
	p1 =	por $0x1, $0x1;
	v1 =	vshll.u32 v10, $0x5;
	v20 =	vadd.f32 v19, v27;
	v19 =	vadd.f32 v26, v27  }
0x290: {  	[tilespmem:$0x1FB00] =	vst v43  }
0x291: {  	[tilespmem:$0x1FB10] =	vst v36  }
0x292: {  	[tilespmem:$0x1FB20] =	vst v33  }
0x293: {  	[tilespmem:$0x1FB30] =	vst v31  }
0x294: {  	[tilespmem:$0x1FBE0] =	vst v29  }
0x295: {  	v2 =	vlaneseq.u32;
	[tilespmem:v13+s18+$0x0] =	vst.idx.msk $0xffff, v20  }
0x296: {  	v32 =	vshll.u32 v22, $0x5;
	v11 =	vadd.s32 v11, v60;
	v31 =	vor.u32 s28, v2;
	v43 =	vld.idx.msk [tilespmem:v18+s15+$0x0], $0xffff  }
0x297: {  	v20 =	vor.u32 v3, v32;
	v11 =	vand.u32 $0x7FFFFFF8, v11;
	v13 =	vshll.u32 v31, $0x5  }
0x298: {  	v36 =	vor.u32 v62, v11;
	v44 =	vor.u32 v3, v13  }
0x299: {  	v26 =	vshll.u32 v15, $0x5;
	v8 =	vmov v35;
	s19 =	simm.s32 $0x0;
	[tilespmem:v55+s18+$0x0] =	vst.idx.msk $0xffff, v19  }
0x29a: {  	v35 =	vor.u32 s12, v35;
	v1 =	vor.u32 v3, v1;
	s19 =	smul.u32 $0x380, s19;
	v19 =	vor.u32 v3, v24;
	v24 =	vld.idx.msk [tilespmem:v52+s15+$0x0], $0xffff;
	[tilespmem:$0x1FBD0] =	vst v37  }
0x29b: {  	v11 =	vshll.u32 v35, $0x5;
	[tilespmem:$0x1FB40] =	vst v1;
	v13 =	vor.u32 v3, v17;
	v17 =	vadd.f32 v43, v27;
	v43 =	vld [tilespmem:$0x1FEC0]  }
0x29c: {  	v34 =	vor.u32 v3, v26;
	v52 =	vor.u32 v3, v11;
	v26 =	vadd.s32 s19, v54;
	v20 =	vld.idx.msk [tilespmem:v20+s15+$0x0], $0xffff  }
0x29d: {  	v18 =	vor.u32 v3, v21;
	v21 =	vadd.s32 v22, v26;
	v1 =	vld.idx.msk [tilespmem:v44+s15+$0x0], $0xffff;
	[tilespmem:v36+s18+$0x0] =	vst.idx.msk $0xffff, v17  }
0x29e: {  	v22 =	vadd.s32 v31, v26;
	v21 =	vand.u32 $0x7FE8, v21;
	v37 =	vld [tilespmem:$0x1FED0]  }
0x29f: {  	v22 =	vand.u32 $0x7FFFFFF8, v22;
	v17 =	vor.u32 v62, v21  }
0x2a0: {  	v11 =	vor.u32 v3, v25;
	v21 =	vor.u32 v62, v22;
	v25 =	vor.u32 s28, v43  }
0x2a1: {  	v55 =	vadd.s32 v35, v60;
	v31 =	vld.idx.msk [tilespmem:v52+s15+$0x0], $0xffff;
	v22 =	vshll.u32 v25, $0x5  }
0x2a2: {  	v32 =	vand.u32 $0x7FFFFFF8, v55;
	v20 =	vadd.f32 v20, v27;
	v22 =	vor.u32 v3, v22  }
0x2a3: {  	v1 =	vadd.f32 v1, v27;
	v32 =	vor.u32 v37, v32  }
0x2a4: {  	[tilespmem:v17+s18+$0x0] =	vst.idx.msk $0xffff, v20  }
0x2a5: {  	[tilespmem:v21+s18+$0x0] =	vst.idx.msk $0xffff, v1  }
0x2a6: {  	v29 =	vshll.u32 v9, $0x5;
	v21 =	vadd.f32 v31, v27;
	v36 =	vld [tilespmem:$0x1FEF0]  }
0x2a7: {  	v29 =	vor.u32 v3, v29;
	v17 =	vld.idx.msk [tilespmem:v22+s15+$0x0], $0xffff  }
0x2a8: {  	v44 =	vor.u32 s12, v58;
	v20 =	vadd.s32 v25, v26;
	v22 =	vld.idx.msk [tilespmem:v34+s15+$0x0], $0xffff;
	[tilespmem:v32+s18+$0x0] =	vst.idx.msk $0xffff, v21  }
0x2a9: {  	v15 =	vadd.s32 v15, v26;
	v52 =	vshll.u32 v44, $0x5;
	v20 =	vand.u32 $0x7FFFFFF8, v20;
	v16 =	vld [tilespmem:$0x1FF00]  }
0x2aa: {  	v15 =	vand.u32 $0x7FE8, v15;
	v1 =	vor.u32 v3, v52;
	v20 =	vor.u32 v37, v20  }
0x2ab: {  	v9 =	vadd.s32 v9, v26;
	v5 =	vadd.s32 v5, v26;
	v15 =	vor.u32 v37, v15;
	v2 =	vld [tilespmem:$0x1FE90]  }
0x2ac: {  	v30 =	vadd.s32 v30, v26;
	v61 =	vadd.s32 v61, v26;
	v42 =	vadd.s32 v42, v26  }
0x2ad: {  	v5 =	vand.u32 $0x7FE8, v5;
	v25 =	vor.u32 s28, v4;
	v17 =	vadd.f32 v17, v27  }
0x2ae: {  	v22 =	vadd.f32 v22, v27;
	v21 =	vor.u32 v16, v5;
	v5 =	vshll.u32 v25, $0x5  }
0x2af: {  	v9 =	vand.u32 $0x7FE8, v9;
	v1 =	vld.idx.msk [tilespmem:v1+s15+$0x0], $0xffff;
	[tilespmem:v20+s18+$0x0] =	vst.idx.msk $0xffff, v17;
	v31 =	vor.u32 v3, v5  }
0x2b0: {  	v54 =	vor.u32 s12, v2;
	[tilespmem:v15+s18+$0x0] =	vst.idx.msk $0xffff, v22;
	v20 =	vand.u32 $0x7FE8, v42;
	v5 =	vadd.s32 v44, v60  }
0x2b1: {  	v33 =	vor.u32 v49, v20;
	v20 =	vadd.s32 v10, v26;
	v10 =	vld [tilespmem:$0x1FE70];
	v5 =	vand.u32 $0x7FFFFFF8, v5  }
0x2b2: {  	v30 =	vand.u32 $0x7FE8, v30;
	v55 =	vshll.u32 v54, $0x5;
	v12 =	vor.u32 v56, v5  }
0x2b3: {  	v15 =	vand.u32 $0x7FE8, v61;
	v5 =	vor.u32 v48, v30;
	v30 =	vor.u32 v3, v55  }
0x2b4: {  	v22 =	vld.idx.msk [tilespmem:v31+s15+$0x0], $0xffff;
	v31 =	vadd.f32 v1, v27;
	v1 =	vor.u32 v47, v15;
	v15 =	vadd.s32 v25, v26  }
0x2b5: {  	v9 =	vor.u32 v56, v9;
	v15 =	vand.u32 $0x7FFFFFF8, v15  }
0x2b6: {  	v20 =	vand.u32 $0x7FE8, v20;
	v25 =	vld.idx.msk [tilespmem:v29+s15+$0x0], $0xffff;
	v29 =	vor.u32 s28, v10;
	v15 =	vor.u32 v56, v15  }
0x2b7: {  	v24 =	vadd.f32 v24, v27;
	[tilespmem:v12+s18+$0x0] =	vst.idx.msk $0xffff, v31;
	v31 =	vshll.u32 v29, $0x5;
	v12 =	vor.u32 v62, v20  }
0x2b8: {  	v17 =	vshll.u32 v63, $0x5;
	v32 =	vadd.s32 v54, v60;
	v30 =	vld.idx.msk [tilespmem:v30+s15+$0x0], $0xffff;
	v31 =	vor.u32 v3, v31;
	[tilespmem:$0x1FB50] =	vst v12  }
0x2b9: {  	v20 =	vand.u32 $0x7FFFFFF8, v32;
	v12 =	vor.u32 v3, v17;
	[tilespmem:v59+s18+$0x0] =	vst.idx.msk $0xffff, v24;
	v22 =	vadd.f32 v22, v27  }
0x2ba: {  	v23 =	vor.u32 v3, v23;
	v20 =	vor.u32 v36, v20;
	v24 =	vor.u32 s12, v46;
	v44 =	vld.idx.msk [tilespmem:v57+s15+$0x0], $0xffff;
	[tilespmem:$0x1FB60] =	vst v12  }
0x2bb: {  	v52 =	vshll.u32 v24, $0x5;
	v25 =	vadd.f32 v25, v27;
	v12 =	vor.u32 v3, v14;
	[tilespmem:v15+s18+$0x0] =	vst.idx.msk $0xffff, v22  }
0x2bc: {  	v54 =	vadd.s32 v63, v26;
	v17 =	vor.u32 v3, v52;
	[tilespmem:$0x1FB70] =	vst v12  }
0x2bd: {  	[tilespmem:v9+s18+$0x0] =	vst.idx.msk $0xffff, v25;
	v9 =	vand.u32 $0x7FE8, v54  }
0x2be: {  	v30 =	vadd.f32 v30, v27;
	v25 =	vld.idx.msk [tilespmem:v31+s15+$0x0], $0xffff;
	v9 =	vor.u32 v37, v9  }
0x2bf: {  	v22 =	vshll.u32 v39, $0x5;
	v23 =	vld.idx.msk [tilespmem:v23+s15+$0x0], $0xffff;
	[tilespmem:$0x1FB80] =	vst v9;
	v9 =	vadd.s32 v40, v26  }
0x2c0: {  	v14 =	vor.u32 v3, v22;
	v12 =	vld [tilespmem:$0x1FE80];
	v9 =	vand.u32 $0x7FE8, v9;
	[tilespmem:v20+s18+$0x0] =	vst.idx.msk $0xffff, v30;
	v30 =	vadd.f32 v44, v27  }
0x2c1: {  	v40 =	vor.u32 v56, v9;
	v9 =	vld.idx.msk [tilespmem:v17+s15+$0x0], $0xffff;
	[tilespmem:$0x1FB90] =	vst v14  }
0x2c2: {  	v59 =	vld [tilespmem:$0x1FF50];
	[tilespmem:v53+s18+$0x0] =	vst.idx.msk $0xffff, v30  }
0x2c3: {  	v14 =	vld [tilespmem:$0x1FBF0]  }
0x2c4: {  	v29 =	vadd.s32 v29, v26  }
0x2c5: {  	v29 =	vand.u32 $0x7FFFFFF8, v29  }
0x2c6: {  	v7 =	vadd.s32 v7, v26;
	v57 =	vor.u32 v36, v29  }
0x2c7: {  	v7 =	vand.u32 $0x7FE8, v7;
	v55 =	vor.u32 s28, v12  }
0x2c8: {  	v7 =	vor.u32 v36, v7;
	v20 =	vshll.u32 v55, $0x5  }
0x2c9: {  	v17 =	vor.u32 v3, v20;
	v20 =	vadd.s32 v24, v60;
	v24 =	vadd.f32 v25, v27  }
0x2ca: {  	v61 =	vadd.s32 v39, v26;
	v15 =	vshll.u32 v41, $0x5;
	v23 =	vadd.f32 v23, v27  }
0x2cb: {  	v20 =	vand.u32 $0x7FFFFFF8, v20;
	[tilespmem:v57+s18+$0x0] =	vst.idx.msk $0xffff, v24;
	v30 =	vld.idx.msk [tilespmem:v14+s15+$0x0], $0xffff;
	v14 =	vor.u32 v3, v15  }
0x2cc: {  	v20 =	vor.u32 v16, v20;
	v24 =	vand.u32 $0x7FE8, v61;
	[tilespmem:$0x1FBA0] =	vst v14  }
0x2cd: {  	[tilespmem:v7+s18+$0x0] =	vst.idx.msk $0xffff, v23;
	v7 =	vor.u32 v36, v24  }
0x2ce: {  	[tilespmem:$0x1FBB0] =	vst v7  }
0x2cf: {  	v0 =	vor.u32 v3, v0;
	v9 =	vadd.f32 v9, v27;
	v7 =	vld.idx.msk [tilespmem:v17+s15+$0x0], $0xffff  }
0x2d0: {  	v19 =	vld.idx.msk [tilespmem:v19+s15+$0x0], $0xffff;
	[tilespmem:$0x1FBC0] =	vst v0  }
0x2d1: {  	v14 =	vld [tilespmem:$0x1FF10];
	[tilespmem:v20+s18+$0x0] =	vst.idx.msk $0xffff, v9  }
0x2d2: {  	v0 =	vld [tilespmem:$0x1FC00];
	_ =	sdelay $0x2  }
0x2d3: {  	v22 =	vor.u32 s12, v59  }
0x2d4: {  	v25 =	vshll.u32 v22, $0x5  }
0x2d5: {  	v25 =	vor.u32 v3, v25  }
0x2d6: {  	v20 =	vadd.f32 v30, v27;
	_ =	sdelay $0x1  }
0x2d7: {  	v15 =	vadd.s32 v41, v26;
	v17 =	vadd.s32 v55, v26;
	[tilespmem:v0+s18+$0x0] =	vst.idx.msk $0xffff, v20  }
0x2d8: {  	v29 =	vmov v38;
	v15 =	vand.u32 $0x7FE8, v15;
	v17 =	vand.u32 $0x7FFFFFF8, v17;
	v0 =	vld [tilespmem:$0x1FC10]  }
0x2d9: {  	v22 =	vadd.s32 v22, v60;
	v38 =	vor.u32 v16, v15;
	v9 =	vor.u32 v16, v17;
	v15 =	vld.idx.msk [tilespmem:v25+s15+$0x0], $0xffff  }
0x2da: {  	v20 =	vand.u32 $0x7FFFFFF8, v22  }
0x2db: {  	v20 =	vor.u32 v48, v20  }
0x2dc: {  	v7 =	vadd.f32 v7, v27  }
0x2dd: {  	v19 =	vadd.f32 v19, v27  }
0x2de: {  	v15 =	vadd.f32 v15, v27;
	[tilespmem:v9+s18+$0x0] =	vst.idx.msk $0xffff, v7  }
0x2df: {  	[tilespmem:v21+s18+$0x0] =	vst.idx.msk $0xffff, v19  }
0x2e0: {  	[tilespmem:v20+s18+$0x0] =	vst.idx.msk $0xffff, v15;
	v25 =	vld.idx.msk [tilespmem:v0+s15+$0x0], $0xffff  }
0x2e1: {  	v0 =	vld [tilespmem:$0x1FC30]  }
0x2e2: {  	v23 =	vor.u32 s28, v14  }
0x2e3: {  	v17 =	vshll.u32 v23, $0x5  }
0x2e4: {  	v17 =	vor.u32 v3, v17  }
0x2e5: {  	v24 =	vadd.s32 v28, v26;
	v22 =	vor.u32 s12, v29  }
0x2e6: {  	v24 =	vand.u32 $0x7FE8, v24;
	v30 =	vshll.u32 v22, $0x5  }
0x2e7: {  	v34 =	vor.u32 v48, v24;
	v24 =	vor.u32 v3, v30;
	v20 =	vadd.f32 v25, v27;
	_ =	sdelay $0x1  }
0x2e8: {  	v7 =	vld.idx.msk [tilespmem:v17+s15+$0x0], $0xffff;
	[tilespmem:v0+s18+$0x0] =	vst.idx.msk $0xffff, v20  }
0x2e9: {  	v41 =	vor.u32 v3, v6;
	v9 =	vadd.s32 v23, v26;
	v6 =	vld [tilespmem:$0x1FC20]  }
0x2ea: {  	v18 =	vld.idx.msk [tilespmem:v18+s15+$0x0], $0xffff;
	v9 =	vand.u32 $0x7FFFFFF8, v9  }
0x2eb: {  	v22 =	vadd.s32 v22, v60;
	v9 =	vor.u32 v48, v9;
	v23 =	vld.idx.msk [tilespmem:v24+s15+$0x0], $0xffff  }
0x2ec: {  	v20 =	vand.u32 $0x7FFFFFF8, v22  }
0x2ed: {  	v20 =	vor.u32 v47, v20  }
0x2ee: {  	v7 =	vadd.f32 v7, v27;
	v0 =	vld [tilespmem:$0x1FF80]  }
0x2ef: {  	v18 =	vadd.f32 v18, v27  }
0x2f0: {  	[tilespmem:v9+s18+$0x0] =	vst.idx.msk $0xffff, v7;
	v7 =	vadd.f32 v23, v27  }
0x2f1: {  	v21 =	vor.u32 s28, v51;
	[tilespmem:v5+s18+$0x0] =	vst.idx.msk $0xffff, v18;
	v25 =	vld.idx.msk [tilespmem:v6+s15+$0x0], $0xffff  }
0x2f2: {  	v19 =	vshll.u32 v45, $0x5;
	v15 =	vshll.u32 v21, $0x5;
	v6 =	vld [tilespmem:$0x1FF20];
	[tilespmem:v20+s18+$0x0] =	vst.idx.msk $0xffff, v7  }
0x2f3: {  	v24 =	vadd.s32 v45, v26;
	v22 =	vor.u32 s12, v0;
	v45 =	vor.u32 s29, v0;
	v0 =	vld [tilespmem:$0x1FC50]  }
0x2f4: {  	v15 =	vor.u32 v3, v15;
	_ =	sdelay $0x4  }
0x2f5: {  	v5 =	vld.idx.msk [tilespmem:v15+s15+$0x0], $0xffff;
	v15 =	vadd.f32 v25, v27  }
0x2f6: {  	v52 =	vmov v49;
	v13 =	vld.idx.msk [tilespmem:v13+s15+$0x0], $0xffff  }
0x2f7: {  	v49 =	vor.u32 v3, v19;
	v9 =	vadd.s32 v21, v26;
	v30 =	vshll.u32 v22, $0x5;
	[tilespmem:v0+s18+$0x0] =	vst.idx.msk $0xffff, v15  }
0x2f8: {  	v44 =	vmovc v47;
	v19 =	vand.u32 $0x7FE8, v24;
	v9 =	vand.u32 $0x7FFFFFF8, v9;
	v24 =	vor.u32 v3, v30;
	v0 =	vld [tilespmem:$0x1FC40]  }
0x2f9: {  	v7 =	vor.u32 v44, v9  }
0x2fa: {  	v32 =	vor.u32 s29, v2;
	v2 =	vld [tilespmem:$0x1FF40]  }
0x2fb: {  	v17 =	vadd.s32 v50, v26;
	v13 =	vadd.f32 v13, v27  }
0x2fc: {  	v17 =	vand.u32 $0x7FE8, v17;
	v5 =	vadd.f32 v5, v27  }
0x2fd: {  	v31 =	vmov v46;
	v46 =	vor.u32 v47, v17;
	v18 =	vld.idx.msk [tilespmem:v24+s15+$0x0], $0xffff;
	[tilespmem:v1+s18+$0x0] =	vst.idx.msk $0xffff, v13  }
0x2fe: {  	v55 =	vor.u32 s29, v31;
	v47 =	vmov v48;
	v48 =	vor.u32 v52, v19;
	[tilespmem:v7+s18+$0x0] =	vst.idx.msk $0xffff, v5;
	v62 =	vld.idx.msk [tilespmem:v11+s15+$0x0], $0xffff  }
0x2ff: {  	v19 =	vadd.s32 v22, v60;
	v31 =	vor.u32 s29, v2;
	v11 =	vor.u32 s28, v2;
	v2 =	vld [tilespmem:$0x1FBD0]  }
0x300: {  	v19 =	vand.u32 $0x7FFFFFF8, v19;
	v20 =	vld.idx.msk [tilespmem:v0+s15+$0x0], $0xffff  }
0x301: {  	v19 =	vor.u32 v52, v19;
	_ =	sdelay $0x2  }
0x302: {  	v17 =	vor.u32 s28, v6;
	v23 =	vadd.f32 v18, v27  }
0x303: {  	v9 =	vshll.u32 v17, $0x5;
	v1 =	vadd.s32 v17, v26;
	v17 =	vadd.f32 v20, v27  }
0x304: {  	v9 =	vor.u32 v3, v9;
	[tilespmem:v19+s18+$0x0] =	vst.idx.msk $0xffff, v23  }
0x305: {  	v63 =	vor.u32 s29, v8;
	[tilespmem:v2+s18+$0x0] =	vst.idx.msk $0xffff, v17  }
0x306: {  	v61 =	vor.u32 s29, v51;
	v28 =	vor.u32 s29, v59;
	v50 =	vor.u32 s29, v29;
	v2 =	vld [tilespmem:$0x1FBE0]  }
0x307: {  	v39 =	vshll.u32 v50, $0x5;
	v60 =	vor.u32 s29, v58;
	v30 =	vor.u32 s29, v14  }
0x308: {  	v36 =	vshll.u32 v60, $0x5;
	v21 =	vshll.u32 v30, $0x5;
	v42 =	vor.u32 s29, v6  }
0x309: {  	p3 =	por $0x1, $0x1;
	v25 =	vshll.u32 v42, $0x5;
	v15 =	vor.u32 s29, v43;
	v7 =	vor.u32 s29, v10;
	v24 =	vld.idx.msk [tilespmem:v9+s15+$0x0], $0xffff  }
.Ltmp6:
0x30a: {  	v5 =	vor.u32 s29, v12;
	v1 =	vand.u32 $0x7FFFFFF8, v1;
	v9 =	vor.u32 s29, v4;
	(pc) =	sbr.rel @!p3 .LBB2_11-.Ltmp6, $4  }
0x30b: {  	v13 =	vor.u32 v52, v1;
	v23 =	vshll.u32 v7, $0x5;
	v1 =	vshll.u32 v11, $0x5;
	v53 =	vld [tilespmem:$0x1FC70]  }
0x30c: {  	v19 =	vadd.f32 v62, v27;
	v18 =	vor.u32 v3, v1;
	v0 =	vlaneseq.u32;
	v59 =	vld [tilespmem:$0x1FC80]  }
0x30d: {  	v1 =	vshll.u32 v31, $0x5;
	v22 =	vor.u32 s29, v0;
	v0 =	vshll.u32 v28, $0x5;
	v54 =	vld [tilespmem:$0x1FC60]  }
0x30e: {  	s30 =	simm.s32 $0x50;
	p2 =	por $0x1, $0x1;
	s19 =	simm.s32 $0x60;
	v43 =	vmovc v3;
	v20 =	vadd.f32 v24, v27;
	v24 =	vshll.u32 v5, $0x5;
	v17 =	vshll.u32 v61, $0x5;
	v37 =	vld.idx.msk [tilespmem:v2+s15+$0x0], $0xffff  }
.LBB2_12:
0x30f: {  	v57 =	vld [tilespmem:$0x1FF90]  }
0x310: {  	[tilespmem:$0x1FA90] =	vst v38;
	v38 =	vld [tilespmem:$0x1FFC0];
	_ =	sdelay $0x1  }
0x311: {  	v6 =	vlaneseq.u32  }
0x312: {  	v11 =	vadd.s32 v11, v26;
	v6 =	vor.u32 s30, v6  }
0x313: {  	[tilespmem:v13+s18+$0x0] =	vst.idx.msk $0xffff, v20;
	v11 =	vand.u32 $0x7FFFFFF8, v11;
	v20 =	vshll.u32 v6, $0x5;
	v14 =	vor.u32 s28, v57  }
0x314: {  	v10 =	vor.u32 v3, v20;
	v16 =	vor.u32 v38, v11;
	v11 =	vshll.u32 v14, $0x5  }
0x315: {  	v20 =	vor.u32 v3, v23;
	v23 =	vor.u32 v43, v11;
	v11 =	vor.u32 v3, v17  }
0x316: {  	v13 =	vshll.u32 v22, $0x5;
	[tilespmem:$0x1FA80] =	vst v11;
	v11 =	vor.u32 v3, v25  }
0x317: {  	v8 =	vor.u32 v3, v13;
	[tilespmem:$0x1FAA0] =	vst v11;
	v11 =	vld [tilespmem:$0x1FEA0]  }
0x318: {  	v12 =	vld [tilespmem:$0x1FB40]  }
0x319: {  	s20 =	sshrl.u32 s29, $0x7;
	v58 =	vld.idx.msk [tilespmem:v18+s15+$0x0], $0xffff  }
0x31a: {  	s20 =	smul.u32 $0x380, s20;
	v25 =	vld [tilespmem:$0x1FEC0]  }
0x31b: {  	[tilespmem:v33+s18+$0x0] =	vst.idx.msk $0xffff, v19;
	v13 =	vmov v40;
	v40 =	vld [tilespmem:$0x1FED0]  }
0x31c: {  	v2 =	vshll.u32 v15, $0x5;
	v1 =	vor.u32 v3, v1;
	v8 =	vld.idx.msk [tilespmem:v8+s15+$0x0], $0xffff;
	v11 =	vadd.s32 s20, v11  }
0x31d: {  	v4 =	vshll.u32 v9, $0x5;
	[tilespmem:$0x1FB40] =	vst v1;
	v18 =	vor.u32 v3, v21;
	v1 =	vld.idx.msk [tilespmem:v10+s15+$0x0], $0xffff;
	v6 =	vadd.s32 v6, v11  }
0x31e: {  	v51 =	vld [tilespmem:$0x1FFA0];
	v10 =	vadd.f32 v58, v27;
	v17 =	vadd.s32 v22, v11;
	v6 =	vand.u32 $0x7FFFFFF8, v6  }
0x31f: {  	v56 =	vld [tilespmem:$0x1FFF0];
	v21 =	vor.u32 s30, v25;
	v17 =	vand.u32 $0x7FE8, v17;
	v6 =	vor.u32 v38, v6  }
0x320: {  	v29 =	vld [tilespmem:$0x1FEF0];
	v14 =	vadd.s32 v14, v26;
	[tilespmem:v16+s18+$0x0] =	vst.idx.msk $0xffff, v10;
	v16 =	vshll.u32 v21, $0x5;
	v10 =	vor.u32 v38, v17  }
0x321: {  	v2 =	vor.u32 v3, v2;
	v14 =	vand.u32 $0x7FFFFFF8, v14;
	v16 =	vor.u32 v3, v16;
	v17 =	vld.idx.msk [tilespmem:v23+s15+$0x0], $0xffff  }
0x322: {  	[tilespmem:$0x1FAB0] =	vst v34;
	v34 =	vld [tilespmem:$0x1FEE0];
	v14 =	vor.u32 v40, v14;
	v8 =	vadd.f32 v8, v27;
	v1 =	vadd.f32 v1, v27  }
0x323: {  	v35 =	vld [tilespmem:$0x1FF00];
	v22 =	vor.u32 s28, v51;
	v9 =	vadd.s32 v9, v11;
	v7 =	vadd.s32 v7, v11  }
0x324: {  	v5 =	vadd.s32 v5, v11;
	v9 =	vand.u32 $0x7FE8, v9;
	v23 =	vshll.u32 v22, $0x5;
	[tilespmem:v6+s18+$0x0] =	vst.idx.msk $0xffff, v1  }
0x325: {  	v12 =	vld.idx.msk [tilespmem:v12+s15+$0x0], $0xffff;
	v7 =	vand.u32 $0x7FE8, v7;
	v5 =	vand.u32 $0x7FE8, v5;
	v23 =	vor.u32 v43, v23;
	[tilespmem:v10+s18+$0x0] =	vst.idx.msk $0xffff, v8  }
0x326: {  	v6 =	vor.u32 v56, v9;
	v8 =	vadd.f32 v17, v27;
	v9 =	vadd.s32 v21, v11;
	v1 =	vld.idx.msk [tilespmem:v16+s15+$0x0], $0xffff  }
0x327: {  	v10 =	vor.u32 v29, v7;
	v9 =	vand.u32 $0x7FFFFFF8, v9;
	v16 =	vor.u32 s30, v34  }
0x328: {  	v7 =	vor.u32 v35, v5;
	[tilespmem:v14+s18+$0x0] =	vst.idx.msk $0xffff, v8;
	v8 =	vor.u32 v40, v9;
	v5 =	vshll.u32 v16, $0x5  }
0x329: {  	v58 =	vld [tilespmem:$0x1FE90];
	v17 =	vor.u32 v3, v5;
	_ =	sdelay $0x1  }
0x32a: {  	v1 =	vadd.f32 v1, v27  }
0x32b: {  	v2 =	vld.idx.msk [tilespmem:v2+s15+$0x0], $0xffff  }
0x32c: {  	v9 =	vld.idx.msk [tilespmem:v23+s15+$0x0], $0xffff;
	[tilespmem:v8+s18+$0x0] =	vst.idx.msk $0xffff, v1  }
0x32d: {  	v15 =	vadd.s32 v15, v11;
	v21 =	vor.u32 s28, v58;
	v8 =	vld.idx.msk [tilespmem:v17+s15+$0x0], $0xffff  }
0x32e: {  	v15 =	vand.u32 $0x7FE8, v15;
	v23 =	vshll.u32 v21, $0x5;
	v17 =	vadd.s32 v21, v26;
	v21 =	vld [tilespmem:$0x1FB50]  }
0x32f: {  	v15 =	vor.u32 v40, v15;
	_ =	sdelay $0x1  }
0x330: {  	v4 =	vor.u32 v3, v4  }
0x331: {  	v2 =	vadd.f32 v2, v27  }
0x332: {  	v12 =	vadd.f32 v12, v27;
	v14 =	vadd.s32 v30, v11  }
0x333: {  	v5 =	vadd.s32 v22, v26;
	[tilespmem:v15+s18+$0x0] =	vst.idx.msk $0xffff, v2;
	v15 =	vadd.s32 v31, v11  }
0x334: {  	v62 =	vld [tilespmem:$0x1FE70];
	v14 =	vand.u32 $0x7FE8, v14;
	v5 =	vand.u32 $0x7FFFFFF8, v5;
	v15 =	vand.u32 $0x7FE8, v15  }
0x335: {  	v22 =	vor.u32 v56, v5;
	v4 =	vld.idx.msk [tilespmem:v4+s15+$0x0], $0xffff;
	[tilespmem:v21+s18+$0x0] =	vst.idx.msk $0xffff, v12;
	v12 =	vor.u32 v38, v15  }
0x336: {  	v5 =	vor.u32 v47, v14;
	v14 =	vor.u32 v43, v23;
	[tilespmem:$0x1FB50] =	vst v12;
	v12 =	vand.u32 $0x7FFFFFF8, v17;
	v17 =	vld [tilespmem:$0x1FB60]  }
0x337: {  	v19 =	vor.u32 v3, v24;
	v24 =	vadd.s32 v42, v11;
	v31 =	vld [tilespmem:$0x1FF70]  }
0x338: {  	v2 =	vand.u32 $0x7FE8, v24;
	v9 =	vadd.f32 v9, v27  }
0x339: {  	v33 =	vor.u32 v52, v2;
	v2 =	vadd.s32 v16, v11  }
0x33a: {  	v2 =	vand.u32 $0x7FFFFFF8, v2;
	[tilespmem:v22+s18+$0x0] =	vst.idx.msk $0xffff, v9  }
0x33b: {  	v16 =	vor.u32 s30, v62;
	v2 =	vor.u32 v56, v2;
	v14 =	vld.idx.msk [tilespmem:v14+s15+$0x0], $0xffff  }
0x33c: {  	v9 =	vshll.u32 v16, $0x5;
	v15 =	vor.u32 s28, v31  }
0x33d: {  	v9 =	vor.u32 v3, v9;
	v21 =	vshll.u32 v15, $0x5;
	v12 =	vor.u32 v29, v12  }
0x33e: {  	v8 =	vadd.f32 v8, v27;
	v21 =	vor.u32 v43, v21;
	v17 =	vld.idx.msk [tilespmem:v17+s15+$0x0], $0xffff  }
0x33f: {  	v4 =	vadd.f32 v4, v27  }
0x340: {  	[tilespmem:v2+s18+$0x0] =	vst.idx.msk $0xffff, v8;
	v8 =	vadd.f32 v14, v27  }
0x341: {  	v16 =	vadd.s32 v16, v11;
	[tilespmem:v6+s18+$0x0] =	vst.idx.msk $0xffff, v4  }
0x342: {  	v16 =	vand.u32 $0x7FFFFFF8, v16;
	v6 =	vld.idx.msk [tilespmem:v9+s15+$0x0], $0xffff;
	[tilespmem:v12+s18+$0x0] =	vst.idx.msk $0xffff, v8  }
0x343: {  	v8 =	vor.u32 v29, v16;
	v16 =	vadd.f32 v17, v27;
	v17 =	vld.idx.msk [tilespmem:v21+s15+$0x0], $0xffff  }
0x344: {  	v21 =	vld [tilespmem:$0x1FB80];
	_ =	sdelay $0x2  }
0x345: {  	v30 =	vshll.u32 v63, $0x5  }
0x346: {  	v22 =	vor.u32 v3, v30  }
0x347: {  	[tilespmem:$0x1FB60] =	vst v22;
	v22 =	vadd.s32 v63, v11  }
0x348: {  	v2 =	vand.u32 $0x7FE8, v22  }
0x349: {  	v2 =	vor.u32 v40, v2;
	v9 =	vld.idx.msk [tilespmem:v20+s15+$0x0], $0xffff  }
0x34a: {  	[tilespmem:v21+s18+$0x0] =	vst.idx.msk $0xffff, v16;
	v21 =	vmov v2;
	v2 =	vadd.f32 v6, v27;
	v6 =	vld [tilespmem:$0x1FB70]  }
0x34b: {  	v23 =	vadd.s32 v61, v11  }
0x34c: {  	v1 =	vand.u32 $0x7FE8, v23;
	v23 =	vor.u32 v3, v36;
	v36 =	vld [tilespmem:$0x1FE80];
	_ =	sdelay $0x1  }
0x34d: {  	v22 =	vmov v23  }
0x34e: {  	[tilespmem:$0x1FB70] =	vst v22;
	v22 =	vadd.s32 v32, v11  }
0x34f: {  	v22 =	vand.u32 $0x7FE8, v22  }
0x350: {  	v20 =	vor.u32 s30, v36;
	[tilespmem:v8+s18+$0x0] =	vst.idx.msk $0xffff, v2;
	v2 =	vor.u32 v29, v22;
	v22 =	vor.u32 v3, v0;
	v0 =	vld [tilespmem:$0x1FB90]  }
0x351: {  	v12 =	vshll.u32 v20, $0x5;
	v6 =	vld.idx.msk [tilespmem:v6+s15+$0x0], $0xffff  }
0x352: {  	v15 =	vadd.s32 v15, v26;
	v12 =	vor.u32 v3, v12  }
0x353: {  	v38 =	vld [tilespmem:$0x1FF50];
	v15 =	vand.u32 $0x7FFFFFF8, v15  }
0x354: {  	v14 =	vadd.s32 v60, v11;
	v15 =	vor.u32 v35, v15  }
0x355: {  	v14 =	vand.u32 $0x7FE8, v14;
	v9 =	vadd.f32 v9, v27  }
0x356: {  	v14 =	vor.u32 v56, v14;
	v4 =	vshll.u32 v32, $0x5;
	[tilespmem:$0x1FB80] =	vst v21;
	v6 =	vadd.f32 v6, v27  }
0x357: {  	v4 =	vor.u32 v3, v4;
	v8 =	vld.idx.msk [tilespmem:v12+s15+$0x0], $0xffff;
	[tilespmem:v10+s18+$0x0] =	vst.idx.msk $0xffff, v9;
	v9 =	vadd.f32 v17, v27  }
0x358: {  	v16 =	vor.u32 s28, v38;
	v17 =	vadd.s32 v20, v11;
	v10 =	vld.idx.msk [tilespmem:v19+s15+$0x0], $0xffff;
	[tilespmem:v13+s18+$0x0] =	vst.idx.msk $0xffff, v6  }
0x359: {  	v40 =	vmovc v14;
	v21 =	vshll.u32 v16, $0x5;
	v17 =	vand.u32 $0x7FFFFFF8, v17;
	[tilespmem:v15+s18+$0x0] =	vst.idx.msk $0xffff, v9;
	v14 =	vld.idx.msk [tilespmem:v0+s15+$0x0], $0xffff;
	v0 =	vmov v4  }
0x35a: {  	v21 =	vor.u32 v43, v21;
	v9 =	vor.u32 v35, v17;
	[tilespmem:$0x1FB90] =	vst v0;
	v0 =	vld [tilespmem:$0x1FBB0];
	_ =	sdelay $0x1  }
0x35b: {  	v42 =	vld [tilespmem:$0x1FF10]  }
0x35c: {  	v8 =	vadd.f32 v8, v27  }
0x35d: {  	v29 =	vld [tilespmem:$0x1FF60];
	v4 =	vadd.f32 v10, v27  }
0x35e: {  	v21 =	vld.idx.msk [tilespmem:v21+s15+$0x0], $0xffff;
	[tilespmem:v9+s18+$0x0] =	vst.idx.msk $0xffff, v8;
	v8 =	vadd.f32 v37, v27  }
0x35f: {  	[tilespmem:v7+s18+$0x0] =	vst.idx.msk $0xffff, v4;
	v14 =	vadd.f32 v14, v27  }
0x360: {  	v20 =	vor.u32 s30, v42;
	v9 =	vld.idx.msk [tilespmem:v18+s15+$0x0], $0xffff;
	[tilespmem:v53+s18+$0x0] =	vst.idx.msk $0xffff, v8  }
0x361: {  	v24 =	vshll.u32 v55, $0x5;
	v15 =	vshll.u32 v20, $0x5;
	[tilespmem:v0+s18+$0x0] =	vst.idx.msk $0xffff, v14;
	v0 =	vld [tilespmem:$0x1FF80]  }
0x362: {  	v30 =	vshll.u32 v45, $0x5;
	v16 =	vadd.s32 v16, v26;
	v15 =	vor.u32 v3, v15  }
0x363: {  	v23 =	vor.u32 v3, v24;
	v6 =	vand.u32 $0x7FFFFFF8, v16;
	v16 =	vor.u32 s28, v29  }
0x364: {  	v24 =	vadd.s32 v55, v11;
	v6 =	vor.u32 v47, v6;
	v19 =	vshll.u32 v16, $0x5  }
0x365: {  	v13 =	vld [tilespmem:$0x1FBA0];
	v16 =	vadd.s32 v16, v26;
	v10 =	vor.u32 v43, v19;
	v8 =	vadd.s32 v45, v11  }
0x366: {  	v14 =	vand.u32 $0x7FFFFFF8, v16;
	v16 =	vor.u32 s28, v0;
	v45 =	vor.u32 s19, v0;
	v0 =	vld [tilespmem:$0x1FA80]  }
0x367: {  	v12 =	vand.u32 $0x7FE8, v24;
	v20 =	vadd.s32 v20, v11;
	v4 =	vld.idx.msk [tilespmem:v15+s15+$0x0], $0xffff;
	v7 =	vadd.f32 v21, v27  }
0x368: {  	v12 =	vor.u32 v35, v12;
	v35 =	vld [tilespmem:$0x1FFB0];
	v20 =	vand.u32 $0x7FFFFFF8, v20  }
0x369: {  	[tilespmem:v6+s18+$0x0] =	vst.idx.msk $0xffff, v7;
	v6 =	vor.u32 v47, v20;
	_ =	sdelay $0x1  }
0x36a: {  	v10 =	vld.idx.msk [tilespmem:v10+s15+$0x0], $0xffff;
	v9 =	vadd.f32 v9, v27  }
0x36b: {  	v24 =	vadd.s32 v50, v11;
	v4 =	vadd.f32 v4, v27;
	v20 =	vld.idx.msk [tilespmem:v54+s15+$0x0], $0xffff  }
0x36c: {  	v15 =	vand.u32 $0x7FE8, v24;
	v21 =	vor.u32 s30, v35;
	v24 =	vld.idx.msk [tilespmem:v13+s15+$0x0], $0xffff;
	[tilespmem:v5+s18+$0x0] =	vst.idx.msk $0xffff, v9  }
0x36d: {  	v7 =	vshll.u32 v21, $0x5;
	[tilespmem:v6+s18+$0x0] =	vst.idx.msk $0xffff, v4;
	v6 =	vld.idx.msk [tilespmem:v0+s15+$0x0], $0xffff  }
0x36e: {  	v7 =	vor.u32 v3, v7;
	v14 =	vor.u32 v44, v14;
	v0 =	vld [tilespmem:$0x1FA90];
	_ =	sdelay $0x2  }
0x36f: {  	v5 =	vadd.f32 v10, v27;
	_ =	sdelay $0x1  }
0x370: {  	v4 =	vld.idx.msk [tilespmem:v7+s15+$0x0], $0xffff;
	[tilespmem:v14+s18+$0x0] =	vst.idx.msk $0xffff, v5;
	v5 =	vadd.f32 v20, v27  }
0x371: {  	v10 =	vadd.f32 v24, v27  }
0x372: {  	[tilespmem:v59+s18+$0x0] =	vst.idx.msk $0xffff, v5  }
0x373: {  	[tilespmem:v0+s18+$0x0] =	vst.idx.msk $0xffff, v10;
	v0 =	vld [tilespmem:$0x1FBC0];
	_ =	sdelay $0x1  }
0x374: {  	v15 =	vor.u32 v44, v15  }
0x375: {  	v53 =	vmov v46;
	v46 =	vmov v15;
	v15 =	vld [tilespmem:$0x1FF20]  }
0x376: {  	v1 =	vor.u32 v44, v1;
	v60 =	vor.u32 s19, v51;
	v63 =	vor.u32 s19, v57  }
0x377: {  	v55 =	vor.u32 s19, v31;
	v32 =	vor.u32 s19, v58;
	v50 =	vor.u32 s19, v29  }
0x378: {  	v17 =	vadd.s32 v28, v11;
	v18 =	vor.u32 v3, v30;
	v28 =	vshll.u32 v16, $0x5  }
0x379: {  	v30 =	vmovc v23;
	v8 =	vand.u32 $0x7FE8, v8;
	v7 =	vadd.s32 v21, v11;
	s28 =	smov.u32 s30;
	v23 =	vor.u32 v43, v28  }
0x37a: {  	v13 =	vmovc v2;
	v2 =	vor.u32 v52, v8;
	v7 =	vand.u32 $0x7FFFFFF8, v7;
	v8 =	vor.u32 s28, v15;
	v10 =	vld.idx.msk [tilespmem:v0+s15+$0x0], $0xffff;
	v0 =	vmovc v22  }
0x37b: {  	v17 =	vand.u32 $0x7FE8, v17;
	v7 =	vor.u32 v44, v7;
	v43 =	vmovc v3;
	v9 =	vshll.u32 v8, $0x5;
	[tilespmem:$0x1FBC0] =	vst v0;
	v0 =	vld [tilespmem:$0x1FAA0]  }
0x37c: {  	v17 =	vor.u32 v47, v17;
	v19 =	vor.u32 v3, v39;
	v9 =	vor.u32 v43, v9  }
0x37d: {  	v61 =	vor.u32 s19, v35;
	[tilespmem:$0x1FBA0] =	vst v30;
	v14 =	vadd.s32 v16, v26;
	v26 =	vmovc v11;
	v11 =	vld [tilespmem:$0x1FF40];
	v6 =	vadd.f32 v6, v27  }
0x37e: {  	v39 =	vshll.u32 v50, $0x5;
	v30 =	vor.u32 s19, v42;
	[tilespmem:$0x1FBB0] =	vst v13;
	v4 =	vadd.f32 v4, v27;
	v13 =	vld.idx.msk [tilespmem:v23+s15+$0x0], $0xffff  }
0x37f: {  	v42 =	vor.u32 s19, v15;
	v21 =	vshll.u32 v30, $0x5;
	[tilespmem:v1+s18+$0x0] =	vst.idx.msk $0xffff, v6;
	v6 =	vadd.s32 v8, v26;
	v8 =	vld [tilespmem:$0x1FAB0]  }
0x380: {  	v15 =	vor.u32 s19, v25;
	v25 =	vshll.u32 v42, $0x5;
	[tilespmem:v7+s18+$0x0] =	vst.idx.msk $0xffff, v4;
	v5 =	vand.u32 $0x7FFFFFF8, v14  }
0x381: {  	v28 =	vor.u32 s19, v38;
	v38 =	vmovc v12;
	v59 =	vmovc v48;
	v48 =	vmov v2;
	v2 =	vld.idx.msk [tilespmem:v9+s15+$0x0], $0xffff;
	v12 =	vor.u32 v52, v5  }
0x382: {  	v31 =	vor.u32 s19, v11;
	v11 =	vor.u32 s28, v11;
	v7 =	vor.u32 s19, v62  }
0x383: {  	p3 =	slt.u32 s19, $0x1E0;
	v9 =	vor.u32 s19, v34;
	v34 =	vmovc v17;
	v17 =	vshll.u32 v61, $0x5;
	v23 =	vshll.u32 v7, $0x5;
	v4 =	vld.idx.msk [tilespmem:v0+s15+$0x0], $0xffff  }
.Ltmp7:
0x384: {  	v5 =	vor.u32 s19, v36;
	v1 =	vadd.f32 v13, v27;
	v6 =	vand.u32 $0x7FFFFFF8, v6;
	(pc) =	sbr.rel @p3 .LBB2_12-.Ltmp7, $4  }
0x385: {  	v36 =	vshll.u32 v60, $0x5;
	v13 =	vor.u32 v52, v6;
	v6 =	vadd.f32 v10, v27  }
0x386: {  	v24 =	vshll.u32 v5, $0x5;
	v20 =	vadd.f32 v2, v27;
	[tilespmem:v12+s18+$0x0] =	vst.idx.msk $0xffff, v1;
	v1 =	vshll.u32 v11, $0x5  }
0x387: {  	s29 =	smov.u32 s19;
	v54 =	vmovc v49;
	v49 =	vmovc v18;
	v18 =	vor.u32 v43, v1;
	v1 =	vshll.u32 v31, $0x5;
	v0 =	vlaneseq.u32;
	[tilespmem:v8+s18+$0x0] =	vst.idx.msk $0xffff, v6  }
0x388: {  	s30 =	sadd.s32 $0x10, s29;
	v22 =	vor.u32 s19, v0;
	v0 =	vshll.u32 v28, $0x5;
	v37 =	vld.idx.msk [tilespmem:v41+s15+$0x0], $0xffff;
	v41 =	vmovc v19;
	s19 =	sadd.s32 $0x20, s19;
	v19 =	vadd.f32 v4, v27  }
0x389: {  	[tilespmem:$0x1FCC0] =	vst v0;
	v0 =	vld [tilespmem:$0x1FB70];
	_ =	sdelay $0x2  }
0x38a: {  	[tilespmem:$0x1FD00] =	vst v55;
	v55 =	vld [tilespmem:$0x1FB60]  }
0x38b: {  	[tilespmem:$0x1FCD0] =	vst v32;
	v32 =	vld [tilespmem:$0x1FB40]  }
0x38c: {  	[tilespmem:$0x1FBF0] =	vst v0;
	v0 =	vld [tilespmem:$0x1FB90]  }
0x38d: {  	[tilespmem:$0x1FAF0] =	vst v59;
	v59 =	vld [tilespmem:$0x1FB50]  }
0x38e: {  	[tilespmem:$0x1FAD0] =	vst v53;
	v53 =	vld [tilespmem:$0x1FB80]  }
0x38f: {  	v62 =	vld [tilespmem:$0x1FFC0]  }
0x390: {  	[tilespmem:$0x1FC90] =	vst v31;
	v56 =	vld [tilespmem:$0x1FFF0]  }
0x391: {  	[tilespmem:$0x1FC10] =	vst v0;
	v0 =	vld [tilespmem:$0x1FBB0]  }
0x392: {  	[tilespmem:$0x1FCA0] =	vst v36;
	v51 =	vld [tilespmem:$0x1FFB0]  }
0x393: {  	[tilespmem:$0x1FCB0] =	vst v60;
	v35 =	vld [tilespmem:$0x1FF90]  }
0x394: {  	[tilespmem:$0x1FCE0] =	vst v39;
	v58 =	vld [tilespmem:$0x1FFA0]  }
0x395: {  	[tilespmem:$0x1FC70] =	vst v46;
	v46 =	vld [tilespmem:$0x1FF70]  }
0x396: {  	[tilespmem:$0x1FC30] =	vst v0;
	v0 =	vld [tilespmem:$0x1FBA0]  }
0x397: {  	[tilespmem:$0x1FC60] =	vst v49;
	v49 =	vmov v52;
	v52 =	vmov v34;
	v34 =	vld [tilespmem:$0x1FF50]  }
0x398: {  	[tilespmem:$0x1FC50] =	vst v38;
	v38 =	vld [tilespmem:$0x1FF60]  }
0x399: {  	[tilespmem:$0x1FD10] =	vst v45;
	v57 =	vmov v41;
	v41 =	vld [tilespmem:$0x1FF80]  }
0x39a: {  	[tilespmem:$0x1FAE0] =	vst v54;
	v54 =	vld [tilespmem:$0x1FEA0]  }
0x39b: {  	[tilespmem:$0x1FC20] =	vst v0;
	v0 =	vld [tilespmem:$0x1FBC0]  }
0x39c: {  	[tilespmem:$0x1FC80] =	vst v48;
	v48 =	vmov v47;
	v47 =	vmov v44;
	v44 =	vld [tilespmem:$0x1FD20]  }
0x39d: {  	[tilespmem:$0x1FCF0] =	vst v28;
	v31 =	vld [tilespmem:$0x1FB30]  }
0x39e: {  	v16 =	vmov v33;
	[tilespmem:$0x1FC00] =	vst v40;
	v33 =	vld [tilespmem:$0x1FB20]  }
0x39f: {  	v36 =	vld [tilespmem:$0x1FB10];
	[tilespmem:$0x1FAC0] =	vst v37  }
0x3a0: {  	v60 =	vmov v26;
	v3 =	vmov v43;
	v43 =	vld [tilespmem:$0x1FB00];
	[tilespmem:$0x1FC40] =	vst v0  }
.LBB2_14:
0x3a1: {  	v0 =	vlaneseq.u32  }
0x3a2: {  	v6 =	vshll.u32 v22, $0x5;
	v2 =	vor.u32 s30, v0;
	v26 =	vor.u32 $0x10, v0  }
0x3a3: {  	s19 =	sshrl.u32 s29, $0x7;
	v4 =	vshll.u32 v2, $0x5;
	v6 =	vor.u32 v26, v6  }
0x3a4: {  	s19 =	smul.u32 $0x380, s19;
	v4 =	vor.u32 v26, v4;
	_ =	sdelay $0x1  }
0x3a5: {  	v29 =	vadd.s32 s19, v54  }
0x3a6: {  	v8 =	vadd.s32 v22, v29;
	v22 =	vld [tilespmem:$0x1FEC0]  }
0x3a7: {  	v6 =	vld.idx.msk [tilespmem:v6+s15+$0x0], $0xffff  }
0x3a8: {  	v2 =	vadd.s32 v2, v29;
	v8 =	vand.u32 $0x7FE8, v8;
	v4 =	vld.idx.msk [tilespmem:v4+s15+$0x0], $0xffff  }
0x3a9: {  	v2 =	vand.u32 $0x7FFFFFF8, v2;
	v8 =	vor.u32 v62, v8  }
0x3aa: {  	v2 =	vor.u32 v62, v2;
	_ =	sdelay $0x1  }
0x3ab: {  	v6 =	vadd.f32 v6, v27  }
0x3ac: {  	v14 =	vshll.u32 v15, $0x5;
	v10 =	vor.u32 s30, v22;
	v4 =	vadd.f32 v4, v27  }
0x3ad: {  	v14 =	vor.u32 v26, v14;
	v12 =	vshll.u32 v10, $0x5;
	[tilespmem:v8+s18+$0x0] =	vst.idx.msk $0xffff, v6  }
0x3ae: {  	v12 =	vor.u32 v26, v12;
	[tilespmem:v2+s18+$0x0] =	vst.idx.msk $0xffff, v4  }
0x3af: {  	v37 =	vld [tilespmem:$0x1FED0]  }
0x3b0: {  	v28 =	vld [tilespmem:$0x1FEE0];
	_ =	sdelay $0x1  }
0x3b1: {  	v6 =	vadd.s32 v15, v29;
	v8 =	vld.idx.msk [tilespmem:v14+s15+$0x0], $0xffff  }
0x3b2: {  	v4 =	vadd.s32 v10, v29;
	v6 =	vand.u32 $0x7FE8, v6;
	v2 =	vld.idx.msk [tilespmem:v12+s15+$0x0], $0xffff  }
0x3b3: {  	v14 =	vshll.u32 v9, $0x5;
	v4 =	vand.u32 $0x7FFFFFF8, v4;
	v6 =	vor.u32 v37, v6  }
0x3b4: {  	v14 =	vor.u32 v26, v14;
	v10 =	vor.u32 s30, v28;
	v4 =	vor.u32 v37, v4  }
0x3b5: {  	v12 =	vshll.u32 v10, $0x5  }
0x3b6: {  	v8 =	vadd.f32 v8, v27;
	v12 =	vor.u32 v26, v12  }
0x3b7: {  	v2 =	vadd.f32 v2, v27  }
0x3b8: {  	[tilespmem:v6+s18+$0x0] =	vst.idx.msk $0xffff, v8  }
0x3b9: {  	[tilespmem:v4+s18+$0x0] =	vst.idx.msk $0xffff, v2;
	v8 =	vld.idx.msk [tilespmem:v14+s15+$0x0], $0xffff  }
0x3ba: {  	v6 =	vadd.s32 v9, v29;
	v0 =	vld [tilespmem:$0x1FE70]  }
0x3bb: {  	v4 =	vadd.s32 v10, v29;
	v6 =	vand.u32 $0x7FE8, v6;
	v2 =	vld.idx.msk [tilespmem:v12+s15+$0x0], $0xffff  }
0x3bc: {  	v4 =	vand.u32 $0x7FFFFFF8, v4;
	v6 =	vor.u32 v56, v6  }
0x3bd: {  	v4 =	vor.u32 v56, v4;
	_ =	sdelay $0x1  }
0x3be: {  	v9 =	vor.u32 s30, v0;
	v8 =	vadd.f32 v8, v27  }
0x3bf: {  	v10 =	vshll.u32 v9, $0x5;
	v2 =	vadd.f32 v2, v27  }
0x3c0: {  	v10 =	vor.u32 v26, v10;
	[tilespmem:v6+s18+$0x0] =	vst.idx.msk $0xffff, v8  }
0x3c1: {  	v12 =	vor.u32 v26, v23;
	[tilespmem:v4+s18+$0x0] =	vst.idx.msk $0xffff, v2  }
0x3c2: {  	v39 =	vld [tilespmem:$0x1FEF0];
	_ =	sdelay $0x2  }
0x3c3: {  	v4 =	vadd.s32 v9, v29;
	v2 =	vld.idx.msk [tilespmem:v10+s15+$0x0], $0xffff  }
0x3c4: {  	v6 =	vadd.s32 v7, v29;
	v7 =	vld.idx.msk [tilespmem:v12+s15+$0x0], $0xffff;
	v4 =	vand.u32 $0x7FFFFFF8, v4  }
0x3c5: {  	v6 =	vand.u32 $0x7FE8, v6;
	v23 =	vld [tilespmem:$0x1FE80];
	v4 =	vor.u32 v39, v4  }
0x3c6: {  	v6 =	vor.u32 v39, v6;
	_ =	sdelay $0x1  }
0x3c7: {  	v2 =	vadd.f32 v2, v27  }
0x3c8: {  	v7 =	vadd.f32 v7, v27  }
0x3c9: {  	v8 =	vor.u32 s30, v23;
	[tilespmem:v4+s18+$0x0] =	vst.idx.msk $0xffff, v2  }
0x3ca: {  	v10 =	vor.u32 v26, v24;
	v9 =	vshll.u32 v8, $0x5;
	[tilespmem:v6+s18+$0x0] =	vst.idx.msk $0xffff, v7  }
0x3cb: {  	v9 =	vor.u32 v26, v9;
	v24 =	vld [tilespmem:$0x1FF10]  }
0x3cc: {  	v45 =	vld [tilespmem:$0x1FF00];
	_ =	sdelay $0x2  }
0x3cd: {  	v5 =	vadd.s32 v5, v29;
	v6 =	vld.idx.msk [tilespmem:v10+s15+$0x0], $0xffff  }
0x3ce: {  	v5 =	vand.u32 $0x7FE8, v5;
	v4 =	vadd.s32 v8, v29;
	v2 =	vld.idx.msk [tilespmem:v9+s15+$0x0], $0xffff  }
0x3cf: {  	v4 =	vand.u32 $0x7FFFFFF8, v4;
	v7 =	vor.u32 s30, v24;
	v5 =	vor.u32 v45, v5  }
0x3d0: {  	v9 =	vor.u32 v26, v21;
	v4 =	vor.u32 v45, v4;
	v8 =	vshll.u32 v7, $0x5  }
0x3d1: {  	v8 =	vor.u32 v26, v8  }
0x3d2: {  	v6 =	vadd.f32 v6, v27  }
0x3d3: {  	v2 =	vadd.f32 v2, v27  }
0x3d4: {  	[tilespmem:v5+s18+$0x0] =	vst.idx.msk $0xffff, v6  }
0x3d5: {  	[tilespmem:v4+s18+$0x0] =	vst.idx.msk $0xffff, v2;
	v5 =	vadd.s32 v30, v29;
	v6 =	vld.idx.msk [tilespmem:v9+s15+$0x0], $0xffff  }
0x3d6: {  	v4 =	vadd.s32 v7, v29;
	v5 =	vand.u32 $0x7FE8, v5;
	v2 =	vld.idx.msk [tilespmem:v8+s15+$0x0], $0xffff  }
0x3d7: {  	v4 =	vand.u32 $0x7FFFFFF8, v4;
	v5 =	vor.u32 v48, v5  }
0x3d8: {  	v4 =	vor.u32 v48, v4;
	_ =	sdelay $0x1  }
0x3d9: {  	v7 =	vor.u32 s30, v51;
	v9 =	vor.u32 v26, v17;
	v6 =	vadd.f32 v6, v27  }
0x3da: {  	v8 =	vshll.u32 v7, $0x5;
	v2 =	vadd.f32 v2, v27  }
0x3db: {  	v8 =	vor.u32 v26, v8;
	[tilespmem:v5+s18+$0x0] =	vst.idx.msk $0xffff, v6  }
0x3dc: {  	[tilespmem:v4+s18+$0x0] =	vst.idx.msk $0xffff, v2  }
0x3dd: {  	v54 =	vld [tilespmem:$0x1FF20]  }
0x3de: {  	v5 =	vadd.s32 v61, v29;
	v6 =	vld.idx.msk [tilespmem:v9+s15+$0x0], $0xffff  }
0x3df: {  	v5 =	vand.u32 $0x7FE8, v5  }
0x3e0: {  	v4 =	vadd.s32 v7, v29;
	v2 =	vld.idx.msk [tilespmem:v8+s15+$0x0], $0xffff;
	v5 =	vor.u32 v47, v5  }
0x3e1: {  	v9 =	vor.u32 v26, v25;
	v4 =	vand.u32 $0x7FFFFFF8, v4  }
0x3e2: {  	v4 =	vor.u32 v47, v4;
	v7 =	vor.u32 s30, v54  }
0x3e3: {  	v6 =	vadd.f32 v6, v27;
	v8 =	vshll.u32 v7, $0x5  }
0x3e4: {  	v8 =	vor.u32 v26, v8  }
0x3e5: {  	v2 =	vadd.f32 v2, v27;
	[tilespmem:v5+s18+$0x0] =	vst.idx.msk $0xffff, v6  }
0x3e6: {  	[tilespmem:v13+s18+$0x0] =	vst.idx.msk @p1 $0xffff, v20;
	v5 =	vadd.s32 v7, v29;
	v7 =	vld.idx.msk [tilespmem:v9+s15+$0x0], $0xffff  }
0x3e7: {  	v6 =	vadd.s32 v42, v29;
	[tilespmem:v4+s18+$0x0] =	vst.idx.msk $0xffff, v2;
	v9 =	vld.idx.msk @p1 [tilespmem:v18+s15+$0x0], $0xffff  }
0x3e8: {  	v2 =	vadd.s32 @p1 v11, v60;
	v6 =	vand.u32 $0x7FE8, v6;
	v40 =	vld [tilespmem:$0x1FF40]  }
0x3e9: {  	v2 =	vand.u32 @p1 $0x7FFFFFF8, v2;
	v6 =	vor.u32 v49, v6;
	v4 =	vld.idx.msk [tilespmem:v8+s15+$0x0], $0xffff  }
0x3ea: {  	v5 =	vand.u32 $0x7FFFFFF8, v5;
	v2 =	vor.u32 @p1 v62, v2  }
0x3eb: {  	v5 =	vor.u32 v49, v5  }
0x3ec: {  	v7 =	vadd.f32 v7, v27  }
0x3ed: {  	v11 =	vor.u32 @p1 s28, v35;
	[tilespmem:v16+s18+$0x0] =	vst.idx.msk @p1 $0xffff, v19;
	v9 =	vadd.f32 @p1 v9, v27  }
0x3ee: {  	v12 =	vshll.u32 @p1 v11, $0x5;
	v8 =	vor.u32 s30, v40;
	[tilespmem:v6+s18+$0x0] =	vst.idx.msk $0xffff, v7;
	v4 =	vadd.f32 v4, v27  }
0x3ef: {  	v12 =	vor.u32 @p1 v3, v12;
	v10 =	vshll.u32 v8, $0x5;
	[tilespmem:v2+s18+$0x0] =	vst.idx.msk @p1 $0xffff, v9  }
0x3f0: {  	v10 =	vor.u32 v26, v10;
	[tilespmem:v5+s18+$0x0] =	vst.idx.msk $0xffff, v4  }
0x3f1: {  	v1 =	vor.u32 v26, v1;
	v0 =	vld [tilespmem:$0x1FC90];
	_ =	sdelay $0x1  }
0x3f2: {  	v13 =	vld.idx.msk @p1 [tilespmem:v32+s15+$0x0], $0xffff  }
0x3f3: {  	v11 =	vadd.s32 @p1 v11, v60;
	v9 =	vld.idx.msk @p1 [tilespmem:v12+s15+$0x0], $0xffff  }
0x3f4: {  	v11 =	vand.u32 @p1 $0x7FFFFFF8, v11;
	v7 =	vadd.s32 v8, v29;
	v6 =	vld.idx.msk [tilespmem:v10+s15+$0x0], $0xffff  }
0x3f5: {  	v11 =	vor.u32 @p1 v37, v11;
	v1 =	vld.idx.msk [tilespmem:v1+s15+$0x0], $0xffff;
	v7 =	vand.u32 $0x7FFFFFF8, v7;
	v2 =	vadd.s32 v0, v29  }
0x3f6: {  	v7 =	vor.u32 v62, v7;
	v2 =	vand.u32 $0x7FE8, v2  }
0x3f7: {  	v12 =	vadd.f32 @p1 v13, v27;
	v2 =	vor.u32 v62, v2  }
0x3f8: {  	v8 =	vor.u32 s30, v35;
	v9 =	vadd.f32 @p1 v9, v27  }
0x3f9: {  	v10 =	vshll.u32 v8, $0x5;
	[tilespmem:v59+s18+$0x0] =	vst.idx.msk @p1 $0xffff, v12;
	v6 =	vadd.f32 v6, v27  }
0x3fa: {  	v1 =	vadd.f32 v1, v27;
	v10 =	vor.u32 v26, v10;
	v12 =	vld.idx.msk @p1 [tilespmem:v55+s15+$0x0], $0xffff;
	[tilespmem:v11+s18+$0x0] =	vst.idx.msk @p1 $0xffff, v9  }
0x3fb: {  	[tilespmem:v7+s18+$0x0] =	vst.idx.msk $0xffff, v6  }
0x3fc: {  	[tilespmem:v2+s18+$0x0] =	vst.idx.msk $0xffff, v1  }
0x3fd: {  	v5 =	vshll.u32 v63, $0x5;
	v0 =	vld [tilespmem:$0x1FCA0]  }
0x3fe: {  	v5 =	vor.u32 v26, v5  }
0x3ff: {  	v6 =	vld.idx.msk [tilespmem:v10+s15+$0x0], $0xffff;
	v10 =	vadd.f32 @p1 v12, v27  }
0x400: {  	v4 =	vor.u32 @p1 s28, v58  }
0x401: {  	v7 =	vadd.s32 v8, v29;
	v1 =	vadd.s32 v63, v29;
	v63 =	vmov v46;
	v46 =	vld [tilespmem:$0x1FE90];
	[tilespmem:v53+s18+$0x0] =	vst.idx.msk @p1 $0xffff, v10  }
0x402: {  	v13 =	vshll.u32 @p1 v4, $0x5;
	v2 =	vand.u32 $0x7FFFFFF8, v7;
	v12 =	vor.u32 v26, v0;
	v0 =	vld [tilespmem:$0x1FBF0]  }
0x403: {  	v13 =	vor.u32 @p1 v3, v13;
	v5 =	vld.idx.msk [tilespmem:v5+s15+$0x0], $0xffff;
	v2 =	vor.u32 v37, v2  }
0x404: {  	v1 =	vand.u32 $0x7FE8, v1  }
0x405: {  	v1 =	vor.u32 v37, v1  }
0x406: {  	v6 =	vadd.f32 v6, v27  }
0x407: {  	v4 =	vadd.s32 @p1 v4, v60  }
0x408: {  	v8 =	vld.idx.msk @p1 [tilespmem:v13+s15+$0x0], $0xffff;
	v11 =	vor.u32 @p1 s28, v46;
	v5 =	vadd.f32 v5, v27;
	[tilespmem:v2+s18+$0x0] =	vst.idx.msk $0xffff, v6  }
0x409: {  	v4 =	vand.u32 @p1 $0x7FFFFFF8, v4;
	v13 =	vshll.u32 @p1 v11, $0x5;
	v16 =	vld [tilespmem:$0x1FCD0]  }
0x40a: {  	v4 =	vor.u32 @p1 v56, v4;
	v10 =	vor.u32 @p1 v3, v13;
	[tilespmem:v1+s18+$0x0] =	vst.idx.msk $0xffff, v5;
	v13 =	vld.idx.msk @p1 [tilespmem:v0+s15+$0x0], $0xffff  }
0x40b: {  	v0 =	vld [tilespmem:$0x1FCB0];
	_ =	sdelay $0x1  }
0x40c: {  	v8 =	vadd.f32 @p1 v8, v27;
	_ =	sdelay $0x1  }
0x40d: {  	[tilespmem:v4+s18+$0x0] =	vst.idx.msk @p1 $0xffff, v8  }
0x40e: {  	v1 =	vadd.s32 v0, v29;
	v0 =	vld [tilespmem:$0x1FC00];
	_ =	sdelay $0x4  }
0x40f: {  	v7 =	vor.u32 s30, v58  }
0x410: {  	v9 =	vshll.u32 v7, $0x5;
	v8 =	vld.idx.msk @p1 [tilespmem:v10+s15+$0x0], $0xffff;
	v10 =	vadd.f32 @p1 v13, v27  }
0x411: {  	v9 =	vor.u32 v26, v9  }
0x412: {  	[tilespmem:v0+s18+$0x0] =	vst.idx.msk @p1 $0xffff, v10  }
0x413: {  	v0 =	vld [tilespmem:$0x1FC10];
	_ =	sdelay $0x2  }
0x414: {  	v7 =	vadd.s32 v7, v29;
	v6 =	vld.idx.msk [tilespmem:v9+s15+$0x0], $0xffff  }
0x415: {  	v5 =	vand.u32 $0x7FFFFFF8, v7;
	v9 =	vld.idx.msk [tilespmem:v12+s15+$0x0], $0xffff  }
0x416: {  	v11 =	vadd.s32 @p1 v11, v60;
	v4 =	vor.u32 v56, v5;
	v1 =	vand.u32 $0x7FE8, v1  }
0x417: {  	v11 =	vand.u32 @p1 $0x7FFFFFF8, v11;
	v12 =	vor.u32 @p1 s28, v63;
	v1 =	vor.u32 v56, v1  }
0x418: {  	v11 =	vor.u32 @p1 v39, v11;
	v13 =	vshll.u32 @p1 v12, $0x5  }
0x419: {  	v6 =	vadd.f32 v6, v27;
	v10 =	vor.u32 @p1 v3, v13;
	v13 =	vld.idx.msk @p1 [tilespmem:v0+s15+$0x0], $0xffff  }
0x41a: {  	v9 =	vadd.f32 v9, v27  }
0x41b: {  	v7 =	vor.u32 s30, v46;
	v0 =	vld [tilespmem:$0x1FD00];
	[tilespmem:v4+s18+$0x0] =	vst.idx.msk $0xffff, v6;
	v4 =	vadd.f32 @p1 v8, v27  }
0x41c: {  	v5 =	vshll.u32 v7, $0x5;
	[tilespmem:v1+s18+$0x0] =	vst.idx.msk $0xffff, v9  }
0x41d: {  	v2 =	vshll.u32 v16, $0x5;
	v5 =	vor.u32 v26, v5;
	[tilespmem:v11+s18+$0x0] =	vst.idx.msk @p1 $0xffff, v4  }
0x41e: {  	v2 =	vor.u32 v26, v2;
	v9 =	vadd.f32 @p1 v13, v27;
	v13 =	vld [tilespmem:$0x1FC30];
	_ =	sdelay $0x3  }
0x41f: {  	v6 =	vadd.s32 v7, v29;
	v5 =	vld.idx.msk [tilespmem:v5+s15+$0x0], $0xffff  }
0x420: {  	v1 =	vadd.s32 v16, v29;
	v7 =	vor.u32 s30, v63;
	v6 =	vand.u32 $0x7FFFFFF8, v6;
	v2 =	vld.idx.msk [tilespmem:v2+s15+$0x0], $0xffff  }
0x421: {  	v1 =	vand.u32 $0x7FE8, v1;
	v4 =	vor.u32 v39, v6;
	v6 =	vshll.u32 v7, $0x5  }
0x422: {  	v1 =	vor.u32 v39, v1;
	v6 =	vor.u32 v26, v6;
	v14 =	vshll.u32 v0, $0x5  }
0x423: {  	v8 =	vld.idx.msk @p1 [tilespmem:v10+s15+$0x0], $0xffff;
	v10 =	vadd.s32 @p1 v12, v60;
	v11 =	vor.u32 v26, v14;
	[tilespmem:v13+s18+$0x0] =	vst.idx.msk @p1 $0xffff, v9  }
0x424: {  	v10 =	vand.u32 @p1 $0x7FFFFFF8, v10;
	v5 =	vadd.f32 v5, v27;
	v13 =	vld [tilespmem:$0x1FC20]  }
0x425: {  	v2 =	vadd.f32 v2, v27;
	v9 =	vor.u32 @p1 v45, v10  }
0x426: {  	[tilespmem:v4+s18+$0x0] =	vst.idx.msk $0xffff, v5  }
0x427: {  	[tilespmem:v1+s18+$0x0] =	vst.idx.msk $0xffff, v2;
	v5 =	vld.idx.msk [tilespmem:v6+s15+$0x0], $0xffff  }
0x428: {  	v4 =	vadd.f32 @p1 v8, v27;
	v6 =	vadd.s32 v7, v29;
	v7 =	vld.idx.msk [tilespmem:v11+s15+$0x0], $0xffff  }
0x429: {  	v11 =	vld [tilespmem:$0x1FCF0]  }
0x42a: {  	v12 =	vor.u32 @p1 s28, v34;
	v14 =	vadd.s32 v0, v29;
	v0 =	vld [tilespmem:$0x1FCC0];
	[tilespmem:v9+s18+$0x0] =	vst.idx.msk @p1 $0xffff, v4  }
0x42b: {  	v10 =	vshll.u32 @p1 v12, $0x5;
	v4 =	vadd.s32 @p1 v12, v60;
	v12 =	vld [tilespmem:$0x1FC50]  }
0x42c: {  	v13 =	vld.idx.msk @p1 [tilespmem:v13+s15+$0x0], $0xffff;
	_ =	sdelay $0x4  }
0x42d: {  	v13 =	vadd.f32 @p1 v13, v27;
	_ =	sdelay $0x1  }
0x42e: {  	[tilespmem:v12+s18+$0x0] =	vst.idx.msk @p1 $0xffff, v13  }
0x42f: {  	v13 =	vld [tilespmem:$0x1FC40];
	_ =	sdelay $0x1  }
0x430: {  	v10 =	vor.u32 @p1 v3, v10;
	_ =	sdelay $0x1  }
0x431: {  	v2 =	vand.u32 $0x7FFFFFF8, v6  }
0x432: {  	v6 =	vor.u32 s30, v34;
	v2 =	vor.u32 v45, v2  }
0x433: {  	v1 =	vand.u32 $0x7FE8, v14;
	v8 =	vshll.u32 v6, $0x5  }
0x434: {  	v1 =	vor.u32 v45, v1;
	v8 =	vor.u32 v26, v8;
	v10 =	vld.idx.msk @p1 [tilespmem:v10+s15+$0x0], $0xffff  }
0x435: {  	v4 =	vand.u32 @p1 $0x7FFFFFF8, v4;
	v14 =	vor.u32 v26, v0;
	v5 =	vadd.f32 v5, v27;
	v13 =	vld.idx.msk @p1 [tilespmem:v13+s15+$0x0], $0xffff  }
0x436: {  	v4 =	vor.u32 @p1 v48, v4  }
0x437: {  	v7 =	vadd.f32 v7, v27;
	[tilespmem:v2+s18+$0x0] =	vst.idx.msk $0xffff, v5  }
0x438: {  	v2 =	vld [tilespmem:$0x1FCE0]  }
0x439: {  	v6 =	vadd.s32 v6, v29;
	v10 =	vadd.f32 @p1 v10, v27;
	v5 =	vld.idx.msk [tilespmem:v8+s15+$0x0], $0xffff;
	[tilespmem:v1+s18+$0x0] =	vst.idx.msk $0xffff, v7  }
0x43a: {  	v6 =	vand.u32 $0x7FFFFFF8, v6;
	v11 =	vadd.s32 v11, v29;
	v8 =	vld.idx.msk [tilespmem:v14+s15+$0x0], $0xffff;
	v13 =	vadd.f32 @p1 v13, v27  }
0x43b: {  	v6 =	vor.u32 v48, v6;
	v9 =	vand.u32 $0x7FE8, v11;
	v15 =	vld [tilespmem:$0x1FAC0];
	[tilespmem:v4+s18+$0x0] =	vst.idx.msk @p1 $0xffff, v10  }
0x43c: {  	v11 =	vor.u32 @p1 s28, v38;
	v9 =	vor.u32 v48, v9;
	[tilespmem:v52+s18+$0x0] =	vst.idx.msk @p1 $0xffff, v13  }
0x43d: {  	v12 =	vshll.u32 @p1 v11, $0x5;
	v16 =	vld [tilespmem:$0x1FC70]  }
0x43e: {  	v12 =	vor.u32 @p1 v3, v12;
	v7 =	vor.u32 s30, v38;
	v5 =	vadd.f32 v5, v27  }
0x43f: {  	v14 =	vshll.u32 v7, $0x5;
	v8 =	vadd.f32 v8, v27  }
0x440: {  	v14 =	vor.u32 v26, v14;
	v18 =	vld [tilespmem:$0x1FD10];
	[tilespmem:v6+s18+$0x0] =	vst.idx.msk $0xffff, v5  }
0x441: {  	v0 =	vlaneseq.u32;
	[tilespmem:v9+s18+$0x0] =	vst.idx.msk $0xffff, v8  }
0x442: {  	v8 =	vpsel p1, v16, v0;
	v16 =	vld [tilespmem:$0x1FAD0]  }
0x443: {  	v4 =	vld.idx.msk @p1 [tilespmem:v12+s15+$0x0], $0xffff  }
0x444: {  	v10 =	vadd.s32 @p1 v11, v60;
	v12 =	vld.idx.msk @p1 [tilespmem:v57+s15+$0x0], $0xffff  }
0x445: {  	v10 =	vand.u32 @p1 $0x7FFFFFF8, v10;
	v2 =	vor.u32 v26, v2;
	v5 =	vld.idx.msk [tilespmem:v14+s15+$0x0], $0xffff  }
0x446: {  	v10 =	vor.u32 @p1 v47, v10;
	v6 =	vadd.s32 v7, v29;
	v7 =	vld [tilespmem:$0x1FC60]  }
0x447: {  	v1 =	vadd.s32 v50, v29;
	v11 =	vor.u32 @p1 s28, v41;
	v6 =	vand.u32 $0x7FFFFFF8, v6  }
0x448: {  	v17 =	vshll.u32 @p1 v11, $0x5;
	v15 =	vadd.f32 @p2 v15, v27;
	v6 =	vor.u32 v47, v6  }
0x449: {  	v3 =	vor.u32 @p1 v3, v17;
	v4 =	vadd.f32 @p1 v4, v27;
	v12 =	vpsel p1, v12, v0  }
0x44a: {  	v1 =	vand.u32 $0x7FE8, v1;
	v9 =	vor.u32 s30, v41;
	v2 =	vld.idx.msk [tilespmem:v2+s15+$0x0], $0xffff;
	v12 =	vadd.f32 @p1 v12, v27;
	[tilespmem:v16+s18+$0x0] =	vst.idx.msk @p2 $0xffff, v15  }
0x44b: {  	v14 =	vshll.u32 v9, $0x5;
	v7 =	vpsel p1, v7, v0;
	v5 =	vadd.f32 v5, v27;
	v15 =	vld [tilespmem:$0x1FAE0];
	[tilespmem:v10+s18+$0x0] =	vst.idx.msk @p1 $0xffff, v4  }
0x44c: {  	v1 =	vor.u32 v47, v1;
	v14 =	vor.u32 v26, v14;
	[tilespmem:v8+s18+$0x0] =	vst.idx.msk @p1 $0xffff, v12  }
0x44d: {  	v13 =	vshll.u32 v18, $0x5;
	[tilespmem:v6+s18+$0x0] =	vst.idx.msk $0xffff, v5  }
0x44e: {  	v13 =	vor.u32 v26, v13;
	v5 =	vld [tilespmem:$0x1FC80]  }
0x44f: {  	v2 =	vadd.f32 v2, v27;
	v3 =	vld.idx.msk @p1 [tilespmem:v3+s15+$0x0], $0xffff  }
0x450: {  	v4 =	vadd.s32 @p1 v11, v60;
	v7 =	vld.idx.msk @p1 [tilespmem:v7+s15+$0x0], $0xffff  }
0x451: {  	v4 =	vand.u32 @p1 $0x7FFFFFF8, v4;
	v6 =	vld.idx.msk [tilespmem:v14+s15+$0x0], $0xffff;
	[tilespmem:v1+s18+$0x0] =	vst.idx.msk $0xffff, v2  }
0x452: {  	v8 =	vadd.s32 v9, v29;
	v4 =	vor.u32 @p1 v49, v4;
	v10 =	vld [tilespmem:$0x1FAF0]  }
0x453: {  	v1 =	vadd.s32 v18, v29;
	v2 =	vpsel p1, v5, v0;
	v5 =	vand.u32 $0x7FFFFFF8, v8;
	v8 =	vld.idx.msk [tilespmem:v13+s15+$0x0], $0xffff  }
0x454: {  	v1 =	vand.u32 $0x7FE8, v1;
	v5 =	vor.u32 v49, v5;
	v15 =	vld.idx.msk @p2 [tilespmem:v15+s15+$0x0], $0xffff  }
0x455: {  	v1 =	vor.u32 v49, v1;
	v3 =	vadd.f32 @p1 v3, v27  }
0x456: {  	v7 =	vadd.f32 @p1 v7, v27  }
0x457: {  	[tilespmem:v4+s18+$0x0] =	vst.idx.msk @p1 $0xffff, v3;
	v3 =	vadd.f32 v6, v27  }
0x458: {  	s5 =	sshll.u32 s5, $0x9;
	[tilespmem:v2+s18+$0x0] =	vst.idx.msk @p1 $0xffff, v7;
	v2 =	vadd.f32 v8, v27  }
0x459: {  	s7 =	sshll.u32 s7, $0xE;
	s5 =	sand.u32 $0xC00, s5;
	[tilespmem:v5+s18+$0x0] =	vst.idx.msk $0xffff, v3;
	v9 =	vadd.f32 @p2 v15, v27  }
0x45a: {  	s5 =	sor.u32 s5, s7;
	[tilespmem:v1+s18+$0x0] =	vst.idx.msk $0xffff, v2  }
0x45b: {  	s7 =	sadd.s32 s2, s5;
	[tilespmem:v10+s18+$0x0] =	vst.idx.msk @p2 $0xffff, v9  }
0x45c: {  	[hbm4b:s7+s3] =	stream.linear.scatter [tilespmem:s18], [sflag:$0x3], $0x1000, $0x38;
	[tilespmem:$0x17D00] =	vst v63  }
0x45d: {  	s20 =	simm.s32 $0x7400;
	s19 =	sadd.s32 s5, s8  }
0x45e: {  	[hbm4b:s19+s3] =	stream.linear.scatter [tilespmem:s20], [sflag:$0x3], $0x1000, $0x38;
	[tilespmem:$0x17D00] =	vst v63  }
0x45f: {  	s19 =	sadd.s32 s5, s9;
	s20 =	simm.s32 $0x8400  }
0x460: {  	[hbm4b:s19+s3] =	stream.linear.scatter [tilespmem:s20], [sflag:$0x3], $0x1000, $0x38;
	[tilespmem:$0x17D00] =	vst v63  }
0x461: {  	p1 =	seq.s32 s1, $0x18;
	s5 =	sadd.s32 s5, s10  }
0x462: {  	[hbm4b:s5+s3] =	stream.linear.scatter [tilespmem:s21], [sflag:$0x3], $0x1000, $0x38;
	[tilespmem:$0x17D00] =	vst v63  }
0x463: {  	s5 =	sshll.u32 @!p1 s1, $0xC  }
0x464: {  	s5 =	sshra.s32 @!p1 s5, $0x2  }
0x465: {  	s7 =	simm.s32 @!p1 $0x200;
	s19 =	simm.s32 @!p1 $0xFD00;
	s5 =	sadd.s32 @!p1 $0x400, s5  }
0x466: {  	[tilespmem:s19], [sflag:$0x1] =	stream.indirect.gather @!p1 [hbm4b:s4+s7], $0x20, s5, s7, $0xb8;
	[tilespmem:$0x17D00] =	vst v63  }
0x467: {  	_ =	swait.ge [sflag:s22], $0x4000  }
0x468: {  	[sflag:s22] =	ssyncset.done $0x0  }
0x469: {  	s19 =	simm.s32 @!p0 $0x4;
	[sflag:s22] =	ssyncadd.s32 $0xFFFFC000  }
0x46a: {  	_ =	swait.ge @!p0 [sflag:s19], $0x1000  }
0x46b: {  	[sflag:s19] =	ssyncset.done @!p0 $0x0  }
0x46c: {  	[sflag:s19] =	ssyncadd.s32 @!p0 $0xFFFFF000  }
0x46d: {  	_ =	swait.ge @!p0 [sflag:s19], $0x1000  }
0x46e: {  	[sflag:s19] =	ssyncset.done @!p0 $0x0  }
0x46f: {  	[sflag:s19] =	ssyncadd.s32 @!p0 $0xFFFFF000  }
0x470: {  	_ =	swait.ge @!p0 [sflag:s19], $0x1000  }
0x471: {  	v5 =	vld [tilespmem:$0x1FDC0]  }
0x472: {  	[sflag:s19] =	ssyncset.done @!p0 $0x0  }
0x473: {  	[sflag:s19] =	ssyncadd.s32 @!p0 $0xFFFFF000  }
0x474: {  	v2 =	vor.u32 s12, v0;
	_ =	swait.ge @!p0 [sflag:s19], $0x1000  }
0x475: {  	s13 =	sadd.s32 s13, s6;
	v1 =	vshll.u32 v2, $0x5;
	v50 =	vld [tilespmem:$0x1FEB0]  }
0x476: {  	v4 =	vor.u32 v0, v1;
	s5 =	sadd.s32 $0x1, s13;
	v3 =	vshll.u32 v5, $0x5  }
0x477: {  	s13 =	simm.s32 $0x0;
	s7 =	sshrl.u32 s5, $0x3;
	v3 =	vor.u32 v0, v3  }
0x478: {  	s13 =	smul.u32 $0x380, s13;
	s20 =	sshll.u32 s7, $0x5;
	[sflag:s19] =	ssyncset.done @!p0 $0x0  }
0x479: {  	s20 =	sand.u32 $0x3FFFFFE0, s20;
	v9 =	vld [tilespmem:$0x1FDB0];
	[sflag:s19] =	ssyncadd.s32 @!p0 $0xFFFFF000  }
0x47a: {  	v60 =	vld [tilespmem:s20+$0xE400];
	v1 =	vadd.s32 s13, v50  }
0x47b: {  	v4 =	vld.idx.msk [tilespmem:v4+s16+$0x0], $0xffff;
	v2 =	vadd.s32 v2, v1  }
0x47c: {  	v5 =	vadd.s32 v5, v1;
	v2 =	vand.u32 $0x7FFFFFF8, v2;
	v3 =	vld.idx.msk [tilespmem:v3+s16+$0x0], $0xffff  }
0x47d: {  	v5 =	vand.u32 $0x3FE8, v5;
	v2 =	vor.u32 v62, v2  }
0x47e: {  	v6 =	vor.u32 s12, v22;
	v5 =	vor.u32 v62, v5  }
0x47f: {  	v7 =	vshll.u32 v6, $0x5  }
0x480: {  	v7 =	vor.u32 v0, v7;
	v8 =	vshll.u32 v9, $0x5;
	v4 =	vadd.f32 v4, v60  }
0x481: {  	v8 =	vor.u32 v0, v8;
	v3 =	vadd.f32 v3, v60  }
0x482: {  	v27 =	vld [tilespmem:s20+$0xE410];
	[tilespmem:v2+s23+$0x0] =	vst.idx.msk $0xffff, v4  }
0x483: {  	[tilespmem:v5+s23+$0x0] =	vst.idx.msk $0xffff, v3  }
0x484: {  	v4 =	vadd.s32 v9, v1;
	v9 =	vld [tilespmem:$0x1FD90]  }
0x485: {  	v2 =	vld.idx.msk [tilespmem:v7+s16+$0x0], $0xffff;
	v3 =	vadd.s32 v6, v1  }
0x486: {  	v6 =	vor.u32 s12, v28;
	v5 =	vld.idx.msk [tilespmem:v8+s16+$0x0], $0xffff;
	v3 =	vand.u32 $0x7FFFFFF8, v3  }
0x487: {  	v4 =	vand.u32 $0x3FE8, v4;
	v7 =	vshll.u32 v6, $0x5;
	v3 =	vor.u32 v37, v3  }
0x488: {  	v4 =	vor.u32 v37, v4;
	v7 =	vor.u32 v0, v7  }
0x489: {  	v8 =	vshll.u32 v9, $0x5  }
0x48a: {  	v2 =	vadd.f32 v2, v60;
	v8 =	vor.u32 v0, v8  }
0x48b: {  	v5 =	vadd.f32 v5, v60  }
0x48c: {  	[tilespmem:v3+s23+$0x0] =	vst.idx.msk $0xffff, v2  }
0x48d: {  	[tilespmem:v4+s23+$0x0] =	vst.idx.msk $0xffff, v5;
	v2 =	vld.idx.msk [tilespmem:v7+s16+$0x0], $0xffff  }
0x48e: {  	v25 =	vmov v35;
	v3 =	vadd.s32 v6, v1;
	v35 =	vld [tilespmem:$0x1FE70]  }
0x48f: {  	v4 =	vadd.s32 v9, v1;
	v3 =	vand.u32 $0x7FFFFFF8, v3;
	v5 =	vld.idx.msk [tilespmem:v8+s16+$0x0], $0xffff  }
0x490: {  	v4 =	vand.u32 $0x3FE8, v4;
	v3 =	vor.u32 v56, v3  }
0x491: {  	v4 =	vor.u32 v56, v4  }
0x492: {  	v8 =	vld [tilespmem:$0x1FDA0]  }
0x493: {  	v2 =	vadd.f32 v2, v60  }
0x494: {  	v6 =	vor.u32 s12, v35;
	v5 =	vadd.f32 v5, v60  }
0x495: {  	v7 =	vshll.u32 v6, $0x5;
	[tilespmem:v3+s23+$0x0] =	vst.idx.msk $0xffff, v2  }
0x496: {  	v7 =	vor.u32 v0, v7;
	[tilespmem:v4+s23+$0x0] =	vst.idx.msk $0xffff, v5  }
0x497: {  	v8 =	vor.u32 v0, v8;
	v4 =	vld [tilespmem:$0x1FD60];
	_ =	sdelay $0x2  }
0x498: {  	v9 =	vld [tilespmem:$0x1FD80]  }
0x499: {  	v3 =	vadd.s32 v6, v1;
	v2 =	vld.idx.msk [tilespmem:v7+s16+$0x0], $0xffff  }
0x49a: {  	v6 =	vor.u32 s12, v23;
	v3 =	vand.u32 $0x7FFFFFF8, v3;
	v5 =	vld.idx.msk [tilespmem:v8+s16+$0x0], $0xffff;
	v4 =	vadd.s32 v4, v1  }
0x49b: {  	v3 =	vor.u32 v39, v3;
	v7 =	vshll.u32 v6, $0x5;
	v4 =	vand.u32 $0x3FE8, v4  }
0x49c: {  	v7 =	vor.u32 v0, v7;
	v4 =	vor.u32 v39, v4  }
0x49d: {  	v8 =	vld [tilespmem:$0x1FD50];
	v9 =	vor.u32 v0, v9  }
0x49e: {  	v11 =	vld [tilespmem:$0x1FD40];
	v2 =	vadd.f32 v2, v60  }
0x49f: {  	v5 =	vadd.f32 v5, v60  }
0x4a0: {  	v10 =	vld [tilespmem:$0x1FD70];
	[tilespmem:v3+s23+$0x0] =	vst.idx.msk $0xffff, v2  }
0x4a1: {  	v3 =	vld.idx.msk [tilespmem:v7+s16+$0x0], $0xffff;
	[tilespmem:v4+s23+$0x0] =	vst.idx.msk $0xffff, v5;
	v4 =	vadd.s32 v6, v1  }
0x4a2: {  	v8 =	vadd.s32 v8, v1;
	v6 =	vld.idx.msk [tilespmem:v9+s16+$0x0], $0xffff;
	v4 =	vand.u32 $0x7FFFFFF8, v4  }
0x4a3: {  	v11 =	vadd.s32 v11, v1;
	v8 =	vand.u32 $0x3FE8, v8;
	v4 =	vor.u32 v45, v4  }
0x4a4: {  	v12 =	vadd.s32 v43, v1;
	v11 =	vand.u32 $0x3FE8, v11;
	v8 =	vor.u32 v45, v8  }
0x4a5: {  	v12 =	vand.u32 $0x3FE8, v12;
	v14 =	vor.u32 v48, v11  }
0x4a6: {  	v11 =	vadd.s32 v33, v1;
	v2 =	vor.u32 v47, v12;
	v3 =	vadd.f32 v3, v60  }
0x4a7: {  	v7 =	vor.u32 s12, v24;
	v5 =	vand.u32 $0x3FE8, v11;
	v6 =	vadd.f32 v6, v60  }
0x4a8: {  	v12 =	vor.u32 s0, v40;
	v9 =	vshll.u32 v7, $0x5;
	v18 =	vor.u32 v49, v5;
	[tilespmem:v4+s23+$0x0] =	vst.idx.msk $0xffff, v3  }
0x4a9: {  	v19 =	vor.u32 s0, v46;
	v5 =	vadd.s32 v12, v1;
	v9 =	vor.u32 v0, v9;
	[tilespmem:v8+s23+$0x0] =	vst.idx.msk $0xffff, v6  }
0x4aa: {  	v16 =	vor.u32 s0, v58;
	v10 =	vor.u32 v0, v10;
	v5 =	vand.u32 $0x3FE8, v5;
	v55 =	vld [tilespmem:$0x1FD30]  }
0x4ab: {  	v11 =	vadd.s32 v31, v1;
	v17 =	vor.u32 v62, v5;
	v5 =	vadd.s32 v16, v1  }
0x4ac: {  	v21 =	vor.u32 v0, v36;
	v11 =	vand.u32 $0x3FE8, v11;
	v5 =	vand.u32 $0x3FE8, v5  }
0x4ad: {  	v13 =	vor.u32 v56, v5;
	v5 =	vadd.s32 v7, v1;
	v3 =	vadd.s32 v19, v1  }
0x4ae: {  	v15 =	vor.u32 v37, v11;
	v5 =	vand.u32 $0x7FFFFFF8, v5;
	v4 =	vld.idx.msk [tilespmem:v9+s16+$0x0], $0xffff;
	v3 =	vand.u32 $0x3FE8, v3  }
0x4af: {  	v8 =	vor.u32 s12, v51;
	v9 =	vor.u32 s0, v34;
	v7 =	vadd.s32 v55, v1  }
0x4b0: {  	v6 =	vld.idx.msk [tilespmem:v10+s16+$0x0], $0xffff;
	v10 =	vor.u32 v48, v5;
	v11 =	vor.u32 v39, v3;
	v3 =	vand.u32 $0x3FE8, v7  }
0x4b1: {  	v5 =	vshll.u32 v8, $0x5;
	v7 =	vor.u32 v45, v3;
	v3 =	vadd.s32 v9, v1  }
0x4b2: {  	v20 =	vor.u32 v0, v5;
	v5 =	vor.u32 s0, v38;
	v3 =	vand.u32 $0x3FE8, v3  }
0x4b3: {  	v29 =	vmovc v22;
	v22 =	vadd.s32 v5, v1;
	v4 =	vadd.f32 v4, v60;
	v3 =	vor.u32 v48, v3  }
0x4b4: {  	v22 =	vand.u32 $0x3FE8, v22;
	[tilespmem:$0x1F9F0] =	vst v3  }
0x4b5: {  	v6 =	vadd.f32 v6, v60;
	v3 =	vor.u32 v47, v22;
	[tilespmem:v10+s23+$0x0] =	vst.idx.msk $0xffff, v4  }
0x4b6: {  	v41 =	vmov v23;
	[tilespmem:$0x1F7B0] =	vst v3  }
0x4b7: {  	v23 =	vadd.s32 v44, v1;
	[tilespmem:v14+s23+$0x0] =	vst.idx.msk $0xffff, v6;
	v4 =	vld.idx.msk [tilespmem:v20+s16+$0x0], $0xffff;
	v6 =	vadd.s32 v8, v1  }
0x4b8: {  	v8 =	vand.u32 $0x3FE8, v23;
	v14 =	vor.u32 s12, v54;
	v10 =	vld.idx.msk [tilespmem:v21+s16+$0x0], $0xffff;
	v6 =	vand.u32 $0x7FFFFFF8, v6  }
0x4b9: {  	v3 =	vor.u32 v49, v8;
	v8 =	vshll.u32 v14, $0x5;
	v6 =	vor.u32 v47, v6  }
0x4ba: {  	v8 =	vor.u32 v0, v8;
	_ =	sdelay $0x1  }
0x4bb: {  	v4 =	vadd.f32 v4, v60  }
0x4bc: {  	v20 =	vshll.u32 v33, $0x5;
	[tilespmem:$0x1F7C0] =	vst v3;
	v10 =	vadd.f32 v10, v60  }
0x4bd: {  	v42 =	vor.u32 s11, v24;
	v30 =	vor.u32 s11, v0;
	v20 =	vor.u32 v0, v20;
	[tilespmem:v6+s23+$0x0] =	vst.idx.msk $0xffff, v4  }
0x4be: {  	v59 =	vor.u32 s11, v25;
	v6 =	vshll.u32 v30, $0x5;
	v4 =	vadd.s32 v14, v1;
	[tilespmem:v2+s23+$0x0] =	vst.idx.msk $0xffff, v10;
	v2 =	vld.idx.msk [tilespmem:v8+s16+$0x0], $0xffff  }
0x4bf: {  	v53 =	vor.u32 s11, v28;
	s13 =	simm.s32 $0x30;
	v4 =	vand.u32 $0x7FFFFFF8, v4;
	[tilespmem:$0x1F7D0] =	vst v6;
	v6 =	vor.u32 v0, v6  }
0x4c0: {  	v61 =	vor.u32 s13, v0;
	v10 =	vor.u32 s12, v40;
	v4 =	vor.u32 v49, v4  }
0x4c1: {  	v44 =	vor.u32 s11, v41;
	v16 =	vshll.u32 v16, $0x5;
	v14 =	vshll.u32 v10, $0x5  }
0x4c2: {  	v36 =	vmovc v62;
	v62 =	vmovc v28;
	v28 =	vshll.u32 v53, $0x5;
	v19 =	vshll.u32 v19, $0x5;
	v14 =	vor.u32 v0, v14  }
0x4c3: {  	v8 =	vld.idx.msk [tilespmem:v20+s16+$0x0], $0xffff;
	v20 =	vor.u32 v0, v19;
	v19 =	vshll.u32 v61, $0x5;
	v2 =	vadd.f32 v2, v60  }
0x4c4: {  	v22 =	vshll.u32 v42, $0x5;
	v33 =	vor.u32 s11, v35;
	v23 =	vor.u32 v0, v16;
	v6 =	vld.idx.msk [tilespmem:v6+s16+$0x0], $0xffff;
	[tilespmem:$0x1F7E0] =	vst v19  }
0x4c5: {  	v57 =	vmovc v51;
	v51 =	vmovc v29;
	v21 =	vshll.u32 v31, $0x5;
	v3 =	vor.u32 s11, v29;
	v29 =	vshll.u32 v44, $0x5;
	[tilespmem:v4+s23+$0x0] =	vst.idx.msk $0xffff, v2  }
0x4c6: {  	s20 =	simm.s32 $0x0;
	v43 =	vmovc v25;
	v25 =	vshll.u32 v33, $0x5;
	v10 =	vadd.s32 v10, v1;
	v16 =	vor.u32 v0, v19;
	[tilespmem:$0x1F7F0] =	vst v29  }
0x4c7: {  	v52 =	vmovc v24;
	s28 =	smul.u32 $0x380, s20;
	v24 =	vor.u32 v0, v21;
	v21 =	vor.u32 v0, v29;
	v10 =	vand.u32 $0x7FFFFFF8, v10;
	[tilespmem:$0x1F800] =	vst v22  }
0x4c8: {  	v31 =	vshll.u32 v3, $0x5;
	v10 =	vor.u32 v36, v10;
	v19 =	vor.u32 v0, v22;
	v2 =	vld.idx.msk [tilespmem:v14+s16+$0x0], $0xffff;
	[tilespmem:$0x1F810] =	vst v28  }
0x4c9: {  	v4 =	vor.u32 v0, v28;
	v22 =	vor.u32 s12, v43;
	v43 =	vadd.s32 s28, v50;
	[tilespmem:$0x1F820] =	vst v25  }
0x4ca: {  	v14 =	vor.u32 v0, v25;
	[tilespmem:$0x1F830] =	vst v31;
	v25 =	vor.u32 v0, v31;
	v29 =	vadd.s32 v30, v43  }
0x4cb: {  	v28 =	vshll.u32 v22, $0x5;
	v31 =	vadd.s32 v61, v43;
	v16 =	vld.idx.msk [tilespmem:v16+s16+$0x0], $0xffff;
	[tilespmem:$0x1F840] =	vst v30;
	v30 =	vadd.s32 v3, v43  }
0x4cc: {  	[tilespmem:$0x1F850] =	vst v3;
	v31 =	vand.u32 $0x7FFFFFF8, v31;
	v3 =	vor.u32 s13, v51;
	v29 =	vand.u32 $0x3FE8, v29  }
0x4cd: {  	[tilespmem:$0x1F860] =	vst v61;
	v31 =	vor.u32 v36, v31;
	v51 =	vshll.u32 v3, $0x5;
	v2 =	vadd.f32 v2, v60  }
0x4ce: {  	v28 =	vor.u32 v0, v28;
	v29 =	vor.u32 v36, v29;
	[tilespmem:$0x1F870] =	vst v51  }
0x4cf: {  	v12 =	vshll.u32 v12, $0x5;
	v32 =	vor.u32 v0, v51;
	[tilespmem:v10+s23+$0x0] =	vst.idx.msk $0xffff, v2  }
0x4d0: {  	v12 =	vor.u32 v0, v12;
	v8 =	vadd.f32 v8, v60;
	v16 =	vadd.f32 v16, v60;
	[tilespmem:$0x1F880] =	vst v53  }
0x4d1: {  	v22 =	vadd.s32 v22, v1;
	v6 =	vadd.f32 v6, v60;
	v30 =	vand.u32 $0x3FE8, v30;
	[tilespmem:$0x1F890] =	vst v33  }
0x4d2: {  	v2 =	vor.u32 v37, v30;
	v30 =	vadd.s32 v33, v43;
	[tilespmem:v31+s23+$0x0] =	vst.idx.msk $0xffff, v16  }
0x4d3: {  	v22 =	vand.u32 $0x7FFFFFF8, v22;
	v61 =	vor.u32 s12, v58;
	v30 =	vand.u32 $0x3FE8, v30;
	v28 =	vld.idx.msk [tilespmem:v28+s16+$0x0], $0xffff;
	[tilespmem:v29+s23+$0x0] =	vst.idx.msk $0xffff, v6  }
0x4d4: {  	v51 =	vor.u32 s11, v57;
	v10 =	vadd.s32 v53, v43;
	v6 =	vor.u32 v39, v30;
	v30 =	vld.idx.msk [tilespmem:v32+s16+$0x0], $0xffff;
	[tilespmem:$0x1F8A0] =	vst v44  }
0x4d5: {  	v10 =	vand.u32 $0x3FE8, v10;
	v16 =	vor.u32 v37, v22;
	v22 =	vshll.u32 v61, $0x5;
	[tilespmem:$0x1F8B0] =	vst v42  }
0x4d6: {  	v29 =	vor.u32 v0, v22;
	v22 =	vadd.s32 v44, v43;
	[tilespmem:$0x1F8C0] =	vst v3;
	v44 =	vadd.s32 v3, v43  }
0x4d7: {  	v33 =	vor.u32 s12, v46;
	v10 =	vor.u32 v56, v10;
	v25 =	vld.idx.msk [tilespmem:v25+s16+$0x0], $0xffff;
	v32 =	vand.u32 $0x7FFFFFF8, v44  }
0x4d8: {  	v31 =	vadd.s32 v42, v43;
	v3 =	vor.u32 s13, v62;
	v32 =	vor.u32 v37, v32  }
0x4d9: {  	v22 =	vand.u32 $0x3FE8, v22;
	v50 =	vshll.u32 v3, $0x5;
	[tilespmem:v18+s23+$0x0] =	vst.idx.msk $0xffff, v8;
	v28 =	vadd.f32 v28, v60  }
0x4da: {  	v18 =	vand.u32 $0x3FE8, v31;
	v8 =	vor.u32 v45, v22;
	[tilespmem:$0x1F8D0] =	vst v50;
	v31 =	vor.u32 v0, v50  }
0x4db: {  	v53 =	vshll.u32 v33, $0x5;
	v22 =	vor.u32 v48, v18;
	v18 =	vadd.f32 v30, v60;
	[tilespmem:v16+s23+$0x0] =	vst.idx.msk $0xffff, v28  }
0x4dc: {  	v50 =	vor.u32 s11, v54;
	v30 =	vadd.s32 v61, v1;
	v25 =	vadd.f32 v25, v60;
	v29 =	vld.idx.msk [tilespmem:v29+s16+$0x0], $0xffff  }
0x4dd: {  	v44 =	vmov v38;
	v12 =	vld.idx.msk [tilespmem:v12+s16+$0x0], $0xffff;
	v16 =	vadd.s32 v51, v43;
	v30 =	vand.u32 $0x7FFFFFF8, v30;
	[tilespmem:v32+s23+$0x0] =	vst.idx.msk $0xffff, v18  }
0x4de: {  	v38 =	vor.u32 s11, v40;
	v28 =	vadd.s32 v50, v43;
	v30 =	vor.u32 v56, v30;
	[tilespmem:v2+s23+$0x0] =	vst.idx.msk $0xffff, v25  }
0x4df: {  	v16 =	vand.u32 $0x3FE8, v16;
	v2 =	vor.u32 v0, v53;
	v25 =	vld.idx.msk [tilespmem:v31+s16+$0x0], $0xffff;
	v31 =	vadd.s32 v3, v43;
	[tilespmem:$0x1F8E0] =	vst v3  }
0x4e0: {  	v18 =	vor.u32 v47, v16;
	v31 =	vand.u32 $0x7FFFFFF8, v31;
	v3 =	vor.u32 s13, v35;
	v4 =	vld.idx.msk [tilespmem:v4+s16+$0x0], $0xffff  }
0x4e1: {  	v31 =	vor.u32 v56, v31;
	v61 =	vshll.u32 v3, $0x5;
	v29 =	vadd.f32 v29, v60  }
0x4e2: {  	v16 =	vand.u32 $0x3FE8, v28;
	v28 =	vadd.s32 v38, v43;
	v12 =	vadd.f32 v12, v60;
	[tilespmem:$0x1F8F0] =	vst v61  }
0x4e3: {  	v42 =	vor.u32 v49, v16;
	v16 =	vand.u32 $0x3FE8, v28;
	v28 =	vor.u32 v0, v61;
	[tilespmem:v30+s23+$0x0] =	vst.idx.msk $0xffff, v29  }
0x4e4: {  	[tilespmem:v17+s23+$0x0] =	vst.idx.msk $0xffff, v12;
	v12 =	vadd.s32 v33, v1;
	v17 =	vadd.f32 v25, v60;
	v2 =	vld.idx.msk [tilespmem:v2+s16+$0x0], $0xffff  }
0x4e5: {  	v24 =	vld.idx.msk [tilespmem:v24+s16+$0x0], $0xffff;
	v12 =	vand.u32 $0x7FFFFFF8, v12;
	v25 =	vor.u32 s12, v63;
	v4 =	vadd.f32 v4, v60  }
0x4e6: {  	v36 =	vor.u32 v36, v16;
	v12 =	vor.u32 v39, v12;
	v30 =	vshll.u32 v25, $0x5;
	[tilespmem:v31+s23+$0x0] =	vst.idx.msk $0xffff, v17  }
0x4e7: {  	v29 =	vadd.s32 v59, v43;
	v16 =	vor.u32 v0, v30;
	[tilespmem:v10+s23+$0x0] =	vst.idx.msk $0xffff, v4  }
0x4e8: {  	v17 =	vand.u32 $0x3FE8, v29;
	v29 =	vor.u32 s13, v41;
	v4 =	vld.idx.msk [tilespmem:v28+s16+$0x0], $0xffff;
	v10 =	vadd.s32 v3, v43;
	[tilespmem:$0x1F900] =	vst v3  }
0x4e9: {  	v10 =	vand.u32 $0x7FFFFFF8, v10;
	v3 =	vshll.u32 v29, $0x5;
	v14 =	vld.idx.msk [tilespmem:v14+s16+$0x0], $0xffff;
	v2 =	vadd.f32 v2, v60  }
0x4ea: {  	v24 =	vadd.f32 v24, v60;
	v10 =	vor.u32 v39, v10;
	[tilespmem:$0x1F910] =	vst v3  }
0x4eb: {  	v61 =	vor.u32 v37, v17;
	[tilespmem:v12+s23+$0x0] =	vst.idx.msk $0xffff, v2  }
0x4ec: {  	v17 =	vor.u32 v0, v3;
	[tilespmem:v15+s23+$0x0] =	vst.idx.msk $0xffff, v24;
	v15 =	vadd.s32 v25, v1;
	v12 =	vld.idx.msk [tilespmem:v16+s16+$0x0], $0xffff  }
0x4ed: {  	v15 =	vand.u32 $0x7FFFFFF8, v15;
	v4 =	vadd.f32 v4, v60  }
0x4ee: {  	v15 =	vor.u32 v45, v15;
	v16 =	vld.idx.msk [tilespmem:v23+s16+$0x0], $0xffff;
	v23 =	vor.u32 s12, v34;
	v14 =	vadd.f32 v14, v60  }
0x4ef: {  	v28 =	vor.u32 s11, v58;
	v24 =	vshll.u32 v23, $0x5;
	[tilespmem:v10+s23+$0x0] =	vst.idx.msk $0xffff, v4  }
0x4f0: {  	v2 =	vadd.s32 v28, v43;
	v4 =	vor.u32 v0, v24;
	[tilespmem:v6+s23+$0x0] =	vst.idx.msk $0xffff, v14  }
0x4f1: {  	v3 =	vor.u32 s11, v46;
	v2 =	vand.u32 $0x3FE8, v2;
	v6 =	vld.idx.msk [tilespmem:v17+s16+$0x0], $0xffff;
	[tilespmem:$0x1F920] =	vst v29;
	v12 =	vadd.f32 v12, v60  }
0x4f2: {  	v10 =	vadd.s32 v3, v43;
	v14 =	vadd.s32 v29, v43;
	v17 =	vld.idx.msk [tilespmem:v21+s16+$0x0], $0xffff;
	v21 =	vor.u32 s13, v52  }
0x4f3: {  	v14 =	vand.u32 $0x7FFFFFF8, v14;
	v16 =	vadd.f32 v16, v60;
	v24 =	vshll.u32 v21, $0x5;
	[tilespmem:v15+s23+$0x0] =	vst.idx.msk $0xffff, v12  }
0x4f4: {  	v53 =	vor.u32 v56, v2;
	v2 =	vand.u32 $0x3FE8, v10;
	v14 =	vor.u32 v45, v14;
	[tilespmem:$0x1F930] =	vst v24  }
0x4f5: {  	v10 =	vor.u32 v0, v24;
	[tilespmem:v13+s23+$0x0] =	vst.idx.msk $0xffff, v16;
	v4 =	vld.idx.msk [tilespmem:v4+s16+$0x0], $0xffff;
	v13 =	vadd.s32 v23, v1  }
0x4f6: {  	v15 =	vld.idx.msk [tilespmem:v20+s16+$0x0], $0xffff;
	v13 =	vand.u32 $0x7FFFFFF8, v13  }
0x4f7: {  	v6 =	vadd.f32 v6, v60;
	v13 =	vor.u32 v48, v13  }
0x4f8: {  	v30 =	vor.u32 s11, v63;
	v16 =	vadd.f32 v17, v60  }
0x4f9: {  	v46 =	vor.u32 v39, v2;
	v12 =	vadd.s32 v30, v43;
	v17 =	vor.u32 s12, v44;
	[tilespmem:v14+s23+$0x0] =	vst.idx.msk $0xffff, v6  }
0x4fa: {  	v2 =	vshll.u32 v17, $0x5;
	[tilespmem:v8+s23+$0x0] =	vst.idx.msk $0xffff, v16;
	v6 =	vld.idx.msk [tilespmem:v10+s16+$0x0], $0xffff;
	v4 =	vadd.f32 v4, v60  }
0x4fb: {  	v12 =	vand.u32 $0x3FE8, v12;
	v2 =	vor.u32 v0, v2;
	v10 =	vld.idx.msk [tilespmem:v19+s16+$0x0], $0xffff;
	[tilespmem:$0x1F940] =	vst v21;
	v15 =	vadd.f32 v15, v60  }
0x4fc: {  	v45 =	vor.u32 v45, v12;
	v8 =	vshll.u32 v55, $0x5;
	[tilespmem:v13+s23+$0x0] =	vst.idx.msk $0xffff, v4  }
0x4fd: {  	v12 =	vadd.s32 v21, v43;
	v8 =	vor.u32 v0, v8;
	v19 =	vor.u32 s13, v57;
	[tilespmem:v11+s23+$0x0] =	vst.idx.msk $0xffff, v15  }
0x4fe: {  	v12 =	vand.u32 $0x7FFFFFF8, v12;
	v4 =	vshll.u32 v19, $0x5;
	[tilespmem:$0x1F950] =	vst v51  }
0x4ff: {  	v12 =	vor.u32 v48, v12;
	v11 =	vadd.s32 v17, v1;
	[tilespmem:$0x1F960] =	vst v4;
	v17 =	vld [tilespmem:$0x1FF80]  }
0x500: {  	v2 =	vld.idx.msk [tilespmem:v2+s16+$0x0], $0xffff  }
0x501: {  	v29 =	vor.u32 s11, v44;
	v13 =	vshll.u32 v51, $0x5;
	v11 =	vand.u32 $0x7FFFFFF8, v11  }
0x502: {  	v6 =	vadd.f32 v6, v60;
	v4 =	vor.u32 v0, v4;
	v8 =	vld.idx.msk [tilespmem:v8+s16+$0x0], $0xffff;
	v11 =	vor.u32 v47, v11  }
0x503: {  	v15 =	vadd.s32 v29, v43;
	v10 =	vadd.f32 v10, v60;
	[tilespmem:$0x1F970] =	vst v13;
	v13 =	vor.u32 v0, v13  }
0x504: {  	[tilespmem:v12+s23+$0x0] =	vst.idx.msk $0xffff, v6;
	v6 =	vand.u32 $0x3FE8, v15;
	v16 =	vor.u32 s12, v17  }
0x505: {  	[tilespmem:v22+s23+$0x0] =	vst.idx.msk $0xffff, v10;
	v51 =	vor.u32 s11, v17;
	v12 =	vshll.u32 v16, $0x5;
	v2 =	vadd.f32 v2, v60  }
0x506: {  	v39 =	vor.u32 v47, v6;
	v10 =	vor.u32 v0, v12;
	v12 =	vadd.s32 v51, v43  }
0x507: {  	v9 =	vshll.u32 v9, $0x5;
	v4 =	vld.idx.msk [tilespmem:v4+s16+$0x0], $0xffff;
	v8 =	vadd.f32 v8, v60;
	v6 =	vand.u32 $0x3FE8, v12;
	[tilespmem:v11+s23+$0x0] =	vst.idx.msk $0xffff, v2  }
0x508: {  	v32 =	vor.u32 s11, v34;
	v12 =	vld.idx.msk [tilespmem:v13+s16+$0x0], $0xffff;
	v44 =	vor.u32 v49, v6;
	[tilespmem:$0x1F980] =	vst v19;
	v6 =	vor.u32 s13, v54  }
0x509: {  	v9 =	vor.u32 v0, v9;
	v14 =	vadd.s32 v32, v43;
	[tilespmem:v7+s23+$0x0] =	vst.idx.msk $0xffff, v8;
	v7 =	vshll.u32 v6, $0x5  }
0x50a: {  	v14 =	vand.u32 $0x3FE8, v14;
	v8 =	vor.u32 v0, v7;
	v7 =	vld [tilespmem:$0x1FD20];
	_ =	sdelay $0x1  }
0x50b: {  	v5 =	vshll.u32 v5, $0x5;
	v2 =	vadd.s32 v19, v43  }
0x50c: {  	v37 =	vor.u32 v48, v14;
	v14 =	vmovc v17;
	s11 =	simm.s32 $0x40;
	v17 =	vor.u32 s13, v40;
	v2 =	vand.u32 $0x7FFFFFF8, v2  }
0x50d: {  	v1 =	vadd.s32 v16, v1;
	v25 =	vor.u32 s11, v0;
	v2 =	vor.u32 v47, v2;
	v9 =	vld.idx.msk [tilespmem:v9+s16+$0x0], $0xffff  }
0x50e: {  	v6 =	vadd.s32 v6, v43;
	v10 =	vld.idx.msk [tilespmem:v10+s16+$0x0], $0xffff;
	v11 =	vshll.u32 v7, $0x5;
	v7 =	vshll.u32 v25, $0x5  }
0x50f: {  	v58 =	vor.u32 v0, v7;
	v7 =	vor.u32 v0, v5;
	v5 =	vand.u32 $0x7FFFFFF8, v6  }
0x510: {  	v1 =	vand.u32 $0x7FFFFFF8, v1;
	v19 =	vor.u32 v49, v5;
	v5 =	vshll.u32 v17, $0x5  }
0x511: {  	v4 =	vadd.f32 v4, v60;
	[tilespmem:$0x1F990] =	vst v50;
	v21 =	vor.u32 v0, v5;
	v5 =	vshll.u32 v50, $0x5  }
0x512: {  	v1 =	vor.u32 v49, v1;
	v12 =	vadd.f32 v12, v60;
	[tilespmem:$0x1F9A0] =	vst v5  }
0x513: {  	v6 =	vadd.f32 v10, v60;
	v10 =	vadd.f32 v9, v60;
	v9 =	vld [tilespmem:$0x1FF90];
	[tilespmem:v2+s23+$0x0] =	vst.idx.msk $0xffff, v4  }
0x514: {  	v2 =	vld [tilespmem:$0x1FEC0];
	[tilespmem:v18+s23+$0x0] =	vst.idx.msk $0xffff, v12  }
0x515: {  	[tilespmem:$0x1F9B0] =	vst v3  }
0x516: {  	[tilespmem:$0x1F9C0] =	vst v59  }
0x517: {  	[tilespmem:$0x1F9D0] =	vst v28  }
0x518: {  	[tilespmem:v1+s23+$0x0] =	vst.idx.msk $0xffff, v6  }
0x519: {  	v55 =	vor.u32 s11, v57;
	v57 =	vor.u32 s11, v2;
	v2 =	vld [tilespmem:$0x1F9F0];
	_ =	sdelay $0x3  }
0x51a: {  	v31 =	vor.u32 s11, v14;
	v14 =	vor.u32 v0, v5;
	_ =	sdelay $0x2  }
0x51b: {  	v23 =	vld.idx.msk [tilespmem:v8+s16+$0x0], $0xffff;
	[tilespmem:$0x1F9E0] =	vst v38  }
0x51c: {  	v1 =	vshll.u32 v38, $0x5;
	[tilespmem:v2+s23+$0x0] =	vst.idx.msk $0xffff, v10  }
0x51d: {  	v34 =	vor.u32 s11, v54;
	v22 =	vld.idx.msk [tilespmem:v14+s16+$0x0], $0xffff;
	[tilespmem:$0x1FA00] =	vst v1  }
0x51e: {  	v33 =	vor.u32 s11, v9;
	[tilespmem:$0x1FA10] =	vst v34  }
0x51f: {  	[tilespmem:$0x1FA20] =	vst v33  }
0x520: {  	v40 =	vor.u32 s11, v63;
	v15 =	vor.u32 s11, v35;
	[tilespmem:$0x1FA30] =	vst v31  }
0x521: {  	v20 =	vor.u32 s11, v62;
	v35 =	vshll.u32 v15, $0x5;
	v13 =	vshll.u32 v28, $0x5;
	[tilespmem:$0x1FA40] =	vst v30  }
0x522: {  	v56 =	vor.u32 v0, v11;
	v11 =	vor.u32 s11, v41;
	v5 =	vor.u32 s11, v52;
	[tilespmem:$0x1FA50] =	vst v32  }
0x523: {  	s29 =	simm.s32 $0x40;
	v24 =	vshll.u32 v5, $0x5;
	v9 =	vshll.u32 v3, $0x5;
	v18 =	vshll.u32 v59, $0x5;
	[tilespmem:$0x1FA60] =	vst v51  }
0x524: {  	s30 =	simm.s32 $0x50;
	s19 =	simm.s32 $0x60;
	s12 =	simm.s32 $0x30;
	v59 =	vshll.u32 v11, $0x5;
	v28 =	vmovc v30;
	v38 =	vshll.u32 v20, $0x5;
	v3 =	vor.u32 v0, v1;
	v30 =	vmovc v51;
	[tilespmem:$0x1FA70] =	vst v29  }
.LBB2_15:
0x525: {  	_ = 	snop  }
0x526: {  	v6 =	vld.idx.msk [tilespmem:v7+s16+$0x0], $0xffff;
	v4 =	vadd.f32 v23, v60  }
0x527: {  	v8 =	vld.idx.msk [tilespmem:v58+s16+$0x0], $0xffff;
	v10 =	vadd.f32 v22, v60  }
0x528: {  	v52 =	vld [tilespmem:$0x1FFC0];
	[tilespmem:v19+s23+$0x0] =	vst.idx.msk $0xffff, v4  }
0x529: {  	[tilespmem:v42+s23+$0x0] =	vst.idx.msk $0xffff, v10;
	v4 =	vld.idx.msk [tilespmem:v21+s16+$0x0], $0xffff  }
0x52a: {  	v14 =	vld.idx.msk [tilespmem:v3+s16+$0x0], $0xffff  }
0x52b: {  	v2 =	vor.u32 s30, v0;
	v3 =	vadd.s32 v17, v43;
	v21 =	vld [tilespmem:$0x1F7B0]  }
0x52c: {  	v51 =	vld [tilespmem:$0x1FF90];
	v7 =	vshll.u32 v2, $0x5;
	v3 =	vand.u32 $0x7FFFFFF8, v3  }
0x52d: {  	v23 =	vor.u32 v0, v13;
	v13 =	vor.u32 v0, v7;
	v17 =	vor.u32 v52, v3;
	v3 =	vld [tilespmem:$0x1FEB0];
	_ =	sdelay $0x1  }
0x52e: {  	v12 =	vshll.u32 v57, $0x5;
	s20 =	sshrl.u32 s29, $0x7  }
0x52f: {  	v58 =	vor.u32 v0, v18;
	v41 =	vld [tilespmem:$0x1FEC0];
	v22 =	vor.u32 v0, v59;
	s20 =	smul.u32 $0x380, s20;
	v12 =	vor.u32 v0, v12  }
0x530: {  	v7 =	vor.u32 v0, v24;
	v16 =	vor.u32 s12, v51;
	v50 =	vadd.f32 v6, v60  }
0x531: {  	v10 =	vor.u32 v0, v38;
	v18 =	vshll.u32 v16, $0x5;
	v13 =	vld.idx.msk [tilespmem:v13+s16+$0x0], $0xffff;
	v3 =	vadd.s32 s20, v3  }
0x532: {  	v18 =	vor.u32 v0, v18;
	v2 =	vadd.s32 v2, v3;
	[tilespmem:v21+s23+$0x0] =	vst.idx.msk $0xffff, v50;
	v50 =	vld [tilespmem:$0x1FFA0]  }
0x533: {  	v6 =	vmovc v39;
	v4 =	vadd.f32 v4, v60;
	v19 =	vadd.s32 v25, v3;
	v2 =	vand.u32 $0x7FFFFFF8, v2;
	v21 =	vld.idx.msk [tilespmem:v56+s16+$0x0], $0xffff  }
0x534: {  	[tilespmem:$0x1F7B0] =	vst v6;
	v25 =	vor.u32 s30, v41;
	v6 =	vand.u32 $0x3FE8, v19;
	v56 =	vld [tilespmem:$0x1FFF0];
	v2 =	vor.u32 v52, v2  }
0x535: {  	v38 =	vld [tilespmem:$0x1FED0];
	v16 =	vadd.s32 v16, v43;
	v19 =	vshll.u32 v25, $0x5;
	v6 =	vor.u32 v52, v6  }
0x536: {  	v49 =	vld [tilespmem:$0x1FF00];
	v8 =	vadd.f32 v8, v60;
	v16 =	vand.u32 $0x7FFFFFF8, v16;
	[tilespmem:v17+s23+$0x0] =	vst.idx.msk $0xffff, v4;
	v19 =	vor.u32 v0, v19  }
0x537: {  	v14 =	vadd.f32 v14, v60;
	v17 =	vadd.s32 v20, v3;
	v18 =	vld.idx.msk [tilespmem:v18+s16+$0x0], $0xffff;
	v13 =	vadd.f32 v13, v60  }
0x538: {  	v24 =	vadd.s32 v57, v3;
	v15 =	vadd.s32 v15, v3;
	v57 =	vld [tilespmem:$0x1FEE0];
	v17 =	vand.u32 $0x3FE8, v17  }
0x539: {  	v54 =	vld [tilespmem:$0x1FE90];
	v11 =	vadd.s32 v11, v3;
	v20 =	vor.u32 v56, v17;
	v17 =	vor.u32 s12, v50;
	[tilespmem:v2+s23+$0x0] =	vst.idx.msk $0xffff, v13  }
0x53a: {  	v63 =	vld [tilespmem:$0x1FFE0];
	v24 =	vand.u32 $0x3FE8, v24;
	v2 =	vor.u32 v38, v16;
	v13 =	vshll.u32 v17, $0x5;
	[tilespmem:v6+s23+$0x0] =	vst.idx.msk $0xffff, v8  }
0x53b: {  	v6 =	vld.idx.msk [tilespmem:v19+s16+$0x0], $0xffff;
	v8 =	vor.u32 v0, v13;
	v13 =	vadd.s32 v5, v3;
	v5 =	vadd.s32 v25, v3  }
0x53c: {  	v11 =	vand.u32 $0x3FE8, v11;
	v4 =	vor.u32 v38, v24;
	v12 =	vld.idx.msk [tilespmem:v12+s16+$0x0], $0xffff;
	v5 =	vand.u32 $0x7FFFFFF8, v5  }
0x53d: {  	v62 =	vld [tilespmem:$0x1FFD0];
	v18 =	vadd.f32 v18, v60;
	v16 =	vor.u32 s30, v57;
	v19 =	vor.u32 v38, v5  }
0x53e: {  	v47 =	vld [tilespmem:$0x1FF40];
	v17 =	vadd.s32 v17, v43;
	v24 =	vshll.u32 v16, $0x5;
	v25 =	vor.u32 s12, v54  }
0x53f: {  	v59 =	vld [tilespmem:$0x1FE70];
	v5 =	vor.u32 v49, v11;
	v11 =	vand.u32 $0x3FE8, v13;
	v13 =	vor.u32 v0, v24  }
0x540: {  	v48 =	vld [tilespmem:$0x1FF30];
	v24 =	vand.u32 $0x7FFFFFF8, v17;
	[tilespmem:v2+s23+$0x0] =	vst.idx.msk $0xffff, v18;
	v2 =	vadd.s32 v55, v3;
	v6 =	vadd.f32 v6, v60  }
0x541: {  	v18 =	vor.u32 v63, v11;
	v2 =	vand.u32 $0x3FE8, v2;
	v12 =	vadd.f32 v12, v60  }
0x542: {  	v11 =	vadd.s32 v34, v3;
	v8 =	vld.idx.msk [tilespmem:v8+s16+$0x0], $0xffff;
	v17 =	vor.u32 v62, v2;
	[tilespmem:v19+s23+$0x0] =	vst.idx.msk $0xffff, v6  }
0x543: {  	v2 =	vor.u32 v56, v24;
	v6 =	vshll.u32 v25, $0x5;
	[tilespmem:v4+s23+$0x0] =	vst.idx.msk $0xffff, v12;
	v4 =	vand.u32 $0x3FE8, v11  }
0x544: {  	v39 =	vld [tilespmem:$0x1FEF0];
	v19 =	vor.u32 s29, v47;
	v12 =	vadd.s32 v16, v3;
	v16 =	vor.u32 s30, v59  }
0x545: {  	v11 =	vld.idx.msk [tilespmem:v13+s16+$0x0], $0xffff;
	v6 =	vor.u32 v0, v6;
	v42 =	vor.u32 v48, v4;
	v4 =	vadd.s32 v19, v3  }
0x546: {  	v10 =	vld.idx.msk [tilespmem:v10+s16+$0x0], $0xffff;
	v12 =	vand.u32 $0x7FFFFFF8, v12;
	v13 =	vshll.u32 v16, $0x5;
	[tilespmem:v36+s23+$0x0] =	vst.idx.msk $0xffff, v14;
	v4 =	vand.u32 $0x3FE8, v4  }
0x547: {  	v12 =	vor.u32 v56, v12;
	v8 =	vadd.f32 v8, v60;
	v36 =	vor.u32 v52, v4;
	v52 =	vld [tilespmem:$0x1FF70]  }
0x548: {  	v1 =	vmovc v37;
	v37 =	vor.u32 v0, v35;
	v15 =	vand.u32 $0x3FE8, v15;
	v35 =	vor.u32 v0, v13  }
0x549: {  	v15 =	vor.u32 v39, v15;
	v24 =	vadd.s32 v33, v3;
	[tilespmem:v2+s23+$0x0] =	vst.idx.msk $0xffff, v8;
	v8 =	vld.idx.msk [tilespmem:v58+s16+$0x0], $0xffff  }
0x54a: {  	v16 =	vadd.s32 v16, v3;
	v4 =	vld.idx.msk [tilespmem:v6+s16+$0x0], $0xffff;
	v6 =	vadd.f32 v11, v60;
	v11 =	vadd.s32 v25, v43  }
0x54b: {  	v13 =	vor.u32 s29, v50;
	v58 =	vld [tilespmem:$0x1FE80];
	v10 =	vadd.f32 v10, v60;
	v11 =	vand.u32 $0x7FFFFFF8, v11  }
0x54c: {  	v16 =	vand.u32 $0x7FFFFFF8, v16;
	v14 =	vor.u32 s12, v52;
	[tilespmem:v12+s23+$0x0] =	vst.idx.msk $0xffff, v6;
	v6 =	vor.u32 v39, v11  }
0x54d: {  	v2 =	vand.u32 $0x3FE8, v24;
	v24 =	vadd.s32 v13, v3;
	[tilespmem:v20+s23+$0x0] =	vst.idx.msk $0xffff, v10;
	v11 =	vshll.u32 v14, $0x5;
	v12 =	vld.idx.msk [tilespmem:v35+s16+$0x0], $0xffff  }
0x54e: {  	v16 =	vor.u32 v39, v16;
	v10 =	vand.u32 $0x3FE8, v24;
	v20 =	vld.idx.msk [tilespmem:v37+s16+$0x0], $0xffff;
	v11 =	vor.u32 v0, v11  }
0x54f: {  	v24 =	vor.u32 s29, v54;
	v10 =	vor.u32 v56, v10;
	v4 =	vadd.f32 v4, v60  }
0x550: {  	v50 =	vld [tilespmem:$0x1FF50];
	v56 =	vadd.s32 v40, v3;
	v35 =	vor.u32 s30, v58;
	v8 =	vadd.f32 v8, v60  }
0x551: {  	v25 =	vadd.s32 v24, v3;
	v54 =	vshll.u32 v35, $0x5;
	[tilespmem:v6+s23+$0x0] =	vst.idx.msk $0xffff, v4;
	v6 =	vand.u32 $0x3FE8, v56  }
0x552: {  	v37 =	vor.u32 v0, v54;
	[tilespmem:v61+s23+$0x0] =	vst.idx.msk $0xffff, v8;
	v56 =	vor.u32 v49, v6  }
0x553: {  	v6 =	vadd.f32 v12, v60;
	v12 =	vadd.s32 v14, v43;
	v14 =	vadd.f32 v20, v60;
	v8 =	vld.idx.msk [tilespmem:v11+s16+$0x0], $0xffff  }
0x554: {  	v2 =	vor.u32 v38, v2;
	v25 =	vand.u32 $0x3FE8, v25;
	v11 =	vld.idx.msk [tilespmem:v23+s16+$0x0], $0xffff  }
0x555: {  	v4 =	vor.u32 v39, v25;
	v25 =	vor.u32 s29, v50;
	v20 =	vor.u32 s12, v50;
	v50 =	vld [tilespmem:$0x1FF60];
	[tilespmem:v15+s23+$0x0] =	vst.idx.msk $0xffff, v14  }
0x556: {  	v9 =	vor.u32 v0, v9;
	v61 =	vmov v2;
	v12 =	vand.u32 $0x7FFFFFF8, v12;
	v15 =	vld.idx.msk [tilespmem:v22+s16+$0x0], $0xffff  }
0x557: {  	v54 =	vld [tilespmem:$0x1FF10];
	v2 =	vadd.s32 v25, v3;
	[tilespmem:v16+s23+$0x0] =	vst.idx.msk $0xffff, v6;
	v6 =	vor.u32 v49, v12;
	v12 =	vshll.u32 v20, $0x5  }
0x558: {  	v2 =	vand.u32 $0x3FE8, v2;
	v16 =	vadd.s32 v35, v3;
	v14 =	vld.idx.msk [tilespmem:v37+s16+$0x0], $0xffff;
	v12 =	vor.u32 v0, v12  }
0x559: {  	v37 =	vor.u32 v63, v2;
	v16 =	vand.u32 $0x7FFFFFF8, v16;
	v11 =	vadd.f32 v11, v60  }
0x55a: {  	v16 =	vor.u32 v49, v16;
	v49 =	vadd.s32 v31, v3;
	v8 =	vadd.f32 v8, v60  }
0x55b: {  	v23 =	vor.u32 s29, v50;
	[tilespmem:v53+s23+$0x0] =	vst.idx.msk $0xffff, v11;
	v53 =	vmov v10;
	v10 =	vadd.f32 v15, v60;
	v15 =	vld [tilespmem:$0x1F7C0]  }
0x55c: {  	v22 =	vor.u32 s30, v54;
	v2 =	vadd.s32 v23, v3;
	[tilespmem:v6+s23+$0x0] =	vst.idx.msk $0xffff, v8;
	v8 =	vand.u32 $0x3FE8, v49;
	v49 =	vld [tilespmem:$0x1FF80]  }
0x55d: {  	v2 =	vand.u32 $0x3FE8, v2;
	v11 =	vadd.f32 v14, v60;
	v14 =	vor.u32 s12, v50;
	v50 =	vld [tilespmem:$0x1FFB0]  }
0x55e: {  	v35 =	vshll.u32 v22, $0x5;
	v39 =	vor.u32 v62, v2;
	v2 =	vld.idx.msk [tilespmem:v12+s16+$0x0], $0xffff  }
0x55f: {  	v35 =	vor.u32 v0, v35;
	v9 =	vld.idx.msk [tilespmem:v9+s16+$0x0], $0xffff  }
0x560: {  	v21 =	vadd.f32 v21, v60;
	v6 =	vmov v44;
	v12 =	vadd.s32 v20, v43  }
0x561: {  	[tilespmem:$0x1F7C0] =	vst v6;
	v44 =	vor.u32 v48, v8;
	v8 =	vshll.u32 v14, $0x5;
	v12 =	vand.u32 $0x7FFFFFF8, v12  }
0x562: {  	v13 =	vshll.u32 v13, $0x5;
	[tilespmem:v16+s23+$0x0] =	vst.idx.msk $0xffff, v11;
	v8 =	vor.u32 v0, v8;
	v6 =	vor.u32 v63, v12  }
0x563: {  	v11 =	vadd.s32 v22, v3;
	v12 =	vor.u32 s19, v49;
	v16 =	vor.u32 s30, v50;
	[tilespmem:v15+s23+$0x0] =	vst.idx.msk $0xffff, v21  }
0x564: {  	v2 =	vadd.f32 v2, v60;
	v9 =	vadd.f32 v9, v60;
	[tilespmem:v5+s23+$0x0] =	vst.idx.msk $0xffff, v10;
	v10 =	vld.idx.msk [tilespmem:v35+s16+$0x0], $0xffff  }
0x565: {  	v21 =	vor.u32 s19, v51;
	v5 =	vshll.u32 v28, $0x5;
	v28 =	vmovc v40;
	v40 =	vor.u32 s19, v52;
	v52 =	vld [tilespmem:$0x1FF20]  }
0x566: {  	v7 =	vld.idx.msk [tilespmem:v7+s16+$0x0], $0xffff;
	v15 =	vor.u32 v0, v5;
	v5 =	vand.u32 $0x7FFFFFF8, v11;
	v11 =	vshll.u32 v55, $0x5  }
0x567: {  	[tilespmem:v6+s23+$0x0] =	vst.idx.msk $0xffff, v2;
	v55 =	vor.u32 s19, v50;
	v20 =	vor.u32 v63, v5;
	v5 =	vshll.u32 v16, $0x5  }
0x568: {  	v6 =	vor.u32 v0, v11;
	v16 =	vadd.s32 v16, v3;
	v22 =	vor.u32 v0, v5  }
0x569: {  	v8 =	vld.idx.msk [tilespmem:v8+s16+$0x0], $0xffff;
	v11 =	vadd.s32 v14, v43;
	v14 =	vor.u32 s12, v49;
	v16 =	vand.u32 $0x7FFFFFF8, v16  }
0x56a: {  	[tilespmem:v46+s23+$0x0] =	vst.idx.msk $0xffff, v9;
	v5 =	vor.u32 s19, v54;
	v16 =	vor.u32 v62, v16;
	v9 =	vadd.f32 v10, v60  }
0x56b: {  	v46 =	vmovc v4;
	s12 =	smov.u32 s30;
	v2 =	vor.u32 s19, v52;
	v10 =	vld.idx.msk [tilespmem:v15+s16+$0x0], $0xffff;
	v4 =	vadd.f32 v7, v60;
	v7 =	vand.u32 $0x7FFFFFF8, v11  }
0x56c: {  	v35 =	vor.u32 s12, v52;
	[tilespmem:v20+s23+$0x0] =	vst.idx.msk $0xffff, v9;
	v7 =	vor.u32 v62, v7;
	v9 =	vshll.u32 v14, $0x5  }
0x56d: {  	v11 =	vor.u32 s19, v58;
	[tilespmem:v18+s23+$0x0] =	vst.idx.msk $0xffff, v4;
	v4 =	vld.idx.msk [tilespmem:v22+s16+$0x0], $0xffff;
	v18 =	vshll.u32 v32, $0x5;
	v9 =	vor.u32 v0, v9  }
0x56e: {  	v15 =	vor.u32 s19, v59;
	v8 =	vadd.f32 v8, v60;
	v6 =	vld.idx.msk [tilespmem:v6+s16+$0x0], $0xffff;
	v18 =	vor.u32 v0, v18  }
0x56f: {  	v20 =	vor.u32 s19, v57;
	v57 =	vor.u32 s19, v41;
	v62 =	vshll.u32 v34, $0x5  }
0x570: {  	v34 =	vmovc v2;
	v14 =	vadd.s32 v14, v43;
	v22 =	vshll.u32 v35, $0x5;
	v10 =	vadd.f32 v10, v60  }
0x571: {  	v59 =	vshll.u32 v11, $0x5;
	v32 =	vmovc v25;
	v25 =	vor.u32 s19, v0;
	v22 =	vor.u32 v0, v22;
	[tilespmem:v7+s23+$0x0] =	vst.idx.msk $0xffff, v8  }
0x572: {  	v2 =	vor.u32 v0, v62;
	[tilespmem:v45+s23+$0x0] =	vst.idx.msk $0xffff, v10;
	v10 =	vld.idx.msk [tilespmem:v9+s16+$0x0], $0xffff;
	v4 =	vadd.f32 v4, v60  }
0x573: {  	v43 =	vmovc v3;
	v38 =	vshll.u32 v20, $0x5;
	v63 =	vld.idx.msk [tilespmem:v18+s16+$0x0], $0xffff;
	v3 =	vadd.f32 v6, v60;
	v6 =	vand.u32 $0x7FFFFFF8, v14  }
0x574: {  	v8 =	vshll.u32 v30, $0x5;
	v7 =	vshll.u32 v29, $0x5;
	[tilespmem:v16+s23+$0x0] =	vst.idx.msk $0xffff, v4;
	v4 =	vor.u32 v48, v6  }
0x575: {  	p0 =	slt.u32 s19, $0x1E0;
	v29 =	vmovc v23;
	v9 =	vshll.u32 v24, $0x5;
	v45 =	vmovc v56;
	v24 =	vshll.u32 v5, $0x5;
	v7 =	vor.u32 v0, v7  }
.Ltmp8:
0x576: {  	v56 =	vor.u32 v0, v8;
	v18 =	vshll.u32 v33, $0x5;
	v6 =	vshll.u32 v25, $0x5;
	[tilespmem:v17+s23+$0x0] =	vst.idx.msk $0xffff, v3;
	v23 =	vld.idx.msk [tilespmem:v22+s16+$0x0], $0xffff;
	(pc) =	sbr.rel @p0 .LBB2_15-.Ltmp8, $4  }
0x577: {  	v58 =	vor.u32 v0, v6;
	v22 =	vld.idx.msk [tilespmem:v2+s16+$0x0], $0xffff;
	v2 =	vadd.s32 v35, v43;
	v6 =	vadd.f32 v10, v60  }
0x578: {  	v30 =	vmovc v31;
	v31 =	vmovc v12;
	v17 =	vor.u32 s12, v47;
	v2 =	vand.u32 $0x7FFFFFF8, v2;
	v10 =	vadd.f32 v63, v60  }
0x579: {  	s29 =	smov.u32 s19;
	v33 =	vmovc v21;
	v3 =	vshll.u32 v19, $0x5;
	v19 =	vor.u32 v48, v2;
	v2 =	vshll.u32 v17, $0x5;
	[tilespmem:v4+s23+$0x0] =	vst.idx.msk $0xffff, v6  }
0x57a: {  	s30 =	sadd.s32 $0x10, s29;
	s19 =	sadd.s32 $0x20, s19;
	v35 =	vshll.u32 v15, $0x5;
	v3 =	vor.u32 v0, v3;
	v21 =	vor.u32 v0, v2;
	[tilespmem:v1+s23+$0x0] =	vst.idx.msk $0xffff, v10  }
0x57b: {  	v2 =	vor.u32 s30, v0  }
0x57c: {  	v1 =	vshll.u32 v2, $0x5  }
0x57d: {  	v4 =	vor.u32 v0, v1;
	v1 =	vld [tilespmem:$0x1FEB0];
	_ =	sdelay $0x1  }
0x57e: {  	s19 =	sshrl.u32 s29, $0x7  }
0x57f: {  	v14 =	vld [tilespmem:$0x1FFC0];
	s19 =	smul.u32 $0x380, s19;
	_ =	sdelay $0x1  }
0x580: {  	v51 =	vld [tilespmem:$0x1FEC0];
	v1 =	vadd.s32 s19, v1  }
0x581: {  	v4 =	vld.idx.msk [tilespmem:v4+s16+$0x0], $0xffff;
	v2 =	vadd.s32 v2, v1  }
0x582: {  	v2 =	vand.u32 $0x7FFFFFF8, v2  }
0x583: {  	v2 =	vor.u32 v14, v2;
	_ =	sdelay $0x1  }
0x584: {  	v6 =	vor.u32 s30, v51  }
0x585: {  	v8 =	vshll.u32 v6, $0x5;
	v4 =	vadd.f32 v4, v60  }
0x586: {  	v8 =	vor.u32 v0, v8  }
0x587: {  	[tilespmem:v2+s23+$0x0] =	vst.idx.msk $0xffff, v4  }
0x588: {  	v48 =	vld [tilespmem:$0x1FED0]  }
0x589: {  	v10 =	vld.idx.msk [tilespmem:v58+s16+$0x0], $0xffff;
	v12 =	vadd.s32 v25, v1  }
0x58a: {  	v2 =	vand.u32 $0x3FE8, v12;
	v25 =	vld [tilespmem:$0x1FEE0]  }
0x58b: {  	v6 =	vadd.s32 v6, v1;
	v2 =	vor.u32 v14, v2;
	v4 =	vld.idx.msk [tilespmem:v8+s16+$0x0], $0xffff  }
0x58c: {  	v6 =	vand.u32 $0x7FFFFFF8, v6  }
0x58d: {  	v6 =	vor.u32 v48, v6  }
0x58e: {  	v10 =	vadd.f32 v10, v60;
	v8 =	vshll.u32 v57, $0x5  }
0x58f: {  	v8 =	vor.u32 v0, v8;
	v12 =	vor.u32 s30, v25  }
0x590: {  	v58 =	vmov v14;
	[tilespmem:v2+s23+$0x0] =	vst.idx.msk $0xffff, v10;
	v2 =	vadd.f32 v4, v60;
	v14 =	vshll.u32 v12, $0x5  }
0x591: {  	v14 =	vor.u32 v0, v14  }
0x592: {  	[tilespmem:v6+s23+$0x0] =	vst.idx.msk $0xffff, v2  }
0x593: {  	v63 =	vld [tilespmem:$0x1FFF0]  }
0x594: {  	v4 =	vadd.s32 v57, v1;
	v8 =	vld.idx.msk [tilespmem:v8+s16+$0x0], $0xffff  }
0x595: {  	v2 =	vand.u32 $0x3FE8, v4;
	v41 =	vld [tilespmem:$0x1FE70]  }
0x596: {  	v6 =	vadd.s32 v12, v1;
	v2 =	vor.u32 v48, v2;
	v4 =	vld.idx.msk [tilespmem:v14+s16+$0x0], $0xffff  }
0x597: {  	v6 =	vand.u32 $0x7FFFFFF8, v6  }
0x598: {  	v6 =	vor.u32 v63, v6  }
0x599: {  	v8 =	vadd.f32 v8, v60  }
0x59a: {  	v10 =	vor.u32 v0, v38;
	v12 =	vor.u32 s30, v41  }
0x59b: {  	[tilespmem:v2+s23+$0x0] =	vst.idx.msk $0xffff, v8;
	v14 =	vshll.u32 v12, $0x5;
	v2 =	vadd.f32 v4, v60  }
0x59c: {  	v14 =	vor.u32 v0, v14  }
0x59d: {  	[tilespmem:v6+s23+$0x0] =	vst.idx.msk $0xffff, v2  }
0x59e: {  	v57 =	vld [tilespmem:$0x1FEF0]  }
0x59f: {  	v4 =	vadd.s32 v20, v1;
	v8 =	vld.idx.msk [tilespmem:v10+s16+$0x0], $0xffff  }
0x5a0: {  	v10 =	vor.u32 v0, v35;
	v2 =	vand.u32 $0x3FE8, v4;
	v35 =	vld [tilespmem:$0x1FE80]  }
0x5a1: {  	v6 =	vadd.s32 v12, v1;
	v2 =	vor.u32 v63, v2;
	v4 =	vld.idx.msk [tilespmem:v14+s16+$0x0], $0xffff  }
0x5a2: {  	v6 =	vand.u32 $0x7FFFFFF8, v6  }
0x5a3: {  	v6 =	vor.u32 v57, v6  }
0x5a4: {  	v8 =	vadd.f32 v8, v60  }
0x5a5: {  	v12 =	vor.u32 s30, v35  }
0x5a6: {  	[tilespmem:v2+s23+$0x0] =	vst.idx.msk $0xffff, v8;
	v14 =	vshll.u32 v12, $0x5;
	v2 =	vadd.f32 v4, v60  }
0x5a7: {  	v14 =	vor.u32 v0, v14  }
0x5a8: {  	[tilespmem:v6+s23+$0x0] =	vst.idx.msk $0xffff, v2  }
0x5a9: {  	v54 =	vld [tilespmem:$0x1FF00]  }
0x5aa: {  	v4 =	vadd.s32 v15, v1;
	v8 =	vld.idx.msk [tilespmem:v10+s16+$0x0], $0xffff  }
0x5ab: {  	v2 =	vand.u32 $0x3FE8, v4;
	v20 =	vld [tilespmem:$0x1FF10]  }
0x5ac: {  	v6 =	vadd.s32 v12, v1;
	v2 =	vor.u32 v57, v2;
	v4 =	vld.idx.msk [tilespmem:v14+s16+$0x0], $0xffff  }
0x5ad: {  	v6 =	vand.u32 $0x7FFFFFF8, v6  }
0x5ae: {  	v6 =	vor.u32 v54, v6  }
0x5af: {  	v8 =	vadd.f32 v8, v60  }
0x5b0: {  	v10 =	vor.u32 v0, v59;
	v12 =	vor.u32 s30, v20  }
0x5b1: {  	[tilespmem:v2+s23+$0x0] =	vst.idx.msk $0xffff, v8;
	v14 =	vshll.u32 v12, $0x5;
	v2 =	vadd.f32 v4, v60  }
0x5b2: {  	v14 =	vor.u32 v0, v14  }
0x5b3: {  	[tilespmem:v6+s23+$0x0] =	vst.idx.msk $0xffff, v2  }
0x5b4: {  	v62 =	vld [tilespmem:$0x1FFE0]  }
0x5b5: {  	v4 =	vadd.s32 v11, v1;
	v8 =	vld.idx.msk [tilespmem:v10+s16+$0x0], $0xffff  }
0x5b6: {  	v2 =	vand.u32 $0x3FE8, v4;
	v47 =	vld [tilespmem:$0x1FFB0]  }
0x5b7: {  	v6 =	vadd.s32 v12, v1;
	v2 =	vor.u32 v54, v2;
	v4 =	vld.idx.msk [tilespmem:v14+s16+$0x0], $0xffff  }
0x5b8: {  	v6 =	vand.u32 $0x7FFFFFF8, v6  }
0x5b9: {  	v10 =	vor.u32 v0, v24;
	v6 =	vor.u32 v62, v6  }
0x5ba: {  	v8 =	vadd.f32 v8, v60;
	_ =	sdelay $0x1  }
0x5bb: {  	v11 =	vor.u32 s30, v47;
	[tilespmem:v2+s23+$0x0] =	vst.idx.msk $0xffff, v8;
	v2 =	vadd.f32 v4, v60  }
0x5bc: {  	v12 =	vshll.u32 v11, $0x5  }
0x5bd: {  	v4 =	vadd.s32 v5, v1;
	v5 =	vld.idx.msk [tilespmem:v10+s16+$0x0], $0xffff;
	v12 =	vor.u32 v0, v12;
	[tilespmem:v6+s23+$0x0] =	vst.idx.msk $0xffff, v2  }
0x5be: {  	v38 =	vld [tilespmem:$0x1FF20]  }
0x5bf: {  	v52 =	vld [tilespmem:$0x1FFD0]  }
0x5c0: {  	v2 =	vand.u32 $0x3FE8, v4  }
0x5c1: {  	v8 =	vshll.u32 v55, $0x5;
	v2 =	vor.u32 v62, v2  }
0x5c2: {  	v8 =	vor.u32 v0, v8;
	v6 =	vadd.s32 v11, v1;
	v4 =	vld.idx.msk [tilespmem:v12+s16+$0x0], $0xffff  }
0x5c3: {  	v6 =	vand.u32 $0x7FFFFFF8, v6  }
0x5c4: {  	v5 =	vadd.f32 v5, v60;
	v10 =	vor.u32 s30, v38;
	v6 =	vor.u32 v52, v6  }
0x5c5: {  	v11 =	vshll.u32 v10, $0x5  }
0x5c6: {  	[tilespmem:v2+s23+$0x0] =	vst.idx.msk $0xffff, v5;
	v11 =	vor.u32 v0, v11  }
0x5c7: {  	v2 =	vadd.f32 v4, v60;
	v4 =	vadd.s32 v55, v1;
	v5 =	vld.idx.msk [tilespmem:v8+s16+$0x0], $0xffff  }
0x5c8: {  	v4 =	vand.u32 $0x3FE8, v4  }
0x5c9: {  	v4 =	vor.u32 v52, v4;
	[tilespmem:v6+s23+$0x0] =	vst.idx.msk $0xffff, v2;
	v2 =	vadd.f32 v23, v60;
	_ =	sdelay $0x1  }
0x5ca: {  	v6 =	vld.idx.msk [tilespmem:v11+s16+$0x0], $0xffff;
	[tilespmem:v19+s23+$0x0] =	vst.idx.msk $0xffff, v2  }
0x5cb: {  	v8 =	vadd.s32 v10, v1;
	v10 =	vshll.u32 v34, $0x5;
	v5 =	vadd.f32 v5, v60;
	v50 =	vld [tilespmem:$0x1FF30]  }
0x5cc: {  	v10 =	vor.u32 v0, v10;
	v2 =	vadd.f32 v22, v60;
	v19 =	vld [tilespmem:$0x1FF40]  }
0x5cd: {  	[tilespmem:v4+s23+$0x0] =	vst.idx.msk $0xffff, v5  }
0x5ce: {  	v12 =	vld.idx.msk [tilespmem:v21+s16+$0x0], $0xffff;
	[tilespmem:v42+s23+$0x0] =	vst.idx.msk $0xffff, v2;
	v2 =	vadd.s32 v17, v43  }
0x5cf: {  	v2 =	vand.u32 $0x7FFFFFF8, v2;
	v42 =	vld [tilespmem:$0x1FF90]  }
0x5d0: {  	v8 =	vand.u32 $0x7FFFFFF8, v8;
	v2 =	vor.u32 v58, v2;
	v4 =	vadd.f32 v6, v60  }
0x5d1: {  	v10 =	vld.idx.msk [tilespmem:v10+s16+$0x0], $0xffff;
	v6 =	vadd.s32 v34, v1;
	v8 =	vor.u32 v50, v8;
	v11 =	vor.u32 s30, v19  }
0x5d2: {  	v6 =	vand.u32 $0x3FE8, v6;
	v14 =	vshll.u32 v11, $0x5  }
0x5d3: {  	v12 =	vadd.f32 v12, v60;
	v6 =	vor.u32 v50, v6;
	v14 =	vor.u32 v0, v14  }
0x5d4: {  	v5 =	vor.u32 s12, v42  }
0x5d5: {  	v15 =	vshll.u32 v5, $0x5;
	[tilespmem:v2+s23+$0x0] =	vst.idx.msk $0xffff, v12  }
0x5d6: {  	v2 =	vadd.f32 v10, v60;
	[tilespmem:v8+s23+$0x0] =	vst.idx.msk $0xffff, v4;
	v4 =	vor.u32 v0, v15  }
0x5d7: {  	v3 =	vld.idx.msk [tilespmem:v3+s16+$0x0], $0xffff;
	v8 =	vor.u32 s29, v19  }
0x5d8: {  	v11 =	vadd.s32 v11, v1;
	v15 =	vshll.u32 v8, $0x5;
	[tilespmem:v6+s23+$0x0] =	vst.idx.msk $0xffff, v2;
	v14 =	vld.idx.msk [tilespmem:v14+s16+$0x0], $0xffff  }
0x5d9: {  	v11 =	vand.u32 $0x7FFFFFF8, v11;
	v15 =	vor.u32 v0, v15;
	v49 =	vld [tilespmem:$0x1FFA0]  }
0x5da: {  	v10 =	vor.u32 v58, v11;
	v11 =	vor.u32 s30, v42  }
0x5db: {  	v5 =	vadd.s32 v5, v43;
	v12 =	vor.u32 v0, v18;
	v16 =	vshll.u32 v11, $0x5;
	v4 =	vld.idx.msk [tilespmem:v4+s16+$0x0], $0xffff  }
0x5dc: {  	v5 =	vand.u32 $0x7FFFFFF8, v5;
	v2 =	vadd.f32 v3, v60;
	v3 =	vor.u32 v0, v16  }
0x5dd: {  	v5 =	vor.u32 v48, v5;
	v8 =	vadd.s32 v8, v1  }
0x5de: {  	v8 =	vand.u32 $0x3FE8, v8;
	v6 =	vor.u32 s12, v49;
	v15 =	vld.idx.msk [tilespmem:v15+s16+$0x0], $0xffff;
	v14 =	vadd.f32 v14, v60  }
0x5df: {  	[tilespmem:v36+s23+$0x0] =	vst.idx.msk $0xffff, v2;
	v8 =	vor.u32 v58, v8;
	v16 =	vshll.u32 v6, $0x5  }
0x5e0: {  	v12 =	vld.idx.msk [tilespmem:v12+s16+$0x0], $0xffff;
	v2 =	vor.u32 v0, v16;
	[tilespmem:v10+s23+$0x0] =	vst.idx.msk $0xffff, v14;
	v4 =	vadd.f32 v4, v60  }
0x5e1: {  	v11 =	vadd.s32 v11, v1;
	v10 =	vshll.u32 v33, $0x5;
	v3 =	vld.idx.msk [tilespmem:v3+s16+$0x0], $0xffff  }
0x5e2: {  	v10 =	vor.u32 v0, v10;
	[tilespmem:v5+s23+$0x0] =	vst.idx.msk $0xffff, v4;
	v4 =	vand.u32 $0x7FFFFFF8, v11  }
0x5e3: {  	v13 =	vor.u32 v0, v13;
	v5 =	vadd.f32 v15, v60;
	v4 =	vor.u32 v48, v4  }
0x5e4: {  	v6 =	vadd.s32 v6, v43;
	v11 =	vor.u32 s30, v49;
	v59 =	vld [tilespmem:$0x1FE90]  }
0x5e5: {  	v6 =	vand.u32 $0x7FFFFFF8, v6;
	v12 =	vadd.f32 v12, v60;
	v15 =	vshll.u32 v11, $0x5;
	v2 =	vld.idx.msk [tilespmem:v2+s16+$0x0], $0xffff;
	[tilespmem:v8+s23+$0x0] =	vst.idx.msk $0xffff, v5  }
0x5e6: {  	v5 =	vor.u32 v63, v6;
	v6 =	vor.u32 v0, v15;
	v3 =	vadd.f32 v3, v60  }
0x5e7: {  	[tilespmem:v61+s23+$0x0] =	vst.idx.msk $0xffff, v12;
	v15 =	vadd.s32 v33, v1;
	v10 =	vld.idx.msk [tilespmem:v10+s16+$0x0], $0xffff  }
0x5e8: {  	v16 =	vor.u32 s29, v49;
	v15 =	vand.u32 $0x3FE8, v15;
	[tilespmem:v4+s23+$0x0] =	vst.idx.msk $0xffff, v3;
	v3 =	vld.idx.msk [tilespmem:v13+s16+$0x0], $0xffff  }
0x5e9: {  	v12 =	vor.u32 v48, v15;
	v15 =	vshll.u32 v16, $0x5;
	v14 =	vor.u32 s12, v59  }
0x5ea: {  	v4 =	vor.u32 v0, v15;
	v8 =	vshll.u32 v14, $0x5;
	v2 =	vadd.f32 v2, v60  }
0x5eb: {  	v11 =	vadd.s32 v11, v1;
	v6 =	vld.idx.msk [tilespmem:v6+s16+$0x0], $0xffff;
	v8 =	vor.u32 v0, v8  }
0x5ec: {  	[tilespmem:v5+s23+$0x0] =	vst.idx.msk $0xffff, v2;
	v2 =	vld.idx.msk [tilespmem:v7+s16+$0x0], $0xffff;
	v5 =	vand.u32 $0x7FFFFFF8, v11;
	v7 =	vadd.f32 v10, v60  }
0x5ed: {  	v5 =	vor.u32 v63, v5;
	v3 =	vadd.f32 v3, v60  }
0x5ee: {  	v9 =	vor.u32 v0, v9;
	[tilespmem:v12+s23+$0x0] =	vst.idx.msk $0xffff, v7  }
0x5ef: {  	v13 =	vor.u32 s29, v59;
	v10 =	vadd.s32 v14, v43;
	v4 =	vld.idx.msk [tilespmem:v4+s16+$0x0], $0xffff;
	[tilespmem:v53+s23+$0x0] =	vst.idx.msk $0xffff, v3  }
0x5f0: {  	v11 =	vadd.s32 v16, v1;
	v7 =	vor.u32 s30, v59;
	v6 =	vadd.f32 v6, v60;
	v53 =	vld [tilespmem:$0x1FF70]  }
0x5f1: {  	v14 =	vshll.u32 v13, $0x5;
	v11 =	vand.u32 $0x3FE8, v11;
	v12 =	vshll.u32 v7, $0x5;
	v8 =	vld.idx.msk [tilespmem:v8+s16+$0x0], $0xffff  }
0x5f2: {  	v11 =	vor.u32 v63, v11;
	v12 =	vor.u32 v0, v12;
	[tilespmem:v5+s23+$0x0] =	vst.idx.msk $0xffff, v6;
	v5 =	vand.u32 $0x7FFFFFF8, v10  }
0x5f3: {  	v10 =	vor.u32 v0, v14;
	v5 =	vor.u32 v57, v5  }
0x5f4: {  	v15 =	vshll.u32 v40, $0x5  }
0x5f5: {  	v13 =	vadd.s32 v13, v1;
	v4 =	vadd.f32 v4, v60;
	v3 =	vor.u32 s12, v53  }
0x5f6: {  	v13 =	vand.u32 $0x3FE8, v13;
	v9 =	vld.idx.msk [tilespmem:v9+s16+$0x0], $0xffff;
	v8 =	vadd.f32 v8, v60;
	v6 =	vshll.u32 v3, $0x5  }
0x5f7: {  	v7 =	vadd.s32 v7, v1;
	v12 =	vld.idx.msk [tilespmem:v12+s16+$0x0], $0xffff;
	[tilespmem:v11+s23+$0x0] =	vst.idx.msk $0xffff, v4;
	v6 =	vor.u32 v0, v6  }
0x5f8: {  	v7 =	vand.u32 $0x7FFFFFF8, v7;
	v4 =	vor.u32 v57, v13;
	v13 =	vshll.u32 v28, $0x5;
	v10 =	vld.idx.msk [tilespmem:v10+s16+$0x0], $0xffff;
	[tilespmem:v5+s23+$0x0] =	vst.idx.msk $0xffff, v8  }
0x5f9: {  	v7 =	vor.u32 v57, v7;
	v14 =	vadd.s32 v40, v1;
	v8 =	vor.u32 v0, v13;
	v33 =	vld [tilespmem:$0x1FF50]  }
0x5fa: {  	v15 =	vor.u32 v0, v15;
	v11 =	vand.u32 $0x3FE8, v14;
	v14 =	vor.u32 s30, v53  }
0x5fb: {  	v9 =	vadd.f32 v9, v60;
	v3 =	vadd.s32 v3, v43;
	v13 =	vshll.u32 v14, $0x5  }
0x5fc: {  	v11 =	vor.u32 v54, v11;
	v13 =	vor.u32 v0, v13;
	v12 =	vadd.f32 v12, v60;
	v6 =	vld.idx.msk [tilespmem:v6+s16+$0x0], $0xffff  }
0x5fd: {  	v3 =	vand.u32 $0x7FFFFFF8, v3;
	v14 =	vadd.s32 v14, v1;
	[tilespmem:v46+s23+$0x0] =	vst.idx.msk $0xffff, v9;
	v10 =	vadd.f32 v10, v60  }
0x5fe: {  	v3 =	vor.u32 v54, v3;
	[tilespmem:v7+s23+$0x0] =	vst.idx.msk $0xffff, v12;
	v8 =	vld.idx.msk [tilespmem:v8+s16+$0x0], $0xffff;
	v9 =	vor.u32 s12, v33  }
0x5ff: {  	v5 =	vor.u32 s29, v33;
	[tilespmem:v4+s23+$0x0] =	vst.idx.msk $0xffff, v10;
	v4 =	vshll.u32 v32, $0x5;
	v7 =	vshll.u32 v9, $0x5  }
0x600: {  	v10 =	vand.u32 $0x7FFFFFF8, v14;
	v14 =	vor.u32 s30, v33;
	v15 =	vld.idx.msk [tilespmem:v15+s16+$0x0], $0xffff;
	v7 =	vor.u32 v0, v7  }
0x601: {  	v13 =	vld.idx.msk [tilespmem:v13+s16+$0x0], $0xffff;
	v16 =	vadd.s32 v5, v1;
	v4 =	vor.u32 v0, v4;
	v6 =	vadd.f32 v6, v60  }
0x602: {  	v10 =	vor.u32 v54, v10;
	v5 =	vshll.u32 v5, $0x5;
	v12 =	vand.u32 $0x3FE8, v16  }
0x603: {  	v16 =	vshll.u32 v14, $0x5;
	v5 =	vor.u32 v0, v5;
	v8 =	vadd.f32 v8, v60;
	[tilespmem:v3+s23+$0x0] =	vst.idx.msk $0xffff, v6  }
0x604: {  	v6 =	vor.u32 v0, v16;
	v34 =	vld [tilespmem:$0x1FF60]  }
0x605: {  	v9 =	vadd.s32 v9, v43;
	v15 =	vadd.f32 v15, v60;
	[tilespmem:v45+s23+$0x0] =	vst.idx.msk $0xffff, v8;
	v7 =	vld.idx.msk [tilespmem:v7+s16+$0x0], $0xffff  }
0x606: {  	v13 =	vadd.f32 v13, v60;
	v8 =	vand.u32 $0x7FFFFFF8, v9;
	v4 =	vld.idx.msk [tilespmem:v4+s16+$0x0], $0xffff  }
0x607: {  	v8 =	vor.u32 v62, v8;
	[tilespmem:v11+s23+$0x0] =	vst.idx.msk $0xffff, v15  }
0x608: {  	[tilespmem:v10+s23+$0x0] =	vst.idx.msk $0xffff, v13;
	v5 =	vld.idx.msk [tilespmem:v5+s16+$0x0], $0xffff  }
0x609: {  	v14 =	vadd.s32 v14, v1;
	v12 =	vor.u32 v62, v12;
	v6 =	vld.idx.msk [tilespmem:v6+s16+$0x0], $0xffff;
	v9 =	vor.u32 s12, v34  }
0x60a: {  	v14 =	vand.u32 $0x7FFFFFF8, v14;
	v7 =	vadd.f32 v7, v60;
	v13 =	vshll.u32 v9, $0x5  }
0x60b: {  	v14 =	vor.u32 v62, v14;
	v4 =	vadd.f32 v4, v60;
	v13 =	vor.u32 v0, v13  }
0x60c: {  	[tilespmem:v8+s23+$0x0] =	vst.idx.msk $0xffff, v7  }
0x60d: {  	v11 =	vshll.u32 v29, $0x5;
	v45 =	vld [tilespmem:$0x1FF80];
	[tilespmem:v37+s23+$0x0] =	vst.idx.msk $0xffff, v4;
	v4 =	vadd.f32 v5, v60  }
0x60e: {  	v11 =	vor.u32 v0, v11;
	v3 =	vor.u32 s29, v34;
	v6 =	vadd.f32 v6, v60  }
0x60f: {  	v15 =	vor.u32 s30, v34;
	v16 =	vadd.s32 v3, v1;
	v3 =	vshll.u32 v3, $0x5;
	[tilespmem:v12+s23+$0x0] =	vst.idx.msk $0xffff, v4  }
0x610: {  	v10 =	vand.u32 $0x3FE8, v16;
	v16 =	vshll.u32 v15, $0x5;
	v3 =	vor.u32 v0, v3;
	[tilespmem:v14+s23+$0x0] =	vst.idx.msk $0xffff, v6;
	v8 =	vld.idx.msk [tilespmem:v13+s16+$0x0], $0xffff  }
0x611: {  	v16 =	vor.u32 v0, v16;
	v13 =	vadd.s32 v15, v1;
	v15 =	vld [tilespmem:$0x1F7B0];
	_ =	sdelay $0x1  }
0x612: {  	v7 =	vadd.s32 v9, v43;
	v11 =	vld.idx.msk [tilespmem:v11+s16+$0x0], $0xffff  }
0x613: {  	v7 =	vand.u32 $0x7FFFFFF8, v7;
	v9 =	vor.u32 s12, v45  }
0x614: {  	v5 =	vor.u32 v52, v7;
	v3 =	vld.idx.msk [tilespmem:v3+s16+$0x0], $0xffff;
	v7 =	vshll.u32 v9, $0x5  }
0x615: {  	v6 =	vor.u32 v0, v7;
	v7 =	vld.idx.msk [tilespmem:v16+s16+$0x0], $0xffff  }
0x616: {  	v2 =	vadd.f32 v2, v60;
	v10 =	vor.u32 v52, v10;
	v12 =	vand.u32 $0x7FFFFFF8, v13  }
0x617: {  	v12 =	vor.u32 v52, v12;
	v11 =	vadd.f32 v11, v60  }
0x618: {  	[tilespmem:v15+s23+$0x0] =	vst.idx.msk $0xffff, v2;
	v2 =	vadd.f32 v8, v60  }
0x619: {  	[tilespmem:v39+s23+$0x0] =	vst.idx.msk $0xffff, v11;
	v3 =	vadd.f32 v3, v60  }
0x61a: {  	v4 =	vshll.u32 v30, $0x5;
	v13 =	vor.u32 s30, v45;
	[tilespmem:v5+s23+$0x0] =	vst.idx.msk $0xffff, v2;
	v2 =	vadd.f32 v7, v60  }
0x61b: {  	v4 =	vor.u32 v0, v4;
	v14 =	vshll.u32 v13, $0x5;
	[tilespmem:v10+s23+$0x0] =	vst.idx.msk $0xffff, v3  }
0x61c: {  	v8 =	vor.u32 v0, v14;
	v14 =	vshll.u32 v31, $0x5;
	[tilespmem:v12+s23+$0x0] =	vst.idx.msk $0xffff, v2  }
0x61d: {  	v14 =	vor.u32 v0, v14;
	v11 =	vld [tilespmem:$0x1F7C0]  }
0x61e: {  	v15 =	vld.idx.msk [tilespmem:v56+s16+$0x0], $0xffff  }
0x61f: {  	v5 =	vld.idx.msk [tilespmem:v6+s16+$0x0], $0xffff;
	v6 =	vadd.s32 v9, v43  }
0x620: {  	v4 =	vld.idx.msk [tilespmem:v4+s16+$0x0], $0xffff;
	v6 =	vand.u32 $0x7FFFFFF8, v6  }
0x621: {  	v7 =	vadd.s32 v13, v1;
	v2 =	vor.u32 v50, v6;
	v6 =	vld.idx.msk [tilespmem:v8+s16+$0x0], $0xffff  }
0x622: {  	v1 =	vadd.s32 v31, v1;
	v7 =	vand.u32 $0x7FFFFFF8, v7;
	v8 =	vld.idx.msk [tilespmem:v14+s16+$0x0], $0xffff  }
0x623: {  	v1 =	vand.u32 $0x3FE8, v1;
	v7 =	vor.u32 v50, v7;
	v3 =	vadd.f32 v15, v60  }
0x624: {  	v1 =	vor.u32 v50, v1;
	v5 =	vadd.f32 v5, v60  }
0x625: {  	[tilespmem:v11+s23+$0x0] =	vst.idx.msk $0xffff, v3;
	v3 =	vadd.f32 v4, v60  }
0x626: {  	[tilespmem:v2+s23+$0x0] =	vst.idx.msk $0xffff, v5;
	v2 =	vadd.f32 v6, v60  }
0x627: {  	[tilespmem:v44+s23+$0x0] =	vst.idx.msk $0xffff, v3;
	v3 =	vadd.f32 v8, v60  }
0x628: {  	s29 =	simm.s32 $0x10;
	[tilespmem:v7+s23+$0x0] =	vst.idx.msk $0xffff, v2  }
0x629: {  	v9 =	vor.u32 s29, v0;
	[tilespmem:v1+s23+$0x0] =	vst.idx.msk $0xffff, v3  }
0x62a: {  	v10 =	vshll.u32 v9, $0x5;
	v30 =	vld [tilespmem:$0x1FEA0]  }
0x62b: {  	v4 =	vor.u32 v26, v10  }
0x62c: {  	s30 =	simm.s32 $0x0  }
0x62d: {  	s19 =	smul.u32 $0x380, s30;
	_ =	sdelay $0x1  }
0x62e: {  	v1 =	vadd.s32 s19, v30  }
0x62f: {  	v2 =	vld.idx.msk [tilespmem:v4+s16+$0x0], $0xffff;
	v3 =	vadd.s32 v9, v1  }
0x630: {  	v4 =	vor.u32 s29, v51;
	v3 =	vand.u32 $0x7FFFFFF8, v3  }
0x631: {  	v5 =	vshll.u32 v4, $0x5;
	v3 =	vor.u32 v58, v3  }
0x632: {  	v5 =	vor.u32 v26, v5;
	_ =	sdelay $0x1  }
0x633: {  	v2 =	vadd.f32 v2, v27;
	_ =	sdelay $0x1  }
0x634: {  	[tilespmem:v3+s23+$0x0] =	vst.idx.msk $0xffff, v2;
	v2 =	vor.u32 s0, v0  }
0x635: {  	v4 =	vadd.s32 v4, v1;
	v3 =	vld.idx.msk [tilespmem:v5+s16+$0x0], $0xffff;
	v5 =	vshll.u32 v2, $0x5  }
0x636: {  	v6 =	vor.u32 s29, v25;
	v4 =	vand.u32 $0x7FFFFFF8, v4;
	v5 =	vor.u32 v26, v5  }
0x637: {  	v7 =	vshll.u32 v6, $0x5;
	v4 =	vor.u32 v48, v4  }
0x638: {  	v7 =	vor.u32 v26, v7;
	_ =	sdelay $0x1  }
0x639: {  	v3 =	vadd.f32 v3, v27  }
0x63a: {  	v2 =	vadd.s32 v2, v1;
	v5 =	vld.idx.msk [tilespmem:v5+s16+$0x0], $0xffff  }
0x63b: {  	v8 =	vor.u32 s0, v51;
	v2 =	vand.u32 $0x7FE8, v2;
	[tilespmem:v4+s23+$0x0] =	vst.idx.msk $0xffff, v3  }
0x63c: {  	v6 =	vadd.s32 v6, v1;
	v2 =	vor.u32 v58, v2;
	v3 =	vshll.u32 v8, $0x5;
	v4 =	vld.idx.msk [tilespmem:v7+s16+$0x0], $0xffff  }
0x63d: {  	v6 =	vand.u32 $0x7FFFFFF8, v6;
	v7 =	vor.u32 s29, v41;
	v3 =	vor.u32 v26, v3  }
0x63e: {  	v6 =	vor.u32 v63, v6;
	v9 =	vshll.u32 v7, $0x5  }
0x63f: {  	v9 =	vor.u32 v26, v9;
	v5 =	vadd.f32 v5, v27;
	_ =	sdelay $0x1  }
0x640: {  	v4 =	vadd.f32 v4, v27;
	[tilespmem:v2+s23+$0x0] =	vst.idx.msk $0xffff, v5  }
0x641: {  	v5 =	vadd.s32 v8, v1;
	v3 =	vld.idx.msk [tilespmem:v3+s16+$0x0], $0xffff  }
0x642: {  	v2 =	vor.u32 s0, v25;
	v5 =	vand.u32 $0x7FE8, v5;
	[tilespmem:v6+s23+$0x0] =	vst.idx.msk $0xffff, v4  }
0x643: {  	v7 =	vadd.s32 v7, v1;
	v4 =	vshll.u32 v2, $0x5;
	v5 =	vor.u32 v48, v5;
	v6 =	vld.idx.msk [tilespmem:v9+s16+$0x0], $0xffff  }
0x644: {  	v7 =	vand.u32 $0x7FFFFFF8, v7;
	v8 =	vor.u32 s29, v35;
	v4 =	vor.u32 v26, v4  }
0x645: {  	v7 =	vor.u32 v57, v7;
	v9 =	vshll.u32 v8, $0x5  }
0x646: {  	v9 =	vor.u32 v26, v9;
	v3 =	vadd.f32 v3, v27;
	_ =	sdelay $0x1  }
0x647: {  	v6 =	vadd.f32 v6, v27;
	[tilespmem:v5+s23+$0x0] =	vst.idx.msk $0xffff, v3  }
0x648: {  	v2 =	vadd.s32 v2, v1;
	v4 =	vld.idx.msk [tilespmem:v4+s16+$0x0], $0xffff  }
0x649: {  	v10 =	vor.u32 s0, v41;
	v2 =	vand.u32 $0x7FE8, v2;
	[tilespmem:v7+s23+$0x0] =	vst.idx.msk $0xffff, v6  }
0x64a: {  	v2 =	vor.u32 v63, v2;
	v3 =	vshll.u32 v10, $0x5;
	v5 =	vadd.s32 v8, v1;
	v6 =	vld.idx.msk [tilespmem:v9+s16+$0x0], $0xffff  }
0x64b: {  	v5 =	vand.u32 $0x7FFFFFF8, v5;
	v8 =	vor.u32 v26, v3  }
0x64c: {  	v9 =	vor.u32 v54, v5  }
0x64d: {  	v7 =	vor.u32 s29, v20;
	v4 =	vadd.f32 v4, v27  }
0x64e: {  	v3 =	vshll.u32 v7, $0x5  }
0x64f: {  	v11 =	vor.u32 v26, v3;
	v6 =	vadd.f32 v6, v27;
	[tilespmem:v2+s23+$0x0] =	vst.idx.msk $0xffff, v4  }
0x650: {  	v10 =	vadd.s32 v10, v1;
	v8 =	vld.idx.msk [tilespmem:v8+s16+$0x0], $0xffff  }
0x651: {  	v22 =	vor.u32 s0, v49;
	v2 =	vor.u32 s0, v35;
	[tilespmem:v9+s23+$0x0] =	vst.idx.msk $0xffff, v6;
	v9 =	vand.u32 $0x7FE8, v10  }
0x652: {  	v23 =	vor.u32 s0, v59;
	v6 =	vshll.u32 v2, $0x5;
	v9 =	vor.u32 v57, v9  }
0x653: {  	v13 =	vor.u32 s0, v47;
	v12 =	vor.u32 s0, v42;
	v6 =	vor.u32 v26, v6  }
0x654: {  	v14 =	vor.u32 s0, v38;
	v15 =	vor.u32 s0, v20;
	v7 =	vadd.s32 v7, v1;
	v10 =	vld.idx.msk [tilespmem:v11+s16+$0x0], $0xffff  }
0x655: {  	v7 =	vand.u32 $0x7FFFFFF8, v7;
	v11 =	vor.u32 s29, v47;
	v8 =	vadd.f32 v8, v27  }
0x656: {  	v17 =	vadd.s32 v13, v1;
	v7 =	vor.u32 v62, v7;
	v16 =	vshll.u32 v11, $0x5  }
0x657: {  	v4 =	vshll.u32 v15, $0x5;
	v15 =	vadd.s32 v15, v1;
	v16 =	vor.u32 v26, v16;
	[tilespmem:v9+s23+$0x0] =	vst.idx.msk $0xffff, v8  }
0x658: {  	v5 =	vor.u32 s0, v53;
	v15 =	vand.u32 $0x7FE8, v15;
	v2 =	vadd.s32 v2, v1;
	v6 =	vld.idx.msk [tilespmem:v6+s16+$0x0], $0xffff  }
0x659: {  	v44 =	vmovc v20;
	v20 =	vor.u32 v62, v15;
	v2 =	vand.u32 $0x7FE8, v2;
	v10 =	vadd.f32 v10, v27  }
0x65a: {  	v15 =	vand.u32 $0x7FE8, v17;
	v2 =	vor.u32 v54, v2;
	v8 =	vadd.s32 v14, v1  }
0x65b: {  	v4 =	vor.u32 v26, v4;
	v21 =	vor.u32 v52, v15;
	[tilespmem:v7+s23+$0x0] =	vst.idx.msk $0xffff, v10;
	v7 =	vand.u32 $0x7FE8, v8  }
0x65c: {  	v8 =	vor.u32 s0, v19;
	v10 =	vadd.s32 v11, v1;
	v9 =	vld.idx.msk [tilespmem:v16+s16+$0x0], $0xffff;
	v16 =	vor.u32 v50, v7  }
0x65d: {  	v7 =	vand.u32 $0x7FFFFFF8, v10;
	v10 =	vor.u32 s29, v38;
	v6 =	vadd.f32 v6, v27  }
0x65e: {  	v11 =	vadd.s32 v8, v1;
	v7 =	vor.u32 v52, v7;
	v15 =	vshll.u32 v10, $0x5  }
0x65f: {  	v17 =	vadd.s32 v12, v1;
	v11 =	vand.u32 $0x7FE8, v11;
	v15 =	vor.u32 v26, v15;
	[tilespmem:v2+s23+$0x0] =	vst.idx.msk $0xffff, v6  }
0x660: {  	v36 =	vmovc v19;
	v19 =	vor.u32 v58, v11;
	v11 =	vand.u32 $0x7FE8, v17;
	v17 =	vadd.s32 v22, v1;
	v4 =	vld.idx.msk [tilespmem:v4+s16+$0x0], $0xffff  }
0x661: {  	v18 =	vor.u32 v48, v11;
	v11 =	vand.u32 $0x7FE8, v17;
	v9 =	vadd.f32 v9, v27  }
0x662: {  	v17 =	vor.u32 v63, v11;
	v2 =	vadd.s32 v23, v1;
	v6 =	vadd.s32 v5, v1  }
0x663: {  	v2 =	vand.u32 $0x7FE8, v2;
	[tilespmem:v7+s23+$0x0] =	vst.idx.msk $0xffff, v9;
	v7 =	vadd.s32 v10, v1;
	v9 =	vshll.u32 v13, $0x5  }
0x664: {  	v10 =	vor.u32 s29, v36;
	v24 =	vld.idx.msk [tilespmem:v15+s16+$0x0], $0xffff;
	v15 =	vor.u32 v57, v2;
	v2 =	vand.u32 $0x7FE8, v6  }
0x665: {  	v7 =	vand.u32 $0x7FFFFFF8, v7;
	v11 =	vor.u32 v54, v2;
	v2 =	vadd.f32 v4, v27  }
0x666: {  	v25 =	vor.u32 v26, v9;
	v28 =	vor.u32 v50, v7;
	v7 =	vshll.u32 v10, $0x5  }
0x667: {  	v6 =	vor.u32 v26, v7;
	[tilespmem:v20+s23+$0x0] =	vst.idx.msk $0xffff, v2  }
0x668: {  	v2 =	vld [tilespmem:$0x1F7E0]  }
0x669: {  	v7 =	vor.u32 s0, v33;
	v24 =	vadd.f32 v24, v27  }
0x66a: {  	v9 =	vor.u32 s0, v34;
	v4 =	vadd.s32 v7, v1  }
0x66b: {  	v29 =	vadd.s32 v9, v1;
	v4 =	vand.u32 $0x7FE8, v4;
	v20 =	vld.idx.msk [tilespmem:v25+s16+$0x0], $0xffff;
	[tilespmem:v28+s23+$0x0] =	vst.idx.msk $0xffff, v24  }
0x66c: {  	v13 =	vor.u32 v62, v4;
	v4 =	vand.u32 $0x7FE8, v29;
	v28 =	vor.u32 s29, v42;
	v6 =	vld.idx.msk [tilespmem:v6+s16+$0x0], $0xffff  }
0x66d: {  	v4 =	vor.u32 v52, v4;
	v25 =	vld [tilespmem:$0x1F7D0];
	v29 =	vshll.u32 v28, $0x5;
	v2 =	vor.u32 v26, v2  }
0x66e: {  	v3 =	vor.u32 s0, v45;
	[tilespmem:$0x1F780] =	vst v4;
	v4 =	vor.u32 v26, v29;
	v29 =	vld [tilespmem:$0x1F860]  }
0x66f: {  	v24 =	vadd.s32 v3, v1  }
0x670: {  	v46 =	vadd.s32 s28, v30;
	v14 =	vshll.u32 v14, $0x5;
	v24 =	vand.u32 $0x7FE8, v24  }
0x671: {  	v10 =	vadd.s32 v10, v1;
	v24 =	vor.u32 v50, v24;
	v20 =	vadd.f32 v20, v27  }
0x672: {  	v14 =	vor.u32 v26, v14;
	v10 =	vand.u32 $0x7FFFFFF8, v10;
	v25 =	vor.u32 v26, v25;
	v2 =	vld.idx.msk [tilespmem:v2+s16+$0x0], $0xffff;
	[tilespmem:$0x1F790] =	vst v24  }
0x673: {  	v10 =	vor.u32 v58, v10;
	v29 =	vadd.s32 v29, v46;
	[tilespmem:v21+s23+$0x0] =	vst.idx.msk $0xffff, v20  }
0x674: {  	v29 =	vand.u32 $0x7FFFFFF8, v29;
	v20 =	vshll.u32 v23, $0x5;
	v23 =	vld [tilespmem:$0x1F840]  }
0x675: {  	v24 =	vor.u32 v58, v29  }
0x676: {  	v6 =	vadd.f32 v6, v27  }
0x677: {  	v21 =	vld.idx.msk [tilespmem:v25+s16+$0x0], $0xffff  }
0x678: {  	[tilespmem:v10+s23+$0x0] =	vst.idx.msk $0xffff, v6;
	v10 =	vld.idx.msk [tilespmem:v14+s16+$0x0], $0xffff;
	v2 =	vadd.f32 v2, v27  }
0x679: {  	v6 =	vshll.u32 v22, $0x5;
	v22 =	vld [tilespmem:$0x1F870];
	v23 =	vadd.s32 v23, v46  }
0x67a: {  	v25 =	vld [tilespmem:$0x1F830];
	[tilespmem:v24+s23+$0x0] =	vst.idx.msk $0xffff, v2;
	v14 =	vand.u32 $0x7FE8, v23  }
0x67b: {  	v24 =	vor.u32 v26, v20;
	v20 =	vld [tilespmem:$0x1F8C0];
	v14 =	vor.u32 v58, v14;
	_ =	sdelay $0x2  }
0x67c: {  	v21 =	vadd.f32 v21, v27  }
0x67d: {  	v4 =	vld.idx.msk [tilespmem:v4+s16+$0x0], $0xffff;
	v23 =	vadd.s32 v28, v1  }
0x67e: {  	v23 =	vand.u32 $0x7FFFFFF8, v23;
	v20 =	vadd.s32 v20, v46;
	[tilespmem:v14+s23+$0x0] =	vst.idx.msk $0xffff, v21  }
0x67f: {  	v2 =	vshll.u32 v8, $0x5;
	v8 =	vor.u32 v48, v23;
	v14 =	vand.u32 $0x7FFFFFF8, v20;
	v20 =	vld [tilespmem:$0x1F850];
	_ =	sdelay $0x2  }
0x680: {  	v22 =	vor.u32 v26, v22;
	v4 =	vadd.f32 v4, v27  }
0x681: {  	v25 =	vor.u32 v26, v25  }
0x682: {  	[tilespmem:v8+s23+$0x0] =	vst.idx.msk $0xffff, v4;
	v20 =	vadd.s32 v20, v46  }
0x683: {  	v28 =	vor.u32 s29, v49;
	v8 =	vand.u32 $0x7FE8, v20;
	v20 =	vld [tilespmem:$0x1F8D0]  }
0x684: {  	v23 =	vshll.u32 v28, $0x5  }
0x685: {  	v23 =	vor.u32 v26, v23;
	v22 =	vld.idx.msk [tilespmem:v22+s16+$0x0], $0xffff  }
0x686: {  	v10 =	vadd.f32 v10, v27;
	v21 =	vld.idx.msk [tilespmem:v25+s16+$0x0], $0xffff  }
0x687: {  	v4 =	vld [tilespmem:$0x1F7F0]  }
0x688: {  	v2 =	vor.u32 v26, v2;
	v25 =	vor.u32 v26, v20;
	v20 =	vld [tilespmem:$0x1F800];
	[tilespmem:v16+s23+$0x0] =	vst.idx.msk $0xffff, v10  }
0x689: {  	v14 =	vor.u32 v48, v14;
	v29 =	vld [tilespmem:$0x1F880]  }
0x68a: {  	v23 =	vld.idx.msk [tilespmem:v23+s16+$0x0], $0xffff;
	v8 =	vor.u32 v48, v8  }
0x68b: {  	v28 =	vadd.s32 v28, v1;
	v10 =	vld [tilespmem:$0x1F810]  }
0x68c: {  	v16 =	vadd.f32 v22, v27;
	v22 =	vand.u32 $0x7FFFFFF8, v28;
	v28 =	vld [tilespmem:$0x1F820]  }
0x68d: {  	v21 =	vadd.f32 v21, v27;
	v2 =	vld.idx.msk [tilespmem:v2+s16+$0x0], $0xffff  }
0x68e: {  	v30 =	vld [tilespmem:$0x1F890];
	[tilespmem:v14+s23+$0x0] =	vst.idx.msk $0xffff, v16;
	v14 =	vor.u32 s29, v59;
	v29 =	vadd.s32 v29, v46  }
0x68f: {  	v31 =	vld [tilespmem:$0x1F8E0];
	[tilespmem:v8+s23+$0x0] =	vst.idx.msk $0xffff, v21;
	v16 =	vand.u32 $0x7FE8, v29;
	v29 =	vshll.u32 v14, $0x5  }
0x690: {  	v22 =	vor.u32 v63, v22;
	v8 =	vor.u32 v26, v29;
	v29 =	vld [tilespmem:$0x1F8A0];
	_ =	sdelay $0x2  }
0x691: {  	v23 =	vadd.f32 v23, v27  }
0x692: {  	v2 =	vadd.f32 v2, v27  }
0x693: {  	v25 =	vld.idx.msk [tilespmem:v25+s16+$0x0], $0xffff;
	[tilespmem:v22+s23+$0x0] =	vst.idx.msk $0xffff, v23;
	v29 =	vadd.s32 v29, v46  }
0x694: {  	v23 =	vand.u32 $0x7FE8, v29;
	v29 =	vld [tilespmem:$0x1F8B0];
	[tilespmem:v19+s23+$0x0] =	vst.idx.msk $0xffff, v2  }
0x695: {  	v31 =	vadd.s32 v31, v46;
	v19 =	vld [tilespmem:$0x1F8F0]  }
0x696: {  	v10 =	vor.u32 v26, v10;
	v21 =	vand.u32 $0x7FFFFFF8, v31  }
0x697: {  	v21 =	vor.u32 v63, v21;
	_ =	sdelay $0x1  }
0x698: {  	v29 =	vadd.s32 v29, v46  }
0x699: {  	v2 =	vand.u32 $0x7FE8, v29;
	v29 =	vor.u32 v26, v19;
	v19 =	vadd.f32 v25, v27  }
0x69a: {  	v10 =	vld.idx.msk [tilespmem:v10+s16+$0x0], $0xffff  }
0x69b: {  	v25 =	vld [tilespmem:$0x1F950];
	[tilespmem:v21+s23+$0x0] =	vst.idx.msk $0xffff, v19  }
0x69c: {  	v19 =	vld [tilespmem:$0x1F990]  }
0x69d: {  	v16 =	vor.u32 v63, v16;
	_ =	sdelay $0x2  }
0x69e: {  	v10 =	vadd.f32 v10, v27  }
0x69f: {  	v12 =	vshll.u32 v12, $0x5;
	v19 =	vadd.s32 v19, v46  }
0x6a0: {  	v12 =	vor.u32 v26, v12;
	v8 =	vld.idx.msk [tilespmem:v8+s16+$0x0], $0xffff;
	[tilespmem:v16+s23+$0x0] =	vst.idx.msk $0xffff, v10;
	v16 =	vand.u32 $0x7FE8, v19  }
0x6a1: {  	v14 =	vadd.s32 v14, v1;
	v32 =	vor.u32 v50, v16;
	v16 =	vld [tilespmem:$0x1F900]  }
0x6a2: {  	v60 =	vmov v58;
	v28 =	vor.u32 v26, v28;
	v14 =	vand.u32 $0x7FFFFFF8, v14;
	v58 =	vld [tilespmem:$0x1F9C0]  }
0x6a3: {  	v30 =	vadd.s32 v30, v46;
	v14 =	vor.u32 v57, v14  }
0x6a4: {  	v22 =	vand.u32 $0x7FE8, v30;
	v25 =	vadd.s32 v25, v46  }
0x6a5: {  	v12 =	vld.idx.msk [tilespmem:v12+s16+$0x0], $0xffff;
	v8 =	vadd.f32 v8, v27;
	v21 =	vor.u32 s29, v53;
	v10 =	vand.u32 $0x7FE8, v25  }
0x6a6: {  	v30 =	vshll.u32 v21, $0x5;
	v19 =	vor.u32 v52, v10;
	v10 =	vld.idx.msk [tilespmem:v29+s16+$0x0], $0xffff;
	v16 =	vadd.s32 v16, v46  }
0x6a7: {  	v28 =	vld.idx.msk [tilespmem:v28+s16+$0x0], $0xffff;
	v25 =	vor.u32 v26, v30;
	v31 =	vadd.s32 v58, v46;
	v16 =	vand.u32 $0x7FFFFFF8, v16  }
0x6a8: {  	v29 =	vld [tilespmem:$0x1F9E0];
	[tilespmem:v14+s23+$0x0] =	vst.idx.msk $0xffff, v8;
	v8 =	vand.u32 $0x7FE8, v31;
	v16 =	vor.u32 v57, v16  }
0x6a9: {  	v22 =	vor.u32 v57, v22;
	v42 =	vor.u32 v48, v8;
	v8 =	vld [tilespmem:$0x1F910]  }
0x6aa: {  	v12 =	vadd.f32 v12, v27  }
0x6ab: {  	v21 =	vadd.s32 v21, v1;
	v10 =	vadd.f32 v10, v27  }
0x6ac: {  	v14 =	vld.idx.msk [tilespmem:v25+s16+$0x0], $0xffff;
	[tilespmem:v18+s23+$0x0] =	vst.idx.msk $0xffff, v12;
	v18 =	vand.u32 $0x7FFFFFF8, v21;
	v21 =	vadd.f32 v28, v27  }
0x6ad: {  	v6 =	vor.u32 v26, v6;
	v43 =	vld [tilespmem:$0x1F9D0];
	[tilespmem:v16+s23+$0x0] =	vst.idx.msk $0xffff, v10  }
0x6ae: {  	v8 =	vor.u32 v26, v8;
	v59 =	vld [tilespmem:$0x1F9B0];
	[tilespmem:v22+s23+$0x0] =	vst.idx.msk $0xffff, v21  }
0x6af: {  	v21 =	vld [tilespmem:$0x1F920]  }
0x6b0: {  	v4 =	vor.u32 v26, v4  }
0x6b1: {  	v18 =	vor.u32 v54, v18  }
0x6b2: {  	v6 =	vld.idx.msk [tilespmem:v6+s16+$0x0], $0xffff;
	v12 =	vadd.s32 v43, v46  }
0x6b3: {  	v12 =	vand.u32 $0x7FE8, v12;
	v8 =	vld.idx.msk [tilespmem:v8+s16+$0x0], $0xffff  }
0x6b4: {  	v14 =	vadd.f32 v14, v27;
	v39 =	vor.u32 v63, v12;
	v63 =	vld [tilespmem:$0x1FA40];
	v21 =	vadd.s32 v21, v46  }
0x6b5: {  	v4 =	vld.idx.msk [tilespmem:v4+s16+$0x0], $0xffff;
	v21 =	vand.u32 $0x7FFFFFF8, v21  }
0x6b6: {  	v56 =	vld [tilespmem:$0x1FA50];
	[tilespmem:v18+s23+$0x0] =	vst.idx.msk $0xffff, v14;
	v18 =	vor.u32 v54, v21  }
0x6b7: {  	v23 =	vor.u32 v54, v23;
	v10 =	vadd.s32 v59, v46  }
0x6b8: {  	v25 =	vor.u32 s29, v33;
	v6 =	vadd.f32 v6, v27;
	v10 =	vand.u32 $0x7FE8, v10  }
0x6b9: {  	v16 =	vshll.u32 v25, $0x5;
	v8 =	vadd.f32 v8, v27;
	v31 =	vor.u32 v57, v10;
	v10 =	vld [tilespmem:$0x1F930]  }
0x6ba: {  	v12 =	vor.u32 v26, v16;
	v4 =	vadd.f32 v4, v27;
	[tilespmem:v17+s23+$0x0] =	vst.idx.msk $0xffff, v6  }
0x6bb: {  	[tilespmem:v18+s23+$0x0] =	vst.idx.msk $0xffff, v8  }
0x6bc: {  	v55 =	vld [tilespmem:$0x1FA70];
	[tilespmem:v23+s23+$0x0] =	vst.idx.msk $0xffff, v4  }
0x6bd: {  	v49 =	vld [tilespmem:$0x1FA60]  }
0x6be: {  	v22 =	vadd.s32 v56, v46;
	v10 =	vor.u32 v26, v10  }
0x6bf: {  	v20 =	vor.u32 v26, v20;
	v14 =	vand.u32 $0x7FE8, v22;
	v6 =	vld.idx.msk [tilespmem:v12+s16+$0x0], $0xffff;
	v12 =	vadd.s32 v25, v1  }
0x6c0: {  	v29 =	vadd.s32 v29, v46;
	v28 =	vor.u32 v62, v14;
	v14 =	vld.idx.msk [tilespmem:v24+s16+$0x0], $0xffff;
	v12 =	vand.u32 $0x7FFFFFF8, v12  }
0x6c1: {  	v29 =	vand.u32 $0x7FE8, v29;
	v12 =	vor.u32 v62, v12;
	v8 =	vadd.s32 v55, v46  }
0x6c2: {  	v30 =	vor.u32 v60, v29;
	v4 =	vand.u32 $0x7FE8, v8;
	v8 =	vadd.s32 v49, v46  }
0x6c3: {  	v16 =	vadd.s32 v63, v46;
	v29 =	vor.u32 v52, v4;
	v4 =	vld.idx.msk [tilespmem:v10+s16+$0x0], $0xffff;
	v8 =	vand.u32 $0x7FE8, v8  }
0x6c4: {  	v16 =	vand.u32 $0x7FE8, v16;
	v6 =	vadd.f32 v6, v27;
	v10 =	vld [tilespmem:$0x1F940];
	v8 =	vor.u32 v50, v8  }
0x6c5: {  	v37 =	vor.u32 v54, v16;
	v16 =	vor.u32 s29, v34;
	v14 =	vadd.f32 v14, v27;
	v18 =	vld.idx.msk [tilespmem:v20+s16+$0x0], $0xffff;
	[tilespmem:$0x1F7A0] =	vst v8  }
0x6c6: {  	v17 =	vshll.u32 v16, $0x5;
	[tilespmem:v12+s23+$0x0] =	vst.idx.msk $0xffff, v6  }
0x6c7: {  	v5 =	vshll.u32 v5, $0x5;
	v17 =	vor.u32 v26, v17;
	[tilespmem:v15+s23+$0x0] =	vst.idx.msk $0xffff, v14  }
0x6c8: {  	v5 =	vor.u32 v26, v5;
	v12 =	vld [tilespmem:$0x1F960]  }
0x6c9: {  	v10 =	vadd.s32 v10, v46  }
0x6ca: {  	v10 =	vand.u32 $0x7FFFFFF8, v10  }
0x6cb: {  	v8 =	vor.u32 v62, v10  }
0x6cc: {  	v2 =	vor.u32 v62, v2;
	v6 =	vld.idx.msk [tilespmem:v17+s16+$0x0], $0xffff;
	v10 =	vadd.s32 v16, v1  }
0x6cd: {  	v16 =	vld.idx.msk [tilespmem:v5+s16+$0x0], $0xffff;
	v5 =	vand.u32 $0x7FFFFFF8, v10;
	v12 =	vor.u32 v26, v12  }
0x6ce: {  	v4 =	vadd.f32 v4, v27;
	v17 =	vor.u32 v52, v5  }
0x6cf: {  	v15 =	vadd.f32 v18, v27;
	v14 =	vld [tilespmem:$0x1F970]  }
0x6d0: {  	v10 =	vor.u32 s29, v45;
	[tilespmem:v8+s23+$0x0] =	vst.idx.msk $0xffff, v4;
	v4 =	vshll.u32 v7, $0x5  }
0x6d1: {  	[tilespmem:v2+s23+$0x0] =	vst.idx.msk $0xffff, v15;
	v18 =	vshll.u32 v10, $0x5;
	v2 =	vor.u32 v26, v4;
	v4 =	vadd.f32 v6, v27  }
0x6d2: {  	v8 =	vor.u32 v26, v18;
	v6 =	vld.idx.msk [tilespmem:v12+s16+$0x0], $0xffff  }
0x6d3: {  	v12 =	vld [tilespmem:$0x1F980];
	[tilespmem:v17+s23+$0x0] =	vst.idx.msk $0xffff, v4  }
0x6d4: {  	v14 =	vor.u32 v26, v14;
	v4 =	vld [tilespmem:$0x1FEE0]  }
0x6d5: {  	v16 =	vadd.f32 v16, v27;
	_ =	sdelay $0x1  }
0x6d6: {  	v1 =	vadd.s32 v10, v1;
	[tilespmem:v11+s23+$0x0] =	vst.idx.msk $0xffff, v16;
	v8 =	vld.idx.msk [tilespmem:v8+s16+$0x0], $0xffff  }
0x6d7: {  	v1 =	vand.u32 $0x7FFFFFF8, v1;
	v2 =	vld.idx.msk [tilespmem:v2+s16+$0x0], $0xffff  }
0x6d8: {  	v1 =	vor.u32 v50, v1;
	v18 =	vor.u32 s11, v4;
	v4 =	vld.idx.msk [tilespmem:v14+s16+$0x0], $0xffff  }
0x6d9: {  	v10 =	vld [tilespmem:$0x1F9A0];
	v12 =	vadd.s32 v12, v46  }
0x6da: {  	v9 =	vshll.u32 v9, $0x5;
	v12 =	vand.u32 $0x7FFFFFF8, v12  }
0x6db: {  	v14 =	vor.u32 s13, v38;
	v12 =	vor.u32 v52, v12;
	v8 =	vadd.f32 v8, v27  }
0x6dc: {  	v9 =	vor.u32 v26, v9;
	v11 =	vshll.u32 v14, $0x5;
	v2 =	vadd.f32 v2, v27  }
0x6dd: {  	v16 =	vor.u32 v26, v11;
	[tilespmem:v1+s23+$0x0] =	vst.idx.msk $0xffff, v8;
	v4 =	vadd.f32 v4, v27  }
0x6de: {  	v40 =	vor.u32 s11, v53;
	v6 =	vadd.f32 v6, v27;
	v10 =	vor.u32 v26, v10;
	[tilespmem:v13+s23+$0x0] =	vst.idx.msk $0xffff, v2  }
0x6df: {  	v61 =	vmovc v51;
	v3 =	vshll.u32 v3, $0x5;
	v33 =	vor.u32 s11, v47;
	[tilespmem:v19+s23+$0x0] =	vst.idx.msk $0xffff, v4;
	v19 =	vor.u32 s13, v36  }
0x6e0: {  	v23 =	vor.u32 s11, v61;
	v15 =	vor.u32 s11, v41;
	[tilespmem:v12+s23+$0x0] =	vst.idx.msk $0xffff, v6;
	v1 =	vshll.u32 v19, $0x5  }
0x6e1: {  	v20 =	vshll.u32 v58, $0x5;
	v41 =	vshll.u32 v15, $0x5;
	v25 =	vor.u32 v26, v1;
	v1 =	vld [tilespmem:$0x1FA00]  }
0x6e2: {  	v5 =	vor.u32 s11, v44;
	v44 =	vor.u32 s11, v0;
	v7 =	vor.u32 s11, v35;
	v34 =	vld.idx.msk [tilespmem:v16+s16+$0x0], $0xffff  }
0x6e3: {  	v35 =	vshll.u32 v5, $0x5;
	v17 =	vshll.u32 v43, $0x5;
	v6 =	vshll.u32 v44, $0x5;
	v21 =	vld.idx.msk [tilespmem:v10+s16+$0x0], $0xffff  }
0x6e4: {  	v47 =	vmovc v48;
	v48 =	vmovc v54;
	v38 =	vshll.u32 v7, $0x5;
	v53 =	vor.u32 v26, v6;
	v6 =	vadd.s32 v14, v46;
	v62 =	vld [tilespmem:$0x1FA30]  }
0x6e5: {  	v57 =	vmovc v50;
	v54 =	vmovc v63;
	v45 =	vshll.u32 v18, $0x5;
	v11 =	vshll.u32 v59, $0x5;
	v4 =	vand.u32 $0x7FFFFFF8, v6;
	v59 =	vld [tilespmem:$0x1FA20]  }
0x6e6: {  	s12 =	simm.s32 $0x60;
	s0 =	simm.s32 $0x50;
	v58 =	vmovc v60;
	v24 =	vor.u32 v50, v4;
	v63 =	vld [tilespmem:$0x1FA10];
	v22 =	vor.u32 v26, v1;
	v1 =	vor.u32 v26, v3  }
.LBB2_17:
0x6e7: {  	v2 =	vor.u32 s0, v0  }
0x6e8: {  	v6 =	vld.idx.msk [tilespmem:v9+s16+$0x0], $0xffff;
	v9 =	vshll.u32 v2, $0x5  }
0x6e9: {  	v14 =	vor.u32 v26, v9;
	v9 =	vadd.s32 v19, v46  }
0x6ea: {  	v50 =	vmov v55;
	v55 =	vld [tilespmem:$0x1FF90];
	v9 =	vand.u32 $0x7FFFFFF8, v9  }
0x6eb: {  	v19 =	vor.u32 v58, v9;
	v9 =	vld [tilespmem:$0x1FEA0];
	_ =	sdelay $0x1  }
0x6ec: {  	s19 =	sshrl.u32 s11, $0x7;
	v10 =	vadd.f32 v21, v27  }
0x6ed: {  	v8 =	vld.idx.msk [tilespmem:v53+s16+$0x0], $0xffff;
	s19 =	smul.u32 $0x380, s19  }
0x6ee: {  	v21 =	vor.u32 v26, v17;
	[tilespmem:v32+s23+$0x0] =	vst.idx.msk $0xffff, v10;
	v4 =	vadd.f32 v34, v27;
	v17 =	vor.u32 s13, v55  }
0x6ef: {  	v16 =	vld.idx.msk [tilespmem:v22+s16+$0x0], $0xffff;
	v22 =	vshll.u32 v17, $0x5;
	v9 =	vadd.s32 s19, v9  }
0x6f0: {  	[tilespmem:v24+s23+$0x0] =	vst.idx.msk $0xffff, v4;
	v24 =	vor.u32 v26, v22;
	v22 =	vadd.s32 v44, v9;
	v44 =	vld [tilespmem:$0x1F780];
	_ =	sdelay $0x1  }
0x6f1: {  	v60 =	vld [tilespmem:$0x1FEC0]  }
0x6f2: {  	v13 =	vor.u32 v26, v11;
	v3 =	vmovc v28;
	v12 =	vshll.u32 v23, $0x5;
	v28 =	vor.u32 v26, v20  }
0x6f3: {  	v20 =	vor.u32 v26, v38;
	v11 =	vor.u32 v26, v35;
	v12 =	vor.u32 v26, v12;
	v4 =	vld.idx.msk [tilespmem:v25+s16+$0x0], $0xffff  }
0x6f4: {  	v38 =	vld [tilespmem:$0x1FFF0];
	v10 =	vor.u32 v26, v45;
	v8 =	vadd.f32 v8, v27;
	v25 =	vor.u32 v26, v41  }
0x6f5: {  	v41 =	vadd.f32 v6, v27;
	v14 =	vld.idx.msk [tilespmem:v14+s16+$0x0], $0xffff;
	v6 =	vmov v29;
	v2 =	vadd.s32 v2, v9  }
0x6f6: {  	v35 =	vld [tilespmem:$0x1FFA0];
	v43 =	vor.u32 s0, v60;
	v17 =	vadd.s32 v17, v46;
	[tilespmem:$0x1F780] =	vst v6;
	v2 =	vand.u32 $0x7FFFFFF8, v2  }
0x6f7: {  	v53 =	vld [tilespmem:$0x1FEF0];
	v29 =	vshll.u32 v43, $0x5;
	v6 =	vand.u32 $0x7FE8, v22;
	v2 =	vor.u32 v58, v2;
	[tilespmem:v44+s23+$0x0] =	vst.idx.msk $0xffff, v41  }
0x6f8: {  	v17 =	vand.u32 $0x7FFFFFF8, v17;
	v4 =	vadd.f32 v4, v27;
	v22 =	vld.idx.msk [tilespmem:v1+s16+$0x0], $0xffff;
	v1 =	vor.u32 v58, v6  }
0x6f9: {  	v23 =	vadd.s32 v23, v9;
	v15 =	vadd.s32 v15, v9;
	v7 =	vadd.s32 v7, v9;
	v41 =	vld [tilespmem:$0x1FEE0]  }
0x6fa: {  	v14 =	vadd.f32 v14, v27;
	[tilespmem:v19+s23+$0x0] =	vst.idx.msk $0xffff, v4;
	v6 =	vand.u32 $0x7FE8, v23;
	v23 =	vor.u32 v26, v29  }
0x6fb: {  	v51 =	vmovc v37;
	v15 =	vand.u32 $0x7FE8, v15;
	v4 =	vor.u32 v47, v6;
	v6 =	vadd.s32 v18, v9;
	v18 =	vld.idx.msk [tilespmem:v24+s16+$0x0], $0xffff  }
0x6fc: {  	v37 =	vld [tilespmem:$0x1FFE0];
	v16 =	vadd.f32 v16, v27;
	v7 =	vand.u32 $0x7FE8, v7;
	v15 =	vor.u32 v53, v15;
	[tilespmem:v2+s23+$0x0] =	vst.idx.msk $0xffff, v14  }
0x6fd: {  	v61 =	vld [tilespmem:$0x1FFD0];
	v19 =	vor.u32 s13, v35;
	v2 =	vor.u32 v47, v17;
	v6 =	vand.u32 $0x7FE8, v6;
	[tilespmem:v1+s23+$0x0] =	vst.idx.msk $0xffff, v8  }
0x6fe: {  	v14 =	vshll.u32 v19, $0x5;
	v6 =	vor.u32 v38, v6;
	v17 =	vor.u32 s0, v41;
	v12 =	vld.idx.msk [tilespmem:v12+s16+$0x0], $0xffff  }
0x6ff: {  	v1 =	vld.idx.msk [tilespmem:v23+s16+$0x0], $0xffff;
	v8 =	vor.u32 v26, v14;
	v14 =	vadd.s32 v5, v9;
	v5 =	vadd.s32 v43, v9  }
0x700: {  	v24 =	vshll.u32 v17, $0x5;
	v43 =	vld [tilespmem:$0x1FE90];
	v5 =	vand.u32 $0x7FFFFFF8, v5;
	v18 =	vadd.f32 v18, v27  }
0x701: {  	v23 =	vor.u32 v47, v5;
	v5 =	vor.u32 v48, v7;
	v7 =	vand.u32 $0x7FE8, v14  }
0x702: {  	v14 =	vor.u32 v26, v24;
	[tilespmem:v2+s23+$0x0] =	vst.idx.msk $0xffff, v18;
	v18 =	vor.u32 v37, v7  }
0x703: {  	v44 =	vld [tilespmem:$0x1FE70];
	v2 =	vadd.s32 v33, v9;
	v7 =	vadd.s32 v63, v9;
	v12 =	vadd.f32 v12, v27  }
0x704: {  	v2 =	vand.u32 $0x7FE8, v2;
	v8 =	vld.idx.msk [tilespmem:v8+s16+$0x0], $0xffff;
	v24 =	vadd.f32 v1, v27;
	v1 =	vadd.s32 v19, v46  }
0x705: {  	v29 =	vor.u32 s13, v43;
	v19 =	vand.u32 $0x7FFFFFF8, v1;
	v1 =	vor.u32 v61, v2;
	[tilespmem:v4+s23+$0x0] =	vst.idx.msk $0xffff, v12  }
0x706: {  	[tilespmem:v23+s23+$0x0] =	vst.idx.msk $0xffff, v24;
	v2 =	vor.u32 v38, v19;
	v23 =	vshll.u32 v29, $0x5;
	v19 =	vor.u32 s11, v36;
	v10 =	vld.idx.msk [tilespmem:v10+s16+$0x0], $0xffff  }
0x707: {  	v4 =	vand.u32 $0x7FE8, v7;
	v7 =	vld.idx.msk [tilespmem:v14+s16+$0x0], $0xffff;
	v12 =	vor.u32 v26, v23;
	v14 =	vadd.s32 v17, v9  }
0x708: {  	v23 =	vor.u32 s0, v44;
	v32 =	vor.u32 v57, v4;
	v14 =	vand.u32 $0x7FFFFFF8, v14  }
0x709: {  	v52 =	vld [tilespmem:$0x1FF70];
	v17 =	vshll.u32 v23, $0x5;
	v8 =	vadd.f32 v8, v27;
	v14 =	vor.u32 v38, v14  }
0x70a: {  	v4 =	vadd.s32 v19, v9;
	[tilespmem:v30+s23+$0x0] =	vst.idx.msk $0xffff, v16;
	v45 =	vor.u32 v26, v17  }
0x70b: {  	v4 =	vand.u32 $0x7FE8, v4;
	[tilespmem:v2+s23+$0x0] =	vst.idx.msk $0xffff, v8;
	v8 =	vld.idx.msk [tilespmem:v28+s16+$0x0], $0xffff;
	v10 =	vadd.f32 v10, v27  }
0x70c: {  	v30 =	vor.u32 v58, v4;
	v4 =	vld.idx.msk [tilespmem:v12+s16+$0x0], $0xffff;
	v7 =	vadd.f32 v7, v27;
	v12 =	vadd.s32 v29, v46  }
0x70d: {  	v24 =	vadd.s32 v59, v9;
	v23 =	vadd.s32 v23, v9;
	v12 =	vand.u32 $0x7FFFFFF8, v12;
	[tilespmem:v6+s23+$0x0] =	vst.idx.msk $0xffff, v10  }
0x70e: {  	v16 =	vor.u32 s13, v52;
	v17 =	vor.u32 s11, v35;
	[tilespmem:v14+s23+$0x0] =	vst.idx.msk $0xffff, v7;
	v7 =	vor.u32 v53, v12;
	v14 =	vld.idx.msk [tilespmem:v25+s16+$0x0], $0xffff  }
0x70f: {  	v2 =	vand.u32 $0x7FE8, v24;
	v24 =	vadd.s32 v17, v9;
	v12 =	vshll.u32 v16, $0x5;
	v10 =	vld.idx.msk [tilespmem:v45+s16+$0x0], $0xffff  }
0x710: {  	v6 =	vand.u32 $0x7FE8, v24;
	v24 =	vor.u32 s11, v43;
	v8 =	vadd.f32 v8, v27  }
0x711: {  	v12 =	vor.u32 v26, v12;
	v45 =	vld [tilespmem:$0x1FE80];
	v6 =	vor.u32 v38, v6;
	v4 =	vadd.f32 v4, v27  }
0x712: {  	v23 =	vand.u32 $0x7FFFFFF8, v23;
	v43 =	vld [tilespmem:$0x1FF50];
	v25 =	vadd.s32 v24, v9;
	v38 =	vadd.s32 v40, v9;
	[tilespmem:v42+s23+$0x0] =	vst.idx.msk $0xffff, v8  }
0x713: {  	v25 =	vand.u32 $0x7FE8, v25;
	[tilespmem:v7+s23+$0x0] =	vst.idx.msk $0xffff, v4;
	v7 =	vand.u32 $0x7FE8, v38;
	v14 =	vadd.f32 v14, v27  }
0x714: {  	v4 =	vor.u32 v53, v25;
	v25 =	vor.u32 v48, v7;
	v7 =	vadd.f32 v10, v27;
	v10 =	vld.idx.msk [tilespmem:v21+s16+$0x0], $0xffff  }
0x715: {  	v23 =	vor.u32 v53, v23;
	[tilespmem:v15+s23+$0x0] =	vst.idx.msk $0xffff, v14  }
0x716: {  	v15 =	vld.idx.msk [tilespmem:v20+s16+$0x0], $0xffff  }
0x717: {  	v53 =	vld [tilespmem:$0x1FF60];
	v29 =	vor.u32 s0, v45;
	v34 =	vor.u32 s11, v43  }
0x718: {  	v8 =	vld.idx.msk [tilespmem:v12+s16+$0x0], $0xffff;
	v12 =	vadd.s32 v16, v46;
	v16 =	vor.u32 s13, v43;
	v28 =	vshll.u32 v29, $0x5  }
0x719: {  	v43 =	vmovc v49;
	v49 =	vld [tilespmem:$0x1FF10];
	v12 =	vand.u32 $0x7FFFFFF8, v12;
	v28 =	vor.u32 v26, v28;
	v10 =	vadd.f32 v10, v27  }
0x71a: {  	v2 =	vor.u32 v47, v2;
	[tilespmem:v23+s23+$0x0] =	vst.idx.msk $0xffff, v7;
	v7 =	vor.u32 v48, v12  }
0x71b: {  	v12 =	vshll.u32 v16, $0x5;
	[tilespmem:v39+s23+$0x0] =	vst.idx.msk $0xffff, v10;
	v39 =	vmov v6;
	v6 =	vadd.f32 v15, v27;
	v15 =	vld [tilespmem:$0x1F790]  }
0x71c: {  	v35 =	vadd.s32 v62, v9;
	v42 =	vmovc v2;
	v2 =	vadd.s32 v34, v9;
	v12 =	vor.u32 v26, v12  }
0x71d: {  	v2 =	vand.u32 $0x7FE8, v2;
	v21 =	vor.u32 s11, v53;
	v20 =	vadd.s32 v29, v9  }
0x71e: {  	v20 =	vand.u32 $0x7FFFFFF8, v20;
	v23 =	vor.u32 s0, v49;
	v8 =	vadd.f32 v8, v27;
	v14 =	vld.idx.msk [tilespmem:v28+s16+$0x0], $0xffff  }
0x71f: {  	v20 =	vor.u32 v48, v20;
	v28 =	vor.u32 v37, v2;
	v2 =	vadd.s32 v21, v9  }
0x720: {  	v29 =	vshll.u32 v23, $0x5;
	[tilespmem:v7+s23+$0x0] =	vst.idx.msk $0xffff, v8;
	v8 =	vand.u32 $0x7FE8, v35;
	v35 =	vld [tilespmem:$0x1FF80];
	v2 =	vand.u32 $0x7FE8, v2  }
0x721: {  	v22 =	vadd.f32 v22, v27;
	v38 =	vor.u32 v26, v29;
	v29 =	vor.u32 v61, v2;
	v2 =	vld.idx.msk [tilespmem:v12+s16+$0x0], $0xffff  }
0x722: {  	v12 =	vld.idx.msk [tilespmem:v13+s16+$0x0], $0xffff  }
0x723: {  	v10 =	vadd.f32 v14, v27;
	[tilespmem:v15+s23+$0x0] =	vst.idx.msk $0xffff, v22;
	v15 =	vld [tilespmem:$0x1F7A0]  }
0x724: {  	v14 =	vor.u32 s13, v53;
	v53 =	vld [tilespmem:$0x1FFB0]  }
0x725: {  	v13 =	vadd.s32 v16, v46;
	[tilespmem:v20+s23+$0x0] =	vst.idx.msk $0xffff, v10  }
0x726: {  	v17 =	vshll.u32 v17, $0x5;
	v13 =	vand.u32 $0x7FFFFFF8, v13;
	v10 =	vor.u32 s12, v35;
	[tilespmem:v5+s23+$0x0] =	vst.idx.msk $0xffff, v6  }
0x727: {  	v2 =	vadd.f32 v2, v27;
	v12 =	vadd.f32 v12, v27;
	v20 =	vshll.u32 v33, $0x5;
	v11 =	vld.idx.msk [tilespmem:v11+s16+$0x0], $0xffff  }
0x728: {  	v20 =	vor.u32 v26, v20;
	v22 =	vor.u32 s12, v55;
	v6 =	vld.idx.msk [tilespmem:v38+s16+$0x0], $0xffff;
	v5 =	vshll.u32 v54, $0x5;
	v7 =	vmovc v15  }
0x729: {  	v33 =	vor.u32 s12, v53;
	v15 =	vor.u32 v26, v5;
	[tilespmem:$0x1F790] =	vst v7;
	v7 =	vor.u32 v57, v8  }
0x72a: {  	v8 =	vshll.u32 v14, $0x5;
	[tilespmem:$0x1F7A0] =	vst v7;
	v7 =	vor.u32 v37, v13;
	v13 =	vadd.s32 v23, v9  }
0x72b: {  	v54 =	vmovc v40;
	v40 =	vor.u32 s12, v52;
	[tilespmem:v31+s23+$0x0] =	vst.idx.msk $0xffff, v12;
	v8 =	vor.u32 v26, v8;
	v5 =	vand.u32 $0x7FFFFFF8, v13  }
0x72c: {  	v31 =	vmovc v4;
	v4 =	vadd.f32 v11, v27;
	v13 =	vor.u32 s0, v53;
	v16 =	vor.u32 v37, v5  }
0x72d: {  	v52 =	vld [tilespmem:$0x1FF20];
	v6 =	vadd.f32 v6, v27;
	v5 =	vshll.u32 v13, $0x5;
	v13 =	vadd.s32 v13, v9  }
0x72e: {  	v55 =	vshll.u32 v63, $0x5;
	v23 =	vor.u32 v26, v5;
	v5 =	vor.u32 s12, v49;
	v12 =	vld.idx.msk [tilespmem:v15+s16+$0x0], $0xffff;
	[tilespmem:v18+s23+$0x0] =	vst.idx.msk $0xffff, v4  }
0x72f: {  	v15 =	vor.u32 s12, v44;
	v18 =	vor.u32 s12, v41;
	v13 =	vand.u32 $0x7FFFFFF8, v13;
	[tilespmem:v7+s23+$0x0] =	vst.idx.msk $0xffff, v2  }
0x730: {  	v44 =	vor.u32 s12, v0;
	v13 =	vor.u32 v61, v13;
	v7 =	vadd.s32 v14, v46;
	v8 =	vld.idx.msk [tilespmem:v8+s16+$0x0], $0xffff  }
0x731: {  	v14 =	vor.u32 s13, v35;
	v11 =	vand.u32 $0x7FFFFFF8, v7;
	[tilespmem:v16+s23+$0x0] =	vst.idx.msk $0xffff, v6;
	v16 =	vshll.u32 v56, $0x5  }
0x732: {  	v20 =	vld.idx.msk [tilespmem:v20+s16+$0x0], $0xffff;
	v6 =	vor.u32 v61, v11;
	v11 =	vshll.u32 v14, $0x5;
	v16 =	vor.u32 v26, v16  }
0x733: {  	v41 =	vshll.u32 v15, $0x5;
	v2 =	vor.u32 s12, v52;
	v4 =	vld.idx.msk [tilespmem:v23+s16+$0x0], $0xffff;
	v11 =	vor.u32 v26, v11  }
0x734: {  	s13 =	smov.u32 s0;
	v35 =	vshll.u32 v5, $0x5;
	v7 =	vor.u32 s12, v45;
	v12 =	vadd.f32 v12, v27  }
0x735: {  	v38 =	vor.u32 s13, v52;
	v63 =	vmovc v2;
	v2 =	vor.u32 v26, v55;
	v8 =	vadd.f32 v8, v27  }
0x736: {  	v45 =	vshll.u32 v18, $0x5;
	v53 =	vshll.u32 v38, $0x5;
	v14 =	vadd.s32 v14, v46;
	[tilespmem:v51+s23+$0x0] =	vst.idx.msk $0xffff, v12  }
0x737: {  	v46 =	vmov v9;
	v23 =	vor.u32 s12, v60;
	v9 =	vadd.f32 v20, v27;
	[tilespmem:v6+s23+$0x0] =	vst.idx.msk $0xffff, v8;
	v12 =	vld.idx.msk [tilespmem:v16+s16+$0x0], $0xffff  }
0x738: {  	v56 =	vmovc v34;
	v34 =	vor.u32 v26, v53;
	v14 =	vand.u32 $0x7FFFFFF8, v14;
	v4 =	vadd.f32 v4, v27;
	v8 =	vld.idx.msk [tilespmem:v11+s16+$0x0], $0xffff  }
0x739: {  	v20 =	vshll.u32 v59, $0x5;
	v6 =	vshll.u32 v43, $0x5;
	v16 =	vshll.u32 v50, $0x5;
	[tilespmem:v1+s23+$0x0] =	vst.idx.msk $0xffff, v9  }
0x73a: {  	p0 =	slt.u32 s12, $0x1E0;
	v49 =	vmovc v62;
	v1 =	vshll.u32 v19, $0x5;
	v19 =	vor.u32 s13, v36;
	[tilespmem:v13+s23+$0x0] =	vst.idx.msk $0xffff, v4;
	v4 =	vor.u32 v57, v14  }
.Ltmp9:
0x73b: {  	v55 =	vmovc v21;
	v11 =	vshll.u32 v24, $0x5;
	v21 =	vld.idx.msk [tilespmem:v2+s16+$0x0], $0xffff;
	v2 =	vadd.s32 v38, v46;
	v9 =	vor.u32 v26, v16;
	(pc) =	sbr.rel @p0 .LBB2_17-.Ltmp9, $4  }
0x73c: {  	v62 =	vmovc v10;
	v59 =	vmovc v22;
	v38 =	vshll.u32 v7, $0x5;
	v22 =	vor.u32 v26, v1;
	v10 =	vadd.f32 v12, v27  }
0x73d: {  	v1 =	vor.u32 v26, v6;
	v2 =	vand.u32 $0x7FFFFFF8, v2;
	v8 =	vadd.f32 v8, v27  }
0x73e: {  	s11 =	smov.u32 s12;
	v37 =	vmovc v25;
	v13 =	vshll.u32 v44, $0x5;
	v24 =	vor.u32 v57, v2;
	v2 =	vshll.u32 v19, $0x5;
	[tilespmem:v3+s23+$0x0] =	vst.idx.msk $0xffff, v10  }
0x73f: {  	s0 =	sadd.s32 $0x10, s11;
	s12 =	sadd.s32 $0x20, s12;
	v34 =	vld.idx.msk [tilespmem:v34+s16+$0x0], $0xffff;
	v53 =	vor.u32 v26, v13;
	v25 =	vor.u32 v26, v2;
	[tilespmem:v4+s23+$0x0] =	vst.idx.msk $0xffff, v8  }
0x740: {  	v2 =	vor.u32 s0, v0  }
0x741: {  	v3 =	vshll.u32 v2, $0x5  }
0x742: {  	v4 =	vor.u32 v26, v3;
	v3 =	vld [tilespmem:$0x1FEA0];
	_ =	sdelay $0x1  }
0x743: {  	s12 =	sshrl.u32 s11, $0x7;
	v6 =	vld [tilespmem:$0x1FEC0]  }
0x744: {  	s12 =	smul.u32 $0x380, s12;
	_ =	sdelay $0x1  }
0x745: {  	v3 =	vadd.s32 s12, v3  }
0x746: {  	v4 =	vld.idx.msk [tilespmem:v4+s16+$0x0], $0xffff;
	v2 =	vadd.s32 v2, v3  }
0x747: {  	v6 =	vor.u32 s0, v6;
	v2 =	vand.u32 $0x7FFFFFF8, v2  }
0x748: {  	v8 =	vshll.u32 v6, $0x5;
	v2 =	vor.u32 v58, v2  }
0x749: {  	v8 =	vor.u32 v26, v8;
	_ =	sdelay $0x1  }
0x74a: {  	v4 =	vadd.f32 v4, v27;
	_ =	sdelay $0x1  }
0x74b: {  	v10 =	vld.idx.msk [tilespmem:v53+s16+$0x0], $0xffff;
	v12 =	vadd.s32 v44, v3;
	[tilespmem:v2+s23+$0x0] =	vst.idx.msk $0xffff, v4  }
0x74c: {  	v12 =	vand.u32 $0x7FE8, v12;
	v4 =	vld.idx.msk [tilespmem:v8+s16+$0x0], $0xffff  }
0x74d: {  	v13 =	vshll.u32 v23, $0x5;
	v12 =	vor.u32 v58, v12;
	v8 =	vld [tilespmem:$0x1FEE0]  }
0x74e: {  	v13 =	vor.u32 v26, v13;
	_ =	sdelay $0x1  }
0x74f: {  	v2 =	vadd.f32 v10, v27  }
0x750: {  	v6 =	vadd.s32 v6, v3  }
0x751: {  	v6 =	vand.u32 $0x7FFFFFF8, v6;
	[tilespmem:v12+s23+$0x0] =	vst.idx.msk $0xffff, v2;
	v8 =	vor.u32 s0, v8  }
0x752: {  	v10 =	vadd.s32 v23, v3;
	v2 =	vor.u32 v47, v6;
	v12 =	vld.idx.msk [tilespmem:v13+s16+$0x0], $0xffff;
	v6 =	vshll.u32 v8, $0x5  }
0x753: {  	v10 =	vand.u32 $0x7FE8, v10;
	v6 =	vor.u32 v26, v6  }
0x754: {  	v10 =	vor.u32 v47, v10  }
0x755: {  	v4 =	vadd.f32 v4, v27;
	_ =	sdelay $0x1  }
0x756: {  	[tilespmem:v2+s23+$0x0] =	vst.idx.msk $0xffff, v4;
	v2 =	vadd.f32 v12, v27  }
0x757: {  	v4 =	vld.idx.msk [tilespmem:v6+s16+$0x0], $0xffff  }
0x758: {  	v6 =	vadd.s32 v8, v3;
	v8 =	vld [tilespmem:$0x1FE70];
	[tilespmem:v10+s23+$0x0] =	vst.idx.msk $0xffff, v2  }
0x759: {  	v51 =	vor.u32 v26, v45;
	v44 =	vld [tilespmem:$0x1FFF0];
	_ =	sdelay $0x3  }
0x75a: {  	v6 =	vand.u32 $0x7FFFFFF8, v6;
	v8 =	vor.u32 s0, v8  }
0x75b: {  	v10 =	vadd.s32 v18, v3;
	v52 =	vld.idx.msk [tilespmem:v51+s16+$0x0], $0xffff;
	v2 =	vor.u32 v44, v6;
	v6 =	vshll.u32 v8, $0x5  }
0x75c: {  	v10 =	vand.u32 $0x7FE8, v10;
	v6 =	vor.u32 v26, v6  }
0x75d: {  	v10 =	vor.u32 v44, v10  }
0x75e: {  	v4 =	vadd.f32 v4, v27;
	_ =	sdelay $0x1  }
0x75f: {  	[tilespmem:v2+s23+$0x0] =	vst.idx.msk $0xffff, v4;
	v2 =	vadd.f32 v52, v27  }
0x760: {  	v4 =	vld.idx.msk [tilespmem:v6+s16+$0x0], $0xffff  }
0x761: {  	v6 =	vadd.s32 v8, v3;
	v8 =	vld [tilespmem:$0x1FE80];
	[tilespmem:v10+s23+$0x0] =	vst.idx.msk $0xffff, v2  }
0x762: {  	v53 =	vor.u32 v26, v41;
	v43 =	vld [tilespmem:$0x1FEF0];
	_ =	sdelay $0x3  }
0x763: {  	v6 =	vand.u32 $0x7FFFFFF8, v6;
	v8 =	vor.u32 s0, v8  }
0x764: {  	v10 =	vadd.s32 v15, v3;
	v60 =	vld.idx.msk [tilespmem:v53+s16+$0x0], $0xffff;
	v2 =	vor.u32 v43, v6;
	v6 =	vshll.u32 v8, $0x5  }
0x765: {  	v10 =	vand.u32 $0x7FE8, v10;
	v6 =	vor.u32 v26, v6  }
0x766: {  	v10 =	vor.u32 v43, v10  }
0x767: {  	v61 =	vor.u32 v26, v38;
	v4 =	vadd.f32 v4, v27;
	_ =	sdelay $0x1  }
0x768: {  	[tilespmem:v2+s23+$0x0] =	vst.idx.msk $0xffff, v4;
	v2 =	vadd.f32 v60, v27  }
0x769: {  	v4 =	vld.idx.msk [tilespmem:v6+s16+$0x0], $0xffff;
	v6 =	vadd.s32 v8, v3  }
0x76a: {  	v41 =	vld [tilespmem:$0x1FF10];
	v6 =	vand.u32 $0x7FFFFFF8, v6;
	[tilespmem:v10+s23+$0x0] =	vst.idx.msk $0xffff, v2  }
0x76b: {  	v7 =	vadd.s32 v7, v3;
	v2 =	vor.u32 v48, v6;
	v10 =	vld.idx.msk [tilespmem:v61+s16+$0x0], $0xffff  }
0x76c: {  	v7 =	vand.u32 $0x7FE8, v7  }
0x76d: {  	v7 =	vor.u32 v48, v7  }
0x76e: {  	v4 =	vadd.f32 v4, v27  }
0x76f: {  	v8 =	vor.u32 s0, v41  }
0x770: {  	v6 =	vshll.u32 v8, $0x5;
	[tilespmem:v2+s23+$0x0] =	vst.idx.msk $0xffff, v4;
	v2 =	vadd.f32 v10, v27  }
0x771: {  	v6 =	vor.u32 v26, v6  }
0x772: {  	v50 =	vld [tilespmem:$0x1FFB0];
	[tilespmem:v7+s23+$0x0] =	vst.idx.msk $0xffff, v2  }
0x773: {  	v35 =	vor.u32 v26, v35;
	v52 =	vld [tilespmem:$0x1FFE0];
	_ =	sdelay $0x2  }
0x774: {  	v4 =	vld.idx.msk [tilespmem:v6+s16+$0x0], $0xffff;
	v6 =	vadd.s32 v8, v3  }
0x775: {  	v6 =	vand.u32 $0x7FFFFFF8, v6  }
0x776: {  	v5 =	vadd.s32 v5, v3;
	v7 =	vld.idx.msk [tilespmem:v35+s16+$0x0], $0xffff;
	v2 =	vor.u32 v52, v6  }
0x777: {  	v5 =	vand.u32 $0x7FE8, v5  }
0x778: {  	v5 =	vor.u32 v52, v5  }
0x779: {  	v4 =	vadd.f32 v4, v27  }
0x77a: {  	v8 =	vor.u32 s0, v50  }
0x77b: {  	v6 =	vshll.u32 v8, $0x5;
	[tilespmem:v2+s23+$0x0] =	vst.idx.msk $0xffff, v4;
	v2 =	vadd.f32 v7, v27  }
0x77c: {  	v6 =	vor.u32 v26, v6  }
0x77d: {  	v35 =	vld [tilespmem:$0x1FF20];
	[tilespmem:v5+s23+$0x0] =	vst.idx.msk $0xffff, v2  }
0x77e: {  	v51 =	vld [tilespmem:$0x1FFD0]  }
0x77f: {  	v10 =	vshll.u32 v33, $0x5  }
0x780: {  	v10 =	vor.u32 v26, v10  }
0x781: {  	v4 =	vld.idx.msk [tilespmem:v6+s16+$0x0], $0xffff;
	v6 =	vadd.s32 v8, v3  }
0x782: {  	v6 =	vand.u32 $0x7FFFFFF8, v6  }
0x783: {  	v2 =	vor.u32 v51, v6;
	_ =	sdelay $0x1  }
0x784: {  	v8 =	vld.idx.msk [tilespmem:v10+s16+$0x0], $0xffff;
	v10 =	vadd.f32 v34, v27  }
0x785: {  	v7 =	vor.u32 s0, v35;
	v4 =	vadd.f32 v4, v27  }
0x786: {  	[tilespmem:v24+s23+$0x0] =	vst.idx.msk $0xffff, v10;
	v5 =	vshll.u32 v7, $0x5  }
0x787: {  	v6 =	vadd.s32 v33, v3;
	v5 =	vor.u32 v26, v5;
	[tilespmem:v2+s23+$0x0] =	vst.idx.msk $0xffff, v4  }
0x788: {  	v45 =	vadd.f32 v21, v27;
	v6 =	vand.u32 $0x7FE8, v6;
	v21 =	vld [tilespmem:$0x1FF90]  }
0x789: {  	v38 =	vshll.u32 v63, $0x5;
	v6 =	vor.u32 v51, v6  }
0x78a: {  	v12 =	vor.u32 v26, v38  }
0x78b: {  	v10 =	vadd.s32 v19, v46;
	v14 =	vld.idx.msk [tilespmem:v25+s16+$0x0], $0xffff;
	v7 =	vadd.s32 v7, v3  }
0x78c: {  	v10 =	vand.u32 $0x7FFFFFF8, v10;
	v7 =	vand.u32 $0x7FFFFFF8, v7;
	v4 =	vadd.f32 v8, v27;
	v5 =	vld.idx.msk [tilespmem:v5+s16+$0x0], $0xffff  }
0x78d: {  	v8 =	vor.u32 v58, v10;
	v10 =	vor.u32 s0, v36;
	v2 =	vor.u32 s13, v21  }
0x78e: {  	[tilespmem:v6+s23+$0x0] =	vst.idx.msk $0xffff, v4;
	v4 =	vor.u32 v57, v7;
	v6 =	vshll.u32 v10, $0x5;
	v15 =	vshll.u32 v2, $0x5  }
0x78f: {  	v12 =	vld.idx.msk [tilespmem:v12+s16+$0x0], $0xffff;
	v6 =	vor.u32 v26, v6;
	v7 =	vor.u32 v26, v15;
	v15 =	vadd.s32 v63, v3  }
0x790: {  	v14 =	vadd.f32 v14, v27;
	v15 =	vand.u32 $0x7FE8, v15  }
0x791: {  	v16 =	vor.u32 s11, v36;
	[tilespmem:v32+s23+$0x0] =	vst.idx.msk $0xffff, v45;
	v5 =	vadd.f32 v5, v27;
	v53 =	vor.u32 v57, v15  }
0x792: {  	[tilespmem:v8+s23+$0x0] =	vst.idx.msk $0xffff, v14;
	v15 =	vshll.u32 v16, $0x5  }
0x793: {  	[tilespmem:v4+s23+$0x0] =	vst.idx.msk $0xffff, v5;
	v8 =	vor.u32 v26, v15;
	v15 =	vld.idx.msk [tilespmem:v22+s16+$0x0], $0xffff  }
0x794: {  	v4 =	vadd.f32 v12, v27;
	v5 =	vld.idx.msk [tilespmem:v6+s16+$0x0], $0xffff;
	v6 =	vadd.s32 v10, v3  }
0x795: {  	v60 =	vor.u32 v26, v20;
	v6 =	vand.u32 $0x7FFFFFF8, v6;
	v22 =	vld [tilespmem:$0x1FFA0]  }
0x796: {  	v2 =	vadd.s32 v2, v46;
	v7 =	vld.idx.msk [tilespmem:v7+s16+$0x0], $0xffff;
	[tilespmem:v53+s23+$0x0] =	vst.idx.msk $0xffff, v4;
	v4 =	vor.u32 v58, v6  }
0x797: {  	v2 =	vand.u32 $0x7FFFFFF8, v2  }
0x798: {  	v61 =	vor.u32 s0, v21;
	v2 =	vor.u32 v47, v2;
	v15 =	vadd.f32 v15, v27  }
0x799: {  	v16 =	vadd.s32 v16, v3;
	v5 =	vadd.f32 v5, v27;
	v6 =	vshll.u32 v61, $0x5  }
0x79a: {  	v10 =	vor.u32 s13, v22;
	v8 =	vld.idx.msk [tilespmem:v8+s16+$0x0], $0xffff;
	v6 =	vor.u32 v26, v6;
	[tilespmem:v30+s23+$0x0] =	vst.idx.msk $0xffff, v15  }
0x79b: {  	v16 =	vand.u32 $0x7FE8, v16;
	v63 =	vshll.u32 v10, $0x5;
	[tilespmem:v4+s23+$0x0] =	vst.idx.msk $0xffff, v5;
	v5 =	vadd.f32 v7, v27;
	v7 =	vld.idx.msk [tilespmem:v60+s16+$0x0], $0xffff  }
0x79c: {  	v18 =	vshll.u32 v59, $0x5;
	v16 =	vor.u32 v58, v16;
	v13 =	vor.u32 v26, v63  }
0x79d: {  	v15 =	vor.u32 v26, v18  }
0x79e: {  	v12 =	vadd.s32 v61, v3;
	v10 =	vadd.s32 v10, v46;
	v4 =	vor.u32 v26, v17  }
0x79f: {  	v6 =	vld.idx.msk [tilespmem:v6+s16+$0x0], $0xffff;
	v8 =	vadd.f32 v8, v27;
	[tilespmem:v2+s23+$0x0] =	vst.idx.msk $0xffff, v5;
	v2 =	vand.u32 $0x7FFFFFF8, v10  }
0x7a0: {  	v5 =	vand.u32 $0x7FFFFFF8, v12;
	v10 =	vor.u32 s0, v22;
	v18 =	vld [tilespmem:$0x1FE90];
	v7 =	vadd.f32 v7, v27  }
0x7a1: {  	v24 =	vld.idx.msk [tilespmem:v13+s16+$0x0], $0xffff;
	v5 =	vor.u32 v47, v5;
	v30 =	vshll.u32 v10, $0x5;
	[tilespmem:v16+s23+$0x0] =	vst.idx.msk $0xffff, v8  }
0x7a2: {  	v8 =	vadd.s32 v59, v3;
	v14 =	vor.u32 v26, v30;
	v15 =	vld.idx.msk [tilespmem:v15+s16+$0x0], $0xffff;
	[tilespmem:v42+s23+$0x0] =	vst.idx.msk $0xffff, v7  }
0x7a3: {  	v2 =	vor.u32 v44, v2;
	v8 =	vand.u32 $0x7FE8, v8;
	v4 =	vld.idx.msk [tilespmem:v4+s16+$0x0], $0xffff  }
0x7a4: {  	v8 =	vor.u32 v47, v8;
	v6 =	vadd.f32 v6, v27  }
0x7a5: {  	v16 =	vor.u32 s11, v22;
	v10 =	vadd.s32 v10, v3;
	v25 =	vor.u32 s13, v18  }
0x7a6: {  	v17 =	vshll.u32 v16, $0x5;
	[tilespmem:v5+s23+$0x0] =	vst.idx.msk $0xffff, v6;
	v6 =	vadd.f32 v24, v27;
	v7 =	vshll.u32 v25, $0x5  }
0x7a7: {  	v17 =	vor.u32 v26, v17;
	v32 =	vadd.f32 v15, v27;
	v5 =	vor.u32 v26, v7;
	v7 =	vld.idx.msk [tilespmem:v14+s16+$0x0], $0xffff  }
0x7a8: {  	[tilespmem:v2+s23+$0x0] =	vst.idx.msk $0xffff, v6;
	v2 =	vand.u32 $0x7FFFFFF8, v10;
	v4 =	vadd.f32 v4, v27  }
0x7a9: {  	v11 =	vor.u32 v26, v11;
	v2 =	vor.u32 v44, v2;
	[tilespmem:v8+s23+$0x0] =	vst.idx.msk $0xffff, v32  }
0x7aa: {  	v6 =	vor.u32 s0, v18;
	[tilespmem:v39+s23+$0x0] =	vst.idx.msk $0xffff, v4  }
0x7ab: {  	v10 =	vadd.s32 v25, v46;
	v33 =	vshll.u32 v6, $0x5;
	v53 =	vld [tilespmem:$0x1FF70]  }
0x7ac: {  	v8 =	vand.u32 $0x7FFFFFF8, v10;
	v10 =	vadd.s32 v16, v3;
	v36 =	vld.idx.msk [tilespmem:v17+s16+$0x0], $0xffff;
	v7 =	vadd.f32 v7, v27  }
0x7ad: {  	v38 =	vor.u32 s11, v18;
	v34 =	vor.u32 v26, v33;
	v10 =	vand.u32 $0x7FE8, v10;
	v5 =	vld.idx.msk [tilespmem:v5+s16+$0x0], $0xffff  }
0x7ae: {  	v15 =	vshll.u32 v38, $0x5;
	v10 =	vor.u32 v44, v10;
	[tilespmem:v2+s23+$0x0] =	vst.idx.msk $0xffff, v7;
	v7 =	vld.idx.msk [tilespmem:v11+s16+$0x0], $0xffff  }
0x7af: {  	v15 =	vor.u32 v26, v15;
	v8 =	vor.u32 v43, v8  }
0x7b0: {  	v42 =	vadd.s32 v38, v3;
	v4 =	vor.u32 s13, v53  }
0x7b1: {  	v6 =	vadd.s32 v6, v3;
	v39 =	vadd.f32 v36, v27;
	v2 =	vshll.u32 v4, $0x5  }
0x7b2: {  	v6 =	vand.u32 $0x7FFFFFF8, v6;
	v11 =	vld.idx.msk [tilespmem:v34+s16+$0x0], $0xffff;
	v5 =	vadd.f32 v5, v27;
	v2 =	vor.u32 v26, v2  }
0x7b3: {  	v6 =	vor.u32 v43, v6;
	[tilespmem:v10+s23+$0x0] =	vst.idx.msk $0xffff, v39;
	v10 =	vshll.u32 v54, $0x5;
	v7 =	vadd.f32 v7, v27  }
0x7b4: {  	v45 =	vor.u32 s0, v53;
	[tilespmem:v8+s23+$0x0] =	vst.idx.msk $0xffff, v5;
	v5 =	vor.u32 v26, v10;
	v10 =	vld.idx.msk [tilespmem:v15+s16+$0x0], $0xffff  }
0x7b5: {  	v13 =	vand.u32 $0x7FE8, v42;
	v8 =	vshll.u32 v45, $0x5;
	[tilespmem:v31+s23+$0x0] =	vst.idx.msk $0xffff, v7  }
0x7b6: {  	v13 =	vor.u32 v43, v13;
	v4 =	vadd.s32 v4, v46;
	v8 =	vor.u32 v26, v8;
	v18 =	vld [tilespmem:$0x1FF50]  }
0x7b7: {  	v54 =	vshll.u32 v40, $0x5;
	v11 =	vadd.f32 v11, v27;
	v4 =	vand.u32 $0x7FFFFFF8, v4;
	v2 =	vld.idx.msk [tilespmem:v2+s16+$0x0], $0xffff  }
0x7b8: {  	v14 =	vor.u32 v26, v54;
	v4 =	vor.u32 v48, v4  }
0x7b9: {  	[tilespmem:v6+s23+$0x0] =	vst.idx.msk $0xffff, v11;
	v11 =	vadd.s32 v40, v3;
	v5 =	vld.idx.msk [tilespmem:v5+s16+$0x0], $0xffff;
	v10 =	vadd.f32 v10, v27  }
0x7ba: {  	v56 =	vshll.u32 v56, $0x5;
	v12 =	vadd.s32 v45, v3;
	v11 =	vand.u32 $0x7FE8, v11  }
0x7bb: {  	v8 =	vld.idx.msk [tilespmem:v8+s16+$0x0], $0xffff;
	[tilespmem:v13+s23+$0x0] =	vst.idx.msk $0xffff, v10;
	v10 =	vor.u32 v48, v11;
	v11 =	vand.u32 $0x7FFFFFF8, v12;
	v7 =	vor.u32 s13, v18  }
0x7bc: {  	v15 =	vor.u32 s11, v18;
	v6 =	vshll.u32 v7, $0x5;
	v2 =	vadd.f32 v2, v27  }
0x7bd: {  	v23 =	vmovc v58;
	v58 =	vor.u32 s0, v18;
	v11 =	vor.u32 v48, v11;
	v14 =	vld.idx.msk [tilespmem:v14+s16+$0x0], $0xffff;
	v6 =	vor.u32 v26, v6  }
0x7be: {  	v59 =	vshll.u32 v58, $0x5;
	v5 =	vadd.f32 v5, v27;
	[tilespmem:v4+s23+$0x0] =	vst.idx.msk $0xffff, v2;
	v4 =	vor.u32 v26, v56  }
0x7bf: {  	v12 =	vor.u32 v26, v59;
	v2 =	vadd.s32 v15, v3;
	v15 =	vshll.u32 v15, $0x5  }
0x7c0: {  	v8 =	vadd.f32 v8, v27;
	[tilespmem:v37+s23+$0x0] =	vst.idx.msk $0xffff, v5;
	v15 =	vor.u32 v26, v15  }
0x7c1: {  	v19 =	vld [tilespmem:$0x1FF60]  }
0x7c2: {  	v7 =	vadd.s32 v7, v46;
	[tilespmem:v11+s23+$0x0] =	vst.idx.msk $0xffff, v8;
	v11 =	vadd.f32 v14, v27;
	v6 =	vld.idx.msk [tilespmem:v6+s16+$0x0], $0xffff  }
0x7c3: {  	v7 =	vand.u32 $0x7FFFFFF8, v7;
	v4 =	vld.idx.msk [tilespmem:v4+s16+$0x0], $0xffff  }
0x7c4: {  	v13 =	vadd.s32 v58, v3;
	v7 =	vor.u32 v52, v7;
	v12 =	vld.idx.msk [tilespmem:v12+s16+$0x0], $0xffff;
	[tilespmem:v10+s23+$0x0] =	vst.idx.msk $0xffff, v11  }
0x7c5: {  	v11 =	vand.u32 $0x7FFFFFF8, v13;
	v61 =	vld.idx.msk [tilespmem:v15+s16+$0x0], $0xffff  }
0x7c6: {  	v2 =	vand.u32 $0x7FE8, v2;
	v11 =	vor.u32 v52, v11  }
0x7c7: {  	v2 =	vor.u32 v52, v2;
	v6 =	vadd.f32 v6, v27  }
0x7c8: {  	v4 =	vadd.f32 v4, v27  }
0x7c9: {  	v16 =	vor.u32 s13, v19;
	v12 =	vadd.f32 v12, v27;
	[tilespmem:v7+s23+$0x0] =	vst.idx.msk $0xffff, v6  }
0x7ca: {  	v10 =	vshll.u32 v55, $0x5;
	v8 =	vshll.u32 v16, $0x5;
	v14 =	vadd.f32 v61, v27;
	[tilespmem:v28+s23+$0x0] =	vst.idx.msk $0xffff, v4  }
0x7cb: {  	v10 =	vor.u32 v26, v10;
	v5 =	vor.u32 s11, v19;
	v8 =	vor.u32 v26, v8;
	v54 =	vld [tilespmem:$0x1FF80];
	[tilespmem:v11+s23+$0x0] =	vst.idx.msk $0xffff, v12  }
0x7cc: {  	v9 =	vld.idx.msk [tilespmem:v9+s16+$0x0], $0xffff;
	v60 =	vor.u32 s0, v19;
	v17 =	vadd.s32 v5, v3;
	v5 =	vshll.u32 v5, $0x5;
	[tilespmem:v2+s23+$0x0] =	vst.idx.msk $0xffff, v14  }
0x7cd: {  	v15 =	vshll.u32 v60, $0x5;
	v5 =	vor.u32 v26, v5;
	v24 =	vld [tilespmem:$0x1F780]  }
0x7ce: {  	v15 =	vor.u32 v26, v15;
	_ =	sdelay $0x1  }
0x7cf: {  	v7 =	vadd.s32 v16, v46;
	v4 =	vld.idx.msk [tilespmem:v8+s16+$0x0], $0xffff  }
0x7d0: {  	v9 =	vadd.f32 v9, v27;
	v13 =	vadd.s32 v60, v3;
	v7 =	vand.u32 $0x7FFFFFF8, v7;
	v10 =	vld.idx.msk [tilespmem:v10+s16+$0x0], $0xffff  }
0x7d1: {  	v13 =	vand.u32 $0x7FFFFFF8, v13;
	v7 =	vor.u32 v51, v7;
	v5 =	vld.idx.msk [tilespmem:v5+s16+$0x0], $0xffff;
	v8 =	vor.u32 s13, v54  }
0x7d2: {  	v6 =	vand.u32 $0x7FE8, v17;
	v13 =	vor.u32 v51, v13;
	v12 =	vld.idx.msk [tilespmem:v15+s16+$0x0], $0xffff;
	v11 =	vshll.u32 v8, $0x5  }
0x7d3: {  	v16 =	vshll.u32 v62, $0x5;
	v6 =	vor.u32 v51, v6;
	v11 =	vor.u32 v26, v11  }
0x7d4: {  	v4 =	vadd.f32 v4, v27;
	[tilespmem:v24+s23+$0x0] =	vst.idx.msk $0xffff, v9;
	v9 =	vor.u32 v26, v16  }
0x7d5: {  	v10 =	vadd.f32 v10, v27  }
0x7d6: {  	v5 =	vadd.f32 v5, v27;
	[tilespmem:v7+s23+$0x0] =	vst.idx.msk $0xffff, v4  }
0x7d7: {  	v4 =	vadd.f32 v12, v27;
	[tilespmem:v29+s23+$0x0] =	vst.idx.msk $0xffff, v10  }
0x7d8: {  	v7 =	vadd.s32 v8, v46;
	[tilespmem:v6+s23+$0x0] =	vst.idx.msk $0xffff, v5;
	v8 =	vld.idx.msk [tilespmem:v11+s16+$0x0], $0xffff  }
0x7d9: {  	[tilespmem:v13+s23+$0x0] =	vst.idx.msk $0xffff, v4;
	v4 =	vand.u32 $0x7FFFFFF8, v7;
	v7 =	vld.idx.msk [tilespmem:v9+s16+$0x0], $0xffff  }
0x7da: {  	v9 =	vld [tilespmem:$0x1F790]  }
0x7db: {  	v1 =	vld.idx.msk [tilespmem:v1+s16+$0x0], $0xffff  }
0x7dc: {  	v4 =	vor.u32 v57, v4;
	_ =	sdelay $0x1  }
0x7dd: {  	v2 =	vshll.u32 v49, $0x5;
	v63 =	vor.u32 s0, v54  }
0x7de: {  	v2 =	vor.u32 v26, v2;
	v15 =	vshll.u32 v63, $0x5;
	v8 =	vadd.f32 v8, v27  }
0x7df: {  	v15 =	vor.u32 v26, v15;
	v1 =	vadd.f32 v1, v27  }
0x7e0: {  	[tilespmem:v4+s23+$0x0] =	vst.idx.msk $0xffff, v8  }
0x7e1: {  	[tilespmem:v9+s23+$0x0] =	vst.idx.msk $0xffff, v1  }
0x7e2: {  	v4 =	vld [tilespmem:$0x1F7A0]  }
0x7e3: {  	v2 =	vld.idx.msk [tilespmem:v2+s16+$0x0], $0xffff  }
0x7e4: {  	v6 =	vadd.s32 v63, v3;
	v5 =	vld.idx.msk [tilespmem:v15+s16+$0x0], $0xffff  }
0x7e5: {  	v3 =	vadd.s32 v62, v3;
	v6 =	vand.u32 $0x7FFFFFF8, v6  }
0x7e6: {  	v3 =	vand.u32 $0x7FE8, v3;
	v6 =	vor.u32 v57, v6  }
0x7e7: {  	v3 =	vor.u32 v57, v3  }
0x7e8: {  	v1 =	vadd.f32 v2, v27  }
0x7e9: {  	s20 =	sshll.u32 s5, $0x9;
	v2 =	vadd.f32 v5, v27  }
0x7ea: {  	s28 =	sshll.u32 s7, $0xE;
	s0 =	sand.u32 $0xE00, s20;
	[tilespmem:v4+s23+$0x0] =	vst.idx.msk $0xffff, v1;
	v1 =	vadd.f32 v7, v27  }
0x7eb: {  	s0 =	sor.u32 s0, s28;
	[tilespmem:v6+s23+$0x0] =	vst.idx.msk $0xffff, v2  }
0x7ec: {  	s5 =	sadd.s32 s2, s0;
	[tilespmem:v3+s23+$0x0] =	vst.idx.msk $0xffff, v1  }
0x7ed: {  	[hbm4b:s5+s3] =	stream.linear.scatter [tilespmem:s23], [sflag:$0x4], $0x1000, $0x38;
	[tilespmem:$0x17D00] =	vst v63  }
0x7ee: {  	s29 =	sadd.s32 s0, s8  }
0x7ef: {  	[hbm4b:s29+s3] =	stream.linear.scatter [tilespmem:s24], [sflag:$0x4], $0x1000, $0x38;
	[tilespmem:$0x17D00] =	vst v63  }
.Ltmp10:
0x7f0: {  	_ = 	snop;
	(pc) =	sbr.rel @p1 .LBB2_20-.Ltmp10, $4  }
0x7f1: {  	s30 =	sadd.s32 s0, s9  }
0x7f2: {  	[hbm4b:s30+s3] =	stream.linear.scatter [tilespmem:s25], [sflag:$0x4], $0x1000, $0x38;
	[tilespmem:$0x17D00] =	vst v63  }
0x7f3: {  	v58 =	vmov v35;
	s0 =	sadd.s32 s0, s10;
	v63 =	vmov v47  }
0x7f4: {  	v47 =	vmovc v43;
	v16 =	vmovc v22;
	v8 =	vmov v21;
	v6 =	vmov v19;
	v4 =	vmov v18;
	[hbm4b:s0+s3] =	stream.linear.scatter [tilespmem:s26], [sflag:$0x4], $0x1000, $0x38;
	[tilespmem:$0x17D00] =	vst v63  }
.Ltmp11:
0x7f5: {  	(pc) =	sbr.rel .LBB2_4-.Ltmp11, $4  }
0x7f6: {  	s0 =	sshll.u32 s1, $0xC  }
0x7f7: {  	v2 =	vld [tilespmem:$0x1FEB0];
	s0 =	sshra.s32 s0, $0x2  }
0x7f8: {  	s1 =	sadd.s32 $0x1, s1;
	v38 =	vld [tilespmem:$0x1FEE0];
	s0 =	sadd.s32 $0x600, s0  }
0x7f9: {  	v60 =	vld [tilespmem:$0x1FEC0];
	v62 =	vmov v23;
	[tilespmem:s16], [sflag:$0x2] =	stream.indirect.gather [hbm4b:s4+s14], $0x20, s0, s14, $0xb8  }
.LBB2_7:
0x7fa: {  	[tilespmem:$0x1FCC0] =	vst v0  }
0x7fb: {  	_ = 	snop  }
0x7fc: {  	_ = 	snop  }
0x7fd: {  	_ = 	snop  }
0x7fe: {  	_ = 	snop  }
0x7ff: {  	_ = 	snop  }
0x800: {  	[tilespmem:$0x1FC90] =	vst v42  }
0x801: {  	[tilespmem:$0x1FCA0] =	vst v40  }
0x802: {  	[tilespmem:$0x1FCB0] =	vst v39  }
.Ltmp12:
0x803: {  	[tilespmem:$0x1FCD0] =	vst v37;
	(pc) =	sbr.rel .LBB2_14-.Ltmp12, $4  }
0x804: {  	[tilespmem:$0x1FCE0] =	vst v6  }
0x805: {  	[tilespmem:$0x1FCF0] =	vst v32  }
0x806: {  	v15 =	vmovc v18;
	v9 =	vmov v12;
	v17 =	vmov v36;
	v7 =	vmov v30;
	[tilespmem:$0x1FD00] =	vst v2  }
0x807: {  	s30 =	simm.s32 $0x10;
	s29 =	simm.s32 $0x0;
	v5 =	vmovc v29;
	v30 =	vmovc v28;
	v61 =	vmov v43;
	v42 =	vmov v33;
	v63 =	vmov v31;
	[tilespmem:$0x1FD10] =	vst v44;
	v54 =	vld [tilespmem:$0x1FEA0]  }
.LBB2_9:
0x808: {  	[tilespmem:$0x1FC90] =	vst v10  }
0x809: {  	[tilespmem:$0x1FCA0] =	vst v14  }
0x80a: {  	[tilespmem:$0x1FD00] =	vst v41  }
0x80b: {  	[tilespmem:$0x1FCB0] =	vst v40  }
.Ltmp13:
0x80c: {  	[tilespmem:$0x1FCC0] =	vst v0;
	(pc) =	sbr.rel .LBB2_14-.Ltmp13, $4  }
0x80d: {  	[tilespmem:$0x1FCD0] =	vst v39  }
0x80e: {  	[tilespmem:$0x1FCE0] =	vst v6  }
0x80f: {  	[tilespmem:$0x1FD10] =	vst v45;
	v34 =	vld [tilespmem:$0x1FF50]  }
0x810: {  	v16 =	vmovc v55;
	v55 =	vmovc v57;
	v32 =	vmov v52;
	[tilespmem:$0x1FCF0] =	vst v28;
	s30 =	simm.s32 $0x30;
	s28 =	simm.s32 $0x10;
	s29 =	simm.s32 $0x20;
	v41 =	vld [tilespmem:$0x1FF80];
	v57 =	vmov v29;
	v52 =	vmov v37  }
.LBB2_11:
0x811: {  	[tilespmem:$0x1FCC0] =	vst v0;
	v0 =	vld [tilespmem:$0x1FB70];
	_ =	sdelay $0x2  }
0x812: {  	[tilespmem:$0x1FD00] =	vst v55;
	v55 =	vld [tilespmem:$0x1FB60]  }
0x813: {  	[tilespmem:$0x1FCD0] =	vst v32;
	v32 =	vld [tilespmem:$0x1FB40]  }
0x814: {  	[tilespmem:$0x1FBF0] =	vst v0;
	v0 =	vld [tilespmem:$0x1FB90]  }
0x815: {  	v62 =	vld [tilespmem:$0x1FFC0]  }
0x816: {  	[tilespmem:$0x1FC90] =	vst v31;
	v56 =	vld [tilespmem:$0x1FFF0]  }
0x817: {  	[tilespmem:$0x1FCA0] =	vst v36;
	v51 =	vld [tilespmem:$0x1FFB0]  }
0x818: {  	[tilespmem:$0x1FCB0] =	vst v60;
	v35 =	vld [tilespmem:$0x1FF90]  }
0x819: {  	[tilespmem:$0x1FC10] =	vst v0;
	v0 =	vld [tilespmem:$0x1FBB0]  }
0x81a: {  	[tilespmem:$0x1FCE0] =	vst v39;
	v58 =	vld [tilespmem:$0x1FFA0]  }
0x81b: {  	[tilespmem:$0x1FC70] =	vst v46;
	v46 =	vld [tilespmem:$0x1FF70]  }
0x81c: {  	[tilespmem:$0x1FC60] =	vst v49;
	v49 =	vmov v52;
	v52 =	vmov v34;
	v34 =	vld [tilespmem:$0x1FF50]  }
0x81d: {  	[tilespmem:$0x1FC50] =	vst v38;
	v38 =	vld [tilespmem:$0x1FF60]  }
0x81e: {  	[tilespmem:$0x1FC30] =	vst v0;
	v0 =	vld [tilespmem:$0x1FBA0]  }
0x81f: {  	[tilespmem:$0x1FD10] =	vst v45;
	v57 =	vmov v41;
	v41 =	vld [tilespmem:$0x1FF80]  }
0x820: {  	[tilespmem:$0x1FC80] =	vst v48;
	v48 =	vmov v47;
	v47 =	vmov v44;
	v44 =	vld [tilespmem:$0x1FD20]  }
0x821: {  	[tilespmem:$0x1FCF0] =	vst v28;
	v31 =	vld [tilespmem:$0x1FB30]  }
0x822: {  	v16 =	vmov v33;
	[tilespmem:$0x1FC00] =	vst v40;
	v33 =	vld [tilespmem:$0x1FB20]  }
0x823: {  	[tilespmem:$0x1FC20] =	vst v0;
	v0 =	vld [tilespmem:$0x1FBC0]  }
.Ltmp14:
0x824: {  	v36 =	vld [tilespmem:$0x1FB10];
	[tilespmem:$0x1FAD0] =	vst v53;
	(pc) =	sbr.rel .LBB2_14-.Ltmp14, $4  }
0x825: {  	v43 =	vld [tilespmem:$0x1FB00];
	[tilespmem:$0x1FAF0] =	vst v59  }
0x826: {  	v53 =	vld [tilespmem:$0x1FB80];
	[tilespmem:$0x1FAE0] =	vst v54  }
0x827: {  	v59 =	vld [tilespmem:$0x1FB50];
	[tilespmem:$0x1FAC0] =	vst v37  }
0x828: {  	v60 =	vmov v26;
	v54 =	vld [tilespmem:$0x1FEA0];
	[tilespmem:$0x1FC40] =	vst v0  }
.LBB2_21:
0x829: {  	_ =	sfence.sel $0x180000  }
0x82a: {  	[bflag:$0x0] =	sbarrier.arrive $0xFFFF  }
0x82b: {  	_ =	strace $0x90000047  }
0x82c: {  	s0 =	stileid.u32;
	[bflag:$0x2] =	sbarrier.arrive $0xFFFF  }
0x82d: {  	p0 =	sne.s32 s0, $0x0;
	s0 =	rddreg [dreg:$0x2]  }
0x82e: {  	s0 =	sadd.s32 @!p0 $0x100000, s0  }
0x82f: {  	[sflag:s0] =	ssyncadd.tile.s32 @!p0 $0x1;
	_ =	shalt  }
.Lfunc_end2:
_tile_overlayer_lowered:
.L_overlay_start_2:
0x830: {  	(tag) =	ssettag $0x2  }
0x831: {  	s0 =	rddreg [dreg:$0x0];
	s2 =	stileid.u32  }
0x832: {  	s1 =	rddreg [dreg:$0x1];
	p0 =	sne.s32 s2, $0x0  }
0x833: {  	s3 =	rddreg [dreg:$0x2];
	[bflag:$0x3] =	sbarrier.arrive $0xFFFF;
	s2 =	simm.s32 @!p0 $0x1C05  }
0x834: {  	[timem:s3], [sflag:s2] =	dma.local @!p0 [hbm:s0], s1  }
0x835: {  	s0 =	simm.s32 @!p0 $0x5  }
0x836: {  	_ =	swait.ge @!p0 [sflag:s0], s1  }
0x837: {  	s1 =	ssub.s32 @!p0 $0x0, s1;
	[sflag:s0] =	ssyncset.done @!p0 $0x0  }
0x838: {  	[sflag:s0] =	ssyncadd.s32 @!p0 s1  }
0x839: {  	[bflag:$0x3] =	sbarrier.arrive $0xFFFF  }
0x83a: {  	_ =	shalt  }

</sc_bundles>
